<compile_context>
chip_gen: v7x
topology: tpu7x:2x2x1
jax: 0.10.2.dev20260603
libtpu: 0.0.44.dev20260713+nightly
codegen_flags: <defaults>
</compile_context>

<pallas_src>
import jax
import jax.numpy as jnp
import numpy as np
from jax import lax
from jax.experimental import pallas as pl
from jax.experimental.pallas import tpu as pltpu
from jax.experimental.pallas import tpu_sc as plsc

N = 10000
E = 160000
D = 256
H = 8
DE = 16
DFF = 2048
HD = H * D
HALF = 1024
EN = E + N
ENP = 172032
NP = 10240
NP8 = NP // 8
EP8 = ENP // 8
C = 16
NW = 32
PER_W = ENP // NW
PER_T = ENP // 16
E_PER_W0 = E // 16
C0 = 80
C4 = 32
LG4 = C4 * 16 // 128

_mesh = plsc.VectorSubcoreMesh(core_axis_name="c", subcore_axis_name="s")
_params = pltpu.CompilerParams(needs_layout_passes=False)


def _perm_cols():
    idx = np.arange(HD).reshape(H, D)
    return np.concatenate([idx[:, :128].reshape(-1), idx[:, 128:].reshape(-1)])


def _layer_norm(x, g, b, eps=1e-5):
    mu = jnp.mean(x, axis=-1, keepdims=True)
    var = jnp.mean((x - mu) ** 2, axis=-1, keepdims=True)
    return (x - mu) / jnp.sqrt(var + eps) * g + b


def _zero16(buf, nrow):
    zvec = jnp.zeros((16,), jnp.float32)

    def row(i, _):
        for q in range(8):
            buf[i, pl.ds(q * 16, 16)] = zvec
        return 0
    lax.fori_loop(0, nrow, row, 0)



def _k0_body(didx_hbm, eattr_hbm, acc_att_hbm, acc_cnt_hbm,
             didx_v, drow_v, dl_v, eav, eav128, cnt128, zb, att_sh, cnt_sh):
    c = lax.axis_index("c")
    s = lax.axis_index("s")
    lane = lax.iota(jnp.int32, 16)
    cvec = jnp.where(lane == 0, 1.0, 0.0).astype(jnp.float32)

    @pl.when(c == 0)
    def _():
        _zero16(zb, 16)

        def zrow(i, _):
            pltpu.sync_copy(zb, att_sh.at[pl.ds(s * 80 + i * 16, 16), :])
            pltpu.sync_copy(zb, cnt_sh.at[pl.ds(s * 80 + i * 16, 16), :])
            return 0
        lax.fori_loop(0, 5, zrow, 0)

    plsc.subcore_barrier()

    @pl.when(c == 0)
    def _():
        def chunk(ci, _):
            base = s * E_PER_W0 + ci * C0
            pltpu.sync_copy(didx_hbm.at[pl.ds(base, C0)], didx_v)
            pltpu.sync_copy(eattr_hbm.at[pl.ds(base, C0), :], eav)
            def idxseg(i, _):
                dv = didx_v[pl.ds(i * 16, 16)]
                drow_v[pl.ds(i * 16, 16)] = lax.shift_right_logical(dv, 3)
                dl_v[pl.ds(i * 16, 16)] = (dv & 7) * 16
                return 0
            lax.fori_loop(0, C0 // 16, idxseg, 0)
            _zero16(eav128, C0)
            _zero16(cnt128, C0)

            def edge(j, _):
                jf = jnp.broadcast_to(j, (16,)).astype(jnp.int32)
                sp = plsc.load_gather(dl_v, [jf])
                plsc.store_scatter(eav128, [jf, sp + lane], eav[j, :])
                plsc.store_scatter(cnt128, [jf, sp + lane], cvec)
                return 0
            lax.fori_loop(0, C0, edge, 0)

            pltpu.sync_copy(eav128, att_sh.at[drow_v], add=True)
            pltpu.sync_copy(cnt128, cnt_sh.at[drow_v], add=True)
            return 0
        lax.fori_loop(0, E_PER_W0 // C0, chunk, 0)

    plsc.subcore_barrier()

    @pl.when(c == 0)
    def _():
        pltpu.sync_copy(att_sh.at[pl.ds(s * 80, 80), :],
                        acc_att_hbm.at[pl.ds(s * 80, 80), :])
        pltpu.sync_copy(cnt_sh.at[pl.ds(s * 80, 80), :],
                        acc_cnt_hbm.at[pl.ds(s * 80, 80), :])


_k0 = pl.kernel(
    _k0_body, mesh=_mesh, compiler_params=_params,
    out_type=[jax.ShapeDtypeStruct((NP8, 128), jnp.float32),
              jax.ShapeDtypeStruct((NP8, 128), jnp.float32)],
    scratch_types=[pltpu.VMEM((C0,), jnp.int32),
                   pltpu.VMEM((C0,), jnp.int32),
                   pltpu.VMEM((C0,), jnp.int32),
                   pltpu.VMEM((C0, 16), jnp.float32),
                   pltpu.VMEM((C0, 128), jnp.float32),
                   pltpu.VMEM((C0, 128), jnp.float32),
                   pltpu.VMEM((16, 128), jnp.float32),
                   pltpu.VMEM_SHARED((NP8, 128), jnp.float32),
                   pltpu.VMEM_SHARED((NP8, 128), jnp.float32)],
)



def _k1_body(x_ref, wla_ref, wlb_ref, wra_ref, wrb_ref, bla_ref, blb_ref,
             bra_ref, brb_ref, g0_ref, be0_ref, acca_ref, accc_ref,
             src_ref, xla_ref, xlb_ref, xra_ref, xrb_ref, la_ref):
    src = _layer_norm(x_ref[...], g0_ref[...], be0_ref[...])
    src_ref[...] = src
    xla_ref[...] = jnp.dot(src, wla_ref[...], preferred_element_type=jnp.float32) + bla_ref[...]
    xlb_ref[...] = jnp.dot(src, wlb_ref[...], preferred_element_type=jnp.float32) + blb_ref[...]
    xra_ref[...] = jnp.dot(src, wra_ref[...], preferred_element_type=jnp.float32) + bra_ref[...]
    xrb_ref[...] = jnp.dot(src, wrb_ref[...], preferred_element_type=jnp.float32) + brb_ref[...]
    la_ref[...] = acca_ref[...] / jnp.maximum(accc_ref[...][:, 0:1], 1.0)


def _k1(x, wla, wlb, wra, wrb, bla, blb, bra, brb, g0, be0, acca, accc):
    R = 400
    row = lambda i: (i, 0)
    fix = lambda i: (0, 0)
    return pl.pallas_call(
        _k1_body,
        grid=(N // R,),
        in_specs=[pl.BlockSpec((R, D), row),
                  pl.BlockSpec((D, HALF), fix), pl.BlockSpec((D, HALF), fix),
                  pl.BlockSpec((D, HALF), fix), pl.BlockSpec((D, HALF), fix),
                  pl.BlockSpec((1, HALF), fix), pl.BlockSpec((1, HALF), fix),
                  pl.BlockSpec((1, HALF), fix), pl.BlockSpec((1, HALF), fix),
                  pl.BlockSpec((1, D), fix), pl.BlockSpec((1, D), fix),
                  pl.BlockSpec((R, 16), row), pl.BlockSpec((R, 16), row)],
        out_specs=[pl.BlockSpec((R, D), row),
                   pl.BlockSpec((R, HALF), row), pl.BlockSpec((R, HALF), row),
                   pl.BlockSpec((R, HALF), row), pl.BlockSpec((R, HALF), row),
                   pl.BlockSpec((R, 16), row)],
        out_shape=[jax.ShapeDtypeStruct((N, D), jnp.float32),
                   jax.ShapeDtypeStruct((N, HALF), jnp.float32),
                   jax.ShapeDtypeStruct((N, HALF), jnp.float32),
                   jax.ShapeDtypeStruct((N, HALF), jnp.float32),
                   jax.ShapeDtypeStruct((N, HALF), jnp.float32),
                   jax.ShapeDtypeStruct((N, 16), jnp.float32)],
    )(x, wla, wlb, wra, wrb, bla, blb, bra, brb, g0, be0, acca, accc)



def _k2_body(ea_ref, we_ref, e_ref):
    e_ref[...] = jnp.dot(ea_ref[...], we_ref[...], preferred_element_type=jnp.float32)


def _k2(ea, wep):
    R = 512
    return pl.pallas_call(
        _k2_body,
        grid=(ENP // R,),
        in_specs=[pl.BlockSpec((R, DE), lambda i: (i, 0)),
                  pl.BlockSpec((DE, HD), lambda i: (0, 0))],
        out_specs=pl.BlockSpec((R, HD), lambda i: (i, 0)),
        out_shape=jax.ShapeDtypeStruct((ENP, HD), jnp.float32),
    )(ea, wep)



def _k3_body(sidx_hbm, didxg_hbm, didxs_hbm, xla_hbm, xlb_hbm, xra_hbm,
             xrb_hbm, e_hbm, attp_hbm, logits_hbm, den_hbm,
             sidx_v, didxg_v, didxs_v, drow_v, dl_v, xla, xlb, xra, xrb,
             ebuf, attv, lg, wb, zb, tbuf, den_sh, sem0, sem1, sem2, sem3):
    c = lax.axis_index("c")
    s = lax.axis_index("s")
    wid = s * 2 + c
    lane = lax.iota(jnp.int32, 16)
    zvec = jnp.zeros((16,), jnp.float32)

    pltpu.sync_copy(attp_hbm, attv)
    _zero16(zb, 16)

    def zrow(i, _):
        pltpu.sync_copy(zb, den_sh.at[pl.ds(s * 80 + i * 16, 16), :])
        return 0
    lax.fori_loop(0, 5, zrow, 0)
    plsc.subcore_barrier()

    def chunk(ci, _):
        base = wid * PER_W + ci * C
        pltpu.sync_copy(sidx_hbm.at[pl.ds(base, C)], sidx_v)
        pltpu.sync_copy(didxg_hbm.at[pl.ds(base, C)], didxg_v)
        pltpu.sync_copy(didxs_hbm.at[pl.ds(base, C)], didxs_v)
        cp0 = pltpu.async_copy(xla_hbm.at[sidx_v], xla, sem0)
        cp1 = pltpu.async_copy(xlb_hbm.at[sidx_v], xlb, sem1)
        cp2 = pltpu.async_copy(xra_hbm.at[didxg_v], xra, sem2)
        cp3 = pltpu.async_copy(xrb_hbm.at[didxg_v], xrb, sem3)
        pltpu.sync_copy(e_hbm.at[pl.ds(base, C), :], ebuf)
        dv = didxs_v[...]
        drow_v[...] = lax.shift_right_logical(dv, 3)
        dl_v[...] = (dv & 7) * 16
        _zero16(wb, 16)
        cp0.wait(); cp1.wait(); cp2.wait(); cp3.wait()

        def edge(j, _):
            def head(h, _h):
                def blk(q, acc):
                    col = h * 128 + q * 16
                    m = xla[j, pl.ds(col, 16)] + xra[j, pl.ds(col, 16)] + ebuf[j, pl.ds(col, 16)]
                    m = jnp.where(m > 0, m, 0.2 * m)
                    acc = acc + m * attv[pl.ds(col, 16)]
                    colb = HALF + col
                    m2 = xlb[j, pl.ds(col, 16)] + xrb[j, pl.ds(col, 16)] + ebuf[j, pl.ds(colb, 16)]
                    m2 = jnp.where(m2 > 0, m2, 0.2 * m2)
                    return acc + m2 * attv[pl.ds(colb, 16)]
                tbuf[h, :] = lax.fori_loop(0, 8, blk, zvec)
                return 0
            lax.fori_loop(0, H, head, 0)
            lvec = zvec
            for k in range(16):
                lvec = lvec + plsc.load_gather(tbuf, [lane, jnp.full((16,), k, jnp.int32)])
            lvec = jnp.where(lane < H, lvec, 0.0)
            jrow = lax.shift_right_logical(j, 3)
            jcol = (j & 7) * 16
            lg[jrow, pl.ds(jcol, 16)] = lvec
            wv = jnp.where(lane < H, jnp.exp(lvec), 0.0)
            jf = jnp.broadcast_to(j, (16,)).astype(jnp.int32)
            sp = plsc.load_gather(dl_v, [jf])
            plsc.store_scatter(wb, [jf, sp + lane], wv)
            return 0
        lax.fori_loop(0, C, edge, 0)

        pltpu.sync_copy(lg, logits_hbm.at[pl.ds(wid * (PER_W // 8) + ci * 2, 2), :])
        pltpu.sync_copy(wb, den_sh.at[drow_v], add=True)
        return 0

    lax.fori_loop(0, PER_W // C, chunk, 0)
    plsc.subcore_barrier()

    pltpu.sync_copy(den_sh.at[pl.ds(s * 80, 80), :],
                    den_hbm.at[pl.ds(c * NP8 + s * 80, 80), :])


_k3 = pl.kernel(
    _k3_body, mesh=_mesh, compiler_params=_params,
    out_type=[jax.ShapeDtypeStruct((EP8, 128), jnp.float32),
              jax.ShapeDtypeStruct((2 * NP8, 128), jnp.float32)],
    scratch_types=[pltpu.VMEM((C,), jnp.int32),
                   pltpu.VMEM((C,), jnp.int32),
                   pltpu.VMEM((C,), jnp.int32),
                   pltpu.VMEM((C,), jnp.int32),
                   pltpu.VMEM((C,), jnp.int32),
                   pltpu.VMEM((C, HALF), jnp.float32),
                   pltpu.VMEM((C, HALF), jnp.float32),
                   pltpu.VMEM((C, HALF), jnp.float32),
                   pltpu.VMEM((C, HALF), jnp.float32),
                   pltpu.VMEM((C, HD), jnp.float32),
                   pltpu.VMEM((HD,), jnp.float32),
                   pltpu.VMEM((2, 128), jnp.float32),
                   pltpu.VMEM((C, 128), jnp.float32),
                   pltpu.VMEM((16, 128), jnp.float32),
                   pltpu.VMEM((16, 16), jnp.float32),
                   pltpu.VMEM_SHARED((NP8, 128), jnp.float32),
                   pltpu.SemaphoreType.DMA,
                   pltpu.SemaphoreType.DMA,
                   pltpu.SemaphoreType.DMA,
                   pltpu.SemaphoreType.DMA],
)



def _k4_body(sidx_hbm, didxg_hbm, didxs_hbm, logits_hbm, den0_hbm, den1_hbm,
             xlab_hbm, alpha_hbm, pages_hbm,
             sidx_v, didxg_v, didxs_v, drow_v, dl_v, lg, d0b, d1b, xbuf,
             fold, ab, zb, acc_sh, sem0, sem1, sem2):
    c = lax.axis_index("c")
    s = lax.axis_index("s")
    lane = lax.iota(jnp.int32, 16)
    zvec = jnp.zeros((16,), jnp.float32)

    _zero16(zb, 16)

    def zrow(i, _):
        pltpu.sync_copy(zb, acc_sh.at[pl.ds(s * 640 + i * 16, 16), :])
        return 0
    lax.fori_loop(0, 40, zrow, 0)
    plsc.subcore_barrier()

    def chunk(ci, _):
        base = s * PER_T + ci * C4
        pltpu.sync_copy(sidx_hbm.at[pl.ds(base, C4)], sidx_v)
        pltpu.sync_copy(didxg_hbm.at[pl.ds(base, C4)], didxg_v)
        pltpu.sync_copy(didxs_hbm.at[pl.ds(base, C4)], didxs_v)
        coff = jnp.broadcast_to(c * N, (16,)).astype(jnp.int32)

        def idxseg(i, _):
            dv = didxg_v[pl.ds(i * 16, 16)]
            drow_v[pl.ds(i * 16, 16)] = lax.shift_right_logical(dv, 3)
            dl_v[pl.ds(i * 16, 16)] = (dv & 7) * 16
            sidx_v[pl.ds(i * 16, 16)] = sidx_v[pl.ds(i * 16, 16)] + coff
            return 0
        lax.fori_loop(0, C4 // 16, idxseg, 0)
        cp0 = pltpu.async_copy(den0_hbm.at[drow_v], d0b, sem0)
        cp1 = pltpu.async_copy(den1_hbm.at[drow_v], d1b, sem1)
        cp2 = pltpu.async_copy(xlab_hbm.at[sidx_v], xbuf, sem2)
        pltpu.sync_copy(logits_hbm.at[pl.ds(s * (PER_T // 8) + ci * LG4, LG4), :], lg)
        cp2.wait()
        cp0.wait(); cp1.wait()

        def edge(j, _):
            jrow = lax.shift_right_logical(j, 3)
            jcol = (j & 7) * 16
            jf = jnp.broadcast_to(j, (16,)).astype(jnp.int32)
            sp = plsc.load_gather(dl_v, [jf])
            lv = lg[jrow, pl.ds(jcol, 16)]
            w = jnp.where(lane < H, jnp.exp(lv), 0.0)
            g0 = plsc.load_gather(d0b, [jf, sp + lane])
            g1 = plsc.load_gather(d1b, [jf, sp + lane])
            dtot = jnp.where(lane < H, g0 + g1, 1.0)
            ab[jrow, pl.ds(jcol, 16)] = w / dtot
            return 0
        lax.fori_loop(0, C4, edge, 0)

        @pl.when(c == 0)
        def _():
            pltpu.sync_copy(ab, alpha_hbm.at[pl.ds(s * (PER_T // 8) + ci * LG4, LG4), :])

        def edge2(j, _):
            jrow = lax.shift_right_logical(j, 3)
            jcol = (j & 7) * 16

            def head(h, accs):
                aspl = plsc.load_gather(
                    ab, [jnp.broadcast_to(jrow, (16,)).astype(jnp.int32),
                         jnp.broadcast_to(jcol + h, (16,)).astype(jnp.int32)]) * (1.0 / H)
                return tuple(accs[q] + aspl * xbuf[j, pl.ds(h * 128 + q * 16, 16)]
                             for q in range(8))
            accs = lax.fori_loop(0, H, head, (zvec,) * 8)
            for q in range(8):
                fold[j, pl.ds(q * 16, 16)] = accs[q]
            return 0
        lax.fori_loop(0, C4, edge2, 0)

        pltpu.sync_copy(fold, acc_sh.at[didxs_v], add=True)
        return 0

    lax.fori_loop(0, PER_T // C4, chunk, 0)
    plsc.subcore_barrier()

    pltpu.sync_copy(acc_sh.at[pl.ds(s * 640, 640), :],
                    pages_hbm.at[pl.ds(c * NP + s * 640, 640), :])


_k4 = pl.kernel(
    _k4_body, mesh=_mesh, compiler_params=_params,
    out_type=[jax.ShapeDtypeStruct((EP8, 128), jnp.float32),
              jax.ShapeDtypeStruct((2 * NP, 128), jnp.float32)],
    scratch_types=[pltpu.VMEM((C4,), jnp.int32),
                   pltpu.VMEM((C4,), jnp.int32),
                   pltpu.VMEM((C4,), jnp.int32),
                   pltpu.VMEM((C4,), jnp.int32),
                   pltpu.VMEM((C4,), jnp.int32),
                   pltpu.VMEM((LG4, 128), jnp.float32),
                   pltpu.VMEM((C4, 128), jnp.float32),
                   pltpu.VMEM((C4, 128), jnp.float32),
                   pltpu.VMEM((C4, HALF), jnp.float32),
                   pltpu.VMEM((C4, 128), jnp.float32),
                   pltpu.VMEM((LG4, 128), jnp.float32),
                   pltpu.VMEM((16, 128), jnp.float32),
                   pltpu.VMEM_SHARED((NP, 128), jnp.float32),
                   pltpu.SemaphoreType.DMA,
                   pltpu.SemaphoreType.DMA,
                   pltpu.SemaphoreType.DMA],
)



def _k5_body(src_ref, pa_ref, pb_ref, bias_ref, g1_ref, be1_ref, w1_ref,
             b1_ref, w2_ref, b2_ref, g2_ref, be2_ref, out_ref):
    attn = jnp.concatenate([pa_ref[...], pb_ref[...]], axis=1) + bias_ref[...]
    h = src_ref[...] + attn
    h = _layer_norm(h, g1_ref[...], be1_ref[...])
    z = jnp.dot(h, w1_ref[...], preferred_element_type=jnp.float32) + b1_ref[...]
    z = 0.5 * z * (1.0 + lax.erf(z * np.float32(1.0 / np.sqrt(2.0))))
    ff = jnp.dot(z, w2_ref[...], preferred_element_type=jnp.float32) + b2_ref[...]
    out_ref[...] = _layer_norm(h + ff, g2_ref[...], be2_ref[...])


def _k5(src, pa, pb, bias, g1, be1, w1, b1, w2, b2, g2, be2):
    R = 400
    row = lambda i: (i, 0)
    fix = lambda i: (0, 0)
    return pl.pallas_call(
        _k5_body,
        grid=(N // R,),
        in_specs=[pl.BlockSpec((R, D), row),
                  pl.BlockSpec((R, 128), row), pl.BlockSpec((R, 128), row),
                  pl.BlockSpec((1, D), fix),
                  pl.BlockSpec((1, D), fix), pl.BlockSpec((1, D), fix),
                  pl.BlockSpec((D, DFF), fix), pl.BlockSpec((1, DFF), fix),
                  pl.BlockSpec((DFF, D), fix), pl.BlockSpec((1, D), fix),
                  pl.BlockSpec((1, D), fix), pl.BlockSpec((1, D), fix)],
        out_specs=pl.BlockSpec((R, D), row),
        out_shape=jax.ShapeDtypeStruct((N, D), jnp.float32),
    )(src, pa, pb, bias, g1, be1, w1, b1, w2, b2, g2, be2)



def kernel(x, edge_index, edge_attr, W_l, b_l, W_r, b_r, W_e, att, bias_attn,
           W1, b1, W2, b2, g0, be0, g1, be1, g2, be2):
    perm = jnp.asarray(_perm_cols())
    wlp = W_l[:, perm]
    wrp = W_r[:, perm]
    wep = W_e[:, perm]
    blp = b_l[perm]
    brp = b_r[perm]
    attp = att.reshape(-1)[perm]

    d_e = edge_index[1].astype(jnp.int32)

    acca, accc = _k0(d_e, edge_attr)
    acca = acca.reshape(NP, 16)
    accc = accc.reshape(NP, 16)

    src, xla, xlb, xra, xrb, la = _k1(
        x, wlp[:, :HALF], wlp[:, HALF:], wrp[:, :HALF], wrp[:, HALF:],
        blp[:HALF].reshape(1, HALF), blp[HALF:].reshape(1, HALF),
        brp[:HALF].reshape(1, HALF), brp[HALF:].reshape(1, HALF),
        g0.reshape(1, D), be0.reshape(1, D), acca[:N], accc[:N])

    ea = jnp.concatenate([edge_attr, la, jnp.zeros((ENP - EN, DE), jnp.float32)], axis=0)
    e = _k2(ea, wep)

    pad = ENP - EN
    arange_n = jnp.arange(N, dtype=jnp.int32)
    s_idx = jnp.concatenate([edge_index[0].astype(jnp.int32), arange_n,
                             jnp.zeros((pad,), jnp.int32)])
    d_gat = jnp.concatenate([d_e, arange_n, jnp.zeros((pad,), jnp.int32)])
    d_sca = jnp.concatenate([d_e, arange_n, jnp.full((pad,), N, jnp.int32)])

    logits, den = _k3(s_idx, d_gat, d_sca, xla, xlb, xra, xrb, e, attp)

    xlab = jnp.concatenate([xla, xlb], axis=0)
    alpha_p, pages = _k4(s_idx, d_gat, d_sca, logits, den[:NP8], den[NP8:], xlab)

    outp = _k5(src, pages[:N], pages[NP:NP + N], bias_attn.reshape(1, D),
               g1.reshape(1, D), be1.reshape(1, D), W1, b1.reshape(1, DFF),
               W2, b2.reshape(1, D), g2.reshape(1, D), be2.reshape(1, D))

    alpha = alpha_p.reshape(ENP, 16)[:EN, :H]
    return outp, alpha

# --- scband reference (transcript-rebuilt; emitter-appended) ---
"""Pipeline reference for scband-syn-gnnlayer-70308614636216 (READ-ONLY COPY).

The authoritative reference and input builder live on the scoring server;
editing this copy changes nothing except your own understanding.
"""

import jax, jax.numpy as jnp
import numpy as np

N = 10000
E = 160000
D = 256
H = 8
DE = 16
DFF = 2048

def _layer_norm(x, g, b, eps=1e-5):
    mu = x.mean(-1, keepdims=True)
    var = x.var(-1, keepdims=True)
    return (x - mu) / jnp.sqrt(var + eps) * g + b

def setup_inputs(seed: int = 0):
    key = jax.random.key(seed)
    ks = jax.random.split(key, 12)
    s = 0.05
    inp = {}
    inp['x'] = jax.random.normal(ks[0], (N, D), jnp.float32)
    inp['edge_index'] = jax.random.randint(ks[1], (2, E), 0, N)
    inp['edge_attr'] = jax.random.normal(ks[2], (E, DE), jnp.float32)
    inp['W_l'] = jax.random.normal(ks[3], (D, H * D), jnp.float32) * s
    inp['b_l'] = jnp.zeros((H * D,), jnp.float32)
    inp['W_r'] = jax.random.normal(ks[4], (D, H * D), jnp.float32) * s
    inp['b_r'] = jnp.zeros((H * D,), jnp.float32)
    inp['W_e'] = jax.random.normal(ks[5], (DE, H * D), jnp.float32) * s
    inp['att'] = jax.random.normal(ks[6], (H, D), jnp.float32) * s
    inp['bias_attn'] = jnp.zeros((D,), jnp.float32)
    inp['W1'] = jax.random.normal(ks[7], (D, DFF), jnp.float32) * s
    inp['b1'] = jnp.zeros((DFF,), jnp.float32)
    inp['W2'] = jax.random.normal(ks[8], (DFF, D), jnp.float32) * s
    inp['b2'] = jnp.zeros((D,), jnp.float32)
    inp['g0'] = jnp.ones((D,), jnp.float32)
    inp['be0'] = jnp.zeros((D,), jnp.float32)
    inp['g1'] = jnp.ones((D,), jnp.float32)
    inp['be1'] = jnp.zeros((D,), jnp.float32)
    inp['g2'] = jnp.ones((D,), jnp.float32)
    inp['be2'] = jnp.zeros((D,), jnp.float32)
    return inp

def reference(x, edge_index, edge_attr, W_l, b_l, W_r, b_r, W_e, att, bias_attn, W1, b1, W2, b2, g0, be0, g1, be1, g2, be2):
    n = x.shape[0]
    # norm0 (node-wise LayerNorm)
    src = _layer_norm(x, g0, be0)
    # GATv2Conv: lin_l on source, lin_r on target
    x_l = (src @ W_l + b_l).reshape(n, H, D)
    x_r = (src @ W_r + b_r).reshape(n, H, D)
    # add self loops (PyG default add_self_loops=True, fill_value='mean' for edge_attr)
    s_idx = jnp.concatenate([edge_index[0], jnp.arange(n)])
    d_idx = jnp.concatenate([edge_index[1], jnp.arange(n)])
    deg = jax.ops.segment_sum(jnp.ones((edge_attr.shape[0],), jnp.float32), edge_index[1], num_segments=n)
    loop_attr = jax.ops.segment_sum(edge_attr, edge_index[1], num_segments=n) / jnp.maximum(deg, 1.0)[:, None]
    ea = jnp.concatenate([edge_attr, loop_attr], axis=0)
    e = (ea @ W_e).reshape(-1, H, D)
    # GATv2 message: leaky_relu(x_j + x_i + e), attention logits
    m = x_l[s_idx] + x_r[d_idx] + e
    m = jnp.where(m > 0, m, 0.2 * m)
    logits = (m * att[None]).sum(-1)
    # segment softmax over incoming edges per target node
    seg_max = jax.ops.segment_max(logits, d_idx, num_segments=n)
    alpha = jnp.exp(logits - seg_max[d_idx])
    denom = jax.ops.segment_sum(alpha, d_idx, num_segments=n)
    alpha = alpha / denom[d_idx]
    # weighted aggregation of source features, mean over heads (concat=False)
    out = jax.ops.segment_sum(x_l[s_idx] * alpha[:, :, None], d_idx, num_segments=n)
    attn_out = out.mean(axis=1) + bias_attn
    # residual + norm1 (dropout is identity in eval)
    h = src + attn_out
    h = _layer_norm(h, g1, be1)
    # feedforward (exact GELU like torch.nn.GELU)
    ff = jax.nn.gelu(h @ W1 + b1, approximate=False) @ W2 + b2
    h2 = h + ff
    outp = _layer_norm(h2, g2, be2)
    return (outp, alpha)

if __name__ == "__main__":
    import jax
    _d = setup_inputs()
    print(jax.jit(kernel)(*tuple(_d.values())))

</pallas_src>

<mosaic_0001>
#map = affine_map<(d0, d1) -> (0)>
#map1 = affine_map<(d0, d1) -> (0, 0)>
module attributes {stable_mosaic.version = 14 : i64} {
  func.func @_k0_body(%arg0: i32, %arg1: i32, %arg2: memref<160000xi32, #tpu.memory_space<hbm>>, %arg3: memref<160000x16xf32, #tpu.memory_space<hbm>>, %arg4: memref<1280x128xf32, #tpu.memory_space<hbm>>, %arg5: memref<1280x128xf32, #tpu.memory_space<hbm>>, %arg6: memref<80xi32, #tpu.memory_space<vmem>>, %arg7: memref<80xi32, #tpu.memory_space<vmem>>, %arg8: memref<80xi32, #tpu.memory_space<vmem>>, %arg9: memref<80x16xf32, #tpu.memory_space<vmem>>, %arg10: memref<80x128xf32, #tpu.memory_space<vmem>>, %arg11: memref<80x128xf32, #tpu.memory_space<vmem>>, %arg12: memref<16x128xf32, #tpu.memory_space<vmem>>, %arg13: memref<1280x128xf32, #tpu.memory_space<vmem_shared>>, %arg14: memref<1280x128xf32, #tpu.memory_space<vmem_shared>>) attributes {dimension_semantics = [#tpu.dimension_semantics<core_parallel>, #tpu.dimension_semantics<subcore_parallel>], iteration_bounds = array<i64: 2, 16>, scalar_prefetch = 0 : i64, scratch_operands = 9 : i64, tpu.core_type = #tpu.core_type<sc_vector_subcore>, window_params = [{transform_indices = #map}, {transform_indices = #map1}, {transform_indices = #map1}, {transform_indices = #map1}]} {
    %iota3A = tpu.iota {dimensions = array<i32: 0>} : vector<16xi32>
    %eq3A = arith.constant 0 : i32
    %eq3A_0 = vector.broadcast %eq3A : i32 to vector<16xi32>
    %eq3A_1 = arith.cmpi eq, %iota3A, %eq3A_0 : vector<16xi32>
    %jit3A = arith.constant 1.000000e+00 : f32
    %jit3A_2 = arith.constant 0.000000e+00 : f32
    %broadcast_in_dim3A = vector.broadcast %jit3A : f32 to vector<16xf32>
    %broadcast_in_dim3A_3 = vector.broadcast %jit3A_2 : f32 to vector<16xf32>
    %select_n3A = arith.select %eq3A_1, %broadcast_in_dim3A, %broadcast_in_dim3A_3 : vector<16xi1>, vector<16xf32>
    %eq3A_4 = arith.constant 0 : i32
    %eq3A_5 = arith.cmpi eq, %arg0, %eq3A_4 : i32
    %convert_element_type3A = arith.extui %eq3A_5 : i1 to i32
    %cond3A = arith.constant 0 : i32
    %cond3A_6 = arith.cmpi ne, %convert_element_type3A, %cond3A : i32
    scf.if %cond3A_6 {
      %broadcast_in_dim3A_18 = arith.constant 0.000000e+00 : f32
      %broadcast_in_dim3A_19 = vector.broadcast %broadcast_in_dim3A_18 : f32 to vector<16xf32>
      %scan3A = arith.constant 0 : i32
      %scan3A_20 = arith.constant 0 : i32
      %scan3A_21 = arith.constant 16 : i32
      %scan3A_22 = arith.addi %scan3A_20, %scan3A_21 : i32
      %scan3A_23 = arith.constant 1 : i32
      %scan3A_24 = scf.for %scan3A_33 = %scan3A_20 to %scan3A_22 step %scan3A_23 iter_args(%scan3A_34 = %scan3A) -> (i32)  : i32 {
        %swap3A = arith.index_cast %scan3A_33 : i32 to index
        %swap3A_35 = arith.constant 0 : index
        %swap3A_36 = tpu.vector_load %arg12[%swap3A, %swap3A_35] {strides = array<i32>} : memref<16x128xf32, #tpu.memory_space<vmem>>, vector<16xf32>,
        tpu.vector_store %arg12[%swap3A, %swap3A_35], %broadcast_in_dim3A_19 {strides = array<i32>} : memref<16x128xf32, #tpu.memory_space<vmem>>, vector<16xf32>,
        %swap3A_37 = arith.index_cast %scan3A_33 : i32 to index
        %swap3A_38 = arith.constant 16 : index
        %swap3A_39 = tpu.vector_load %arg12[%swap3A_37, %swap3A_38] {strides = array<i32>} : memref<16x128xf32, #tpu.memory_space<vmem>>, vector<16xf32>,
        tpu.vector_store %arg12[%swap3A_37, %swap3A_38], %broadcast_in_dim3A_19 {strides = array<i32>} : memref<16x128xf32, #tpu.memory_space<vmem>>, vector<16xf32>,
        %swap3A_40 = arith.index_cast %scan3A_33 : i32 to index
        %swap3A_41 = arith.constant 32 : index
        %swap3A_42 = tpu.vector_load %arg12[%swap3A_40, %swap3A_41] {strides = array<i32>} : memref<16x128xf32, #tpu.memory_space<vmem>>, vector<16xf32>,
        tpu.vector_store %arg12[%swap3A_40, %swap3A_41], %broadcast_in_dim3A_19 {strides = array<i32>} : memref<16x128xf32, #tpu.memory_space<vmem>>, vector<16xf32>,
        %swap3A_43 = arith.index_cast %scan3A_33 : i32 to index
        %swap3A_44 = arith.constant 48 : index
        %swap3A_45 = tpu.vector_load %arg12[%swap3A_43, %swap3A_44] {strides = array<i32>} : memref<16x128xf32, #tpu.memory_space<vmem>>, vector<16xf32>,
        tpu.vector_store %arg12[%swap3A_43, %swap3A_44], %broadcast_in_dim3A_19 {strides = array<i32>} : memref<16x128xf32, #tpu.memory_space<vmem>>, vector<16xf32>,
        %swap3A_46 = arith.index_cast %scan3A_33 : i32 to index
        %swap3A_47 = arith.constant 64 : index
        %swap3A_48 = tpu.vector_load %arg12[%swap3A_46, %swap3A_47] {strides = array<i32>} : memref<16x128xf32, #tpu.memory_space<vmem>>, vector<16xf32>,
        tpu.vector_store %arg12[%swap3A_46, %swap3A_47], %broadcast_in_dim3A_19 {strides = array<i32>} : memref<16x128xf32, #tpu.memory_space<vmem>>, vector<16xf32>,
        %swap3A_49 = arith.index_cast %scan3A_33 : i32 to index
        %swap3A_50 = arith.constant 80 : index
        %swap3A_51 = tpu.vector_load %arg12[%swap3A_49, %swap3A_50] {strides = array<i32>} : memref<16x128xf32, #tpu.memory_space<vmem>>, vector<16xf32>,
        tpu.vector_store %arg12[%swap3A_49, %swap3A_50], %broadcast_in_dim3A_19 {strides = array<i32>} : memref<16x128xf32, #tpu.memory_space<vmem>>, vector<16xf32>,
        %swap3A_52 = arith.index_cast %scan3A_33 : i32 to index
        %swap3A_53 = arith.constant 96 : index
        %swap3A_54 = tpu.vector_load %arg12[%swap3A_52, %swap3A_53] {strides = array<i32>} : memref<16x128xf32, #tpu.memory_space<vmem>>, vector<16xf32>,
        tpu.vector_store %arg12[%swap3A_52, %swap3A_53], %broadcast_in_dim3A_19 {strides = array<i32>} : memref<16x128xf32, #tpu.memory_space<vmem>>, vector<16xf32>,
        %swap3A_55 = arith.index_cast %scan3A_33 : i32 to index
        %swap3A_56 = arith.constant 112 : index
        %swap3A_57 = tpu.vector_load %arg12[%swap3A_55, %swap3A_56] {strides = array<i32>} : memref<16x128xf32, #tpu.memory_space<vmem>>, vector<16xf32>,
        tpu.vector_store %arg12[%swap3A_55, %swap3A_56], %broadcast_in_dim3A_19 {strides = array<i32>} : memref<16x128xf32, #tpu.memory_space<vmem>>, vector<16xf32>,
        %scan3A_58 = arith.constant 0 : i32
        scf.yield %scan3A_58 : i32
      }
      %scan3A_25 = arith.constant 16 : i32
      %scan3A_26 = arith.constant 0 : i32
      %scan3A_27 = arith.constant 0 : i32
      %scan3A_28 = arith.constant 5 : i32
      %scan3A_29 = arith.addi %scan3A_27, %scan3A_28 : i32
      %scan3A_30 = arith.constant 1 : i32
      %scan3A_31 = scf.for %scan3A_33 = %scan3A_27 to %scan3A_29 step %scan3A_30 iter_args(%scan3A_34 = %scan3A_26) -> (i32)  : i32 {
        %mul3A = arith.constant 80 : i32
        %mul3A_35 = arith.muli %arg1, %mul3A : i32
        %mul3A_36 = arith.constant 16 : i32
        %mul3A_37 = arith.muli %scan3A_33, %mul3A_36 : i32
        %add3A = arith.addi %mul3A_35, %mul3A_37 : i32
        "tpu.region"() ({
          %run_scoped3A = tpu.sem_alloc : memref<!tpu.dma_semaphore, #tpu.memory_space<semaphore_mem>>
          %dma_start3A = arith.constant 0 : i32
          %dma_start3A_44 = tpu.memref_slice %arg13[%add3A, %dma_start3A] : memref<1280x128xf32, #tpu.memory_space<vmem_shared>> -> memref<16x128xf32, #tpu.memory_space<vmem_shared>>
          %dma_start3A_45 = arith.constant 0 : i32
          %dma_start3A_46 = tpu.memref_slice %arg13[%add3A, %dma_start3A_45] : memref<1280x128xf32, #tpu.memory_space<vmem_shared>> -> memref<16x128xf32, #tpu.memory_space<vmem_shared>>
          tpu.enqueue_dma source(%arg12 : memref<16x128xf32, #tpu.memory_space<vmem>>) target(%dma_start3A_46 : memref<16x128xf32, #tpu.memory_space<vmem_shared>>) target_semaphore(%run_scoped3A : memref<!tpu.dma_semaphore, #tpu.memory_space<semaphore_mem>>)
          %dma_wait3A = arith.constant 0 : i32
          %dma_wait3A_47 = tpu.memref_slice %arg13[%add3A, %dma_wait3A] : memref<1280x128xf32, #tpu.memory_space<vmem_shared>> -> memref<16x128xf32, #tpu.memory_space<vmem_shared>>
          %dma_wait3A_48 = arith.constant 0 : i32
          %dma_wait3A_49 = tpu.memref_slice %arg13[%add3A, %dma_wait3A_48] : memref<1280x128xf32, #tpu.memory_space<vmem_shared>> -> memref<16x128xf32, #tpu.memory_space<vmem_shared>>
          tpu.wait_dma2 semaphore(%run_scoped3A : memref<!tpu.dma_semaphore, #tpu.memory_space<semaphore_mem>>) src(%arg12 : memref<16x128xf32, #tpu.memory_space<vmem>>) dst(%dma_wait3A_49 : memref<16x128xf32, #tpu.memory_space<vmem_shared>>)
          tpu.yield
        }) : () -> ()
        %mul3A_38 = arith.constant 80 : i32
        %mul3A_39 = arith.muli %arg1, %mul3A_38 : i32
        %mul3A_40 = arith.constant 16 : i32
        %mul3A_41 = arith.muli %scan3A_33, %mul3A_40 : i32
        %add3A_42 = arith.addi %mul3A_39, %mul3A_41 : i32
        "tpu.region"() ({
          %run_scoped3A = tpu.sem_alloc : memref<!tpu.dma_semaphore, #tpu.memory_space<semaphore_mem>>
          %dma_start3A = arith.constant 0 : i32
          %dma_start3A_44 = tpu.memref_slice %arg14[%add3A_42, %dma_start3A] : memref<1280x128xf32, #tpu.memory_space<vmem_shared>> -> memref<16x128xf32, #tpu.memory_space<vmem_shared>>
          %dma_start3A_45 = arith.constant 0 : i32
          %dma_start3A_46 = tpu.memref_slice %arg14[%add3A_42, %dma_start3A_45] : memref<1280x128xf32, #tpu.memory_space<vmem_shared>> -> memref<16x128xf32, #tpu.memory_space<vmem_shared>>
          tpu.enqueue_dma source(%arg12 : memref<16x128xf32, #tpu.memory_space<vmem>>) target(%dma_start3A_46 : memref<16x128xf32, #tpu.memory_space<vmem_shared>>) target_semaphore(%run_scoped3A : memref<!tpu.dma_semaphore, #tpu.memory_space<semaphore_mem>>)
          %dma_wait3A = arith.constant 0 : i32
          %dma_wait3A_47 = tpu.memref_slice %arg14[%add3A_42, %dma_wait3A] : memref<1280x128xf32, #tpu.memory_space<vmem_shared>> -> memref<16x128xf32, #tpu.memory_space<vmem_shared>>
          %dma_wait3A_48 = arith.constant 0 : i32
          %dma_wait3A_49 = tpu.memref_slice %arg14[%add3A_42, %dma_wait3A_48] : memref<1280x128xf32, #tpu.memory_space<vmem_shared>> -> memref<16x128xf32, #tpu.memory_space<vmem_shared>>
          tpu.wait_dma2 semaphore(%run_scoped3A : memref<!tpu.dma_semaphore, #tpu.memory_space<semaphore_mem>>) src(%arg12 : memref<16x128xf32, #tpu.memory_space<vmem>>) dst(%dma_wait3A_49 : memref<16x128xf32, #tpu.memory_space<vmem_shared>>)
          tpu.yield
        }) : () -> ()
        %scan3A_43 = arith.constant 0 : i32
        scf.yield %scan3A_43 : i32
      }
      %scan3A_32 = arith.constant 5 : i32
    } else {
    }
    %barrier3A = arith.constant 0 : index
    tpu.barrier barrier_id(%barrier3A)
    %eq3A_7 = arith.constant 0 : i32
    %eq3A_8 = arith.cmpi eq, %arg0, %eq3A_7 : i32
    %convert_element_type3A_9 = arith.extui %eq3A_8 : i1 to i32
    %cond3A_10 = arith.constant 0 : i32
    %cond3A_11 = arith.cmpi ne, %convert_element_type3A_9, %cond3A_10 : i32
    scf.if %cond3A_11 {
      %scan3A = arith.constant 0 : i32
      %scan3A_18 = arith.constant 0 : i32
      %scan3A_19 = arith.constant 125 : i32
      %scan3A_20 = arith.addi %scan3A_18, %scan3A_19 : i32
      %scan3A_21 = arith.constant 1 : i32
      %scan3A_22 = scf.for %scan3A_24 = %scan3A_18 to %scan3A_20 step %scan3A_21 iter_args(%scan3A_25 = %scan3A) -> (i32)  : i32 {
        %mul3A = arith.constant 10000 : i32
        %mul3A_26 = arith.muli %arg1, %mul3A : i32
        %mul3A_27 = arith.constant 80 : i32
        %mul3A_28 = arith.muli %scan3A_24, %mul3A_27 : i32
        %add3A = arith.addi %mul3A_26, %mul3A_28 : i32
        "tpu.region"() ({
          %run_scoped3A = tpu.sem_alloc : memref<!tpu.dma_semaphore, #tpu.memory_space<semaphore_mem>>
          %dma_start3A = tpu.memref_slice %arg2[%add3A] : memref<160000xi32, #tpu.memory_space<hbm>> -> memref<80xi32, #tpu.memory_space<hbm>>
          %dma_start3A_62 = tpu.memref_slice %arg2[%add3A] : memref<160000xi32, #tpu.memory_space<hbm>> -> memref<80xi32, #tpu.memory_space<hbm>>
          tpu.enqueue_dma source(%dma_start3A_62 : memref<80xi32, #tpu.memory_space<hbm>>) target(%arg6 : memref<80xi32, #tpu.memory_space<vmem>>) target_semaphore(%run_scoped3A : memref<!tpu.dma_semaphore, #tpu.memory_space<semaphore_mem>>)
          %dma_wait3A = tpu.memref_slice %arg2[%add3A] : memref<160000xi32, #tpu.memory_space<hbm>> -> memref<80xi32, #tpu.memory_space<hbm>>
          %dma_wait3A_63 = tpu.memref_slice %arg2[%add3A] : memref<160000xi32, #tpu.memory_space<hbm>> -> memref<80xi32, #tpu.memory_space<hbm>>
          tpu.wait_dma2 semaphore(%run_scoped3A : memref<!tpu.dma_semaphore, #tpu.memory_space<semaphore_mem>>) src(%dma_wait3A_63 : memref<80xi32, #tpu.memory_space<hbm>>) dst(%arg6 : memref<80xi32, #tpu.memory_space<vmem>>)
          tpu.yield
        }) : () -> ()
        "tpu.region"() ({
          %run_scoped3A = tpu.sem_alloc : memref<!tpu.dma_semaphore, #tpu.memory_space<semaphore_mem>>
          %dma_start3A = arith.constant 0 : i32
          %dma_start3A_62 = tpu.memref_slice %arg3[%add3A, %dma_start3A] : memref<160000x16xf32, #tpu.memory_space<hbm>> -> memref<80x16xf32, #tpu.memory_space<hbm>>
          %dma_start3A_63 = arith.constant 0 : i32
          %dma_start3A_64 = tpu.memref_slice %arg3[%add3A, %dma_start3A_63] : memref<160000x16xf32, #tpu.memory_space<hbm>> -> memref<80x16xf32, #tpu.memory_space<hbm>>
          tpu.enqueue_dma source(%dma_start3A_64 : memref<80x16xf32, #tpu.memory_space<hbm>>) target(%arg9 : memref<80x16xf32, #tpu.memory_space<vmem>>) target_semaphore(%run_scoped3A : memref<!tpu.dma_semaphore, #tpu.memory_space<semaphore_mem>>)
          %dma_wait3A = arith.constant 0 : i32
          %dma_wait3A_65 = tpu.memref_slice %arg3[%add3A, %dma_wait3A] : memref<160000x16xf32, #tpu.memory_space<hbm>> -> memref<80x16xf32, #tpu.memory_space<hbm>>
          %dma_wait3A_66 = arith.constant 0 : i32
          %dma_wait3A_67 = tpu.memref_slice %arg3[%add3A, %dma_wait3A_66] : memref<160000x16xf32, #tpu.memory_space<hbm>> -> memref<80x16xf32, #tpu.memory_space<hbm>>
          tpu.wait_dma2 semaphore(%run_scoped3A : memref<!tpu.dma_semaphore, #tpu.memory_space<semaphore_mem>>) src(%dma_wait3A_67 : memref<80x16xf32, #tpu.memory_space<hbm>>) dst(%arg9 : memref<80x16xf32, #tpu.memory_space<vmem>>)
          tpu.yield
        }) : () -> ()
        %scan3A_29 = arith.constant 0 : i32
        %scan3A_30 = arith.constant 0 : i32
        %scan3A_31 = arith.constant 5 : i32
        %scan3A_32 = arith.addi %scan3A_30, %scan3A_31 : i32
        %scan3A_33 = arith.constant 1 : i32
        %scan3A_34 = scf.for %scan3A_62 = %scan3A_30 to %scan3A_32 step %scan3A_33 iter_args(%scan3A_63 = %scan3A_29) -> (i32)  : i32 {
          %mul3A_64 = arith.constant 16 : i32
          %mul3A_65 = arith.muli %scan3A_62, %mul3A_64 : i32
          %get3A = arith.index_cast %mul3A_65 : i32 to index
          %get3A_66 = tpu.vector_load %arg6[%get3A] {strides = array<i32>} : memref<80xi32, #tpu.memory_space<vmem>>, vector<16xi32>,
          %shift_right_logical3A = arith.constant 3 : i32
          %shift_right_logical3A_67 = vector.broadcast %shift_right_logical3A : i32 to vector<16xi32>
          %shift_right_logical3A_68 = arith.shrui %get3A_66, %shift_right_logical3A_67 : vector<16xi32>
          %mul3A_69 = arith.constant 16 : i32
          %mul3A_70 = arith.muli %scan3A_62, %mul3A_69 : i32
          %swap3A = arith.index_cast %mul3A_70 : i32 to index
          %swap3A_71 = tpu.vector_load %arg7[%swap3A] {strides = array<i32>} : memref<80xi32, #tpu.memory_space<vmem>>, vector<16xi32>,
          tpu.vector_store %arg7[%swap3A], %shift_right_logical3A_68 {strides = array<i32>} : memref<80xi32, #tpu.memory_space<vmem>>, vector<16xi32>,
          %and3A = arith.constant 7 : i32
          %and3A_72 = vector.broadcast %and3A : i32 to vector<16xi32>
          %and3A_73 = arith.andi %get3A_66, %and3A_72 : vector<16xi32>
          %mul3A_74 = arith.constant 16 : i32
          %mul3A_75 = vector.broadcast %mul3A_74 : i32 to vector<16xi32>
          %mul3A_76 = arith.muli %and3A_73, %mul3A_75 : vector<16xi32>
          %mul3A_77 = arith.constant 16 : i32
          %mul3A_78 = arith.muli %scan3A_62, %mul3A_77 : i32
          %swap3A_79 = arith.index_cast %mul3A_78 : i32 to index
          %swap3A_80 = tpu.vector_load %arg8[%swap3A_79] {strides = array<i32>} : memref<80xi32, #tpu.memory_space<vmem>>, vector<16xi32>,
          tpu.vector_store %arg8[%swap3A_79], %mul3A_76 {strides = array<i32>} : memref<80xi32, #tpu.memory_space<vmem>>, vector<16xi32>,
          %scan3A_81 = arith.constant 0 : i32
          scf.yield %scan3A_81 : i32
        }
        %scan3A_35 = arith.constant 5 : i32
        %broadcast_in_dim3A_36 = arith.constant 0.000000e+00 : f32
        %broadcast_in_dim3A_37 = vector.broadcast %broadcast_in_dim3A_36 : f32 to vector<16xf32>
        %scan3A_38 = arith.constant 0 : i32
        %scan3A_39 = arith.constant 0 : i32
        %scan3A_40 = arith.constant 80 : i32
        %scan3A_41 = arith.addi %scan3A_39, %scan3A_40 : i32
        %scan3A_42 = arith.constant 1 : i32
        %scan3A_43 = scf.for %scan3A_62 = %scan3A_39 to %scan3A_41 step %scan3A_42 iter_args(%scan3A_63 = %scan3A_38) -> (i32)  : i32 {
          %swap3A = arith.index_cast %scan3A_62 : i32 to index
          %swap3A_64 = arith.constant 0 : index
          %swap3A_65 = tpu.vector_load %arg10[%swap3A, %swap3A_64] {strides = array<i32>} : memref<80x128xf32, #tpu.memory_space<vmem>>, vector<16xf32>,
          tpu.vector_store %arg10[%swap3A, %swap3A_64], %broadcast_in_dim3A_37 {strides = array<i32>} : memref<80x128xf32, #tpu.memory_space<vmem>>, vector<16xf32>,
          %swap3A_66 = arith.index_cast %scan3A_62 : i32 to index
          %swap3A_67 = arith.constant 16 : index
          %swap3A_68 = tpu.vector_load %arg10[%swap3A_66, %swap3A_67] {strides = array<i32>} : memref<80x128xf32, #tpu.memory_space<vmem>>, vector<16xf32>,
          tpu.vector_store %arg10[%swap3A_66, %swap3A_67], %broadcast_in_dim3A_37 {strides = array<i32>} : memref<80x128xf32, #tpu.memory_space<vmem>>, vector<16xf32>,
          %swap3A_69 = arith.index_cast %scan3A_62 : i32 to index
          %swap3A_70 = arith.constant 32 : index
          %swap3A_71 = tpu.vector_load %arg10[%swap3A_69, %swap3A_70] {strides = array<i32>} : memref<80x128xf32, #tpu.memory_space<vmem>>, vector<16xf32>,
          tpu.vector_store %arg10[%swap3A_69, %swap3A_70], %broadcast_in_dim3A_37 {strides = array<i32>} : memref<80x128xf32, #tpu.memory_space<vmem>>, vector<16xf32>,
          %swap3A_72 = arith.index_cast %scan3A_62 : i32 to index
          %swap3A_73 = arith.constant 48 : index
          %swap3A_74 = tpu.vector_load %arg10[%swap3A_72, %swap3A_73] {strides = array<i32>} : memref<80x128xf32, #tpu.memory_space<vmem>>, vector<16xf32>,
          tpu.vector_store %arg10[%swap3A_72, %swap3A_73], %broadcast_in_dim3A_37 {strides = array<i32>} : memref<80x128xf32, #tpu.memory_space<vmem>>, vector<16xf32>,
          %swap3A_75 = arith.index_cast %scan3A_62 : i32 to index
          %swap3A_76 = arith.constant 64 : index
          %swap3A_77 = tpu.vector_load %arg10[%swap3A_75, %swap3A_76] {strides = array<i32>} : memref<80x128xf32, #tpu.memory_space<vmem>>, vector<16xf32>,
          tpu.vector_store %arg10[%swap3A_75, %swap3A_76], %broadcast_in_dim3A_37 {strides = array<i32>} : memref<80x128xf32, #tpu.memory_space<vmem>>, vector<16xf32>,
          %swap3A_78 = arith.index_cast %scan3A_62 : i32 to index
          %swap3A_79 = arith.constant 80 : index
          %swap3A_80 = tpu.vector_load %arg10[%swap3A_78, %swap3A_79] {strides = array<i32>} : memref<80x128xf32, #tpu.memory_space<vmem>>, vector<16xf32>,
          tpu.vector_store %arg10[%swap3A_78, %swap3A_79], %broadcast_in_dim3A_37 {strides = array<i32>} : memref<80x128xf32, #tpu.memory_space<vmem>>, vector<16xf32>,
          %swap3A_81 = arith.index_cast %scan3A_62 : i32 to index
          %swap3A_82 = arith.constant 96 : index
          %swap3A_83 = tpu.vector_load %arg10[%swap3A_81, %swap3A_82] {strides = array<i32>} : memref<80x128xf32, #tpu.memory_space<vmem>>, vector<16xf32>,
          tpu.vector_store %arg10[%swap3A_81, %swap3A_82], %broadcast_in_dim3A_37 {strides = array<i32>} : memref<80x128xf32, #tpu.memory_space<vmem>>, vector<16xf32>,
          %swap3A_84 = arith.index_cast %scan3A_62 : i32 to index
          %swap3A_85 = arith.constant 112 : index
          %swap3A_86 = tpu.vector_load %arg10[%swap3A_84, %swap3A_85] {strides = array<i32>} : memref<80x128xf32, #tpu.memory_space<vmem>>, vector<16xf32>,
          tpu.vector_store %arg10[%swap3A_84, %swap3A_85], %broadcast_in_dim3A_37 {strides = array<i32>} : memref<80x128xf32, #tpu.memory_space<vmem>>, vector<16xf32>,
          %scan3A_87 = arith.constant 0 : i32
          scf.yield %scan3A_87 : i32
        }
        %scan3A_44 = arith.constant 80 : i32
        %broadcast_in_dim3A_45 = arith.constant 0.000000e+00 : f32
        %broadcast_in_dim3A_46 = vector.broadcast %broadcast_in_dim3A_45 : f32 to vector<16xf32>
        %scan3A_47 = arith.constant 0 : i32
        %scan3A_48 = arith.constant 0 : i32
        %scan3A_49 = arith.constant 80 : i32
        %scan3A_50 = arith.addi %scan3A_48, %scan3A_49 : i32
        %scan3A_51 = arith.constant 1 : i32
        %scan3A_52 = scf.for %scan3A_62 = %scan3A_48 to %scan3A_50 step %scan3A_51 iter_args(%scan3A_63 = %scan3A_47) -> (i32)  : i32 {
          %swap3A = arith.index_cast %scan3A_62 : i32 to index
          %swap3A_64 = arith.constant 0 : index
          %swap3A_65 = tpu.vector_load %arg11[%swap3A, %swap3A_64] {strides = array<i32>} : memref<80x128xf32, #tpu.memory_space<vmem>>, vector<16xf32>,
          tpu.vector_store %arg11[%swap3A, %swap3A_64], %broadcast_in_dim3A_46 {strides = array<i32>} : memref<80x128xf32, #tpu.memory_space<vmem>>, vector<16xf32>,
          %swap3A_66 = arith.index_cast %scan3A_62 : i32 to index
          %swap3A_67 = arith.constant 16 : index
          %swap3A_68 = tpu.vector_load %arg11[%swap3A_66, %swap3A_67] {strides = array<i32>} : memref<80x128xf32, #tpu.memory_space<vmem>>, vector<16xf32>,
          tpu.vector_store %arg11[%swap3A_66, %swap3A_67], %broadcast_in_dim3A_46 {strides = array<i32>} : memref<80x128xf32, #tpu.memory_space<vmem>>, vector<16xf32>,
          %swap3A_69 = arith.index_cast %scan3A_62 : i32 to index
          %swap3A_70 = arith.constant 32 : index
          %swap3A_71 = tpu.vector_load %arg11[%swap3A_69, %swap3A_70] {strides = array<i32>} : memref<80x128xf32, #tpu.memory_space<vmem>>, vector<16xf32>,
          tpu.vector_store %arg11[%swap3A_69, %swap3A_70], %broadcast_in_dim3A_46 {strides = array<i32>} : memref<80x128xf32, #tpu.memory_space<vmem>>, vector<16xf32>,
          %swap3A_72 = arith.index_cast %scan3A_62 : i32 to index
          %swap3A_73 = arith.constant 48 : index
          %swap3A_74 = tpu.vector_load %arg11[%swap3A_72, %swap3A_73] {strides = array<i32>} : memref<80x128xf32, #tpu.memory_space<vmem>>, vector<16xf32>,
          tpu.vector_store %arg11[%swap3A_72, %swap3A_73], %broadcast_in_dim3A_46 {strides = array<i32>} : memref<80x128xf32, #tpu.memory_space<vmem>>, vector<16xf32>,
          %swap3A_75 = arith.index_cast %scan3A_62 : i32 to index
          %swap3A_76 = arith.constant 64 : index
          %swap3A_77 = tpu.vector_load %arg11[%swap3A_75, %swap3A_76] {strides = array<i32>} : memref<80x128xf32, #tpu.memory_space<vmem>>, vector<16xf32>,
          tpu.vector_store %arg11[%swap3A_75, %swap3A_76], %broadcast_in_dim3A_46 {strides = array<i32>} : memref<80x128xf32, #tpu.memory_space<vmem>>, vector<16xf32>,
          %swap3A_78 = arith.index_cast %scan3A_62 : i32 to index
          %swap3A_79 = arith.constant 80 : index
          %swap3A_80 = tpu.vector_load %arg11[%swap3A_78, %swap3A_79] {strides = array<i32>} : memref<80x128xf32, #tpu.memory_space<vmem>>, vector<16xf32>,
          tpu.vector_store %arg11[%swap3A_78, %swap3A_79], %broadcast_in_dim3A_46 {strides = array<i32>} : memref<80x128xf32, #tpu.memory_space<vmem>>, vector<16xf32>,
          %swap3A_81 = arith.index_cast %scan3A_62 : i32 to index
          %swap3A_82 = arith.constant 96 : index
          %swap3A_83 = tpu.vector_load %arg11[%swap3A_81, %swap3A_82] {strides = array<i32>} : memref<80x128xf32, #tpu.memory_space<vmem>>, vector<16xf32>,
          tpu.vector_store %arg11[%swap3A_81, %swap3A_82], %broadcast_in_dim3A_46 {strides = array<i32>} : memref<80x128xf32, #tpu.memory_space<vmem>>, vector<16xf32>,
          %swap3A_84 = arith.index_cast %scan3A_62 : i32 to index
          %swap3A_85 = arith.constant 112 : index
          %swap3A_86 = tpu.vector_load %arg11[%swap3A_84, %swap3A_85] {strides = array<i32>} : memref<80x128xf32, #tpu.memory_space<vmem>>, vector<16xf32>,
          tpu.vector_store %arg11[%swap3A_84, %swap3A_85], %broadcast_in_dim3A_46 {strides = array<i32>} : memref<80x128xf32, #tpu.memory_space<vmem>>, vector<16xf32>,
          %scan3A_87 = arith.constant 0 : i32
          scf.yield %scan3A_87 : i32
        }
        %scan3A_53 = arith.constant 80 : i32
        %scan3A_54 = arith.constant 0 : i32
        %scan3A_55 = arith.constant 0 : i32
        %scan3A_56 = arith.constant 80 : i32
        %scan3A_57 = arith.addi %scan3A_55, %scan3A_56 : i32
        %scan3A_58 = arith.constant 1 : i32
        %scan3A_59 = scf.for %scan3A_62 = %scan3A_55 to %scan3A_57 step %scan3A_58 iter_args(%scan3A_63 = %scan3A_54) -> (i32)  : i32 {
          %broadcast_in_dim3A_64 = vector.broadcast %scan3A_62 : i32 to vector<16xi32>
          %gather3A = tpu.vector_load_idx %arg8[%broadcast_in_dim3A_64] : memref<80xi32, #tpu.memory_space<vmem>>[vector<16xi32>], vector<16xi32>,
          %add3A_65 = arith.addi %gather3A, %iota3A : vector<16xi32>
          %get3A = arith.index_cast %scan3A_62 : i32 to index
          %get3A_66 = arith.constant 0 : index
          %get3A_67 = tpu.vector_load %arg9[%get3A, %get3A_66] {strides = array<i32>} : memref<80x16xf32, #tpu.memory_space<vmem>>, vector<16xf32>,
          tpu.vector_store_idx %arg10[%broadcast_in_dim3A_64, %add3A_65], %get3A_67 : memref<80x128xf32, #tpu.memory_space<vmem>>[vector<16xi32>, vector<16xi32>], vector<16xf32>,
          %add3A_68 = arith.addi %gather3A, %iota3A : vector<16xi32>
          tpu.vector_store_idx %arg11[%broadcast_in_dim3A_64, %add3A_68], %select_n3A : memref<80x128xf32, #tpu.memory_space<vmem>>[vector<16xi32>, vector<16xi32>], vector<16xf32>,
          %scan3A_69 = arith.constant 0 : i32
          scf.yield %scan3A_69 : i32
        }
        %scan3A_60 = arith.constant 80 : i32
        "tpu.region"() ({
          %run_scoped3A = tpu.sem_alloc : memref<!tpu.dma_semaphore, #tpu.memory_space<semaphore_mem>>
          %dma_start3A = arith.constant 0 : i32
          %dma_start3A_62 = arith.constant 0 : i32
          %dma_start3A_63 = tpu.memref_slice %arg13[%dma_start3A, %dma_start3A_62] : memref<1280x128xf32, #tpu.memory_space<vmem_shared>> -> memref<1280x128xf32, #tpu.memory_space<vmem_shared>>
          tpu.enqueue_indirect_dma source(%arg10 : memref<80x128xf32, #tpu.memory_space<vmem>>) target(%dma_start3A_63 : memref<1280x128xf32, #tpu.memory_space<vmem_shared>>) offsets(%arg7 : memref<80xi32, #tpu.memory_space<vmem>>) semaphore(%run_scoped3A : memref<!tpu.dma_semaphore, #tpu.memory_space<semaphore_mem>>) {add = true}
          %dma_wait3A = arith.constant 0 : i32
          %dma_wait3A_64 = arith.constant 0 : i32
          %dma_wait3A_65 = tpu.memref_slice %arg13[%dma_wait3A, %dma_wait3A_64] : memref<1280x128xf32, #tpu.memory_space<vmem_shared>> -> memref<1280x128xf32, #tpu.memory_space<vmem_shared>>
          tpu.wait_indirect_dma semaphore(%run_scoped3A : memref<!tpu.dma_semaphore, #tpu.memory_space<semaphore_mem>>) src(%arg10 : memref<80x128xf32, #tpu.memory_space<vmem>>) dst(%dma_wait3A_65 : memref<1280x128xf32, #tpu.memory_space<vmem_shared>>)
          tpu.yield
        }) : () -> ()
        "tpu.region"() ({
          %run_scoped3A = tpu.sem_alloc : memref<!tpu.dma_semaphore, #tpu.memory_space<semaphore_mem>>
          %dma_start3A = arith.constant 0 : i32
          %dma_start3A_62 = arith.constant 0 : i32
          %dma_start3A_63 = tpu.memref_slice %arg14[%dma_start3A, %dma_start3A_62] : memref<1280x128xf32, #tpu.memory_space<vmem_shared>> -> memref<1280x128xf32, #tpu.memory_space<vmem_shared>>
          tpu.enqueue_indirect_dma source(%arg11 : memref<80x128xf32, #tpu.memory_space<vmem>>) target(%dma_start3A_63 : memref<1280x128xf32, #tpu.memory_space<vmem_shared>>) offsets(%arg7 : memref<80xi32, #tpu.memory_space<vmem>>) semaphore(%run_scoped3A : memref<!tpu.dma_semaphore, #tpu.memory_space<semaphore_mem>>) {add = true}
          %dma_wait3A = arith.constant 0 : i32
          %dma_wait3A_64 = arith.constant 0 : i32
          %dma_wait3A_65 = tpu.memref_slice %arg14[%dma_wait3A, %dma_wait3A_64] : memref<1280x128xf32, #tpu.memory_space<vmem_shared>> -> memref<1280x128xf32, #tpu.memory_space<vmem_shared>>
          tpu.wait_indirect_dma semaphore(%run_scoped3A : memref<!tpu.dma_semaphore, #tpu.memory_space<semaphore_mem>>) src(%arg11 : memref<80x128xf32, #tpu.memory_space<vmem>>) dst(%dma_wait3A_65 : memref<1280x128xf32, #tpu.memory_space<vmem_shared>>)
          tpu.yield
        }) : () -> ()
        %scan3A_61 = arith.constant 0 : i32
        scf.yield %scan3A_61 : i32
      }
      %scan3A_23 = arith.constant 125 : i32
    } else {
    }
    %barrier3A_12 = arith.constant 0 : index
    tpu.barrier barrier_id(%barrier3A_12)
    %eq3A_13 = arith.constant 0 : i32
    %eq3A_14 = arith.cmpi eq, %arg0, %eq3A_13 : i32
    %convert_element_type3A_15 = arith.extui %eq3A_14 : i1 to i32
    %cond3A_16 = arith.constant 0 : i32
    %cond3A_17 = arith.cmpi ne, %convert_element_type3A_15, %cond3A_16 : i32
    scf.if %cond3A_17 {
      %mul3A = arith.constant 80 : i32
      %mul3A_18 = arith.muli %arg1, %mul3A : i32
      %mul3A_19 = arith.constant 80 : i32
      %mul3A_20 = arith.muli %arg1, %mul3A_19 : i32
      "tpu.region"() ({
        %run_scoped3A = tpu.sem_alloc : memref<!tpu.dma_semaphore, #tpu.memory_space<semaphore_mem>>
        %dma_start3A = arith.constant 0 : i32
        %dma_start3A_25 = tpu.memref_slice %arg4[%mul3A_20, %dma_start3A] : memref<1280x128xf32, #tpu.memory_space<hbm>> -> memref<80x128xf32, #tpu.memory_space<hbm>>
        %dma_start3A_26 = arith.constant 0 : i32
        %dma_start3A_27 = tpu.memref_slice %arg13[%mul3A_18, %dma_start3A_26] : memref<1280x128xf32, #tpu.memory_space<vmem_shared>> -> memref<80x128xf32, #tpu.memory_space<vmem_shared>>
        tpu.enqueue_dma source(%dma_start3A_27 : memref<80x128xf32, #tpu.memory_space<vmem_shared>>) target(%dma_start3A_25 : memref<80x128xf32, #tpu.memory_space<hbm>>) target_semaphore(%run_scoped3A : memref<!tpu.dma_semaphore, #tpu.memory_space<semaphore_mem>>)
        %dma_wait3A = arith.constant 0 : i32
        %dma_wait3A_28 = tpu.memref_slice %arg4[%mul3A_20, %dma_wait3A] : memref<1280x128xf32, #tpu.memory_space<hbm>> -> memref<80x128xf32, #tpu.memory_space<hbm>>
        %dma_wait3A_29 = arith.constant 0 : i32
        %dma_wait3A_30 = tpu.memref_slice %arg13[%mul3A_18, %dma_wait3A_29] : memref<1280x128xf32, #tpu.memory_space<vmem_shared>> -> memref<80x128xf32, #tpu.memory_space<vmem_shared>>
        tpu.wait_dma2 semaphore(%run_scoped3A : memref<!tpu.dma_semaphore, #tpu.memory_space<semaphore_mem>>) src(%dma_wait3A_30 : memref<80x128xf32, #tpu.memory_space<vmem_shared>>) dst(%dma_wait3A_28 : memref<80x128xf32, #tpu.memory_space<hbm>>)
        tpu.yield
      }) : () -> ()
      %mul3A_21 = arith.constant 80 : i32
      %mul3A_22 = arith.muli %arg1, %mul3A_21 : i32
      %mul3A_23 = arith.constant 80 : i32
      %mul3A_24 = arith.muli %arg1, %mul3A_23 : i32
      "tpu.region"() ({
        %run_scoped3A = tpu.sem_alloc : memref<!tpu.dma_semaphore, #tpu.memory_space<semaphore_mem>>
        %dma_start3A = arith.constant 0 : i32
        %dma_start3A_25 = tpu.memref_slice %arg5[%mul3A_24, %dma_start3A] : memref<1280x128xf32, #tpu.memory_space<hbm>> -> memref<80x128xf32, #tpu.memory_space<hbm>>
        %dma_start3A_26 = arith.constant 0 : i32
        %dma_start3A_27 = tpu.memref_slice %arg14[%mul3A_22, %dma_start3A_26] : memref<1280x128xf32, #tpu.memory_space<vmem_shared>> -> memref<80x128xf32, #tpu.memory_space<vmem_shared>>
        tpu.enqueue_dma source(%dma_start3A_27 : memref<80x128xf32, #tpu.memory_space<vmem_shared>>) target(%dma_start3A_25 : memref<80x128xf32, #tpu.memory_space<hbm>>) target_semaphore(%run_scoped3A : memref<!tpu.dma_semaphore, #tpu.memory_space<semaphore_mem>>)
        %dma_wait3A = arith.constant 0 : i32
        %dma_wait3A_28 = tpu.memref_slice %arg5[%mul3A_24, %dma_wait3A] : memref<1280x128xf32, #tpu.memory_space<hbm>> -> memref<80x128xf32, #tpu.memory_space<hbm>>
        %dma_wait3A_29 = arith.constant 0 : i32
        %dma_wait3A_30 = tpu.memref_slice %arg14[%mul3A_22, %dma_wait3A_29] : memref<1280x128xf32, #tpu.memory_space<vmem_shared>> -> memref<80x128xf32, #tpu.memory_space<vmem_shared>>
        tpu.wait_dma2 semaphore(%run_scoped3A : memref<!tpu.dma_semaphore, #tpu.memory_space<semaphore_mem>>) src(%dma_wait3A_30 : memref<80x128xf32, #tpu.memory_space<vmem_shared>>) dst(%dma_wait3A_28 : memref<80x128xf32, #tpu.memory_space<hbm>>)
        tpu.yield
      }) : () -> ()
    } else {
    }
    return
  }
}

#map = affine_map<(d0, d1) -> (0)>
#map1 = affine_map<(d0, d1) -> (0, 0)>
module attributes {stable_mosaic.version = 14 : i64} {
  func.func @_k4_body(%arg0: i32, %arg1: i32, %arg2: memref<172032xi32, #tpu.memory_space<hbm>>, %arg3: memref<172032xi32, #tpu.memory_space<hbm>>, %arg4: memref<172032xi32, #tpu.memory_space<hbm>>, %arg5: memref<21504x128xf32, #tpu.memory_space<hbm>>, %arg6: memref<1280x128xf32, #tpu.memory_space<hbm>>, %arg7: memref<1280x128xf32, #tpu.memory_space<hbm>>, %arg8: memref<20000x1024xf32, #tpu.memory_space<hbm>>, %arg9: memref<21504x128xf32, #tpu.memory_space<hbm>>, %arg10: memref<20480x128xf32, #tpu.memory_space<hbm>>, %arg11: memref<32xi32, #tpu.memory_space<vmem>>, %arg12: memref<32xi32, #tpu.memory_space<vmem>>, %arg13: memref<32xi32, #tpu.memory_space<vmem>>, %arg14: memref<32xi32, #tpu.memory_space<vmem>>, %arg15: memref<32xi32, #tpu.memory_space<vmem>>, %arg16: memref<4x128xf32, #tpu.memory_space<vmem>>, %arg17: memref<32x128xf32, #tpu.memory_space<vmem>>, %arg18: memref<32x128xf32, #tpu.memory_space<vmem>>, %arg19: memref<32x1024xf32, #tpu.memory_space<vmem>>, %arg20: memref<32x128xf32, #tpu.memory_space<vmem>>, %arg21: memref<4x128xf32, #tpu.memory_space<vmem>>, %arg22: memref<16x128xf32, #tpu.memory_space<vmem>>, %arg23: memref<10240x128xf32, #tpu.memory_space<vmem_shared>>, %arg24: memref<!tpu.dma_semaphore, #tpu.memory_space<semaphore_mem>>, %arg25: memref<!tpu.dma_semaphore, #tpu.memory_space<semaphore_mem>>, %arg26: memref<!tpu.dma_semaphore, #tpu.memory_space<semaphore_mem>>) attributes {dimension_semantics = [#tpu.dimension_semantics<core_parallel>, #tpu.dimension_semantics<subcore_parallel>], iteration_bounds = array<i64: 2, 16>, scalar_prefetch = 0 : i64, scratch_operands = 16 : i64, tpu.core_type = #tpu.core_type<sc_vector_subcore>, window_params = [{transform_indices = #map}, {transform_indices = #map}, {transform_indices = #map}, {transform_indices = #map1}, {transform_indices = #map1}, {transform_indices = #map1}, {transform_indices = #map1}, {transform_indices = #map1}, {transform_indices = #map1}]} {
    %iota3A = tpu.iota {dimensions = array<i32: 0>} : vector<16xi32>
    %broadcast_in_dim3A = arith.constant 0.000000e+00 : f32
    %broadcast_in_dim3A_0 = vector.broadcast %broadcast_in_dim3A : f32 to vector<16xf32>
    %broadcast_in_dim3A_1 = arith.constant 0.000000e+00 : f32
    %broadcast_in_dim3A_2 = vector.broadcast %broadcast_in_dim3A_1 : f32 to vector<16xf32>
    %scan3A = arith.constant 0 : i32
    %scan3A_3 = arith.constant 0 : i32
    %scan3A_4 = arith.constant 16 : i32
    %scan3A_5 = arith.addi %scan3A_3, %scan3A_4 : i32
    %scan3A_6 = arith.constant 1 : i32
    %scan3A_7 = scf.for %scan3A_29 = %scan3A_3 to %scan3A_5 step %scan3A_6 iter_args(%scan3A_30 = %scan3A) -> (i32)  : i32 {
      %swap3A = arith.index_cast %scan3A_29 : i32 to index
      %swap3A_31 = arith.constant 0 : index
      %swap3A_32 = tpu.vector_load %arg22[%swap3A, %swap3A_31] {strides = array<i32>} : memref<16x128xf32, #tpu.memory_space<vmem>>, vector<16xf32>,
      tpu.vector_store %arg22[%swap3A, %swap3A_31], %broadcast_in_dim3A_2 {strides = array<i32>} : memref<16x128xf32, #tpu.memory_space<vmem>>, vector<16xf32>,
      %swap3A_33 = arith.index_cast %scan3A_29 : i32 to index
      %swap3A_34 = arith.constant 16 : index
      %swap3A_35 = tpu.vector_load %arg22[%swap3A_33, %swap3A_34] {strides = array<i32>} : memref<16x128xf32, #tpu.memory_space<vmem>>, vector<16xf32>,
      tpu.vector_store %arg22[%swap3A_33, %swap3A_34], %broadcast_in_dim3A_2 {strides = array<i32>} : memref<16x128xf32, #tpu.memory_space<vmem>>, vector<16xf32>,
      %swap3A_36 = arith.index_cast %scan3A_29 : i32 to index
      %swap3A_37 = arith.constant 32 : index
      %swap3A_38 = tpu.vector_load %arg22[%swap3A_36, %swap3A_37] {strides = array<i32>} : memref<16x128xf32, #tpu.memory_space<vmem>>, vector<16xf32>,
      tpu.vector_store %arg22[%swap3A_36, %swap3A_37], %broadcast_in_dim3A_2 {strides = array<i32>} : memref<16x128xf32, #tpu.memory_space<vmem>>, vector<16xf32>,
      %swap3A_39 = arith.index_cast %scan3A_29 : i32 to index
      %swap3A_40 = arith.constant 48 : index
      %swap3A_41 = tpu.vector_load %arg22[%swap3A_39, %swap3A_40] {strides = array<i32>} : memref<16x128xf32, #tpu.memory_space<vmem>>, vector<16xf32>,
      tpu.vector_store %arg22[%swap3A_39, %swap3A_40], %broadcast_in_dim3A_2 {strides = array<i32>} : memref<16x128xf32, #tpu.memory_space<vmem>>, vector<16xf32>,
      %swap3A_42 = arith.index_cast %scan3A_29 : i32 to index
      %swap3A_43 = arith.constant 64 : index
      %swap3A_44 = tpu.vector_load %arg22[%swap3A_42, %swap3A_43] {strides = array<i32>} : memref<16x128xf32, #tpu.memory_space<vmem>>, vector<16xf32>,
      tpu.vector_store %arg22[%swap3A_42, %swap3A_43], %broadcast_in_dim3A_2 {strides = array<i32>} : memref<16x128xf32, #tpu.memory_space<vmem>>, vector<16xf32>,
      %swap3A_45 = arith.index_cast %scan3A_29 : i32 to index
      %swap3A_46 = arith.constant 80 : index
      %swap3A_47 = tpu.vector_load %arg22[%swap3A_45, %swap3A_46] {strides = array<i32>} : memref<16x128xf32, #tpu.memory_space<vmem>>, vector<16xf32>,
      tpu.vector_store %arg22[%swap3A_45, %swap3A_46], %broadcast_in_dim3A_2 {strides = array<i32>} : memref<16x128xf32, #tpu.memory_space<vmem>>, vector<16xf32>,
      %swap3A_48 = arith.index_cast %scan3A_29 : i32 to index
      %swap3A_49 = arith.constant 96 : index
      %swap3A_50 = tpu.vector_load %arg22[%swap3A_48, %swap3A_49] {strides = array<i32>} : memref<16x128xf32, #tpu.memory_space<vmem>>, vector<16xf32>,
      tpu.vector_store %arg22[%swap3A_48, %swap3A_49], %broadcast_in_dim3A_2 {strides = array<i32>} : memref<16x128xf32, #tpu.memory_space<vmem>>, vector<16xf32>,
      %swap3A_51 = arith.index_cast %scan3A_29 : i32 to index
      %swap3A_52 = arith.constant 112 : index
      %swap3A_53 = tpu.vector_load %arg22[%swap3A_51, %swap3A_52] {strides = array<i32>} : memref<16x128xf32, #tpu.memory_space<vmem>>, vector<16xf32>,
      tpu.vector_store %arg22[%swap3A_51, %swap3A_52], %broadcast_in_dim3A_2 {strides = array<i32>} : memref<16x128xf32, #tpu.memory_space<vmem>>, vector<16xf32>,
      %scan3A_54 = arith.constant 0 : i32
      scf.yield %scan3A_54 : i32
    }
    %scan3A_8 = arith.constant 16 : i32
    %scan3A_9 = arith.constant 0 : i32
    %scan3A_10 = arith.constant 0 : i32
    %scan3A_11 = arith.constant 40 : i32
    %scan3A_12 = arith.addi %scan3A_10, %scan3A_11 : i32
    %scan3A_13 = arith.constant 1 : i32
    %scan3A_14 = scf.for %scan3A_29 = %scan3A_10 to %scan3A_12 step %scan3A_13 iter_args(%scan3A_30 = %scan3A_9) -> (i32)  : i32 {
      %mul3A_31 = arith.constant 640 : i32
      %mul3A_32 = arith.muli %arg1, %mul3A_31 : i32
      %mul3A_33 = arith.constant 16 : i32
      %mul3A_34 = arith.muli %scan3A_29, %mul3A_33 : i32
      %add3A_35 = arith.addi %mul3A_32, %mul3A_34 : i32
      "tpu.region"() ({
        %run_scoped3A = tpu.sem_alloc : memref<!tpu.dma_semaphore, #tpu.memory_space<semaphore_mem>>
        %dma_start3A = arith.constant 0 : i32
        %dma_start3A_37 = tpu.memref_slice %arg23[%add3A_35, %dma_start3A] : memref<10240x128xf32, #tpu.memory_space<vmem_shared>> -> memref<16x128xf32, #tpu.memory_space<vmem_shared>>
        %dma_start3A_38 = arith.constant 0 : i32
        %dma_start3A_39 = tpu.memref_slice %arg23[%add3A_35, %dma_start3A_38] : memref<10240x128xf32, #tpu.memory_space<vmem_shared>> -> memref<16x128xf32, #tpu.memory_space<vmem_shared>>
        tpu.enqueue_dma source(%arg22 : memref<16x128xf32, #tpu.memory_space<vmem>>) target(%dma_start3A_39 : memref<16x128xf32, #tpu.memory_space<vmem_shared>>) target_semaphore(%run_scoped3A : memref<!tpu.dma_semaphore, #tpu.memory_space<semaphore_mem>>)
        %dma_wait3A = arith.constant 0 : i32
        %dma_wait3A_40 = tpu.memref_slice %arg23[%add3A_35, %dma_wait3A] : memref<10240x128xf32, #tpu.memory_space<vmem_shared>> -> memref<16x128xf32, #tpu.memory_space<vmem_shared>>
        %dma_wait3A_41 = arith.constant 0 : i32
        %dma_wait3A_42 = tpu.memref_slice %arg23[%add3A_35, %dma_wait3A_41] : memref<10240x128xf32, #tpu.memory_space<vmem_shared>> -> memref<16x128xf32, #tpu.memory_space<vmem_shared>>
        tpu.wait_dma2 semaphore(%run_scoped3A : memref<!tpu.dma_semaphore, #tpu.memory_space<semaphore_mem>>) src(%arg22 : memref<16x128xf32, #tpu.memory_space<vmem>>) dst(%dma_wait3A_42 : memref<16x128xf32, #tpu.memory_space<vmem_shared>>)
        tpu.yield
      }) : () -> ()
      %scan3A_36 = arith.constant 0 : i32
      scf.yield %scan3A_36 : i32
    }
    %scan3A_15 = arith.constant 40 : i32
    %barrier3A = arith.constant 0 : index
    tpu.barrier barrier_id(%barrier3A)
    %scan3A_16 = arith.constant 0 : i32
    %scan3A_17 = arith.constant 0 : i32
    %scan3A_18 = arith.constant 336 : i32
    %scan3A_19 = arith.addi %scan3A_17, %scan3A_18 : i32
    %scan3A_20 = arith.constant 1 : i32
    %scan3A_21 = scf.for %scan3A_29 = %scan3A_17 to %scan3A_19 step %scan3A_20 iter_args(%scan3A_30 = %scan3A_16) -> (i32)  : i32 {
      %mul3A_31 = arith.constant 10752 : i32
      %mul3A_32 = arith.muli %arg1, %mul3A_31 : i32
      %mul3A_33 = arith.constant 32 : i32
      %mul3A_34 = arith.muli %scan3A_29, %mul3A_33 : i32
      %add3A_35 = arith.addi %mul3A_32, %mul3A_34 : i32
      "tpu.region"() ({
        %run_scoped3A = tpu.sem_alloc : memref<!tpu.dma_semaphore, #tpu.memory_space<semaphore_mem>>
        %dma_start3A_84 = tpu.memref_slice %arg2[%add3A_35] : memref<172032xi32, #tpu.memory_space<hbm>> -> memref<32xi32, #tpu.memory_space<hbm>>
        %dma_start3A_85 = tpu.memref_slice %arg2[%add3A_35] : memref<172032xi32, #tpu.memory_space<hbm>> -> memref<32xi32, #tpu.memory_space<hbm>>
        tpu.enqueue_dma source(%dma_start3A_85 : memref<32xi32, #tpu.memory_space<hbm>>) target(%arg11 : memref<32xi32, #tpu.memory_space<vmem>>) target_semaphore(%run_scoped3A : memref<!tpu.dma_semaphore, #tpu.memory_space<semaphore_mem>>)
        %dma_wait3A_86 = tpu.memref_slice %arg2[%add3A_35] : memref<172032xi32, #tpu.memory_space<hbm>> -> memref<32xi32, #tpu.memory_space<hbm>>
        %dma_wait3A_87 = tpu.memref_slice %arg2[%add3A_35] : memref<172032xi32, #tpu.memory_space<hbm>> -> memref<32xi32, #tpu.memory_space<hbm>>
        tpu.wait_dma2 semaphore(%run_scoped3A : memref<!tpu.dma_semaphore, #tpu.memory_space<semaphore_mem>>) src(%dma_wait3A_87 : memref<32xi32, #tpu.memory_space<hbm>>) dst(%arg11 : memref<32xi32, #tpu.memory_space<vmem>>)
        tpu.yield
      }) : () -> ()
      "tpu.region"() ({
        %run_scoped3A = tpu.sem_alloc : memref<!tpu.dma_semaphore, #tpu.memory_space<semaphore_mem>>
        %dma_start3A_84 = tpu.memref_slice %arg3[%add3A_35] : memref<172032xi32, #tpu.memory_space<hbm>> -> memref<32xi32, #tpu.memory_space<hbm>>
        %dma_start3A_85 = tpu.memref_slice %arg3[%add3A_35] : memref<172032xi32, #tpu.memory_space<hbm>> -> memref<32xi32, #tpu.memory_space<hbm>>
        tpu.enqueue_dma source(%dma_start3A_85 : memref<32xi32, #tpu.memory_space<hbm>>) target(%arg12 : memref<32xi32, #tpu.memory_space<vmem>>) target_semaphore(%run_scoped3A : memref<!tpu.dma_semaphore, #tpu.memory_space<semaphore_mem>>)
        %dma_wait3A_86 = tpu.memref_slice %arg3[%add3A_35] : memref<172032xi32, #tpu.memory_space<hbm>> -> memref<32xi32, #tpu.memory_space<hbm>>
        %dma_wait3A_87 = tpu.memref_slice %arg3[%add3A_35] : memref<172032xi32, #tpu.memory_space<hbm>> -> memref<32xi32, #tpu.memory_space<hbm>>
        tpu.wait_dma2 semaphore(%run_scoped3A : memref<!tpu.dma_semaphore, #tpu.memory_space<semaphore_mem>>) src(%dma_wait3A_87 : memref<32xi32, #tpu.memory_space<hbm>>) dst(%arg12 : memref<32xi32, #tpu.memory_space<vmem>>)
        tpu.yield
      }) : () -> ()
      "tpu.region"() ({
        %run_scoped3A = tpu.sem_alloc : memref<!tpu.dma_semaphore, #tpu.memory_space<semaphore_mem>>
        %dma_start3A_84 = tpu.memref_slice %arg4[%add3A_35] : memref<172032xi32, #tpu.memory_space<hbm>> -> memref<32xi32, #tpu.memory_space<hbm>>
        %dma_start3A_85 = tpu.memref_slice %arg4[%add3A_35] : memref<172032xi32, #tpu.memory_space<hbm>> -> memref<32xi32, #tpu.memory_space<hbm>>
        tpu.enqueue_dma source(%dma_start3A_85 : memref<32xi32, #tpu.memory_space<hbm>>) target(%arg13 : memref<32xi32, #tpu.memory_space<vmem>>) target_semaphore(%run_scoped3A : memref<!tpu.dma_semaphore, #tpu.memory_space<semaphore_mem>>)
        %dma_wait3A_86 = tpu.memref_slice %arg4[%add3A_35] : memref<172032xi32, #tpu.memory_space<hbm>> -> memref<32xi32, #tpu.memory_space<hbm>>
        %dma_wait3A_87 = tpu.memref_slice %arg4[%add3A_35] : memref<172032xi32, #tpu.memory_space<hbm>> -> memref<32xi32, #tpu.memory_space<hbm>>
        tpu.wait_dma2 semaphore(%run_scoped3A : memref<!tpu.dma_semaphore, #tpu.memory_space<semaphore_mem>>) src(%dma_wait3A_87 : memref<32xi32, #tpu.memory_space<hbm>>) dst(%arg13 : memref<32xi32, #tpu.memory_space<vmem>>)
        tpu.yield
      }) : () -> ()
      %mul3A_36 = arith.constant 10000 : i32
      %mul3A_37 = arith.muli %arg0, %mul3A_36 : i32
      %broadcast_in_dim3A_38 = vector.broadcast %mul3A_37 : i32 to vector<16xi32>
      %scan3A_39 = arith.constant 0 : i32
      %scan3A_40 = arith.constant 0 : i32
      %scan3A_41 = arith.constant 2 : i32
      %scan3A_42 = arith.addi %scan3A_40, %scan3A_41 : i32
      %scan3A_43 = arith.constant 1 : i32
      %scan3A_44 = scf.for %scan3A_84 = %scan3A_40 to %scan3A_42 step %scan3A_43 iter_args(%scan3A_85 = %scan3A_39) -> (i32)  : i32 {
        %mul3A_86 = arith.constant 16 : i32
        %mul3A_87 = arith.muli %scan3A_84, %mul3A_86 : i32
        %get3A = arith.index_cast %mul3A_87 : i32 to index
        %get3A_88 = tpu.vector_load %arg12[%get3A] {strides = array<i32>} : memref<32xi32, #tpu.memory_space<vmem>>, vector<16xi32>,
        %shift_right_logical3A = arith.constant 3 : i32
        %shift_right_logical3A_89 = vector.broadcast %shift_right_logical3A : i32 to vector<16xi32>
        %shift_right_logical3A_90 = arith.shrui %get3A_88, %shift_right_logical3A_89 : vector<16xi32>
        %mul3A_91 = arith.constant 16 : i32
        %mul3A_92 = arith.muli %scan3A_84, %mul3A_91 : i32
        %swap3A = arith.index_cast %mul3A_92 : i32 to index
        %swap3A_93 = tpu.vector_load %arg14[%swap3A] {strides = array<i32>} : memref<32xi32, #tpu.memory_space<vmem>>, vector<16xi32>,
        tpu.vector_store %arg14[%swap3A], %shift_right_logical3A_90 {strides = array<i32>} : memref<32xi32, #tpu.memory_space<vmem>>, vector<16xi32>,
        %and3A = arith.constant 7 : i32
        %and3A_94 = vector.broadcast %and3A : i32 to vector<16xi32>
        %and3A_95 = arith.andi %get3A_88, %and3A_94 : vector<16xi32>
        %mul3A_96 = arith.constant 16 : i32
        %mul3A_97 = vector.broadcast %mul3A_96 : i32 to vector<16xi32>
        %mul3A_98 = arith.muli %and3A_95, %mul3A_97 : vector<16xi32>
        %mul3A_99 = arith.constant 16 : i32
        %mul3A_100 = arith.muli %scan3A_84, %mul3A_99 : i32
        %swap3A_101 = arith.index_cast %mul3A_100 : i32 to index
        %swap3A_102 = tpu.vector_load %arg15[%swap3A_101] {strides = array<i32>} : memref<32xi32, #tpu.memory_space<vmem>>, vector<16xi32>,
        tpu.vector_store %arg15[%swap3A_101], %mul3A_98 {strides = array<i32>} : memref<32xi32, #tpu.memory_space<vmem>>, vector<16xi32>,
        %mul3A_103 = arith.constant 16 : i32
        %mul3A_104 = arith.muli %scan3A_84, %mul3A_103 : i32
        %get3A_105 = arith.index_cast %mul3A_104 : i32 to index
        %get3A_106 = tpu.vector_load %arg11[%get3A_105] {strides = array<i32>} : memref<32xi32, #tpu.memory_space<vmem>>, vector<16xi32>,
        %add3A_107 = arith.addi %get3A_106, %broadcast_in_dim3A_38 : vector<16xi32>
        %mul3A_108 = arith.constant 16 : i32
        %mul3A_109 = arith.muli %scan3A_84, %mul3A_108 : i32
        %swap3A_110 = arith.index_cast %mul3A_109 : i32 to index
        %swap3A_111 = tpu.vector_load %arg11[%swap3A_110] {strides = array<i32>} : memref<32xi32, #tpu.memory_space<vmem>>, vector<16xi32>,
        tpu.vector_store %arg11[%swap3A_110], %add3A_107 {strides = array<i32>} : memref<32xi32, #tpu.memory_space<vmem>>, vector<16xi32>,
        %scan3A_112 = arith.constant 0 : i32
        scf.yield %scan3A_112 : i32
      }
      %scan3A_45 = arith.constant 2 : i32
      %dma_start3A = arith.constant 0 : i32
      %dma_start3A_46 = arith.constant 0 : i32
      %dma_start3A_47 = tpu.memref_slice %arg6[%dma_start3A, %dma_start3A_46] : memref<1280x128xf32, #tpu.memory_space<hbm>> -> memref<1280x128xf32, #tpu.memory_space<hbm>>
      tpu.enqueue_indirect_dma source(%dma_start3A_47 : memref<1280x128xf32, #tpu.memory_space<hbm>>) target(%arg17 : memref<32x128xf32, #tpu.memory_space<vmem>>) offsets(%arg14 : memref<32xi32, #tpu.memory_space<vmem>>) semaphore(%arg24 : memref<!tpu.dma_semaphore, #tpu.memory_space<semaphore_mem>>)
      %dma_start3A_48 = arith.constant 0 : i32
      %dma_start3A_49 = arith.constant 0 : i32
      %dma_start3A_50 = tpu.memref_slice %arg7[%dma_start3A_48, %dma_start3A_49] : memref<1280x128xf32, #tpu.memory_space<hbm>> -> memref<1280x128xf32, #tpu.memory_space<hbm>>
      tpu.enqueue_indirect_dma source(%dma_start3A_50 : memref<1280x128xf32, #tpu.memory_space<hbm>>) target(%arg18 : memref<32x128xf32, #tpu.memory_space<vmem>>) offsets(%arg14 : memref<32xi32, #tpu.memory_space<vmem>>) semaphore(%arg25 : memref<!tpu.dma_semaphore, #tpu.memory_space<semaphore_mem>>)
      %dma_start3A_51 = arith.constant 0 : i32
      %dma_start3A_52 = arith.constant 0 : i32
      %dma_start3A_53 = tpu.memref_slice %arg8[%dma_start3A_51, %dma_start3A_52] : memref<20000x1024xf32, #tpu.memory_space<hbm>> -> memref<20000x1024xf32, #tpu.memory_space<hbm>>
      tpu.enqueue_indirect_dma source(%dma_start3A_53 : memref<20000x1024xf32, #tpu.memory_space<hbm>>) target(%arg19 : memref<32x1024xf32, #tpu.memory_space<vmem>>) offsets(%arg11 : memref<32xi32, #tpu.memory_space<vmem>>) semaphore(%arg26 : memref<!tpu.dma_semaphore, #tpu.memory_space<semaphore_mem>>)
      %mul3A_54 = arith.constant 1344 : i32
      %mul3A_55 = arith.muli %arg1, %mul3A_54 : i32
      %mul3A_56 = arith.constant 4 : i32
      %mul3A_57 = arith.muli %scan3A_29, %mul3A_56 : i32
      %add3A_58 = arith.addi %mul3A_55, %mul3A_57 : i32
      "tpu.region"() ({
        %run_scoped3A = tpu.sem_alloc : memref<!tpu.dma_semaphore, #tpu.memory_space<semaphore_mem>>
        %dma_start3A_84 = arith.constant 0 : i32
        %dma_start3A_85 = tpu.memref_slice %arg5[%add3A_58, %dma_start3A_84] : memref<21504x128xf32, #tpu.memory_space<hbm>> -> memref<4x128xf32, #tpu.memory_space<hbm>>
        %dma_start3A_86 = arith.constant 0 : i32
        %dma_start3A_87 = tpu.memref_slice %arg5[%add3A_58, %dma_start3A_86] : memref<21504x128xf32, #tpu.memory_space<hbm>> -> memref<4x128xf32, #tpu.memory_space<hbm>>
        tpu.enqueue_dma source(%dma_start3A_87 : memref<4x128xf32, #tpu.memory_space<hbm>>) target(%arg16 : memref<4x128xf32, #tpu.memory_space<vmem>>) target_semaphore(%run_scoped3A : memref<!tpu.dma_semaphore, #tpu.memory_space<semaphore_mem>>)
        %dma_wait3A_88 = arith.constant 0 : i32
        %dma_wait3A_89 = tpu.memref_slice %arg5[%add3A_58, %dma_wait3A_88] : memref<21504x128xf32, #tpu.memory_space<hbm>> -> memref<4x128xf32, #tpu.memory_space<hbm>>
        %dma_wait3A_90 = arith.constant 0 : i32
        %dma_wait3A_91 = tpu.memref_slice %arg5[%add3A_58, %dma_wait3A_90] : memref<21504x128xf32, #tpu.memory_space<hbm>> -> memref<4x128xf32, #tpu.memory_space<hbm>>
        tpu.wait_dma2 semaphore(%run_scoped3A : memref<!tpu.dma_semaphore, #tpu.memory_space<semaphore_mem>>) src(%dma_wait3A_91 : memref<4x128xf32, #tpu.memory_space<hbm>>) dst(%arg16 : memref<4x128xf32, #tpu.memory_space<vmem>>)
        tpu.yield
      }) : () -> ()
      %dma_wait3A = arith.constant 0 : i32
      %dma_wait3A_59 = arith.constant 0 : i32
      %dma_wait3A_60 = tpu.memref_slice %arg8[%dma_wait3A, %dma_wait3A_59] : memref<20000x1024xf32, #tpu.memory_space<hbm>> -> memref<20000x1024xf32, #tpu.memory_space<hbm>>
      tpu.wait_indirect_dma semaphore(%arg26 : memref<!tpu.dma_semaphore, #tpu.memory_space<semaphore_mem>>) src(%dma_wait3A_60 : memref<20000x1024xf32, #tpu.memory_space<hbm>>) dst(%arg19 : memref<32x1024xf32, #tpu.memory_space<vmem>>)
      %dma_wait3A_61 = arith.constant 0 : i32
      %dma_wait3A_62 = arith.constant 0 : i32
      %dma_wait3A_63 = tpu.memref_slice %arg6[%dma_wait3A_61, %dma_wait3A_62] : memref<1280x128xf32, #tpu.memory_space<hbm>> -> memref<1280x128xf32, #tpu.memory_space<hbm>>
      tpu.wait_indirect_dma semaphore(%arg24 : memref<!tpu.dma_semaphore, #tpu.memory_space<semaphore_mem>>) src(%dma_wait3A_63 : memref<1280x128xf32, #tpu.memory_space<hbm>>) dst(%arg17 : memref<32x128xf32, #tpu.memory_space<vmem>>)
      %dma_wait3A_64 = arith.constant 0 : i32
      %dma_wait3A_65 = arith.constant 0 : i32
      %dma_wait3A_66 = tpu.memref_slice %arg7[%dma_wait3A_64, %dma_wait3A_65] : memref<1280x128xf32, #tpu.memory_space<hbm>> -> memref<1280x128xf32, #tpu.memory_space<hbm>>
      tpu.wait_indirect_dma semaphore(%arg25 : memref<!tpu.dma_semaphore, #tpu.memory_space<semaphore_mem>>) src(%dma_wait3A_66 : memref<1280x128xf32, #tpu.memory_space<hbm>>) dst(%arg18 : memref<32x128xf32, #tpu.memory_space<vmem>>)
      %scan3A_67 = arith.constant 0 : i32
      %scan3A_68 = arith.constant 0 : i32
      %scan3A_69 = arith.constant 32 : i32
      %scan3A_70 = arith.addi %scan3A_68, %scan3A_69 : i32
      %scan3A_71 = arith.constant 1 : i32
      %scan3A_72 = scf.for %scan3A_84 = %scan3A_68 to %scan3A_70 step %scan3A_71 iter_args(%scan3A_85 = %scan3A_67) -> (i32)  : i32 {
        %shift_right_logical3A = arith.constant 3 : i32
        %shift_right_logical3A_86 = arith.shrui %scan3A_84, %shift_right_logical3A : i32
        %and3A = arith.constant 7 : i32
        %and3A_87 = arith.andi %scan3A_84, %and3A : i32
        %mul3A_88 = arith.constant 16 : i32
        %mul3A_89 = arith.muli %and3A_87, %mul3A_88 : i32
        %broadcast_in_dim3A_90 = vector.broadcast %scan3A_84 : i32 to vector<16xi32>
        %gather3A = tpu.vector_load_idx %arg15[%broadcast_in_dim3A_90] : memref<32xi32, #tpu.memory_space<vmem>>[vector<16xi32>], vector<16xi32>,
        %get3A = arith.index_cast %shift_right_logical3A_86 : i32 to index
        %get3A_91 = arith.index_cast %mul3A_89 : i32 to index
        %get3A_92 = tpu.vector_load %arg16[%get3A, %get3A_91] {strides = array<i32>} : memref<4x128xf32, #tpu.memory_space<vmem>>, vector<16xf32>,
        %lt3A = arith.constant 8 : i32
        %lt3A_93 = vector.broadcast %lt3A : i32 to vector<16xi32>
        %lt3A_94 = arith.cmpi slt, %iota3A, %lt3A_93 : vector<16xi32>
        %exp3A = math.exp %get3A_92 : vector<16xf32>
        %jit3A = arith.constant 0.000000e+00 : f32
        %broadcast_in_dim3A_95 = vector.broadcast %jit3A : f32 to vector<16xf32>
        %select_n3A = arith.select %lt3A_94, %exp3A, %broadcast_in_dim3A_95 : vector<16xi1>, vector<16xf32>
        %add3A_96 = arith.addi %gather3A, %iota3A : vector<16xi32>
        %gather3A_97 = tpu.vector_load_idx %arg17[%broadcast_in_dim3A_90, %add3A_96] : memref<32x128xf32, #tpu.memory_space<vmem>>[vector<16xi32>, vector<16xi32>], vector<16xf32>,
        %add3A_98 = arith.addi %gather3A, %iota3A : vector<16xi32>
        %gather3A_99 = tpu.vector_load_idx %arg18[%broadcast_in_dim3A_90, %add3A_98] : memref<32x128xf32, #tpu.memory_space<vmem>>[vector<16xi32>, vector<16xi32>], vector<16xf32>,
        %lt3A_100 = arith.constant 8 : i32
        %lt3A_101 = vector.broadcast %lt3A_100 : i32 to vector<16xi32>
        %lt3A_102 = arith.cmpi slt, %iota3A, %lt3A_101 : vector<16xi32>
        %add3A_103 = arith.addf %gather3A_97, %gather3A_99 : vector<16xf32>
        %jit3A_104 = arith.constant 1.000000e+00 : f32
        %broadcast_in_dim3A_105 = vector.broadcast %jit3A_104 : f32 to vector<16xf32>
        %select_n3A_106 = arith.select %lt3A_102, %add3A_103, %broadcast_in_dim3A_105 : vector<16xi1>, vector<16xf32>
        %div3A = arith.divf %select_n3A, %select_n3A_106 : vector<16xf32>
        %swap3A = arith.index_cast %shift_right_logical3A_86 : i32 to index
        %swap3A_107 = arith.index_cast %mul3A_89 : i32 to index
        %swap3A_108 = tpu.vector_load %arg21[%swap3A, %swap3A_107] {strides = array<i32>} : memref<4x128xf32, #tpu.memory_space<vmem>>, vector<16xf32>,
        tpu.vector_store %arg21[%swap3A, %swap3A_107], %div3A {strides = array<i32>} : memref<4x128xf32, #tpu.memory_space<vmem>>, vector<16xf32>,
        %scan3A_109 = arith.constant 0 : i32
        scf.yield %scan3A_109 : i32
      }
      %scan3A_73 = arith.constant 32 : i32
      %eq3A = arith.constant 0 : i32
      %eq3A_74 = arith.cmpi eq, %arg0, %eq3A : i32
      %convert_element_type3A = arith.extui %eq3A_74 : i1 to i32
      %cond3A = arith.constant 0 : i32
      %cond3A_75 = arith.cmpi ne, %convert_element_type3A, %cond3A : i32
      scf.if %cond3A_75 {
        %mul3A_84 = arith.constant 1344 : i32
        %mul3A_85 = arith.muli %arg1, %mul3A_84 : i32
        %mul3A_86 = arith.constant 4 : i32
        %mul3A_87 = arith.muli %scan3A_29, %mul3A_86 : i32
        %add3A_88 = arith.addi %mul3A_85, %mul3A_87 : i32
        "tpu.region"() ({
          %run_scoped3A = tpu.sem_alloc : memref<!tpu.dma_semaphore, #tpu.memory_space<semaphore_mem>>
          %dma_start3A_89 = arith.constant 0 : i32
          %dma_start3A_90 = tpu.memref_slice %arg9[%add3A_88, %dma_start3A_89] : memref<21504x128xf32, #tpu.memory_space<hbm>> -> memref<4x128xf32, #tpu.memory_space<hbm>>
          %dma_start3A_91 = arith.constant 0 : i32
          %dma_start3A_92 = tpu.memref_slice %arg9[%add3A_88, %dma_start3A_91] : memref<21504x128xf32, #tpu.memory_space<hbm>> -> memref<4x128xf32, #tpu.memory_space<hbm>>
          tpu.enqueue_dma source(%arg21 : memref<4x128xf32, #tpu.memory_space<vmem>>) target(%dma_start3A_92 : memref<4x128xf32, #tpu.memory_space<hbm>>) target_semaphore(%run_scoped3A : memref<!tpu.dma_semaphore, #tpu.memory_space<semaphore_mem>>)
          %dma_wait3A_93 = arith.constant 0 : i32
          %dma_wait3A_94 = tpu.memref_slice %arg9[%add3A_88, %dma_wait3A_93] : memref<21504x128xf32, #tpu.memory_space<hbm>> -> memref<4x128xf32, #tpu.memory_space<hbm>>
          %dma_wait3A_95 = arith.constant 0 : i32
          %dma_wait3A_96 = tpu.memref_slice %arg9[%add3A_88, %dma_wait3A_95] : memref<21504x128xf32, #tpu.memory_space<hbm>> -> memref<4x128xf32, #tpu.memory_space<hbm>>
          tpu.wait_dma2 semaphore(%run_scoped3A : memref<!tpu.dma_semaphore, #tpu.memory_space<semaphore_mem>>) src(%arg21 : memref<4x128xf32, #tpu.memory_space<vmem>>) dst(%dma_wait3A_96 : memref<4x128xf32, #tpu.memory_space<hbm>>)
          tpu.yield
        }) : () -> ()
      } else {
      }
      %scan3A_76 = arith.constant 0 : i32
      %scan3A_77 = arith.constant 0 : i32
      %scan3A_78 = arith.constant 32 : i32
      %scan3A_79 = arith.addi %scan3A_77, %scan3A_78 : i32
      %scan3A_80 = arith.constant 1 : i32
      %scan3A_81 = scf.for %scan3A_84 = %scan3A_77 to %scan3A_79 step %scan3A_80 iter_args(%scan3A_85 = %scan3A_76) -> (i32)  : i32 {
        %shift_right_logical3A = arith.constant 3 : i32
        %shift_right_logical3A_86 = arith.shrui %scan3A_84, %shift_right_logical3A : i32
        %and3A = arith.constant 7 : i32
        %and3A_87 = arith.andi %scan3A_84, %and3A : i32
        %mul3A_88 = arith.constant 16 : i32
        %mul3A_89 = arith.muli %and3A_87, %mul3A_88 : i32
        %scan3A_90 = arith.constant 0 : i32
        %scan3A_91 = arith.constant 8 : i32
        %scan3A_92 = arith.addi %scan3A_90, %scan3A_91 : i32
        %scan3A_93 = arith.constant 1 : i32
        %scan3A_94:8 = scf.for %scan3A_120 = %scan3A_90 to %scan3A_92 step %scan3A_93 iter_args(%scan3A_121 = %broadcast_in_dim3A_0, %scan3A_122 = %broadcast_in_dim3A_0, %scan3A_123 = %broadcast_in_dim3A_0, %scan3A_124 = %broadcast_in_dim3A_0, %scan3A_125 = %broadcast_in_dim3A_0, %scan3A_126 = %broadcast_in_dim3A_0, %scan3A_127 = %broadcast_in_dim3A_0, %scan3A_128 = %broadcast_in_dim3A_0) -> (vector<16xf32>, vector<16xf32>, vector<16xf32>, vector<16xf32>, vector<16xf32>, vector<16xf32>, vector<16xf32>, vector<16xf32>)  : i32 {
          %broadcast_in_dim3A_129 = vector.broadcast %shift_right_logical3A_86 : i32 to vector<16xi32>
          %add3A_130 = arith.addi %mul3A_89, %scan3A_120 : i32
          %broadcast_in_dim3A_131 = vector.broadcast %add3A_130 : i32 to vector<16xi32>
          %gather3A = tpu.vector_load_idx %arg21[%broadcast_in_dim3A_129, %broadcast_in_dim3A_131] : memref<4x128xf32, #tpu.memory_space<vmem>>[vector<16xi32>, vector<16xi32>], vector<16xf32>,
          %mul3A_132 = arith.constant 1.250000e-01 : f32
          %mul3A_133 = vector.broadcast %mul3A_132 : f32 to vector<16xf32>
          %mul3A_134 = arith.mulf %gather3A, %mul3A_133 : vector<16xf32>
          %mul3A_135 = arith.constant 128 : i32
          %mul3A_136 = arith.muli %scan3A_120, %mul3A_135 : i32
          %add3A_137 = arith.constant 0 : i32
          %add3A_138 = arith.addi %mul3A_136, %add3A_137 : i32
          %get3A = arith.index_cast %scan3A_84 : i32 to index
          %get3A_139 = arith.index_cast %add3A_138 : i32 to index
          %get3A_140 = tpu.vector_load %arg19[%get3A, %get3A_139] {strides = array<i32>} : memref<32x1024xf32, #tpu.memory_space<vmem>>, vector<16xf32>,
          %mul3A_141 = arith.mulf %mul3A_134, %get3A_140 : vector<16xf32>
          %add3A_142 = arith.addf %scan3A_121, %mul3A_141 : vector<16xf32>
          %mul3A_143 = arith.constant 128 : i32
          %mul3A_144 = arith.muli %scan3A_120, %mul3A_143 : i32
          %add3A_145 = arith.constant 16 : i32
          %add3A_146 = arith.addi %mul3A_144, %add3A_145 : i32
          %get3A_147 = arith.index_cast %scan3A_84 : i32 to index
          %get3A_148 = arith.index_cast %add3A_146 : i32 to index
          %get3A_149 = tpu.vector_load %arg19[%get3A_147, %get3A_148] {strides = array<i32>} : memref<32x1024xf32, #tpu.memory_space<vmem>>, vector<16xf32>,
          %mul3A_150 = arith.mulf %mul3A_134, %get3A_149 : vector<16xf32>
          %add3A_151 = arith.addf %scan3A_122, %mul3A_150 : vector<16xf32>
          %mul3A_152 = arith.constant 128 : i32
          %mul3A_153 = arith.muli %scan3A_120, %mul3A_152 : i32
          %add3A_154 = arith.constant 32 : i32
          %add3A_155 = arith.addi %mul3A_153, %add3A_154 : i32
          %get3A_156 = arith.index_cast %scan3A_84 : i32 to index
          %get3A_157 = arith.index_cast %add3A_155 : i32 to index
          %get3A_158 = tpu.vector_load %arg19[%get3A_156, %get3A_157] {strides = array<i32>} : memref<32x1024xf32, #tpu.memory_space<vmem>>, vector<16xf32>,
          %mul3A_159 = arith.mulf %mul3A_134, %get3A_158 : vector<16xf32>
          %add3A_160 = arith.addf %scan3A_123, %mul3A_159 : vector<16xf32>
          %mul3A_161 = arith.constant 128 : i32
          %mul3A_162 = arith.muli %scan3A_120, %mul3A_161 : i32
          %add3A_163 = arith.constant 48 : i32
          %add3A_164 = arith.addi %mul3A_162, %add3A_163 : i32
          %get3A_165 = arith.index_cast %scan3A_84 : i32 to index
          %get3A_166 = arith.index_cast %add3A_164 : i32 to index
          %get3A_167 = tpu.vector_load %arg19[%get3A_165, %get3A_166] {strides = array<i32>} : memref<32x1024xf32, #tpu.memory_space<vmem>>, vector<16xf32>,
          %mul3A_168 = arith.mulf %mul3A_134, %get3A_167 : vector<16xf32>
          %add3A_169 = arith.addf %scan3A_124, %mul3A_168 : vector<16xf32>
          %mul3A_170 = arith.constant 128 : i32
          %mul3A_171 = arith.muli %scan3A_120, %mul3A_170 : i32
          %add3A_172 = arith.constant 64 : i32
          %add3A_173 = arith.addi %mul3A_171, %add3A_172 : i32
          %get3A_174 = arith.index_cast %scan3A_84 : i32 to index
          %get3A_175 = arith.index_cast %add3A_173 : i32 to index
          %get3A_176 = tpu.vector_load %arg19[%get3A_174, %get3A_175] {strides = array<i32>} : memref<32x1024xf32, #tpu.memory_space<vmem>>, vector<16xf32>,
          %mul3A_177 = arith.mulf %mul3A_134, %get3A_176 : vector<16xf32>
          %add3A_178 = arith.addf %scan3A_125, %mul3A_177 : vector<16xf32>
          %mul3A_179 = arith.constant 128 : i32
          %mul3A_180 = arith.muli %scan3A_120, %mul3A_179 : i32
          %add3A_181 = arith.constant 80 : i32
          %add3A_182 = arith.addi %mul3A_180, %add3A_181 : i32
          %get3A_183 = arith.index_cast %scan3A_84 : i32 to index
          %get3A_184 = arith.index_cast %add3A_182 : i32 to index
          %get3A_185 = tpu.vector_load %arg19[%get3A_183, %get3A_184] {strides = array<i32>} : memref<32x1024xf32, #tpu.memory_space<vmem>>, vector<16xf32>,
          %mul3A_186 = arith.mulf %mul3A_134, %get3A_185 : vector<16xf32>
          %add3A_187 = arith.addf %scan3A_126, %mul3A_186 : vector<16xf32>
          %mul3A_188 = arith.constant 128 : i32
          %mul3A_189 = arith.muli %scan3A_120, %mul3A_188 : i32
          %add3A_190 = arith.constant 96 : i32
          %add3A_191 = arith.addi %mul3A_189, %add3A_190 : i32
          %get3A_192 = arith.index_cast %scan3A_84 : i32 to index
          %get3A_193 = arith.index_cast %add3A_191 : i32 to index
          %get3A_194 = tpu.vector_load %arg19[%get3A_192, %get3A_193] {strides = array<i32>} : memref<32x1024xf32, #tpu.memory_space<vmem>>, vector<16xf32>,
          %mul3A_195 = arith.mulf %mul3A_134, %get3A_194 : vector<16xf32>
          %add3A_196 = arith.addf %scan3A_127, %mul3A_195 : vector<16xf32>
          %mul3A_197 = arith.constant 128 : i32
          %mul3A_198 = arith.muli %scan3A_120, %mul3A_197 : i32
          %add3A_199 = arith.constant 112 : i32
          %add3A_200 = arith.addi %mul3A_198, %add3A_199 : i32
          %get3A_201 = arith.index_cast %scan3A_84 : i32 to index
          %get3A_202 = arith.index_cast %add3A_200 : i32 to index
          %get3A_203 = tpu.vector_load %arg19[%get3A_201, %get3A_202] {strides = array<i32>} : memref<32x1024xf32, #tpu.memory_space<vmem>>, vector<16xf32>,
          %mul3A_204 = arith.mulf %mul3A_134, %get3A_203 : vector<16xf32>
          %add3A_205 = arith.addf %scan3A_128, %mul3A_204 : vector<16xf32>
          scf.yield %add3A_142, %add3A_151, %add3A_160, %add3A_169, %add3A_178, %add3A_187, %add3A_196, %add3A_205 : vector<16xf32>, vector<16xf32>, vector<16xf32>, vector<16xf32>, vector<16xf32>, vector<16xf32>, vector<16xf32>, vector<16xf32>
        }
        %scan3A_95 = arith.constant 8 : i32
        %swap3A = arith.index_cast %scan3A_84 : i32 to index
        %swap3A_96 = arith.constant 0 : index
        %swap3A_97 = tpu.vector_load %arg20[%swap3A, %swap3A_96] {strides = array<i32>} : memref<32x128xf32, #tpu.memory_space<vmem>>, vector<16xf32>,
        tpu.vector_store %arg20[%swap3A, %swap3A_96], %scan3A_94#0 {strides = array<i32>} : memref<32x128xf32, #tpu.memory_space<vmem>>, vector<16xf32>,
        %swap3A_98 = arith.index_cast %scan3A_84 : i32 to index
        %swap3A_99 = arith.constant 16 : index
        %swap3A_100 = tpu.vector_load %arg20[%swap3A_98, %swap3A_99] {strides = array<i32>} : memref<32x128xf32, #tpu.memory_space<vmem>>, vector<16xf32>,
        tpu.vector_store %arg20[%swap3A_98, %swap3A_99], %scan3A_94#1 {strides = array<i32>} : memref<32x128xf32, #tpu.memory_space<vmem>>, vector<16xf32>,
        %swap3A_101 = arith.index_cast %scan3A_84 : i32 to index
        %swap3A_102 = arith.constant 32 : index
        %swap3A_103 = tpu.vector_load %arg20[%swap3A_101, %swap3A_102] {strides = array<i32>} : memref<32x128xf32, #tpu.memory_space<vmem>>, vector<16xf32>,
        tpu.vector_store %arg20[%swap3A_101, %swap3A_102], %scan3A_94#2 {strides = array<i32>} : memref<32x128xf32, #tpu.memory_space<vmem>>, vector<16xf32>,
        %swap3A_104 = arith.index_cast %scan3A_84 : i32 to index
        %swap3A_105 = arith.constant 48 : index
        %swap3A_106 = tpu.vector_load %arg20[%swap3A_104, %swap3A_105] {strides = array<i32>} : memref<32x128xf32, #tpu.memory_space<vmem>>, vector<16xf32>,
        tpu.vector_store %arg20[%swap3A_104, %swap3A_105], %scan3A_94#3 {strides = array<i32>} : memref<32x128xf32, #tpu.memory_space<vmem>>, vector<16xf32>,
        %swap3A_107 = arith.index_cast %scan3A_84 : i32 to index
        %swap3A_108 = arith.constant 64 : index
        %swap3A_109 = tpu.vector_load %arg20[%swap3A_107, %swap3A_108] {strides = array<i32>} : memref<32x128xf32, #tpu.memory_space<vmem>>, vector<16xf32>,
        tpu.vector_store %arg20[%swap3A_107, %swap3A_108], %scan3A_94#4 {strides = array<i32>} : memref<32x128xf32, #tpu.memory_space<vmem>>, vector<16xf32>,
        %swap3A_110 = arith.index_cast %scan3A_84 : i32 to index
        %swap3A_111 = arith.constant 80 : index
        %swap3A_112 = tpu.vector_load %arg20[%swap3A_110, %swap3A_111] {strides = array<i32>} : memref<32x128xf32, #tpu.memory_space<vmem>>, vector<16xf32>,
        tpu.vector_store %arg20[%swap3A_110, %swap3A_111], %scan3A_94#5 {strides = array<i32>} : memref<32x128xf32, #tpu.memory_space<vmem>>, vector<16xf32>,
        %swap3A_113 = arith.index_cast %scan3A_84 : i32 to index
        %swap3A_114 = arith.constant 96 : index
        %swap3A_115 = tpu.vector_load %arg20[%swap3A_113, %swap3A_114] {strides = array<i32>} : memref<32x128xf32, #tpu.memory_space<vmem>>, vector<16xf32>,
        tpu.vector_store %arg20[%swap3A_113, %swap3A_114], %scan3A_94#6 {strides = array<i32>} : memref<32x128xf32, #tpu.memory_space<vmem>>, vector<16xf32>,
        %swap3A_116 = arith.index_cast %scan3A_84 : i32 to index
        %swap3A_117 = arith.constant 112 : index
        %swap3A_118 = tpu.vector_load %arg20[%swap3A_116, %swap3A_117] {strides = array<i32>} : memref<32x128xf32, #tpu.memory_space<vmem>>, vector<16xf32>,
        tpu.vector_store %arg20[%swap3A_116, %swap3A_117], %scan3A_94#7 {strides = array<i32>} : memref<32x128xf32, #tpu.memory_space<vmem>>, vector<16xf32>,
        %scan3A_119 = arith.constant 0 : i32
        scf.yield %scan3A_119 : i32
      }
      %scan3A_82 = arith.constant 32 : i32
      "tpu.region"() ({
        %run_scoped3A = tpu.sem_alloc : memref<!tpu.dma_semaphore, #tpu.memory_space<semaphore_mem>>
        %dma_start3A_84 = arith.constant 0 : i32
        %dma_start3A_85 = arith.constant 0 : i32
        %dma_start3A_86 = tpu.memref_slice %arg23[%dma_start3A_84, %dma_start3A_85] : memref<10240x128xf32, #tpu.memory_space<vmem_shared>> -> memref<10240x128xf32, #tpu.memory_space<vmem_shared>>
        tpu.enqueue_indirect_dma source(%arg20 : memref<32x128xf32, #tpu.memory_space<vmem>>) target(%dma_start3A_86 : memref<10240x128xf32, #tpu.memory_space<vmem_shared>>) offsets(%arg13 : memref<32xi32, #tpu.memory_space<vmem>>) semaphore(%run_scoped3A : memref<!tpu.dma_semaphore, #tpu.memory_space<semaphore_mem>>) {add = true}
        %dma_wait3A_87 = arith.constant 0 : i32
        %dma_wait3A_88 = arith.constant 0 : i32
        %dma_wait3A_89 = tpu.memref_slice %arg23[%dma_wait3A_87, %dma_wait3A_88] : memref<10240x128xf32, #tpu.memory_space<vmem_shared>> -> memref<10240x128xf32, #tpu.memory_space<vmem_shared>>
        tpu.wait_indirect_dma semaphore(%run_scoped3A : memref<!tpu.dma_semaphore, #tpu.memory_space<semaphore_mem>>) src(%arg20 : memref<32x128xf32, #tpu.memory_space<vmem>>) dst(%dma_wait3A_89 : memref<10240x128xf32, #tpu.memory_space<vmem_shared>>)
        tpu.yield
      }) : () -> ()
      %scan3A_83 = arith.constant 0 : i32
      scf.yield %scan3A_83 : i32
    }
    %scan3A_22 = arith.constant 336 : i32
    %barrier3A_23 = arith.constant 0 : index
    tpu.barrier barrier_id(%barrier3A_23)
    %mul3A = arith.constant 640 : i32
    %mul3A_24 = arith.muli %arg1, %mul3A : i32
    %mul3A_25 = arith.constant 10240 : i32
    %mul3A_26 = arith.muli %arg0, %mul3A_25 : i32
    %mul3A_27 = arith.constant 640 : i32
    %mul3A_28 = arith.muli %arg1, %mul3A_27 : i32
    %add3A = arith.addi %mul3A_26, %mul3A_28 : i32
    "tpu.region"() ({
      %run_scoped3A = tpu.sem_alloc : memref<!tpu.dma_semaphore, #tpu.memory_space<semaphore_mem>>
      %dma_start3A = arith.constant 0 : i32
      %dma_start3A_29 = tpu.memref_slice %arg10[%add3A, %dma_start3A] : memref<20480x128xf32, #tpu.memory_space<hbm>> -> memref<640x128xf32, #tpu.memory_space<hbm>>
      %dma_start3A_30 = arith.constant 0 : i32
      %dma_start3A_31 = tpu.memref_slice %arg23[%mul3A_24, %dma_start3A_30] : memref<10240x128xf32, #tpu.memory_space<vmem_shared>> -> memref<640x128xf32, #tpu.memory_space<vmem_shared>>
      tpu.enqueue_dma source(%dma_start3A_31 : memref<640x128xf32, #tpu.memory_space<vmem_shared>>) target(%dma_start3A_29 : memref<640x128xf32, #tpu.memory_space<hbm>>) target_semaphore(%run_scoped3A : memref<!tpu.dma_semaphore, #tpu.memory_space<semaphore_mem>>)
      %dma_wait3A = arith.constant 0 : i32
      %dma_wait3A_32 = tpu.memref_slice %arg10[%add3A, %dma_wait3A] : memref<20480x128xf32, #tpu.memory_space<hbm>> -> memref<640x128xf32, #tpu.memory_space<hbm>>
      %dma_wait3A_33 = arith.constant 0 : i32
      %dma_wait3A_34 = tpu.memref_slice %arg23[%mul3A_24, %dma_wait3A_33] : memref<10240x128xf32, #tpu.memory_space<vmem_shared>> -> memref<640x128xf32, #tpu.memory_space<vmem_shared>>
      tpu.wait_dma2 semaphore(%run_scoped3A : memref<!tpu.dma_semaphore, #tpu.memory_space<semaphore_mem>>) src(%dma_wait3A_34 : memref<640x128xf32, #tpu.memory_space<vmem_shared>>) dst(%dma_wait3A_32 : memref<640x128xf32, #tpu.memory_space<hbm>>)
      tpu.yield
    }) : () -> ()
    return
  }
}

#map = affine_map<(d0, d1) -> (0)>
#map1 = affine_map<(d0, d1) -> (0, 0)>
module attributes {stable_mosaic.version = 14 : i64} {
  func.func @_k3_body(%arg0: i32, %arg1: i32, %arg2: memref<172032xi32, #tpu.memory_space<hbm>>, %arg3: memref<172032xi32, #tpu.memory_space<hbm>>, %arg4: memref<172032xi32, #tpu.memory_space<hbm>>, %arg5: memref<10000x1024xf32, #tpu.memory_space<hbm>>, %arg6: memref<10000x1024xf32, #tpu.memory_space<hbm>>, %arg7: memref<10000x1024xf32, #tpu.memory_space<hbm>>, %arg8: memref<10000x1024xf32, #tpu.memory_space<hbm>>, %arg9: memref<172032x2048xf32, #tpu.memory_space<hbm>>, %arg10: memref<2048xf32, #tpu.memory_space<hbm>>, %arg11: memref<21504x128xf32, #tpu.memory_space<hbm>>, %arg12: memref<2560x128xf32, #tpu.memory_space<hbm>>, %arg13: memref<16xi32, #tpu.memory_space<vmem>>, %arg14: memref<16xi32, #tpu.memory_space<vmem>>, %arg15: memref<16xi32, #tpu.memory_space<vmem>>, %arg16: memref<16xi32, #tpu.memory_space<vmem>>, %arg17: memref<16xi32, #tpu.memory_space<vmem>>, %arg18: memref<16x1024xf32, #tpu.memory_space<vmem>>, %arg19: memref<16x1024xf32, #tpu.memory_space<vmem>>, %arg20: memref<16x1024xf32, #tpu.memory_space<vmem>>, %arg21: memref<16x1024xf32, #tpu.memory_space<vmem>>, %arg22: memref<16x2048xf32, #tpu.memory_space<vmem>>, %arg23: memref<2048xf32, #tpu.memory_space<vmem>>, %arg24: memref<2x128xf32, #tpu.memory_space<vmem>>, %arg25: memref<16x128xf32, #tpu.memory_space<vmem>>, %arg26: memref<16x128xf32, #tpu.memory_space<vmem>>, %arg27: memref<16x16xf32, #tpu.memory_space<vmem>>, %arg28: memref<1280x128xf32, #tpu.memory_space<vmem_shared>>, %arg29: memref<!tpu.dma_semaphore, #tpu.memory_space<semaphore_mem>>, %arg30: memref<!tpu.dma_semaphore, #tpu.memory_space<semaphore_mem>>, %arg31: memref<!tpu.dma_semaphore, #tpu.memory_space<semaphore_mem>>, %arg32: memref<!tpu.dma_semaphore, #tpu.memory_space<semaphore_mem>>) attributes {dimension_semantics = [#tpu.dimension_semantics<core_parallel>, #tpu.dimension_semantics<subcore_parallel>], iteration_bounds = array<i64: 2, 16>, scalar_prefetch = 0 : i64, scratch_operands = 20 : i64, tpu.core_type = #tpu.core_type<sc_vector_subcore>, window_params = [{transform_indices = #map}, {transform_indices = #map}, {transform_indices = #map}, {transform_indices = #map1}, {transform_indices = #map1}, {transform_indices = #map1}, {transform_indices = #map1}, {transform_indices = #map1}, {transform_indices = #map}, {transform_indices = #map1}, {transform_indices = #map1}]} {
    %mul3A = arith.constant 2 : i32
    %mul3A_0 = arith.muli %arg1, %mul3A : i32
    %add3A = arith.addi %mul3A_0, %arg0 : i32
    %iota3A = tpu.iota {dimensions = array<i32: 0>} : vector<16xi32>
    %broadcast_in_dim3A = arith.constant 0.000000e+00 : f32
    %broadcast_in_dim3A_1 = vector.broadcast %broadcast_in_dim3A : f32 to vector<16xf32>
    "tpu.region"() ({
      %run_scoped3A = tpu.sem_alloc : memref<!tpu.dma_semaphore, #tpu.memory_space<semaphore_mem>>
      tpu.enqueue_dma source(%arg10 : memref<2048xf32, #tpu.memory_space<hbm>>) target(%arg23 : memref<2048xf32, #tpu.memory_space<vmem>>) target_semaphore(%run_scoped3A : memref<!tpu.dma_semaphore, #tpu.memory_space<semaphore_mem>>)
      tpu.wait_dma2 semaphore(%run_scoped3A : memref<!tpu.dma_semaphore, #tpu.memory_space<semaphore_mem>>) src(%arg10 : memref<2048xf32, #tpu.memory_space<hbm>>) dst(%arg23 : memref<2048xf32, #tpu.memory_space<vmem>>)
      tpu.yield
    }) : () -> ()
    %broadcast_in_dim3A_2 = arith.constant 0.000000e+00 : f32
    %broadcast_in_dim3A_3 = vector.broadcast %broadcast_in_dim3A_2 : f32 to vector<16xf32>
    %scan3A = arith.constant 0 : i32
    %scan3A_4 = arith.constant 0 : i32
    %scan3A_5 = arith.constant 16 : i32
    %scan3A_6 = arith.addi %scan3A_4, %scan3A_5 : i32
    %scan3A_7 = arith.constant 1 : i32
    %scan3A_8 = scf.for %scan3A_32 = %scan3A_4 to %scan3A_6 step %scan3A_7 iter_args(%scan3A_33 = %scan3A) -> (i32)  : i32 {
      %swap3A = arith.index_cast %scan3A_32 : i32 to index
      %swap3A_34 = arith.constant 0 : index
      %swap3A_35 = tpu.vector_load %arg26[%swap3A, %swap3A_34] {strides = array<i32>} : memref<16x128xf32, #tpu.memory_space<vmem>>, vector<16xf32>,
      tpu.vector_store %arg26[%swap3A, %swap3A_34], %broadcast_in_dim3A_3 {strides = array<i32>} : memref<16x128xf32, #tpu.memory_space<vmem>>, vector<16xf32>,
      %swap3A_36 = arith.index_cast %scan3A_32 : i32 to index
      %swap3A_37 = arith.constant 16 : index
      %swap3A_38 = tpu.vector_load %arg26[%swap3A_36, %swap3A_37] {strides = array<i32>} : memref<16x128xf32, #tpu.memory_space<vmem>>, vector<16xf32>,
      tpu.vector_store %arg26[%swap3A_36, %swap3A_37], %broadcast_in_dim3A_3 {strides = array<i32>} : memref<16x128xf32, #tpu.memory_space<vmem>>, vector<16xf32>,
      %swap3A_39 = arith.index_cast %scan3A_32 : i32 to index
      %swap3A_40 = arith.constant 32 : index
      %swap3A_41 = tpu.vector_load %arg26[%swap3A_39, %swap3A_40] {strides = array<i32>} : memref<16x128xf32, #tpu.memory_space<vmem>>, vector<16xf32>,
      tpu.vector_store %arg26[%swap3A_39, %swap3A_40], %broadcast_in_dim3A_3 {strides = array<i32>} : memref<16x128xf32, #tpu.memory_space<vmem>>, vector<16xf32>,
      %swap3A_42 = arith.index_cast %scan3A_32 : i32 to index
      %swap3A_43 = arith.constant 48 : index
      %swap3A_44 = tpu.vector_load %arg26[%swap3A_42, %swap3A_43] {strides = array<i32>} : memref<16x128xf32, #tpu.memory_space<vmem>>, vector<16xf32>,
      tpu.vector_store %arg26[%swap3A_42, %swap3A_43], %broadcast_in_dim3A_3 {strides = array<i32>} : memref<16x128xf32, #tpu.memory_space<vmem>>, vector<16xf32>,
      %swap3A_45 = arith.index_cast %scan3A_32 : i32 to index
      %swap3A_46 = arith.constant 64 : index
      %swap3A_47 = tpu.vector_load %arg26[%swap3A_45, %swap3A_46] {strides = array<i32>} : memref<16x128xf32, #tpu.memory_space<vmem>>, vector<16xf32>,
      tpu.vector_store %arg26[%swap3A_45, %swap3A_46], %broadcast_in_dim3A_3 {strides = array<i32>} : memref<16x128xf32, #tpu.memory_space<vmem>>, vector<16xf32>,
      %swap3A_48 = arith.index_cast %scan3A_32 : i32 to index
      %swap3A_49 = arith.constant 80 : index
      %swap3A_50 = tpu.vector_load %arg26[%swap3A_48, %swap3A_49] {strides = array<i32>} : memref<16x128xf32, #tpu.memory_space<vmem>>, vector<16xf32>,
      tpu.vector_store %arg26[%swap3A_48, %swap3A_49], %broadcast_in_dim3A_3 {strides = array<i32>} : memref<16x128xf32, #tpu.memory_space<vmem>>, vector<16xf32>,
      %swap3A_51 = arith.index_cast %scan3A_32 : i32 to index
      %swap3A_52 = arith.constant 96 : index
      %swap3A_53 = tpu.vector_load %arg26[%swap3A_51, %swap3A_52] {strides = array<i32>} : memref<16x128xf32, #tpu.memory_space<vmem>>, vector<16xf32>,
      tpu.vector_store %arg26[%swap3A_51, %swap3A_52], %broadcast_in_dim3A_3 {strides = array<i32>} : memref<16x128xf32, #tpu.memory_space<vmem>>, vector<16xf32>,
      %swap3A_54 = arith.index_cast %scan3A_32 : i32 to index
      %swap3A_55 = arith.constant 112 : index
      %swap3A_56 = tpu.vector_load %arg26[%swap3A_54, %swap3A_55] {strides = array<i32>} : memref<16x128xf32, #tpu.memory_space<vmem>>, vector<16xf32>,
      tpu.vector_store %arg26[%swap3A_54, %swap3A_55], %broadcast_in_dim3A_3 {strides = array<i32>} : memref<16x128xf32, #tpu.memory_space<vmem>>, vector<16xf32>,
      %scan3A_57 = arith.constant 0 : i32
      scf.yield %scan3A_57 : i32
    }
    %scan3A_9 = arith.constant 16 : i32
    %scan3A_10 = arith.constant 0 : i32
    %scan3A_11 = arith.constant 0 : i32
    %scan3A_12 = arith.constant 5 : i32
    %scan3A_13 = arith.addi %scan3A_11, %scan3A_12 : i32
    %scan3A_14 = arith.constant 1 : i32
    %scan3A_15 = scf.for %scan3A_32 = %scan3A_11 to %scan3A_13 step %scan3A_14 iter_args(%scan3A_33 = %scan3A_10) -> (i32)  : i32 {
      %mul3A_34 = arith.constant 80 : i32
      %mul3A_35 = arith.muli %arg1, %mul3A_34 : i32
      %mul3A_36 = arith.constant 16 : i32
      %mul3A_37 = arith.muli %scan3A_32, %mul3A_36 : i32
      %add3A_38 = arith.addi %mul3A_35, %mul3A_37 : i32
      "tpu.region"() ({
        %run_scoped3A = tpu.sem_alloc : memref<!tpu.dma_semaphore, #tpu.memory_space<semaphore_mem>>
        %dma_start3A = arith.constant 0 : i32
        %dma_start3A_40 = tpu.memref_slice %arg28[%add3A_38, %dma_start3A] : memref<1280x128xf32, #tpu.memory_space<vmem_shared>> -> memref<16x128xf32, #tpu.memory_space<vmem_shared>>
        %dma_start3A_41 = arith.constant 0 : i32
        %dma_start3A_42 = tpu.memref_slice %arg28[%add3A_38, %dma_start3A_41] : memref<1280x128xf32, #tpu.memory_space<vmem_shared>> -> memref<16x128xf32, #tpu.memory_space<vmem_shared>>
        tpu.enqueue_dma source(%arg26 : memref<16x128xf32, #tpu.memory_space<vmem>>) target(%dma_start3A_42 : memref<16x128xf32, #tpu.memory_space<vmem_shared>>) target_semaphore(%run_scoped3A : memref<!tpu.dma_semaphore, #tpu.memory_space<semaphore_mem>>)
        %dma_wait3A = arith.constant 0 : i32
        %dma_wait3A_43 = tpu.memref_slice %arg28[%add3A_38, %dma_wait3A] : memref<1280x128xf32, #tpu.memory_space<vmem_shared>> -> memref<16x128xf32, #tpu.memory_space<vmem_shared>>
        %dma_wait3A_44 = arith.constant 0 : i32
        %dma_wait3A_45 = tpu.memref_slice %arg28[%add3A_38, %dma_wait3A_44] : memref<1280x128xf32, #tpu.memory_space<vmem_shared>> -> memref<16x128xf32, #tpu.memory_space<vmem_shared>>
        tpu.wait_dma2 semaphore(%run_scoped3A : memref<!tpu.dma_semaphore, #tpu.memory_space<semaphore_mem>>) src(%arg26 : memref<16x128xf32, #tpu.memory_space<vmem>>) dst(%dma_wait3A_45 : memref<16x128xf32, #tpu.memory_space<vmem_shared>>)
        tpu.yield
      }) : () -> ()
      %scan3A_39 = arith.constant 0 : i32
      scf.yield %scan3A_39 : i32
    }
    %scan3A_16 = arith.constant 5 : i32
    %barrier3A = arith.constant 0 : index
    tpu.barrier barrier_id(%barrier3A)
    %scan3A_17 = arith.constant 0 : i32
    %scan3A_18 = arith.constant 0 : i32
    %scan3A_19 = arith.constant 336 : i32
    %scan3A_20 = arith.addi %scan3A_18, %scan3A_19 : i32
    %scan3A_21 = arith.constant 1 : i32
    %scan3A_22 = scf.for %scan3A_32 = %scan3A_18 to %scan3A_20 step %scan3A_21 iter_args(%scan3A_33 = %scan3A_17) -> (i32)  : i32 {
      %mul3A_34 = arith.constant 5376 : i32
      %mul3A_35 = arith.muli %add3A, %mul3A_34 : i32
      %mul3A_36 = arith.constant 16 : i32
      %mul3A_37 = arith.muli %scan3A_32, %mul3A_36 : i32
      %add3A_38 = arith.addi %mul3A_35, %mul3A_37 : i32
      "tpu.region"() ({
        %run_scoped3A = tpu.sem_alloc : memref<!tpu.dma_semaphore, #tpu.memory_space<semaphore_mem>>
        %dma_start3A_94 = tpu.memref_slice %arg2[%add3A_38] : memref<172032xi32, #tpu.memory_space<hbm>> -> memref<16xi32, #tpu.memory_space<hbm>>
        %dma_start3A_95 = tpu.memref_slice %arg2[%add3A_38] : memref<172032xi32, #tpu.memory_space<hbm>> -> memref<16xi32, #tpu.memory_space<hbm>>
        tpu.enqueue_dma source(%dma_start3A_95 : memref<16xi32, #tpu.memory_space<hbm>>) target(%arg13 : memref<16xi32, #tpu.memory_space<vmem>>) target_semaphore(%run_scoped3A : memref<!tpu.dma_semaphore, #tpu.memory_space<semaphore_mem>>)
        %dma_wait3A_96 = tpu.memref_slice %arg2[%add3A_38] : memref<172032xi32, #tpu.memory_space<hbm>> -> memref<16xi32, #tpu.memory_space<hbm>>
        %dma_wait3A_97 = tpu.memref_slice %arg2[%add3A_38] : memref<172032xi32, #tpu.memory_space<hbm>> -> memref<16xi32, #tpu.memory_space<hbm>>
        tpu.wait_dma2 semaphore(%run_scoped3A : memref<!tpu.dma_semaphore, #tpu.memory_space<semaphore_mem>>) src(%dma_wait3A_97 : memref<16xi32, #tpu.memory_space<hbm>>) dst(%arg13 : memref<16xi32, #tpu.memory_space<vmem>>)
        tpu.yield
      }) : () -> ()
      "tpu.region"() ({
        %run_scoped3A = tpu.sem_alloc : memref<!tpu.dma_semaphore, #tpu.memory_space<semaphore_mem>>
        %dma_start3A_94 = tpu.memref_slice %arg3[%add3A_38] : memref<172032xi32, #tpu.memory_space<hbm>> -> memref<16xi32, #tpu.memory_space<hbm>>
        %dma_start3A_95 = tpu.memref_slice %arg3[%add3A_38] : memref<172032xi32, #tpu.memory_space<hbm>> -> memref<16xi32, #tpu.memory_space<hbm>>
        tpu.enqueue_dma source(%dma_start3A_95 : memref<16xi32, #tpu.memory_space<hbm>>) target(%arg14 : memref<16xi32, #tpu.memory_space<vmem>>) target_semaphore(%run_scoped3A : memref<!tpu.dma_semaphore, #tpu.memory_space<semaphore_mem>>)
        %dma_wait3A_96 = tpu.memref_slice %arg3[%add3A_38] : memref<172032xi32, #tpu.memory_space<hbm>> -> memref<16xi32, #tpu.memory_space<hbm>>
        %dma_wait3A_97 = tpu.memref_slice %arg3[%add3A_38] : memref<172032xi32, #tpu.memory_space<hbm>> -> memref<16xi32, #tpu.memory_space<hbm>>
        tpu.wait_dma2 semaphore(%run_scoped3A : memref<!tpu.dma_semaphore, #tpu.memory_space<semaphore_mem>>) src(%dma_wait3A_97 : memref<16xi32, #tpu.memory_space<hbm>>) dst(%arg14 : memref<16xi32, #tpu.memory_space<vmem>>)
        tpu.yield
      }) : () -> ()
      "tpu.region"() ({
        %run_scoped3A = tpu.sem_alloc : memref<!tpu.dma_semaphore, #tpu.memory_space<semaphore_mem>>
        %dma_start3A_94 = tpu.memref_slice %arg4[%add3A_38] : memref<172032xi32, #tpu.memory_space<hbm>> -> memref<16xi32, #tpu.memory_space<hbm>>
        %dma_start3A_95 = tpu.memref_slice %arg4[%add3A_38] : memref<172032xi32, #tpu.memory_space<hbm>> -> memref<16xi32, #tpu.memory_space<hbm>>
        tpu.enqueue_dma source(%dma_start3A_95 : memref<16xi32, #tpu.memory_space<hbm>>) target(%arg15 : memref<16xi32, #tpu.memory_space<vmem>>) target_semaphore(%run_scoped3A : memref<!tpu.dma_semaphore, #tpu.memory_space<semaphore_mem>>)
        %dma_wait3A_96 = tpu.memref_slice %arg4[%add3A_38] : memref<172032xi32, #tpu.memory_space<hbm>> -> memref<16xi32, #tpu.memory_space<hbm>>
        %dma_wait3A_97 = tpu.memref_slice %arg4[%add3A_38] : memref<172032xi32, #tpu.memory_space<hbm>> -> memref<16xi32, #tpu.memory_space<hbm>>
        tpu.wait_dma2 semaphore(%run_scoped3A : memref<!tpu.dma_semaphore, #tpu.memory_space<semaphore_mem>>) src(%dma_wait3A_97 : memref<16xi32, #tpu.memory_space<hbm>>) dst(%arg15 : memref<16xi32, #tpu.memory_space<vmem>>)
        tpu.yield
      }) : () -> ()
      %dma_start3A = arith.constant 0 : i32
      %dma_start3A_39 = arith.constant 0 : i32
      %dma_start3A_40 = tpu.memref_slice %arg5[%dma_start3A, %dma_start3A_39] : memref<10000x1024xf32, #tpu.memory_space<hbm>> -> memref<10000x1024xf32, #tpu.memory_space<hbm>>
      tpu.enqueue_indirect_dma source(%dma_start3A_40 : memref<10000x1024xf32, #tpu.memory_space<hbm>>) target(%arg18 : memref<16x1024xf32, #tpu.memory_space<vmem>>) offsets(%arg13 : memref<16xi32, #tpu.memory_space<vmem>>) semaphore(%arg29 : memref<!tpu.dma_semaphore, #tpu.memory_space<semaphore_mem>>)
      %dma_start3A_41 = arith.constant 0 : i32
      %dma_start3A_42 = arith.constant 0 : i32
      %dma_start3A_43 = tpu.memref_slice %arg6[%dma_start3A_41, %dma_start3A_42] : memref<10000x1024xf32, #tpu.memory_space<hbm>> -> memref<10000x1024xf32, #tpu.memory_space<hbm>>
      tpu.enqueue_indirect_dma source(%dma_start3A_43 : memref<10000x1024xf32, #tpu.memory_space<hbm>>) target(%arg19 : memref<16x1024xf32, #tpu.memory_space<vmem>>) offsets(%arg13 : memref<16xi32, #tpu.memory_space<vmem>>) semaphore(%arg30 : memref<!tpu.dma_semaphore, #tpu.memory_space<semaphore_mem>>)
      %dma_start3A_44 = arith.constant 0 : i32
      %dma_start3A_45 = arith.constant 0 : i32
      %dma_start3A_46 = tpu.memref_slice %arg7[%dma_start3A_44, %dma_start3A_45] : memref<10000x1024xf32, #tpu.memory_space<hbm>> -> memref<10000x1024xf32, #tpu.memory_space<hbm>>
      tpu.enqueue_indirect_dma source(%dma_start3A_46 : memref<10000x1024xf32, #tpu.memory_space<hbm>>) target(%arg20 : memref<16x1024xf32, #tpu.memory_space<vmem>>) offsets(%arg14 : memref<16xi32, #tpu.memory_space<vmem>>) semaphore(%arg31 : memref<!tpu.dma_semaphore, #tpu.memory_space<semaphore_mem>>)
      %dma_start3A_47 = arith.constant 0 : i32
      %dma_start3A_48 = arith.constant 0 : i32
      %dma_start3A_49 = tpu.memref_slice %arg8[%dma_start3A_47, %dma_start3A_48] : memref<10000x1024xf32, #tpu.memory_space<hbm>> -> memref<10000x1024xf32, #tpu.memory_space<hbm>>
      tpu.enqueue_indirect_dma source(%dma_start3A_49 : memref<10000x1024xf32, #tpu.memory_space<hbm>>) target(%arg21 : memref<16x1024xf32, #tpu.memory_space<vmem>>) offsets(%arg14 : memref<16xi32, #tpu.memory_space<vmem>>) semaphore(%arg32 : memref<!tpu.dma_semaphore, #tpu.memory_space<semaphore_mem>>)
      "tpu.region"() ({
        %run_scoped3A = tpu.sem_alloc : memref<!tpu.dma_semaphore, #tpu.memory_space<semaphore_mem>>
        %dma_start3A_94 = arith.constant 0 : i32
        %dma_start3A_95 = tpu.memref_slice %arg9[%add3A_38, %dma_start3A_94] : memref<172032x2048xf32, #tpu.memory_space<hbm>> -> memref<16x2048xf32, #tpu.memory_space<hbm>>
        %dma_start3A_96 = arith.constant 0 : i32
        %dma_start3A_97 = tpu.memref_slice %arg9[%add3A_38, %dma_start3A_96] : memref<172032x2048xf32, #tpu.memory_space<hbm>> -> memref<16x2048xf32, #tpu.memory_space<hbm>>
        tpu.enqueue_dma source(%dma_start3A_97 : memref<16x2048xf32, #tpu.memory_space<hbm>>) target(%arg22 : memref<16x2048xf32, #tpu.memory_space<vmem>>) target_semaphore(%run_scoped3A : memref<!tpu.dma_semaphore, #tpu.memory_space<semaphore_mem>>)
        %dma_wait3A_98 = arith.constant 0 : i32
        %dma_wait3A_99 = tpu.memref_slice %arg9[%add3A_38, %dma_wait3A_98] : memref<172032x2048xf32, #tpu.memory_space<hbm>> -> memref<16x2048xf32, #tpu.memory_space<hbm>>
        %dma_wait3A_100 = arith.constant 0 : i32
        %dma_wait3A_101 = tpu.memref_slice %arg9[%add3A_38, %dma_wait3A_100] : memref<172032x2048xf32, #tpu.memory_space<hbm>> -> memref<16x2048xf32, #tpu.memory_space<hbm>>
        tpu.wait_dma2 semaphore(%run_scoped3A : memref<!tpu.dma_semaphore, #tpu.memory_space<semaphore_mem>>) src(%dma_wait3A_101 : memref<16x2048xf32, #tpu.memory_space<hbm>>) dst(%arg22 : memref<16x2048xf32, #tpu.memory_space<vmem>>)
        tpu.yield
      }) : () -> ()
      %get3A = arith.constant 0 : index
      %get3A_50 = tpu.vector_load %arg15[%get3A] {strides = array<i32>} : memref<16xi32, #tpu.memory_space<vmem>>, vector<16xi32>,
      %shift_right_logical3A = arith.constant 3 : i32
      %shift_right_logical3A_51 = vector.broadcast %shift_right_logical3A : i32 to vector<16xi32>
      %shift_right_logical3A_52 = arith.shrui %get3A_50, %shift_right_logical3A_51 : vector<16xi32>
      %swap3A = arith.constant 0 : index
      %swap3A_53 = tpu.vector_load %arg16[%swap3A] {strides = array<i32>} : memref<16xi32, #tpu.memory_space<vmem>>, vector<16xi32>,
      tpu.vector_store %arg16[%swap3A], %shift_right_logical3A_52 {strides = array<i32>} : memref<16xi32, #tpu.memory_space<vmem>>, vector<16xi32>,
      %and3A = arith.constant 7 : i32
      %and3A_54 = vector.broadcast %and3A : i32 to vector<16xi32>
      %and3A_55 = arith.andi %get3A_50, %and3A_54 : vector<16xi32>
      %mul3A_56 = arith.constant 16 : i32
      %mul3A_57 = vector.broadcast %mul3A_56 : i32 to vector<16xi32>
      %mul3A_58 = arith.muli %and3A_55, %mul3A_57 : vector<16xi32>
      %swap3A_59 = arith.constant 0 : index
      %swap3A_60 = tpu.vector_load %arg17[%swap3A_59] {strides = array<i32>} : memref<16xi32, #tpu.memory_space<vmem>>, vector<16xi32>,
      tpu.vector_store %arg17[%swap3A_59], %mul3A_58 {strides = array<i32>} : memref<16xi32, #tpu.memory_space<vmem>>, vector<16xi32>,
      %broadcast_in_dim3A_61 = arith.constant 0.000000e+00 : f32
      %broadcast_in_dim3A_62 = vector.broadcast %broadcast_in_dim3A_61 : f32 to vector<16xf32>
      %scan3A_63 = arith.constant 0 : i32
      %scan3A_64 = arith.constant 0 : i32
      %scan3A_65 = arith.constant 16 : i32
      %scan3A_66 = arith.addi %scan3A_64, %scan3A_65 : i32
      %scan3A_67 = arith.constant 1 : i32
      %scan3A_68 = scf.for %scan3A_94 = %scan3A_64 to %scan3A_66 step %scan3A_67 iter_args(%scan3A_95 = %scan3A_63) -> (i32)  : i32 {
        %swap3A_96 = arith.index_cast %scan3A_94 : i32 to index
        %swap3A_97 = arith.constant 0 : index
        %swap3A_98 = tpu.vector_load %arg25[%swap3A_96, %swap3A_97] {strides = array<i32>} : memref<16x128xf32, #tpu.memory_space<vmem>>, vector<16xf32>,
        tpu.vector_store %arg25[%swap3A_96, %swap3A_97], %broadcast_in_dim3A_62 {strides = array<i32>} : memref<16x128xf32, #tpu.memory_space<vmem>>, vector<16xf32>,
        %swap3A_99 = arith.index_cast %scan3A_94 : i32 to index
        %swap3A_100 = arith.constant 16 : index
        %swap3A_101 = tpu.vector_load %arg25[%swap3A_99, %swap3A_100] {strides = array<i32>} : memref<16x128xf32, #tpu.memory_space<vmem>>, vector<16xf32>,
        tpu.vector_store %arg25[%swap3A_99, %swap3A_100], %broadcast_in_dim3A_62 {strides = array<i32>} : memref<16x128xf32, #tpu.memory_space<vmem>>, vector<16xf32>,
        %swap3A_102 = arith.index_cast %scan3A_94 : i32 to index
        %swap3A_103 = arith.constant 32 : index
        %swap3A_104 = tpu.vector_load %arg25[%swap3A_102, %swap3A_103] {strides = array<i32>} : memref<16x128xf32, #tpu.memory_space<vmem>>, vector<16xf32>,
        tpu.vector_store %arg25[%swap3A_102, %swap3A_103], %broadcast_in_dim3A_62 {strides = array<i32>} : memref<16x128xf32, #tpu.memory_space<vmem>>, vector<16xf32>,
        %swap3A_105 = arith.index_cast %scan3A_94 : i32 to index
        %swap3A_106 = arith.constant 48 : index
        %swap3A_107 = tpu.vector_load %arg25[%swap3A_105, %swap3A_106] {strides = array<i32>} : memref<16x128xf32, #tpu.memory_space<vmem>>, vector<16xf32>,
        tpu.vector_store %arg25[%swap3A_105, %swap3A_106], %broadcast_in_dim3A_62 {strides = array<i32>} : memref<16x128xf32, #tpu.memory_space<vmem>>, vector<16xf32>,
        %swap3A_108 = arith.index_cast %scan3A_94 : i32 to index
        %swap3A_109 = arith.constant 64 : index
        %swap3A_110 = tpu.vector_load %arg25[%swap3A_108, %swap3A_109] {strides = array<i32>} : memref<16x128xf32, #tpu.memory_space<vmem>>, vector<16xf32>,
        tpu.vector_store %arg25[%swap3A_108, %swap3A_109], %broadcast_in_dim3A_62 {strides = array<i32>} : memref<16x128xf32, #tpu.memory_space<vmem>>, vector<16xf32>,
        %swap3A_111 = arith.index_cast %scan3A_94 : i32 to index
        %swap3A_112 = arith.constant 80 : index
        %swap3A_113 = tpu.vector_load %arg25[%swap3A_111, %swap3A_112] {strides = array<i32>} : memref<16x128xf32, #tpu.memory_space<vmem>>, vector<16xf32>,
        tpu.vector_store %arg25[%swap3A_111, %swap3A_112], %broadcast_in_dim3A_62 {strides = array<i32>} : memref<16x128xf32, #tpu.memory_space<vmem>>, vector<16xf32>,
        %swap3A_114 = arith.index_cast %scan3A_94 : i32 to index
        %swap3A_115 = arith.constant 96 : index
        %swap3A_116 = tpu.vector_load %arg25[%swap3A_114, %swap3A_115] {strides = array<i32>} : memref<16x128xf32, #tpu.memory_space<vmem>>, vector<16xf32>,
        tpu.vector_store %arg25[%swap3A_114, %swap3A_115], %broadcast_in_dim3A_62 {strides = array<i32>} : memref<16x128xf32, #tpu.memory_space<vmem>>, vector<16xf32>,
        %swap3A_117 = arith.index_cast %scan3A_94 : i32 to index
        %swap3A_118 = arith.constant 112 : index
        %swap3A_119 = tpu.vector_load %arg25[%swap3A_117, %swap3A_118] {strides = array<i32>} : memref<16x128xf32, #tpu.memory_space<vmem>>, vector<16xf32>,
        tpu.vector_store %arg25[%swap3A_117, %swap3A_118], %broadcast_in_dim3A_62 {strides = array<i32>} : memref<16x128xf32, #tpu.memory_space<vmem>>, vector<16xf32>,
        %scan3A_120 = arith.constant 0 : i32
        scf.yield %scan3A_120 : i32
      }
      %scan3A_69 = arith.constant 16 : i32
      %dma_wait3A = arith.constant 0 : i32
      %dma_wait3A_70 = arith.constant 0 : i32
      %dma_wait3A_71 = tpu.memref_slice %arg5[%dma_wait3A, %dma_wait3A_70] : memref<10000x1024xf32, #tpu.memory_space<hbm>> -> memref<10000x1024xf32, #tpu.memory_space<hbm>>
      tpu.wait_indirect_dma semaphore(%arg29 : memref<!tpu.dma_semaphore, #tpu.memory_space<semaphore_mem>>) src(%dma_wait3A_71 : memref<10000x1024xf32, #tpu.memory_space<hbm>>) dst(%arg18 : memref<16x1024xf32, #tpu.memory_space<vmem>>)
      %dma_wait3A_72 = arith.constant 0 : i32
      %dma_wait3A_73 = arith.constant 0 : i32
      %dma_wait3A_74 = tpu.memref_slice %arg6[%dma_wait3A_72, %dma_wait3A_73] : memref<10000x1024xf32, #tpu.memory_space<hbm>> -> memref<10000x1024xf32, #tpu.memory_space<hbm>>
      tpu.wait_indirect_dma semaphore(%arg30 : memref<!tpu.dma_semaphore, #tpu.memory_space<semaphore_mem>>) src(%dma_wait3A_74 : memref<10000x1024xf32, #tpu.memory_space<hbm>>) dst(%arg19 : memref<16x1024xf32, #tpu.memory_space<vmem>>)
      %dma_wait3A_75 = arith.constant 0 : i32
      %dma_wait3A_76 = arith.constant 0 : i32
      %dma_wait3A_77 = tpu.memref_slice %arg7[%dma_wait3A_75, %dma_wait3A_76] : memref<10000x1024xf32, #tpu.memory_space<hbm>> -> memref<10000x1024xf32, #tpu.memory_space<hbm>>
      tpu.wait_indirect_dma semaphore(%arg31 : memref<!tpu.dma_semaphore, #tpu.memory_space<semaphore_mem>>) src(%dma_wait3A_77 : memref<10000x1024xf32, #tpu.memory_space<hbm>>) dst(%arg20 : memref<16x1024xf32, #tpu.memory_space<vmem>>)
      %dma_wait3A_78 = arith.constant 0 : i32
      %dma_wait3A_79 = arith.constant 0 : i32
      %dma_wait3A_80 = tpu.memref_slice %arg8[%dma_wait3A_78, %dma_wait3A_79] : memref<10000x1024xf32, #tpu.memory_space<hbm>> -> memref<10000x1024xf32, #tpu.memory_space<hbm>>
      tpu.wait_indirect_dma semaphore(%arg32 : memref<!tpu.dma_semaphore, #tpu.memory_space<semaphore_mem>>) src(%dma_wait3A_80 : memref<10000x1024xf32, #tpu.memory_space<hbm>>) dst(%arg21 : memref<16x1024xf32, #tpu.memory_space<vmem>>)
      %scan3A_81 = arith.constant 0 : i32
      %scan3A_82 = arith.constant 0 : i32
      %scan3A_83 = arith.constant 16 : i32
      %scan3A_84 = arith.addi %scan3A_82, %scan3A_83 : i32
      %scan3A_85 = arith.constant 1 : i32
      %scan3A_86 = scf.for %scan3A_94 = %scan3A_82 to %scan3A_84 step %scan3A_85 iter_args(%scan3A_95 = %scan3A_81) -> (i32)  : i32 {
        %scan3A_96 = arith.constant 0 : i32
        %scan3A_97 = arith.constant 0 : i32
        %scan3A_98 = arith.constant 8 : i32
        %scan3A_99 = arith.addi %scan3A_97, %scan3A_98 : i32
        %scan3A_100 = arith.constant 1 : i32
        %scan3A_101 = scf.for %scan3A_188 = %scan3A_97 to %scan3A_99 step %scan3A_100 iter_args(%scan3A_189 = %scan3A_96) -> (i32)  : i32 {
          %scan3A_190 = arith.constant 0 : i32
          %scan3A_191 = arith.constant 8 : i32
          %scan3A_192 = arith.addi %scan3A_190, %scan3A_191 : i32
          %scan3A_193 = arith.constant 1 : i32
          %scan3A_194 = scf.for %scan3A_200 = %scan3A_190 to %scan3A_192 step %scan3A_193 iter_args(%scan3A_201 = %broadcast_in_dim3A_1) -> (vector<16xf32>)  : i32 {
            %mul3A_202 = arith.constant 128 : i32
            %mul3A_203 = arith.muli %scan3A_188, %mul3A_202 : i32
            %mul3A_204 = arith.constant 16 : i32
            %mul3A_205 = arith.muli %scan3A_200, %mul3A_204 : i32
            %add3A_206 = arith.addi %mul3A_203, %mul3A_205 : i32
            %get3A_207 = arith.index_cast %scan3A_94 : i32 to index
            %get3A_208 = arith.index_cast %add3A_206 : i32 to index
            %get3A_209 = tpu.vector_load %arg18[%get3A_207, %get3A_208] {strides = array<i32>} : memref<16x1024xf32, #tpu.memory_space<vmem>>, vector<16xf32>,
            %get3A_210 = arith.index_cast %scan3A_94 : i32 to index
            %get3A_211 = arith.index_cast %add3A_206 : i32 to index
            %get3A_212 = tpu.vector_load %arg20[%get3A_210, %get3A_211] {strides = array<i32>} : memref<16x1024xf32, #tpu.memory_space<vmem>>, vector<16xf32>,
            %add3A_213 = arith.addf %get3A_209, %get3A_212 : vector<16xf32>
            %get3A_214 = arith.index_cast %scan3A_94 : i32 to index
            %get3A_215 = arith.index_cast %add3A_206 : i32 to index
            %get3A_216 = tpu.vector_load %arg22[%get3A_214, %get3A_215] {strides = array<i32>} : memref<16x2048xf32, #tpu.memory_space<vmem>>, vector<16xf32>,
            %add3A_217 = arith.addf %add3A_213, %get3A_216 : vector<16xf32>
            %gt3A = arith.constant 0.000000e+00 : f32
            %gt3A_218 = vector.broadcast %gt3A : f32 to vector<16xf32>
            %gt3A_219 = arith.cmpf ogt, %add3A_217, %gt3A_218 : vector<16xf32>
            %mul3A_220 = arith.constant 2.000000e-01 : f32
            %mul3A_221 = vector.broadcast %mul3A_220 : f32 to vector<16xf32>
            %mul3A_222 = arith.mulf %mul3A_221, %add3A_217 : vector<16xf32>
            %select_n3A_223 = arith.select %gt3A_219, %add3A_217, %mul3A_222 : vector<16xi1>, vector<16xf32>
            %get3A_224 = arith.index_cast %add3A_206 : i32 to index
            %get3A_225 = tpu.vector_load %arg23[%get3A_224] {strides = array<i32>} : memref<2048xf32, #tpu.memory_space<vmem>>, vector<16xf32>,
            %mul3A_226 = arith.mulf %select_n3A_223, %get3A_225 : vector<16xf32>
            %add3A_227 = arith.addf %scan3A_201, %mul3A_226 : vector<16xf32>
            %add3A_228 = arith.constant 1024 : i32
            %add3A_229 = arith.addi %add3A_228, %add3A_206 : i32
            %get3A_230 = arith.index_cast %scan3A_94 : i32 to index
            %get3A_231 = arith.index_cast %add3A_206 : i32 to index
            %get3A_232 = tpu.vector_load %arg19[%get3A_230, %get3A_231] {strides = array<i32>} : memref<16x1024xf32, #tpu.memory_space<vmem>>, vector<16xf32>,
            %get3A_233 = arith.index_cast %scan3A_94 : i32 to index
            %get3A_234 = arith.index_cast %add3A_206 : i32 to index
            %get3A_235 = tpu.vector_load %arg21[%get3A_233, %get3A_234] {strides = array<i32>} : memref<16x1024xf32, #tpu.memory_space<vmem>>, vector<16xf32>,
            %add3A_236 = arith.addf %get3A_232, %get3A_235 : vector<16xf32>
            %get3A_237 = arith.index_cast %scan3A_94 : i32 to index
            %get3A_238 = arith.index_cast %add3A_229 : i32 to index
            %get3A_239 = tpu.vector_load %arg22[%get3A_237, %get3A_238] {strides = array<i32>} : memref<16x2048xf32, #tpu.memory_space<vmem>>, vector<16xf32>,
            %add3A_240 = arith.addf %add3A_236, %get3A_239 : vector<16xf32>
            %gt3A_241 = arith.constant 0.000000e+00 : f32
            %gt3A_242 = vector.broadcast %gt3A_241 : f32 to vector<16xf32>
            %gt3A_243 = arith.cmpf ogt, %add3A_240, %gt3A_242 : vector<16xf32>
            %mul3A_244 = arith.constant 2.000000e-01 : f32
            %mul3A_245 = vector.broadcast %mul3A_244 : f32 to vector<16xf32>
            %mul3A_246 = arith.mulf %mul3A_245, %add3A_240 : vector<16xf32>
            %select_n3A_247 = arith.select %gt3A_243, %add3A_240, %mul3A_246 : vector<16xi1>, vector<16xf32>
            %get3A_248 = arith.index_cast %add3A_229 : i32 to index
            %get3A_249 = tpu.vector_load %arg23[%get3A_248] {strides = array<i32>} : memref<2048xf32, #tpu.memory_space<vmem>>, vector<16xf32>,
            %mul3A_250 = arith.mulf %select_n3A_247, %get3A_249 : vector<16xf32>
            %add3A_251 = arith.addf %add3A_227, %mul3A_250 : vector<16xf32>
            scf.yield %add3A_251 : vector<16xf32>
          }
          %scan3A_195 = arith.constant 8 : i32
          %swap3A_196 = arith.index_cast %scan3A_188 : i32 to index
          %swap3A_197 = arith.constant 0 : index
          %swap3A_198 = tpu.vector_load %arg27[%swap3A_196, %swap3A_197] {strides = array<i32>} : memref<16x16xf32, #tpu.memory_space<vmem>>, vector<16xf32>,
          tpu.vector_store %arg27[%swap3A_196, %swap3A_197], %scan3A_194 {strides = array<i32>} : memref<16x16xf32, #tpu.memory_space<vmem>>, vector<16xf32>,
          %scan3A_199 = arith.constant 0 : i32
          scf.yield %scan3A_199 : i32
        }
        %scan3A_102 = arith.constant 8 : i32
        %broadcast_in_dim3A_103 = arith.constant 0 : i32
        %broadcast_in_dim3A_104 = vector.broadcast %broadcast_in_dim3A_103 : i32 to vector<16xi32>
        %gather3A = tpu.vector_load_idx %arg27[%iota3A, %broadcast_in_dim3A_104] : memref<16x16xf32, #tpu.memory_space<vmem>>[vector<16xi32>, vector<16xi32>], vector<16xf32>,
        %add3A_105 = arith.addf %broadcast_in_dim3A_1, %gather3A : vector<16xf32>
        %broadcast_in_dim3A_106 = arith.constant 1 : i32
        %broadcast_in_dim3A_107 = vector.broadcast %broadcast_in_dim3A_106 : i32 to vector<16xi32>
        %gather3A_108 = tpu.vector_load_idx %arg27[%iota3A, %broadcast_in_dim3A_107] : memref<16x16xf32, #tpu.memory_space<vmem>>[vector<16xi32>, vector<16xi32>], vector<16xf32>,
        %add3A_109 = arith.addf %add3A_105, %gather3A_108 : vector<16xf32>
        %broadcast_in_dim3A_110 = arith.constant 2 : i32
        %broadcast_in_dim3A_111 = vector.broadcast %broadcast_in_dim3A_110 : i32 to vector<16xi32>
        %gather3A_112 = tpu.vector_load_idx %arg27[%iota3A, %broadcast_in_dim3A_111] : memref<16x16xf32, #tpu.memory_space<vmem>>[vector<16xi32>, vector<16xi32>], vector<16xf32>,
        %add3A_113 = arith.addf %add3A_109, %gather3A_112 : vector<16xf32>
        %broadcast_in_dim3A_114 = arith.constant 3 : i32
        %broadcast_in_dim3A_115 = vector.broadcast %broadcast_in_dim3A_114 : i32 to vector<16xi32>
        %gather3A_116 = tpu.vector_load_idx %arg27[%iota3A, %broadcast_in_dim3A_115] : memref<16x16xf32, #tpu.memory_space<vmem>>[vector<16xi32>, vector<16xi32>], vector<16xf32>,
        %add3A_117 = arith.addf %add3A_113, %gather3A_116 : vector<16xf32>
        %broadcast_in_dim3A_118 = arith.constant 4 : i32
        %broadcast_in_dim3A_119 = vector.broadcast %broadcast_in_dim3A_118 : i32 to vector<16xi32>
        %gather3A_120 = tpu.vector_load_idx %arg27[%iota3A, %broadcast_in_dim3A_119] : memref<16x16xf32, #tpu.memory_space<vmem>>[vector<16xi32>, vector<16xi32>], vector<16xf32>,
        %add3A_121 = arith.addf %add3A_117, %gather3A_120 : vector<16xf32>
        %broadcast_in_dim3A_122 = arith.constant 5 : i32
        %broadcast_in_dim3A_123 = vector.broadcast %broadcast_in_dim3A_122 : i32 to vector<16xi32>
        %gather3A_124 = tpu.vector_load_idx %arg27[%iota3A, %broadcast_in_dim3A_123] : memref<16x16xf32, #tpu.memory_space<vmem>>[vector<16xi32>, vector<16xi32>], vector<16xf32>,
        %add3A_125 = arith.addf %add3A_121, %gather3A_124 : vector<16xf32>
        %broadcast_in_dim3A_126 = arith.constant 6 : i32
        %broadcast_in_dim3A_127 = vector.broadcast %broadcast_in_dim3A_126 : i32 to vector<16xi32>
        %gather3A_128 = tpu.vector_load_idx %arg27[%iota3A, %broadcast_in_dim3A_127] : memref<16x16xf32, #tpu.memory_space<vmem>>[vector<16xi32>, vector<16xi32>], vector<16xf32>,
        %add3A_129 = arith.addf %add3A_125, %gather3A_128 : vector<16xf32>
        %broadcast_in_dim3A_130 = arith.constant 7 : i32
        %broadcast_in_dim3A_131 = vector.broadcast %broadcast_in_dim3A_130 : i32 to vector<16xi32>
        %gather3A_132 = tpu.vector_load_idx %arg27[%iota3A, %broadcast_in_dim3A_131] : memref<16x16xf32, #tpu.memory_space<vmem>>[vector<16xi32>, vector<16xi32>], vector<16xf32>,
        %add3A_133 = arith.addf %add3A_129, %gather3A_132 : vector<16xf32>
        %broadcast_in_dim3A_134 = arith.constant 8 : i32
        %broadcast_in_dim3A_135 = vector.broadcast %broadcast_in_dim3A_134 : i32 to vector<16xi32>
        %gather3A_136 = tpu.vector_load_idx %arg27[%iota3A, %broadcast_in_dim3A_135] : memref<16x16xf32, #tpu.memory_space<vmem>>[vector<16xi32>, vector<16xi32>], vector<16xf32>,
        %add3A_137 = arith.addf %add3A_133, %gather3A_136 : vector<16xf32>
        %broadcast_in_dim3A_138 = arith.constant 9 : i32
        %broadcast_in_dim3A_139 = vector.broadcast %broadcast_in_dim3A_138 : i32 to vector<16xi32>
        %gather3A_140 = tpu.vector_load_idx %arg27[%iota3A, %broadcast_in_dim3A_139] : memref<16x16xf32, #tpu.memory_space<vmem>>[vector<16xi32>, vector<16xi32>], vector<16xf32>,
        %add3A_141 = arith.addf %add3A_137, %gather3A_140 : vector<16xf32>
        %broadcast_in_dim3A_142 = arith.constant 10 : i32
        %broadcast_in_dim3A_143 = vector.broadcast %broadcast_in_dim3A_142 : i32 to vector<16xi32>
        %gather3A_144 = tpu.vector_load_idx %arg27[%iota3A, %broadcast_in_dim3A_143] : memref<16x16xf32, #tpu.memory_space<vmem>>[vector<16xi32>, vector<16xi32>], vector<16xf32>,
        %add3A_145 = arith.addf %add3A_141, %gather3A_144 : vector<16xf32>
        %broadcast_in_dim3A_146 = arith.constant 11 : i32
        %broadcast_in_dim3A_147 = vector.broadcast %broadcast_in_dim3A_146 : i32 to vector<16xi32>
        %gather3A_148 = tpu.vector_load_idx %arg27[%iota3A, %broadcast_in_dim3A_147] : memref<16x16xf32, #tpu.memory_space<vmem>>[vector<16xi32>, vector<16xi32>], vector<16xf32>,
        %add3A_149 = arith.addf %add3A_145, %gather3A_148 : vector<16xf32>
        %broadcast_in_dim3A_150 = arith.constant 12 : i32
        %broadcast_in_dim3A_151 = vector.broadcast %broadcast_in_dim3A_150 : i32 to vector<16xi32>
        %gather3A_152 = tpu.vector_load_idx %arg27[%iota3A, %broadcast_in_dim3A_151] : memref<16x16xf32, #tpu.memory_space<vmem>>[vector<16xi32>, vector<16xi32>], vector<16xf32>,
        %add3A_153 = arith.addf %add3A_149, %gather3A_152 : vector<16xf32>
        %broadcast_in_dim3A_154 = arith.constant 13 : i32
        %broadcast_in_dim3A_155 = vector.broadcast %broadcast_in_dim3A_154 : i32 to vector<16xi32>
        %gather3A_156 = tpu.vector_load_idx %arg27[%iota3A, %broadcast_in_dim3A_155] : memref<16x16xf32, #tpu.memory_space<vmem>>[vector<16xi32>, vector<16xi32>], vector<16xf32>,
        %add3A_157 = arith.addf %add3A_153, %gather3A_156 : vector<16xf32>
        %broadcast_in_dim3A_158 = arith.constant 14 : i32
        %broadcast_in_dim3A_159 = vector.broadcast %broadcast_in_dim3A_158 : i32 to vector<16xi32>
        %gather3A_160 = tpu.vector_load_idx %arg27[%iota3A, %broadcast_in_dim3A_159] : memref<16x16xf32, #tpu.memory_space<vmem>>[vector<16xi32>, vector<16xi32>], vector<16xf32>,
        %add3A_161 = arith.addf %add3A_157, %gather3A_160 : vector<16xf32>
        %broadcast_in_dim3A_162 = arith.constant 15 : i32
        %broadcast_in_dim3A_163 = vector.broadcast %broadcast_in_dim3A_162 : i32 to vector<16xi32>
        %gather3A_164 = tpu.vector_load_idx %arg27[%iota3A, %broadcast_in_dim3A_163] : memref<16x16xf32, #tpu.memory_space<vmem>>[vector<16xi32>, vector<16xi32>], vector<16xf32>,
        %add3A_165 = arith.addf %add3A_161, %gather3A_164 : vector<16xf32>
        %lt3A = arith.constant 8 : i32
        %lt3A_166 = vector.broadcast %lt3A : i32 to vector<16xi32>
        %lt3A_167 = arith.cmpi slt, %iota3A, %lt3A_166 : vector<16xi32>
        %jit3A = arith.constant 0.000000e+00 : f32
        %broadcast_in_dim3A_168 = vector.broadcast %jit3A : f32 to vector<16xf32>
        %select_n3A = arith.select %lt3A_167, %add3A_165, %broadcast_in_dim3A_168 : vector<16xi1>, vector<16xf32>
        %shift_right_logical3A_169 = arith.constant 3 : i32
        %shift_right_logical3A_170 = arith.shrui %scan3A_94, %shift_right_logical3A_169 : i32
        %and3A_171 = arith.constant 7 : i32
        %and3A_172 = arith.andi %scan3A_94, %and3A_171 : i32
        %mul3A_173 = arith.constant 16 : i32
        %mul3A_174 = arith.muli %and3A_172, %mul3A_173 : i32
        %swap3A_175 = arith.index_cast %shift_right_logical3A_170 : i32 to index
        %swap3A_176 = arith.index_cast %mul3A_174 : i32 to index
        %swap3A_177 = tpu.vector_load %arg24[%swap3A_175, %swap3A_176] {strides = array<i32>} : memref<2x128xf32, #tpu.memory_space<vmem>>, vector<16xf32>,
        tpu.vector_store %arg24[%swap3A_175, %swap3A_176], %select_n3A {strides = array<i32>} : memref<2x128xf32, #tpu.memory_space<vmem>>, vector<16xf32>,
        %lt3A_178 = arith.constant 8 : i32
        %lt3A_179 = vector.broadcast %lt3A_178 : i32 to vector<16xi32>
        %lt3A_180 = arith.cmpi slt, %iota3A, %lt3A_179 : vector<16xi32>
        %exp3A = math.exp %select_n3A : vector<16xf32>
        %jit3A_181 = arith.constant 0.000000e+00 : f32
        %broadcast_in_dim3A_182 = vector.broadcast %jit3A_181 : f32 to vector<16xf32>
        %select_n3A_183 = arith.select %lt3A_180, %exp3A, %broadcast_in_dim3A_182 : vector<16xi1>, vector<16xf32>
        %broadcast_in_dim3A_184 = vector.broadcast %scan3A_94 : i32 to vector<16xi32>
        %gather3A_185 = tpu.vector_load_idx %arg17[%broadcast_in_dim3A_184] : memref<16xi32, #tpu.memory_space<vmem>>[vector<16xi32>], vector<16xi32>,
        %add3A_186 = arith.addi %gather3A_185, %iota3A : vector<16xi32>
        tpu.vector_store_idx %arg25[%broadcast_in_dim3A_184, %add3A_186], %select_n3A_183 : memref<16x128xf32, #tpu.memory_space<vmem>>[vector<16xi32>, vector<16xi32>], vector<16xf32>,
        %scan3A_187 = arith.constant 0 : i32
        scf.yield %scan3A_187 : i32
      }
      %scan3A_87 = arith.constant 16 : i32
      %mul3A_88 = arith.constant 672 : i32
      %mul3A_89 = arith.muli %add3A, %mul3A_88 : i32
      %mul3A_90 = arith.constant 2 : i32
      %mul3A_91 = arith.muli %scan3A_32, %mul3A_90 : i32
      %add3A_92 = arith.addi %mul3A_89, %mul3A_91 : i32
      "tpu.region"() ({
        %run_scoped3A = tpu.sem_alloc : memref<!tpu.dma_semaphore, #tpu.memory_space<semaphore_mem>>
        %dma_start3A_94 = arith.constant 0 : i32
        %dma_start3A_95 = tpu.memref_slice %arg11[%add3A_92, %dma_start3A_94] : memref<21504x128xf32, #tpu.memory_space<hbm>> -> memref<2x128xf32, #tpu.memory_space<hbm>>
        %dma_start3A_96 = arith.constant 0 : i32
        %dma_start3A_97 = tpu.memref_slice %arg11[%add3A_92, %dma_start3A_96] : memref<21504x128xf32, #tpu.memory_space<hbm>> -> memref<2x128xf32, #tpu.memory_space<hbm>>
        tpu.enqueue_dma source(%arg24 : memref<2x128xf32, #tpu.memory_space<vmem>>) target(%dma_start3A_97 : memref<2x128xf32, #tpu.memory_space<hbm>>) target_semaphore(%run_scoped3A : memref<!tpu.dma_semaphore, #tpu.memory_space<semaphore_mem>>)
        %dma_wait3A_98 = arith.constant 0 : i32
        %dma_wait3A_99 = tpu.memref_slice %arg11[%add3A_92, %dma_wait3A_98] : memref<21504x128xf32, #tpu.memory_space<hbm>> -> memref<2x128xf32, #tpu.memory_space<hbm>>
        %dma_wait3A_100 = arith.constant 0 : i32
        %dma_wait3A_101 = tpu.memref_slice %arg11[%add3A_92, %dma_wait3A_100] : memref<21504x128xf32, #tpu.memory_space<hbm>> -> memref<2x128xf32, #tpu.memory_space<hbm>>
        tpu.wait_dma2 semaphore(%run_scoped3A : memref<!tpu.dma_semaphore, #tpu.memory_space<semaphore_mem>>) src(%arg24 : memref<2x128xf32, #tpu.memory_space<vmem>>) dst(%dma_wait3A_101 : memref<2x128xf32, #tpu.memory_space<hbm>>)
        tpu.yield
      }) : () -> ()
      "tpu.region"() ({
        %run_scoped3A = tpu.sem_alloc : memref<!tpu.dma_semaphore, #tpu.memory_space<semaphore_mem>>
        %dma_start3A_94 = arith.constant 0 : i32
        %dma_start3A_95 = arith.constant 0 : i32
        %dma_start3A_96 = tpu.memref_slice %arg28[%dma_start3A_94, %dma_start3A_95] : memref<1280x128xf32, #tpu.memory_space<vmem_shared>> -> memref<1280x128xf32, #tpu.memory_space<vmem_shared>>
        tpu.enqueue_indirect_dma source(%arg25 : memref<16x128xf32, #tpu.memory_space<vmem>>) target(%dma_start3A_96 : memref<1280x128xf32, #tpu.memory_space<vmem_shared>>) offsets(%arg16 : memref<16xi32, #tpu.memory_space<vmem>>) semaphore(%run_scoped3A : memref<!tpu.dma_semaphore, #tpu.memory_space<semaphore_mem>>) {add = true}
        %dma_wait3A_97 = arith.constant 0 : i32
        %dma_wait3A_98 = arith.constant 0 : i32
        %dma_wait3A_99 = tpu.memref_slice %arg28[%dma_wait3A_97, %dma_wait3A_98] : memref<1280x128xf32, #tpu.memory_space<vmem_shared>> -> memref<1280x128xf32, #tpu.memory_space<vmem_shared>>
        tpu.wait_indirect_dma semaphore(%run_scoped3A : memref<!tpu.dma_semaphore, #tpu.memory_space<semaphore_mem>>) src(%arg25 : memref<16x128xf32, #tpu.memory_space<vmem>>) dst(%dma_wait3A_99 : memref<1280x128xf32, #tpu.memory_space<vmem_shared>>)
        tpu.yield
      }) : () -> ()
      %scan3A_93 = arith.constant 0 : i32
      scf.yield %scan3A_93 : i32
    }
    %scan3A_23 = arith.constant 336 : i32
    %barrier3A_24 = arith.constant 0 : index
    tpu.barrier barrier_id(%barrier3A_24)
    %mul3A_25 = arith.constant 80 : i32
    %mul3A_26 = arith.muli %arg1, %mul3A_25 : i32
    %mul3A_27 = arith.constant 1280 : i32
    %mul3A_28 = arith.muli %arg0, %mul3A_27 : i32
    %mul3A_29 = arith.constant 80 : i32
    %mul3A_30 = arith.muli %arg1, %mul3A_29 : i32
    %add3A_31 = arith.addi %mul3A_28, %mul3A_30 : i32
    "tpu.region"() ({
      %run_scoped3A = tpu.sem_alloc : memref<!tpu.dma_semaphore, #tpu.memory_space<semaphore_mem>>
      %dma_start3A = arith.constant 0 : i32
      %dma_start3A_32 = tpu.memref_slice %arg12[%add3A_31, %dma_start3A] : memref<2560x128xf32, #tpu.memory_space<hbm>> -> memref<80x128xf32, #tpu.memory_space<hbm>>
      %dma_start3A_33 = arith.constant 0 : i32
      %dma_start3A_34 = tpu.memref_slice %arg28[%mul3A_26, %dma_start3A_33] : memref<1280x128xf32, #tpu.memory_space<vmem_shared>> -> memref<80x128xf32, #tpu.memory_space<vmem_shared>>
      tpu.enqueue_dma source(%dma_start3A_34 : memref<80x128xf32, #tpu.memory_space<vmem_shared>>) target(%dma_start3A_32 : memref<80x128xf32, #tpu.memory_space<hbm>>) target_semaphore(%run_scoped3A : memref<!tpu.dma_semaphore, #tpu.memory_space<semaphore_mem>>)
      %dma_wait3A = arith.constant 0 : i32
      %dma_wait3A_35 = tpu.memref_slice %arg12[%add3A_31, %dma_wait3A] : memref<2560x128xf32, #tpu.memory_space<hbm>> -> memref<80x128xf32, #tpu.memory_space<hbm>>
      %dma_wait3A_36 = arith.constant 0 : i32
      %dma_wait3A_37 = tpu.memref_slice %arg28[%mul3A_26, %dma_wait3A_36] : memref<1280x128xf32, #tpu.memory_space<vmem_shared>> -> memref<80x128xf32, #tpu.memory_space<vmem_shared>>
      tpu.wait_dma2 semaphore(%run_scoped3A : memref<!tpu.dma_semaphore, #tpu.memory_space<semaphore_mem>>) src(%dma_wait3A_37 : memref<80x128xf32, #tpu.memory_space<vmem_shared>>) dst(%dma_wait3A_35 : memref<80x128xf32, #tpu.memory_space<hbm>>)
      tpu.yield
    }) : () -> ()
    return
  }
}

module attributes {stable_mosaic.version = 14 : i64} {
  func.func @_k1_body(%arg0: i32, %arg1: memref<400x256xf32, #tpu.memory_space<vmem>>, %arg2: memref<256x1024xf32, #tpu.memory_space<vmem>>, %arg3: memref<256x1024xf32, #tpu.memory_space<vmem>>, %arg4: memref<256x1024xf32, #tpu.memory_space<vmem>>, %arg5: memref<256x1024xf32, #tpu.memory_space<vmem>>, %arg6: memref<1x1024xf32, #tpu.memory_space<vmem>>, %arg7: memref<1x1024xf32, #tpu.memory_space<vmem>>, %arg8: memref<1x1024xf32, #tpu.memory_space<vmem>>, %arg9: memref<1x1024xf32, #tpu.memory_space<vmem>>, %arg10: memref<1x256xf32, #tpu.memory_space<vmem>>, %arg11: memref<1x256xf32, #tpu.memory_space<vmem>>, %arg12: memref<400x16xf32, #tpu.memory_space<vmem>>, %arg13: memref<400x16xf32, #tpu.memory_space<vmem>>, %arg14: memref<400x256xf32, #tpu.memory_space<vmem>>, %arg15: memref<400x1024xf32, #tpu.memory_space<vmem>>, %arg16: memref<400x1024xf32, #tpu.memory_space<vmem>>, %arg17: memref<400x1024xf32, #tpu.memory_space<vmem>>, %arg18: memref<400x1024xf32, #tpu.memory_space<vmem>>, %arg19: memref<400x16xf32, #tpu.memory_space<vmem>>) attributes {dimension_semantics = [#tpu.dimension_semantics<arbitrary>], iteration_bounds = array<i64: 25>, scalar_prefetch = 0 : i64, scratch_operands = 0 : i64, tpu.core_type = #tpu.core_type<tc>, window_params = [{transform_indices = @transform_0, window_bounds = array<i64: 400, 256>}, {pipeline_mode = #tpu.pipeline_mode<synchronous>, transform_indices = @transform_1, window_bounds = array<i64: 256, 1024>}, {pipeline_mode = #tpu.pipeline_mode<synchronous>, transform_indices = @transform_2, window_bounds = array<i64: 256, 1024>}, {pipeline_mode = #tpu.pipeline_mode<synchronous>, transform_indices = @transform_3, window_bounds = array<i64: 256, 1024>}, {pipeline_mode = #tpu.pipeline_mode<synchronous>, transform_indices = @transform_4, window_bounds = array<i64: 256, 1024>}, {pipeline_mode = #tpu.pipeline_mode<synchronous>, transform_indices = @transform_5, window_bounds = array<i64: 1, 1024>}, {pipeline_mode = #tpu.pipeline_mode<synchronous>, transform_indices = @transform_6, window_bounds = array<i64: 1, 1024>}, {pipeline_mode = #tpu.pipeline_mode<synchronous>, transform_indices = @transform_7, window_bounds = array<i64: 1, 1024>}, {pipeline_mode = #tpu.pipeline_mode<synchronous>, transform_indices = @transform_8, window_bounds = array<i64: 1, 1024>}, {pipeline_mode = #tpu.pipeline_mode<synchronous>, transform_indices = @transform_9, window_bounds = array<i64: 1, 256>}, {pipeline_mode = #tpu.pipeline_mode<synchronous>, transform_indices = @transform_10, window_bounds = array<i64: 1, 256>}, {transform_indices = @transform_11, window_bounds = array<i64: 400, 16>}, {transform_indices = @transform_12, window_bounds = array<i64: 400, 16>}, {transform_indices = @transform_13, window_bounds = array<i64: 400, 256>}, {transform_indices = @transform_14, window_bounds = array<i64: 400, 1024>}, {transform_indices = @transform_15, window_bounds = array<i64: 400, 1024>}, {transform_indices = @transform_16, window_bounds = array<i64: 400, 1024>}, {transform_indices = @transform_17, window_bounds = array<i64: 400, 1024>}, {transform_indices = @transform_18, window_bounds = array<i64: 400, 16>}]} {
    %get3A = arith.constant 0 : index
    %get3A_0 = arith.constant 0 : index
    %get3A_1 = vector.load %arg1[%get3A, %get3A_0] : memref<400x256xf32, #tpu.memory_space<vmem>>, vector<400x256xf32>
    %get3A_2 = arith.constant 0 : index
    %get3A_3 = arith.constant 0 : index
    %get3A_4 = vector.load %arg10[%get3A_2, %get3A_3] : memref<1x256xf32, #tpu.memory_space<vmem>>, vector<1x256xf32>
    %get3A_5 = arith.constant 0 : index
    %get3A_6 = arith.constant 0 : index
    %get3A_7 = vector.load %arg11[%get3A_5, %get3A_6] : memref<1x256xf32, #tpu.memory_space<vmem>>, vector<1x256xf32>
    %reduce_sum3A = arith.constant dense<0.000000e+00> : vector<400xf32>
    %reduce_sum3A_8 = vector.multi_reduction <add>, %get3A_1, %reduce_sum3A [1] : vector<400x256xf32> to vector<400xf32>
    %broadcast_in_dim3A = vector.shape_cast %reduce_sum3A_8 : vector<400xf32> to vector<400x1xf32>
    %div3A = arith.constant 2.560000e+02 : f32
    %div3A_9 = vector.broadcast %div3A : f32 to vector<400x1xf32>
    %div3A_10 = arith.divf %broadcast_in_dim3A, %div3A_9 : vector<400x1xf32>
    %jit3A = arith.constant 0 : i32
    %reduce_sum3A_11 = arith.constant dense<0.000000e+00> : vector<400xf32>
    %reduce_sum3A_12 = vector.multi_reduction <add>, %get3A_1, %reduce_sum3A_11 [1] : vector<400x256xf32> to vector<400xf32>
    %broadcast_in_dim3A_13 = vector.shape_cast %reduce_sum3A_12 : vector<400xf32> to vector<400x1xf32>
    %div3A_14 = arith.constant 2.560000e+02 : f32
    %div3A_15 = vector.broadcast %div3A_14 : f32 to vector<400x1xf32>
    %div3A_16 = arith.divf %broadcast_in_dim3A_13, %div3A_15 : vector<400x1xf32>
    %sub3A = vector.broadcast %div3A_16 : vector<400x1xf32> to vector<400x256xf32>
    %sub3A_17 = arith.subf %get3A_1, %sub3A : vector<400x256xf32>
    %square3A = arith.mulf %sub3A_17, %sub3A_17 : vector<400x256xf32>
    %convert_element_type3A = arith.sitofp %jit3A : i32 to f32
    %sub3A_18 = arith.constant 2.560000e+02 : f32
    %sub3A_19 = arith.subf %sub3A_18, %convert_element_type3A : f32
    %reduce_sum3A_20 = arith.constant dense<0.000000e+00> : vector<400xf32>
    %reduce_sum3A_21 = vector.multi_reduction <add>, %square3A, %reduce_sum3A_20 [1] : vector<400x256xf32> to vector<400xf32>
    %broadcast_in_dim3A_22 = vector.shape_cast %reduce_sum3A_21 : vector<400xf32> to vector<400x1xf32>
    %div3A_23 = vector.broadcast %sub3A_19 : f32 to vector<400x1xf32>
    %div3A_24 = arith.divf %broadcast_in_dim3A_22, %div3A_23 : vector<400x1xf32>
    %gt3A = arith.constant 0.000000e+00 : f32
    %gt3A_25 = arith.cmpf ogt, %sub3A_19, %gt3A : f32
    %jit3A_26 = arith.constant 0x7FC00000 : f32
    %broadcast_in_dim3A_27 = vector.broadcast %jit3A_26 : f32 to vector<400x1xf32>
    %select_n3A = arith.select %gt3A_25, %div3A_24, %broadcast_in_dim3A_27 : vector<400x1xf32>
    %sub3A_28 = vector.broadcast %div3A_10 : vector<400x1xf32> to vector<400x256xf32>
    %sub3A_29 = arith.subf %get3A_1, %sub3A_28 : vector<400x256xf32>
    %add3A = arith.constant 9.99999974E-6 : f32
    %add3A_30 = vector.broadcast %add3A : f32 to vector<400x1xf32>
    %add3A_31 = arith.addf %select_n3A, %add3A_30 : vector<400x1xf32>
    %sqrt3A = math.sqrt %add3A_31 : vector<400x1xf32>
    %div3A_32 = vector.broadcast %sqrt3A : vector<400x1xf32> to vector<400x256xf32>
    %div3A_33 = arith.divf %sub3A_29, %div3A_32 : vector<400x256xf32>
    %mul3A = vector.broadcast %get3A_4 : vector<1x256xf32> to vector<400x256xf32>
    %mul3A_34 = arith.mulf %div3A_33, %mul3A : vector<400x256xf32>
    %add3A_35 = vector.broadcast %get3A_7 : vector<1x256xf32> to vector<400x256xf32>
    %add3A_36 = arith.addf %mul3A_34, %add3A_35 : vector<400x256xf32>
    %swap3A = arith.constant 0 : index
    %swap3A_37 = arith.constant 0 : index
    %swap3A_38 = vector.load %arg14[%swap3A, %swap3A_37] : memref<400x256xf32, #tpu.memory_space<vmem>>, vector<400x256xf32>
    tpu.vector_store %arg14[%swap3A, %swap3A_37], %add3A_36 {strides = array<i32>} : memref<400x256xf32, #tpu.memory_space<vmem>>, vector<400x256xf32>,
    %get3A_39 = arith.constant 0 : index
    %get3A_40 = arith.constant 0 : index
    %get3A_41 = vector.load %arg2[%get3A_39, %get3A_40] : memref<256x1024xf32, #tpu.memory_space<vmem>>, vector<256x1024xf32>
    %dot_general3A = arith.constant dense<0.000000e+00> : vector<400x1024xf32>
    %dot_general3A_42 = tpu.matmul %add3A_36, %get3A_41, %dot_general3A {dimension_numbers = #tpu.dot_dimension_numbers<[1], [0], [0], [1], [0, 0, 1, 1], [], []>, transpose_lhs_hint = false} : vector<400x256xf32>, vector<256x1024xf32>, vector<400x1024xf32> -> vector<400x1024xf32>
    %get3A_43 = arith.constant 0 : index
    %get3A_44 = arith.constant 0 : index
    %get3A_45 = vector.load %arg6[%get3A_43, %get3A_44] : memref<1x1024xf32, #tpu.memory_space<vmem>>, vector<1x1024xf32>
    %add3A_46 = vector.broadcast %get3A_45 : vector<1x1024xf32> to vector<400x1024xf32>
    %add3A_47 = arith.addf %dot_general3A_42, %add3A_46 : vector<400x1024xf32>
    %swap3A_48 = arith.constant 0 : index
    %swap3A_49 = arith.constant 0 : index
    %swap3A_50 = vector.load %arg15[%swap3A_48, %swap3A_49] : memref<400x1024xf32, #tpu.memory_space<vmem>>, vector<400x1024xf32>
    tpu.vector_store %arg15[%swap3A_48, %swap3A_49], %add3A_47 {strides = array<i32>} : memref<400x1024xf32, #tpu.memory_space<vmem>>, vector<400x1024xf32>,
    %get3A_51 = arith.constant 0 : index
    %get3A_52 = arith.constant 0 : index
    %get3A_53 = vector.load %arg3[%get3A_51, %get3A_52] : memref<256x1024xf32, #tpu.memory_space<vmem>>, vector<256x1024xf32>
    %dot_general3A_54 = arith.constant dense<0.000000e+00> : vector<400x1024xf32>
    %dot_general3A_55 = tpu.matmul %add3A_36, %get3A_53, %dot_general3A_54 {dimension_numbers = #tpu.dot_dimension_numbers<[1], [0], [0], [1], [0, 0, 1, 1], [], []>, transpose_lhs_hint = false} : vector<400x256xf32>, vector<256x1024xf32>, vector<400x1024xf32> -> vector<400x1024xf32>
    %get3A_56 = arith.constant 0 : index
    %get3A_57 = arith.constant 0 : index
    %get3A_58 = vector.load %arg7[%get3A_56, %get3A_57] : memref<1x1024xf32, #tpu.memory_space<vmem>>, vector<1x1024xf32>
    %add3A_59 = vector.broadcast %get3A_58 : vector<1x1024xf32> to vector<400x1024xf32>
    %add3A_60 = arith.addf %dot_general3A_55, %add3A_59 : vector<400x1024xf32>
    %swap3A_61 = arith.constant 0 : index
    %swap3A_62 = arith.constant 0 : index
    %swap3A_63 = vector.load %arg16[%swap3A_61, %swap3A_62] : memref<400x1024xf32, #tpu.memory_space<vmem>>, vector<400x1024xf32>
    tpu.vector_store %arg16[%swap3A_61, %swap3A_62], %add3A_60 {strides = array<i32>} : memref<400x1024xf32, #tpu.memory_space<vmem>>, vector<400x1024xf32>,
    %get3A_64 = arith.constant 0 : index
    %get3A_65 = arith.constant 0 : index
    %get3A_66 = vector.load %arg4[%get3A_64, %get3A_65] : memref<256x1024xf32, #tpu.memory_space<vmem>>, vector<256x1024xf32>
    %dot_general3A_67 = arith.constant dense<0.000000e+00> : vector<400x1024xf32>
    %dot_general3A_68 = tpu.matmul %add3A_36, %get3A_66, %dot_general3A_67 {dimension_numbers = #tpu.dot_dimension_numbers<[1], [0], [0], [1], [0, 0, 1, 1], [], []>, transpose_lhs_hint = false} : vector<400x256xf32>, vector<256x1024xf32>, vector<400x1024xf32> -> vector<400x1024xf32>
    %get3A_69 = arith.constant 0 : index
    %get3A_70 = arith.constant 0 : index
    %get3A_71 = vector.load %arg8[%get3A_69, %get3A_70] : memref<1x1024xf32, #tpu.memory_space<vmem>>, vector<1x1024xf32>
    %add3A_72 = vector.broadcast %get3A_71 : vector<1x1024xf32> to vector<400x1024xf32>
    %add3A_73 = arith.addf %dot_general3A_68, %add3A_72 : vector<400x1024xf32>
    %swap3A_74 = arith.constant 0 : index
    %swap3A_75 = arith.constant 0 : index
    %swap3A_76 = vector.load %arg17[%swap3A_74, %swap3A_75] : memref<400x1024xf32, #tpu.memory_space<vmem>>, vector<400x1024xf32>
    tpu.vector_store %arg17[%swap3A_74, %swap3A_75], %add3A_73 {strides = array<i32>} : memref<400x1024xf32, #tpu.memory_space<vmem>>, vector<400x1024xf32>,
    %get3A_77 = arith.constant 0 : index
    %get3A_78 = arith.constant 0 : index
    %get3A_79 = vector.load %arg5[%get3A_77, %get3A_78] : memref<256x1024xf32, #tpu.memory_space<vmem>>, vector<256x1024xf32>
    %dot_general3A_80 = arith.constant dense<0.000000e+00> : vector<400x1024xf32>
    %dot_general3A_81 = tpu.matmul %add3A_36, %get3A_79, %dot_general3A_80 {dimension_numbers = #tpu.dot_dimension_numbers<[1], [0], [0], [1], [0, 0, 1, 1], [], []>, transpose_lhs_hint = false} : vector<400x256xf32>, vector<256x1024xf32>, vector<400x1024xf32> -> vector<400x1024xf32>
    %get3A_82 = arith.constant 0 : index
    %get3A_83 = arith.constant 0 : index
    %get3A_84 = vector.load %arg9[%get3A_82, %get3A_83] : memref<1x1024xf32, #tpu.memory_space<vmem>>, vector<1x1024xf32>
    %add3A_85 = vector.broadcast %get3A_84 : vector<1x1024xf32> to vector<400x1024xf32>
    %add3A_86 = arith.addf %dot_general3A_81, %add3A_85 : vector<400x1024xf32>
    %swap3A_87 = arith.constant 0 : index
    %swap3A_88 = arith.constant 0 : index
    %swap3A_89 = vector.load %arg18[%swap3A_87, %swap3A_88] : memref<400x1024xf32, #tpu.memory_space<vmem>>, vector<400x1024xf32>
    tpu.vector_store %arg18[%swap3A_87, %swap3A_88], %add3A_86 {strides = array<i32>} : memref<400x1024xf32, #tpu.memory_space<vmem>>, vector<400x1024xf32>,
    %get3A_90 = arith.constant 0 : index
    %get3A_91 = arith.constant 0 : index
    %get3A_92 = vector.load %arg12[%get3A_90, %get3A_91] : memref<400x16xf32, #tpu.memory_space<vmem>>, vector<400x16xf32>
    %get3A_93 = arith.constant 0 : index
    %get3A_94 = arith.constant 0 : index
    %get3A_95 = vector.load %arg13[%get3A_93, %get3A_94] : memref<400x16xf32, #tpu.memory_space<vmem>>, vector<400x16xf32>
    %slice3A = vector.extract_strided_slice %get3A_95 {offsets = [0, 0], sizes = [400, 1], strides = [1, 1]} : vector<400x16xf32> to vector<400x1xf32>
    %max3A = arith.constant 1.000000e+00 : f32
    %max3A_96 = vector.broadcast %max3A : f32 to vector<400x1xf32>
    %max3A_97 = arith.maximumf %slice3A, %max3A_96 : vector<400x1xf32>
    %div3A_98 = vector.broadcast %max3A_97 : vector<400x1xf32> to vector<400x16xf32>
    %div3A_99 = arith.divf %get3A_92, %div3A_98 : vector<400x16xf32>
    %swap3A_100 = arith.constant 0 : index
    %swap3A_101 = arith.constant 0 : index
    %swap3A_102 = vector.load %arg19[%swap3A_100, %swap3A_101] : memref<400x16xf32, #tpu.memory_space<vmem>>, vector<400x16xf32>
    tpu.vector_store %arg19[%swap3A_100, %swap3A_101], %div3A_99 {strides = array<i32>} : memref<400x16xf32, #tpu.memory_space<vmem>>, vector<400x16xf32>,
    return
  }
  func.func @transform_0(%arg0: i32) -> (i32, i32) {
    %c0_i32 = arith.constant 0 : i32
    %c0_i32_0 = arith.constant 0 : i32
    return %arg0, %c0_i32 : i32, i32
  }
  func.func @transform_1(%arg0: i32) -> (i32, i32) {
    %c0_i32 = arith.constant 0 : i32
    %c0_i32_0 = arith.constant 0 : i32
    %c0_i32_1 = arith.constant 0 : i32
    return %c0_i32, %c0_i32_0 : i32, i32
  }
  func.func @transform_2(%arg0: i32) -> (i32, i32) {
    %c0_i32 = arith.constant 0 : i32
    %c0_i32_0 = arith.constant 0 : i32
    %c0_i32_1 = arith.constant 0 : i32
    return %c0_i32, %c0_i32_0 : i32, i32
  }
  func.func @transform_3(%arg0: i32) -> (i32, i32) {
    %c0_i32 = arith.constant 0 : i32
    %c0_i32_0 = arith.constant 0 : i32
    %c0_i32_1 = arith.constant 0 : i32
    return %c0_i32, %c0_i32_0 : i32, i32
  }
  func.func @transform_4(%arg0: i32) -> (i32, i32) {
    %c0_i32 = arith.constant 0 : i32
    %c0_i32_0 = arith.constant 0 : i32
    %c0_i32_1 = arith.constant 0 : i32
    return %c0_i32, %c0_i32_0 : i32, i32
  }
  func.func @transform_5(%arg0: i32) -> (i32, i32) {
    %c0_i32 = arith.constant 0 : i32
    %c0_i32_0 = arith.constant 0 : i32
    %c0_i32_1 = arith.constant 0 : i32
    return %c0_i32, %c0_i32_0 : i32, i32
  }
  func.func @transform_6(%arg0: i32) -> (i32, i32) {
    %c0_i32 = arith.constant 0 : i32
    %c0_i32_0 = arith.constant 0 : i32
    %c0_i32_1 = arith.constant 0 : i32
    return %c0_i32, %c0_i32_0 : i32, i32
  }
  func.func @transform_7(%arg0: i32) -> (i32, i32) {
    %c0_i32 = arith.constant 0 : i32
    %c0_i32_0 = arith.constant 0 : i32
    %c0_i32_1 = arith.constant 0 : i32
    return %c0_i32, %c0_i32_0 : i32, i32
  }
  func.func @transform_8(%arg0: i32) -> (i32, i32) {
    %c0_i32 = arith.constant 0 : i32
    %c0_i32_0 = arith.constant 0 : i32
    %c0_i32_1 = arith.constant 0 : i32
    return %c0_i32, %c0_i32_0 : i32, i32
  }
  func.func @transform_9(%arg0: i32) -> (i32, i32) {
    %c0_i32 = arith.constant 0 : i32
    %c0_i32_0 = arith.constant 0 : i32
    %c0_i32_1 = arith.constant 0 : i32
    return %c0_i32, %c0_i32_0 : i32, i32
  }
  func.func @transform_10(%arg0: i32) -> (i32, i32) {
    %c0_i32 = arith.constant 0 : i32
    %c0_i32_0 = arith.constant 0 : i32
    %c0_i32_1 = arith.constant 0 : i32
    return %c0_i32, %c0_i32_0 : i32, i32
  }
  func.func @transform_11(%arg0: i32) -> (i32, i32) {
    %c0_i32 = arith.constant 0 : i32
    %c0_i32_0 = arith.constant 0 : i32
    return %arg0, %c0_i32 : i32, i32
  }
  func.func @transform_12(%arg0: i32) -> (i32, i32) {
    %c0_i32 = arith.constant 0 : i32
    %c0_i32_0 = arith.constant 0 : i32
    return %arg0, %c0_i32 : i32, i32
  }
  func.func @transform_13(%arg0: i32) -> (i32, i32) {
    %c0_i32 = arith.constant 0 : i32
    %c0_i32_0 = arith.constant 0 : i32
    return %arg0, %c0_i32 : i32, i32
  }
  func.func @transform_14(%arg0: i32) -> (i32, i32) {
    %c0_i32 = arith.constant 0 : i32
    %c0_i32_0 = arith.constant 0 : i32
    return %arg0, %c0_i32 : i32, i32
  }
  func.func @transform_15(%arg0: i32) -> (i32, i32) {
    %c0_i32 = arith.constant 0 : i32
    %c0_i32_0 = arith.constant 0 : i32
    return %arg0, %c0_i32 : i32, i32
  }
  func.func @transform_16(%arg0: i32) -> (i32, i32) {
    %c0_i32 = arith.constant 0 : i32
    %c0_i32_0 = arith.constant 0 : i32
    return %arg0, %c0_i32 : i32, i32
  }
  func.func @transform_17(%arg0: i32) -> (i32, i32) {
    %c0_i32 = arith.constant 0 : i32
    %c0_i32_0 = arith.constant 0 : i32
    return %arg0, %c0_i32 : i32, i32
  }
  func.func @transform_18(%arg0: i32) -> (i32, i32) {
    %c0_i32 = arith.constant 0 : i32
    %c0_i32_0 = arith.constant 0 : i32
    return %arg0, %c0_i32 : i32, i32
  }
}

module attributes {stable_mosaic.version = 14 : i64} {
  func.func @_k2_body(%arg0: i32, %arg1: memref<512x16xf32, #tpu.memory_space<vmem>>, %arg2: memref<16x2048xf32, #tpu.memory_space<vmem>>, %arg3: memref<512x2048xf32, #tpu.memory_space<vmem>>) attributes {dimension_semantics = [#tpu.dimension_semantics<arbitrary>], iteration_bounds = array<i64: 336>, scalar_prefetch = 0 : i64, scratch_operands = 0 : i64, tpu.core_type = #tpu.core_type<tc>, window_params = [{transform_indices = @transform_0, window_bounds = array<i64: 512, 16>}, {pipeline_mode = #tpu.pipeline_mode<synchronous>, transform_indices = @transform_1, window_bounds = array<i64: 16, 2048>}, {transform_indices = @transform_2, window_bounds = array<i64: 512, 2048>}]} {
    %get3A = arith.constant 0 : index
    %get3A_0 = arith.constant 0 : index
    %get3A_1 = vector.load %arg1[%get3A, %get3A_0] : memref<512x16xf32, #tpu.memory_space<vmem>>, vector<512x16xf32>
    %get3A_2 = arith.constant 0 : index
    %get3A_3 = arith.constant 0 : index
    %get3A_4 = vector.load %arg2[%get3A_2, %get3A_3] : memref<16x2048xf32, #tpu.memory_space<vmem>>, vector<16x2048xf32>
    %dot_general3A = arith.constant dense<0.000000e+00> : vector<512x2048xf32>
    %dot_general3A_5 = tpu.matmul %get3A_1, %get3A_4, %dot_general3A {dimension_numbers = #tpu.dot_dimension_numbers<[1], [0], [0], [1], [0, 0, 1, 1], [], []>, transpose_lhs_hint = false} : vector<512x16xf32>, vector<16x2048xf32>, vector<512x2048xf32> -> vector<512x2048xf32>
    %swap3A = arith.constant 0 : index
    %swap3A_6 = arith.constant 0 : index
    %swap3A_7 = vector.load %arg3[%swap3A, %swap3A_6] : memref<512x2048xf32, #tpu.memory_space<vmem>>, vector<512x2048xf32>
    tpu.vector_store %arg3[%swap3A, %swap3A_6], %dot_general3A_5 {strides = array<i32>} : memref<512x2048xf32, #tpu.memory_space<vmem>>, vector<512x2048xf32>,
    return
  }
  func.func @transform_0(%arg0: i32) -> (i32, i32) {
    %c0_i32 = arith.constant 0 : i32
    %c0_i32_0 = arith.constant 0 : i32
    return %arg0, %c0_i32 : i32, i32
  }
  func.func @transform_1(%arg0: i32) -> (i32, i32) {
    %c0_i32 = arith.constant 0 : i32
    %c0_i32_0 = arith.constant 0 : i32
    %c0_i32_1 = arith.constant 0 : i32
    return %c0_i32, %c0_i32_0 : i32, i32
  }
  func.func @transform_2(%arg0: i32) -> (i32, i32) {
    %c0_i32 = arith.constant 0 : i32
    %c0_i32_0 = arith.constant 0 : i32
    return %arg0, %c0_i32 : i32, i32
  }
}

module attributes {stable_mosaic.version = 14 : i64} {
  func.func @_k5_body(%arg0: i32, %arg1: memref<400x256xf32, #tpu.memory_space<vmem>>, %arg2: memref<400x128xf32, #tpu.memory_space<vmem>>, %arg3: memref<400x128xf32, #tpu.memory_space<vmem>>, %arg4: memref<1x256xf32, #tpu.memory_space<vmem>>, %arg5: memref<1x256xf32, #tpu.memory_space<vmem>>, %arg6: memref<1x256xf32, #tpu.memory_space<vmem>>, %arg7: memref<256x2048xf32, #tpu.memory_space<vmem>>, %arg8: memref<1x2048xf32, #tpu.memory_space<vmem>>, %arg9: memref<2048x256xf32, #tpu.memory_space<vmem>>, %arg10: memref<1x256xf32, #tpu.memory_space<vmem>>, %arg11: memref<1x256xf32, #tpu.memory_space<vmem>>, %arg12: memref<1x256xf32, #tpu.memory_space<vmem>>, %arg13: memref<400x256xf32, #tpu.memory_space<vmem>>) attributes {dimension_semantics = [#tpu.dimension_semantics<arbitrary>], iteration_bounds = array<i64: 25>, scalar_prefetch = 0 : i64, scratch_operands = 0 : i64, tpu.core_type = #tpu.core_type<tc>, window_params = [{transform_indices = @transform_0, window_bounds = array<i64: 400, 256>}, {transform_indices = @transform_1, window_bounds = array<i64: 400, 128>}, {transform_indices = @transform_2, window_bounds = array<i64: 400, 128>}, {pipeline_mode = #tpu.pipeline_mode<synchronous>, transform_indices = @transform_3, window_bounds = array<i64: 1, 256>}, {pipeline_mode = #tpu.pipeline_mode<synchronous>, transform_indices = @transform_4, window_bounds = array<i64: 1, 256>}, {pipeline_mode = #tpu.pipeline_mode<synchronous>, transform_indices = @transform_5, window_bounds = array<i64: 1, 256>}, {pipeline_mode = #tpu.pipeline_mode<synchronous>, transform_indices = @transform_6, window_bounds = array<i64: 256, 2048>}, {pipeline_mode = #tpu.pipeline_mode<synchronous>, transform_indices = @transform_7, window_bounds = array<i64: 1, 2048>}, {pipeline_mode = #tpu.pipeline_mode<synchronous>, transform_indices = @transform_8, window_bounds = array<i64: 2048, 256>}, {pipeline_mode = #tpu.pipeline_mode<synchronous>, transform_indices = @transform_9, window_bounds = array<i64: 1, 256>}, {pipeline_mode = #tpu.pipeline_mode<synchronous>, transform_indices = @transform_10, window_bounds = array<i64: 1, 256>}, {pipeline_mode = #tpu.pipeline_mode<synchronous>, transform_indices = @transform_11, window_bounds = array<i64: 1, 256>}, {transform_indices = @transform_12, window_bounds = array<i64: 400, 256>}]} {
    %get3A = arith.constant 0 : index
    %get3A_0 = arith.constant 0 : index
    %get3A_1 = vector.load %arg2[%get3A, %get3A_0] : memref<400x128xf32, #tpu.memory_space<vmem>>, vector<400x128xf32>
    %get3A_2 = arith.constant 0 : index
    %get3A_3 = arith.constant 0 : index
    %get3A_4 = vector.load %arg3[%get3A_2, %get3A_3] : memref<400x128xf32, #tpu.memory_space<vmem>>, vector<400x128xf32>
    %concatenate3A = tpu.concatenate %get3A_1, %get3A_4 in 1 : vector<400x128xf32>, vector<400x128xf32> -> vector<400x256xf32>
    %get3A_5 = arith.constant 0 : index
    %get3A_6 = arith.constant 0 : index
    %get3A_7 = vector.load %arg4[%get3A_5, %get3A_6] : memref<1x256xf32, #tpu.memory_space<vmem>>, vector<1x256xf32>
    %add3A = vector.broadcast %get3A_7 : vector<1x256xf32> to vector<400x256xf32>
    %add3A_8 = arith.addf %concatenate3A, %add3A : vector<400x256xf32>
    %get3A_9 = arith.constant 0 : index
    %get3A_10 = arith.constant 0 : index
    %get3A_11 = vector.load %arg1[%get3A_9, %get3A_10] : memref<400x256xf32, #tpu.memory_space<vmem>>, vector<400x256xf32>
    %add3A_12 = arith.addf %get3A_11, %add3A_8 : vector<400x256xf32>
    %get3A_13 = arith.constant 0 : index
    %get3A_14 = arith.constant 0 : index
    %get3A_15 = vector.load %arg5[%get3A_13, %get3A_14] : memref<1x256xf32, #tpu.memory_space<vmem>>, vector<1x256xf32>
    %get3A_16 = arith.constant 0 : index
    %get3A_17 = arith.constant 0 : index
    %get3A_18 = vector.load %arg6[%get3A_16, %get3A_17] : memref<1x256xf32, #tpu.memory_space<vmem>>, vector<1x256xf32>
    %reduce_sum3A = arith.constant dense<0.000000e+00> : vector<400xf32>
    %reduce_sum3A_19 = vector.multi_reduction <add>, %add3A_12, %reduce_sum3A [1] : vector<400x256xf32> to vector<400xf32>
    %broadcast_in_dim3A = vector.shape_cast %reduce_sum3A_19 : vector<400xf32> to vector<400x1xf32>
    %div3A = arith.constant 2.560000e+02 : f32
    %div3A_20 = vector.broadcast %div3A : f32 to vector<400x1xf32>
    %div3A_21 = arith.divf %broadcast_in_dim3A, %div3A_20 : vector<400x1xf32>
    %jit3A = arith.constant 0 : i32
    %reduce_sum3A_22 = arith.constant dense<0.000000e+00> : vector<400xf32>
    %reduce_sum3A_23 = vector.multi_reduction <add>, %add3A_12, %reduce_sum3A_22 [1] : vector<400x256xf32> to vector<400xf32>
    %broadcast_in_dim3A_24 = vector.shape_cast %reduce_sum3A_23 : vector<400xf32> to vector<400x1xf32>
    %div3A_25 = arith.constant 2.560000e+02 : f32
    %div3A_26 = vector.broadcast %div3A_25 : f32 to vector<400x1xf32>
    %div3A_27 = arith.divf %broadcast_in_dim3A_24, %div3A_26 : vector<400x1xf32>
    %sub3A = vector.broadcast %div3A_27 : vector<400x1xf32> to vector<400x256xf32>
    %sub3A_28 = arith.subf %add3A_12, %sub3A : vector<400x256xf32>
    %square3A = arith.mulf %sub3A_28, %sub3A_28 : vector<400x256xf32>
    %convert_element_type3A = arith.sitofp %jit3A : i32 to f32
    %sub3A_29 = arith.constant 2.560000e+02 : f32
    %sub3A_30 = arith.subf %sub3A_29, %convert_element_type3A : f32
    %reduce_sum3A_31 = arith.constant dense<0.000000e+00> : vector<400xf32>
    %reduce_sum3A_32 = vector.multi_reduction <add>, %square3A, %reduce_sum3A_31 [1] : vector<400x256xf32> to vector<400xf32>
    %broadcast_in_dim3A_33 = vector.shape_cast %reduce_sum3A_32 : vector<400xf32> to vector<400x1xf32>
    %div3A_34 = vector.broadcast %sub3A_30 : f32 to vector<400x1xf32>
    %div3A_35 = arith.divf %broadcast_in_dim3A_33, %div3A_34 : vector<400x1xf32>
    %gt3A = arith.constant 0.000000e+00 : f32
    %gt3A_36 = arith.cmpf ogt, %sub3A_30, %gt3A : f32
    %jit3A_37 = arith.constant 0x7FC00000 : f32
    %broadcast_in_dim3A_38 = vector.broadcast %jit3A_37 : f32 to vector<400x1xf32>
    %select_n3A = arith.select %gt3A_36, %div3A_35, %broadcast_in_dim3A_38 : vector<400x1xf32>
    %sub3A_39 = vector.broadcast %div3A_21 : vector<400x1xf32> to vector<400x256xf32>
    %sub3A_40 = arith.subf %add3A_12, %sub3A_39 : vector<400x256xf32>
    %add3A_41 = arith.constant 9.99999974E-6 : f32
    %add3A_42 = vector.broadcast %add3A_41 : f32 to vector<400x1xf32>
    %add3A_43 = arith.addf %select_n3A, %add3A_42 : vector<400x1xf32>
    %sqrt3A = math.sqrt %add3A_43 : vector<400x1xf32>
    %div3A_44 = vector.broadcast %sqrt3A : vector<400x1xf32> to vector<400x256xf32>
    %div3A_45 = arith.divf %sub3A_40, %div3A_44 : vector<400x256xf32>
    %mul3A = vector.broadcast %get3A_15 : vector<1x256xf32> to vector<400x256xf32>
    %mul3A_46 = arith.mulf %div3A_45, %mul3A : vector<400x256xf32>
    %add3A_47 = vector.broadcast %get3A_18 : vector<1x256xf32> to vector<400x256xf32>
    %add3A_48 = arith.addf %mul3A_46, %add3A_47 : vector<400x256xf32>
    %get3A_49 = arith.constant 0 : index
    %get3A_50 = arith.constant 0 : index
    %get3A_51 = vector.load %arg7[%get3A_49, %get3A_50] : memref<256x2048xf32, #tpu.memory_space<vmem>>, vector<256x2048xf32>
    %dot_general3A = arith.constant dense<0.000000e+00> : vector<400x2048xf32>
    %dot_general3A_52 = tpu.matmul %add3A_48, %get3A_51, %dot_general3A {dimension_numbers = #tpu.dot_dimension_numbers<[1], [0], [0], [1], [0, 0, 1, 1], [], []>, transpose_lhs_hint = false} : vector<400x256xf32>, vector<256x2048xf32>, vector<400x2048xf32> -> vector<400x2048xf32>
    %get3A_53 = arith.constant 0 : index
    %get3A_54 = arith.constant 0 : index
    %get3A_55 = vector.load %arg8[%get3A_53, %get3A_54] : memref<1x2048xf32, #tpu.memory_space<vmem>>, vector<1x2048xf32>
    %add3A_56 = vector.broadcast %get3A_55 : vector<1x2048xf32> to vector<400x2048xf32>
    %add3A_57 = arith.addf %dot_general3A_52, %add3A_56 : vector<400x2048xf32>
    %mul3A_58 = arith.constant 5.000000e-01 : f32
    %mul3A_59 = vector.broadcast %mul3A_58 : f32 to vector<400x2048xf32>
    %mul3A_60 = arith.mulf %mul3A_59, %add3A_57 : vector<400x2048xf32>
    %mul3A_61 = arith.constant 0.707106769 : f32
    %mul3A_62 = vector.broadcast %mul3A_61 : f32 to vector<400x2048xf32>
    %mul3A_63 = arith.mulf %add3A_57, %mul3A_62 : vector<400x2048xf32>
    %erf3A = math.erf %mul3A_63 : vector<400x2048xf32>
    %add3A_64 = arith.constant 1.000000e+00 : f32
    %add3A_65 = vector.broadcast %add3A_64 : f32 to vector<400x2048xf32>
    %add3A_66 = arith.addf %add3A_65, %erf3A : vector<400x2048xf32>
    %mul3A_67 = arith.mulf %mul3A_60, %add3A_66 : vector<400x2048xf32>
    %get3A_68 = arith.constant 0 : index
    %get3A_69 = arith.constant 0 : index
    %get3A_70 = vector.load %arg9[%get3A_68, %get3A_69] : memref<2048x256xf32, #tpu.memory_space<vmem>>, vector<2048x256xf32>
    %dot_general3A_71 = arith.constant dense<0.000000e+00> : vector<400x256xf32>
    %dot_general3A_72 = tpu.matmul %mul3A_67, %get3A_70, %dot_general3A_71 {dimension_numbers = #tpu.dot_dimension_numbers<[1], [0], [0], [1], [0, 0, 1, 1], [], []>, transpose_lhs_hint = false} : vector<400x2048xf32>, vector<2048x256xf32>, vector<400x256xf32> -> vector<400x256xf32>
    %get3A_73 = arith.constant 0 : index
    %get3A_74 = arith.constant 0 : index
    %get3A_75 = vector.load %arg10[%get3A_73, %get3A_74] : memref<1x256xf32, #tpu.memory_space<vmem>>, vector<1x256xf32>
    %add3A_76 = vector.broadcast %get3A_75 : vector<1x256xf32> to vector<400x256xf32>
    %add3A_77 = arith.addf %dot_general3A_72, %add3A_76 : vector<400x256xf32>
    %add3A_78 = arith.addf %add3A_48, %add3A_77 : vector<400x256xf32>
    %get3A_79 = arith.constant 0 : index
    %get3A_80 = arith.constant 0 : index
    %get3A_81 = vector.load %arg11[%get3A_79, %get3A_80] : memref<1x256xf32, #tpu.memory_space<vmem>>, vector<1x256xf32>
    %get3A_82 = arith.constant 0 : index
    %get3A_83 = arith.constant 0 : index
    %get3A_84 = vector.load %arg12[%get3A_82, %get3A_83] : memref<1x256xf32, #tpu.memory_space<vmem>>, vector<1x256xf32>
    %reduce_sum3A_85 = arith.constant dense<0.000000e+00> : vector<400xf32>
    %reduce_sum3A_86 = vector.multi_reduction <add>, %add3A_78, %reduce_sum3A_85 [1] : vector<400x256xf32> to vector<400xf32>
    %broadcast_in_dim3A_87 = vector.shape_cast %reduce_sum3A_86 : vector<400xf32> to vector<400x1xf32>
    %div3A_88 = arith.constant 2.560000e+02 : f32
    %div3A_89 = vector.broadcast %div3A_88 : f32 to vector<400x1xf32>
    %div3A_90 = arith.divf %broadcast_in_dim3A_87, %div3A_89 : vector<400x1xf32>
    %jit3A_91 = arith.constant 0 : i32
    %reduce_sum3A_92 = arith.constant dense<0.000000e+00> : vector<400xf32>
    %reduce_sum3A_93 = vector.multi_reduction <add>, %add3A_78, %reduce_sum3A_92 [1] : vector<400x256xf32> to vector<400xf32>
    %broadcast_in_dim3A_94 = vector.shape_cast %reduce_sum3A_93 : vector<400xf32> to vector<400x1xf32>
    %div3A_95 = arith.constant 2.560000e+02 : f32
    %div3A_96 = vector.broadcast %div3A_95 : f32 to vector<400x1xf32>
    %div3A_97 = arith.divf %broadcast_in_dim3A_94, %div3A_96 : vector<400x1xf32>
    %sub3A_98 = vector.broadcast %div3A_97 : vector<400x1xf32> to vector<400x256xf32>
    %sub3A_99 = arith.subf %add3A_78, %sub3A_98 : vector<400x256xf32>
    %square3A_100 = arith.mulf %sub3A_99, %sub3A_99 : vector<400x256xf32>
    %convert_element_type3A_101 = arith.sitofp %jit3A_91 : i32 to f32
    %sub3A_102 = arith.constant 2.560000e+02 : f32
    %sub3A_103 = arith.subf %sub3A_102, %convert_element_type3A_101 : f32
    %reduce_sum3A_104 = arith.constant dense<0.000000e+00> : vector<400xf32>
    %reduce_sum3A_105 = vector.multi_reduction <add>, %square3A_100, %reduce_sum3A_104 [1] : vector<400x256xf32> to vector<400xf32>
    %broadcast_in_dim3A_106 = vector.shape_cast %reduce_sum3A_105 : vector<400xf32> to vector<400x1xf32>
    %div3A_107 = vector.broadcast %sub3A_103 : f32 to vector<400x1xf32>
    %div3A_108 = arith.divf %broadcast_in_dim3A_106, %div3A_107 : vector<400x1xf32>
    %gt3A_109 = arith.constant 0.000000e+00 : f32
    %gt3A_110 = arith.cmpf ogt, %sub3A_103, %gt3A_109 : f32
    %jit3A_111 = arith.constant 0x7FC00000 : f32
    %broadcast_in_dim3A_112 = vector.broadcast %jit3A_111 : f32 to vector<400x1xf32>
    %select_n3A_113 = arith.select %gt3A_110, %div3A_108, %broadcast_in_dim3A_112 : vector<400x1xf32>
    %sub3A_114 = vector.broadcast %div3A_90 : vector<400x1xf32> to vector<400x256xf32>
    %sub3A_115 = arith.subf %add3A_78, %sub3A_114 : vector<400x256xf32>
    %add3A_116 = arith.constant 9.99999974E-6 : f32
    %add3A_117 = vector.broadcast %add3A_116 : f32 to vector<400x1xf32>
    %add3A_118 = arith.addf %select_n3A_113, %add3A_117 : vector<400x1xf32>
    %sqrt3A_119 = math.sqrt %add3A_118 : vector<400x1xf32>
    %div3A_120 = vector.broadcast %sqrt3A_119 : vector<400x1xf32> to vector<400x256xf32>
    %div3A_121 = arith.divf %sub3A_115, %div3A_120 : vector<400x256xf32>
    %mul3A_122 = vector.broadcast %get3A_81 : vector<1x256xf32> to vector<400x256xf32>
    %mul3A_123 = arith.mulf %div3A_121, %mul3A_122 : vector<400x256xf32>
    %add3A_124 = vector.broadcast %get3A_84 : vector<1x256xf32> to vector<400x256xf32>
    %add3A_125 = arith.addf %mul3A_123, %add3A_124 : vector<400x256xf32>
    %swap3A = arith.constant 0 : index
    %swap3A_126 = arith.constant 0 : index
    %swap3A_127 = vector.load %arg13[%swap3A, %swap3A_126] : memref<400x256xf32, #tpu.memory_space<vmem>>, vector<400x256xf32>
    tpu.vector_store %arg13[%swap3A, %swap3A_126], %add3A_125 {strides = array<i32>} : memref<400x256xf32, #tpu.memory_space<vmem>>, vector<400x256xf32>,
    return
  }
  func.func @transform_0(%arg0: i32) -> (i32, i32) {
    %c0_i32 = arith.constant 0 : i32
    %c0_i32_0 = arith.constant 0 : i32
    return %arg0, %c0_i32 : i32, i32
  }
  func.func @transform_1(%arg0: i32) -> (i32, i32) {
    %c0_i32 = arith.constant 0 : i32
    %c0_i32_0 = arith.constant 0 : i32
    return %arg0, %c0_i32 : i32, i32
  }
  func.func @transform_2(%arg0: i32) -> (i32, i32) {
    %c0_i32 = arith.constant 0 : i32
    %c0_i32_0 = arith.constant 0 : i32
    return %arg0, %c0_i32 : i32, i32
  }
  func.func @transform_3(%arg0: i32) -> (i32, i32) {
    %c0_i32 = arith.constant 0 : i32
    %c0_i32_0 = arith.constant 0 : i32
    %c0_i32_1 = arith.constant 0 : i32
    return %c0_i32, %c0_i32_0 : i32, i32
  }
  func.func @transform_4(%arg0: i32) -> (i32, i32) {
    %c0_i32 = arith.constant 0 : i32
    %c0_i32_0 = arith.constant 0 : i32
    %c0_i32_1 = arith.constant 0 : i32
    return %c0_i32, %c0_i32_0 : i32, i32
  }
  func.func @transform_5(%arg0: i32) -> (i32, i32) {
    %c0_i32 = arith.constant 0 : i32
    %c0_i32_0 = arith.constant 0 : i32
    %c0_i32_1 = arith.constant 0 : i32
    return %c0_i32, %c0_i32_0 : i32, i32
  }
  func.func @transform_6(%arg0: i32) -> (i32, i32) {
    %c0_i32 = arith.constant 0 : i32
    %c0_i32_0 = arith.constant 0 : i32
    %c0_i32_1 = arith.constant 0 : i32
    return %c0_i32, %c0_i32_0 : i32, i32
  }
  func.func @transform_7(%arg0: i32) -> (i32, i32) {
    %c0_i32 = arith.constant 0 : i32
    %c0_i32_0 = arith.constant 0 : i32
    %c0_i32_1 = arith.constant 0 : i32
    return %c0_i32, %c0_i32_0 : i32, i32
  }
  func.func @transform_8(%arg0: i32) -> (i32, i32) {
    %c0_i32 = arith.constant 0 : i32
    %c0_i32_0 = arith.constant 0 : i32
    %c0_i32_1 = arith.constant 0 : i32
    return %c0_i32, %c0_i32_0 : i32, i32
  }
  func.func @transform_9(%arg0: i32) -> (i32, i32) {
    %c0_i32 = arith.constant 0 : i32
    %c0_i32_0 = arith.constant 0 : i32
    %c0_i32_1 = arith.constant 0 : i32
    return %c0_i32, %c0_i32_0 : i32, i32
  }
  func.func @transform_10(%arg0: i32) -> (i32, i32) {
    %c0_i32 = arith.constant 0 : i32
    %c0_i32_0 = arith.constant 0 : i32
    %c0_i32_1 = arith.constant 0 : i32
    return %c0_i32, %c0_i32_0 : i32, i32
  }
  func.func @transform_11(%arg0: i32) -> (i32, i32) {
    %c0_i32 = arith.constant 0 : i32
    %c0_i32_0 = arith.constant 0 : i32
    %c0_i32_1 = arith.constant 0 : i32
    return %c0_i32, %c0_i32_0 : i32, i32
  }
  func.func @transform_12(%arg0: i32) -> (i32, i32) {
    %c0_i32 = arith.constant 0 : i32
    %c0_i32_0 = arith.constant 0 : i32
    return %arg0, %c0_i32 : i32, i32
  }
}

</mosaic_0001>

<sc_bundles>
// kernel: gather_offload_async_start.1
scs
__scs_entry_jumppad:
0x0: {  	(pc) =	sbr.rel $0x88, $3  }
0x1: {  	(tag) =	ssettag $0x0;
	lr =	simm.s32 $0x1  }
0x2: {  	[smem:$0x3F8D] =	sst lr;
	_ =	strace $0xD0000000  }
0x3: {  	_ = 	snop  }
0x4: {  	_ = 	snop  }
0x5: {  	_ = 	snop  }
0x6: {  	_ = 	snop  }
0x7: {  	_ = 	snop  }
__scs_overlays_trampoline_lowered:
0x8: {  	[smem:$0x3F9C] =	sst s0  }
0x9: {  	[smem:$0x3F9D] =	sst s1  }
0xa: {  	[smem:$0x3F9E] =	sst s2  }
0xb: {  	[smem:$0x3F9F] =	sst s3  }
0xc: {  	[smem:$0x3FA0] =	sst s4  }
0xd: {  	[smem:$0x3FA1] =	sst s5  }
0xe: {  	[smem:$0x3FA2] =	sst s6  }
0xf: {  	[smem:$0x3FA3] =	sst s7  }
0x10: {  	[smem:$0x3FA4] =	sst s8  }
0x11: {  	[smem:$0x3FA5] =	sst s9;
	s0 =	simm.s32 @!p0 $0x0  }
0x12: {  	s1 =	sld [smem:$0x3F8B];
	s0 =	simm.s32 @p0 $0x1  }
0x13: {  	[smem:$0x3FA6] =	sst s0;
	s0 =	simm.s32 @!p1 $0x0  }
0x14: {  	s2 =	sld [smem:$0x3F8A];
	s0 =	simm.s32 @p1 $0x1  }
0x15: {  	[smem:$0x3FA7] =	sst s0;
	s0 =	simm.s32 @!p2 $0x0  }
0x16: {  	s3 =	sld [smem:$0x3FDB];
	s0 =	simm.s32 @p2 $0x1  }
0x17: {  	s4 =	simm.s32 $0x1BF5;
	[smem:$0x3FA9] =	sst s0  }
0x18: {  	s0 =	sld [smem:$0x3F8C];
	_ =	swait.ge [sflag:s4], $0x0  }
0x19: {  	s7 =	sld [smem:$0x3F8D]  }
0x1a: {  	s8 =	sadd.s32 $0xFFFFE003, lr  }
0x1b: {  	s9 =	sadd.s32 $0xFFFFFEF7, lr;
	s5 =	simm.s32 $0xFFFFFFFF;
	p2 =	slt.u32 s8, $0xFFFFF086  }
0x1c: {  	p1 =	slt.u32 s9, $0xF7A;
	s5 =	simm.s32 @!p2 $0x0  }
0x1d: {  	s5 =	simm.s32 @p1 $0x1;
	p0 =	seq.s32 s7, s2  }
0x1e: {  	s7 =	smul.u32 @!p0 $0xF7A, s2;
	p2 =	seq.s32 @!p0 s5, $0x0  }
0x1f: {  	s9 =	smul.u32 $0xF7A, s1;
	s8 =	simm.s32 @!p0 $0x1BF5;
	p2 =	por !p2, p0  }
0x20: {  	[sflag:s8] =	ssyncset.s32 @!p0 $0xFFFFF086;
	s6 =	sadd.s32 @!p0 s3, s7;
	s7 =	simm.s32 @!p0 $0x108  }
0x21: {  	s3 =	sadd.s32 s3, s9;
	s6 =	sadd.s32 @!p0 $0x88, s6;
	s7 =	simm.s32 @p2 $0x1082  }
0x22: {  	[simem:s7], [sflag:s8] =	dma.local @!p0 [hbm:s6], $0xF7A  }
0x23: {  	s9 =	sor.u32 $0xD0000000, s2;
	s6 =	simm.s32 $0x108;
	_ =	swait.ge @!p0 [sflag:s8], $0x0  }
0x24: {  	s3 =	sadd.s32 $0x88, s3;
	s6 =	simm.s32 @!p1 $0x1082;
	[sflag:s4] =	ssyncset.s32 $0xFFFFF086  }
0x25: {  	[simem:s6], [sflag:s4] =	dma.local [hbm:s3], $0xF7A  }
0x26: {  	[smem:$0x3F8D] =	sst s1;
	(tag) =	ssettag s2;
	_ =	strace s9  }
0x27: {  	s1 =	sld [smem:$0x3F9D]  }
0x28: {  	s2 =	sld [smem:$0x3F9E]  }
0x29: {  	s4 =	sld [smem:$0x3FA0]  }
0x2a: {  	p0 =	seq.s32 s5, $0x0;
	s5 =	sld [smem:$0x3FA1]  }
0x2b: {  	s6 =	sld [smem:$0x3FA2]  }
0x2c: {  	s7 =	sld [smem:$0x3FA3]  }
0x2d: {  	s3 =	simm.s32 $0x108;
	s8 =	sld [smem:$0x3FA4]  }
0x2e: {  	s3 =	simm.s32 @!p0 $0x1082;
	s9 =	sld [smem:$0x3FA5]  }
0x2f: {  	lr =	sadd.s32 s0, s3;
	s0 =	sld [smem:$0x3F9C]  }
0x30: {  	s3 =	sld [smem:$0x3F9F]  }
0x31: {  	[smem:$0x3FA8] =	sst s10  }
0x32: {  	s10 =	sld [smem:$0x3FA6];
	_ =	sdelay $0x3  }
0x33: {  	p0 =	seq.s32 s10, $0x1;
	s10 =	sld [smem:$0x3FA8];
	_ =	sdelay $0x3  }
0x34: {  	[smem:$0x3FA8] =	sst s10  }
0x35: {  	s10 =	sld [smem:$0x3FA7];
	_ =	sdelay $0x3  }
0x36: {  	p1 =	seq.s32 s10, $0x1;
	s10 =	sld [smem:$0x3FA8];
	_ =	sdelay $0x3  }
0x37: {  	[smem:$0x3FA8] =	sst s10  }
0x38: {  	s10 =	sld [smem:$0x3FA9]  }
0x39: {  	_ = 	snop;
	(pc) =	sbr.ind lr, $3  }
0x3a: {  	_ = 	snop  }
0x3b: {  	_ = 	snop  }
0x3c: {  	p2 =	seq.s32 s10, $0x1;
	s10 =	sld [smem:$0x3FA8]  }
0x3d: {  	_ =	shalt  }
0x3e: {  	_ =	shalt  }
0x3f: {  	_ =	shalt  }
0x40: {  	_ =	shalt  }
0x41: {  	_ =	shalt  }
0x42: {  	_ =	shalt  }
0x43: {  	_ =	shalt  }
0x44: {  	_ =	shalt  }
0x45: {  	_ =	shalt  }
0x46: {  	_ =	shalt  }
0x47: {  	_ =	shalt  }
0x48: {  	_ =	shalt  }
0x49: {  	_ =	shalt  }
0x4a: {  	_ =	shalt  }
0x4b: {  	_ =	shalt  }
0x4c: {  	_ =	shalt  }
0x4d: {  	_ =	shalt  }
0x4e: {  	_ =	shalt  }
0x4f: {  	_ =	shalt  }
0x50: {  	_ =	shalt  }
0x51: {  	_ =	shalt  }
0x52: {  	_ =	shalt  }
0x53: {  	_ =	shalt  }
0x54: {  	_ =	shalt  }
0x55: {  	_ =	shalt  }
0x56: {  	_ =	shalt  }
0x57: {  	_ =	shalt  }
0x58: {  	_ =	shalt  }
0x59: {  	_ =	shalt  }
0x5a: {  	_ =	shalt  }
0x5b: {  	_ =	shalt  }
0x5c: {  	_ =	shalt  }
0x5d: {  	_ =	shalt  }
0x5e: {  	_ =	shalt  }
0x5f: {  	_ =	shalt  }
0x60: {  	_ =	shalt  }
0x61: {  	_ =	shalt  }
0x62: {  	_ =	shalt  }
0x63: {  	_ =	shalt  }
0x64: {  	_ =	shalt  }
0x65: {  	_ =	shalt  }
0x66: {  	_ =	shalt  }
0x67: {  	_ =	shalt  }
0x68: {  	_ =	shalt  }
0x69: {  	_ =	shalt  }
0x6a: {  	_ =	shalt  }
0x6b: {  	_ =	shalt  }
0x6c: {  	_ =	shalt  }
0x6d: {  	_ =	shalt  }
0x6e: {  	_ =	shalt  }
0x6f: {  	_ =	shalt  }
0x70: {  	_ =	shalt  }
0x71: {  	_ =	shalt  }
0x72: {  	_ =	shalt  }
0x73: {  	_ =	shalt  }
0x74: {  	_ =	shalt  }
0x75: {  	_ =	shalt  }
0x76: {  	_ =	shalt  }
0x77: {  	_ =	shalt  }
0x78: {  	_ =	shalt  }
0x79: {  	_ =	shalt  }
0x7a: {  	_ =	shalt  }
0x7b: {  	_ =	shalt  }
0x7c: {  	_ =	shalt  }
0x7d: {  	_ =	shalt  }
0x7e: {  	_ =	shalt  }
0x7f: {  	_ =	shalt  }
0x80: {  	_ =	shalt  }
0x81: {  	_ =	shalt  }
0x82: {  	_ =	shalt  }
0x83: {  	_ =	shalt  }
0x84: {  	_ =	shalt  }
0x85: {  	_ =	shalt  }
0x86: {  	_ =	shalt  }
0x87: {  	_ =	shalt  }
.Lfunc_end0:
.L_simem_size_0:
called_computation.1_lowered:
.L_overlay_start_0:
0x88: {  	s2 =	sld [smem:$0x3FD9]  }
0x89: {  	s3 =	sld [smem:$0x3FFE];
	_ =	sdelay $0x1  }
0x8a: {  	s1 =	srdreg.scid  }
0x8b: {  	s0 =	sand.u32 $0x1, s1  }
0x8c: {  	s15 =	sshll.u32 s0, $0xA;
	s2 =	sadd.s32 s3, s2  }
0x8d: {  	s2 =	sadd.s32 s2, s15  }
0x8e: {  	[smem:$0x3FB4] =	sst s2  }
0x8f: {  	_ = 	snop  }
0x90: {  	s2 =	sld [smem:$0x3FD0];
	_ =	sdelay $0x2  }
0x91: {  	s16 =	simm.s32 $0xF;
	s4 =	simm.s32 $0x10  }
0x92: {  	[smem:s4], [sflag:s16] =	dma.local [hbm:s2], $0x1  }
0x93: {  	_ =	swait.eq [sflag:s16], $0x1  }
0x94: {  	[sflag:s16] =	ssyncset.done $0x0  }
0x95: {  	[sflag:s16] =	ssyncadd.s32 $0xFFFFFFFF  }
0x96: {  	s17 =	sld [smem:$0x11];
	(tm) =	ssettm $0x1  }
0x97: {  	s18 =	sld [smem:$0x3FFB];
	_ =	sdelay $0x3  }
0x98: {  	_ =	strace s18  }
0x99: {  	s2 =	sld [smem:$0x3FFC];
	_ =	sdelay $0x3  }
0x9a: {  	_ =	strace s2  }
0x9b: {  	s2 =	sld [smem:$0x3FFD];
	_ =	sdelay $0x3  }
0x9c: {  	_ =	strace s2  }
0x9d: {  	_ =	strace $0x8FFFFFFF  }
0x9e: {  	s19 =	sld [smem:$0x3FDB];
	_ =	sdelay $0x1  }
0x9f: {  	s20 =	simm.s32 $_scs_section_size  }
0xa0: {  	s5 =	simm.s32 $_size__tile_overlayer_lowered;
	s6 =	simm.s32 $_tile_overlayer_lowered  }
0xa1: {  	s7 =	simm.s32 $0x1BFF;
	s21 =	sshll.u32 s6, $0x1;
	s4 =	sadd.s32 s20, s19  }
0xa2: {  	s22 =	simm.s32 $0x0;
	s5 =	sshll.u32 s5, $0x1;
	s6 =	sadd.s32 s21, s4  }
0xa3: {  	[timem:s22], [sflag:s7] =	dma.local [hbm:s6], s5  }
0xa4: {  	_ =	swait.ge [sflag:s7], s5  }
0xa5: {  	s5 =	ssub.s32 $0x0, s5;
	[sflag:s7] =	ssyncset.done $0x0  }
0xa6: {  	[sflag:s7] =	ssyncadd.s32 s5;
	_ =	sdelay $0x1  }
0xa7: {  	s23 =	simm.s32 $0x1B8B  }
0xa8: {  	_ =	swait.ge [sflag:s23], $0x1  }
0xa9: {  	[sflag:s23] =	ssyncset.done $0x0  }
0xaa: {  	[sflag:s23] =	ssyncadd.s32 $0xFFFFFFFF  }
0xab: {  	s5 =	sld [smem:$0x0]  }
0xac: {  	s6 =	sand.u32 $0xFFFFFFFE, s1  }
0xad: {  	p0 =	sne.s32 s1, s6  }
0xae: {  	s6 =	sshll.u32 @p0 s6, $0xE  }
0xaf: {  	s6 =	sadd.s32 @p0 $0x11B8D, s6;
	s7 =	sshll.u32 @p0 s5, $0x11  }
0xb0: {  	s6 =	sor.u32 @p0 s7, s6  }
0xb1: {  	[sflag:s6] =	ssyncadd.remote.s32 @p0 $0x1;
	_ =	sdelay $0x1  }
0xb2: {  	s6 =	simm.s32 @p0 $0x1B8D  }
0xb3: {  	_ =	swait.eq @p0 [sflag:s6], $0x1  }
0xb4: {  	[sflag:s6] =	ssyncadd.s32 @p0 $0xFFFFFFFF  }
0xb5: {  	s7 =	sshll.u32 @!p0 s1, $0xE  }
0xb6: {  	s7 =	sor.u32 @!p0 $0x4000, s7;
	s6 =	simm.s32 @!p0 $0x1B8D  }
0xb7: {  	s5 =	sshll.u32 @!p0 s5, $0x11;
	s7 =	sadd.s32 @!p0 $0x11B8D, s7;
	_ =	swait.eq @!p0 [sflag:s6], $0x1  }
0xb8: {  	s5 =	sor.u32 @!p0 s5, s7;
	[sflag:s6] =	ssyncadd.s32 @!p0 $0xFFFFFFFF  }
0xb9: {  	s25 =	simm.s32 $0x1B8E;
	s24 =	sld [smem:$0x3FFE];
	[sflag:s5] =	ssyncadd.remote.s32 @!p0 $0x1  }
0xba: {  	s26 =	simm.s32 $execute0_lowered;
	[smem:$0x3FD2] =	sst s25  }
0xbb: {  	s6 =	sshll.u32 s26, $0x1;
	_ =	strace $0x80000052;
	[dreg:$0x1] =	wrdreg $0xFFFFFFFF  }
0xbc: {  	s28 =	simm.s32 $_size_execute0_lowered;
	s4 =	sadd.s32 s4, s6;
	[dreg:$0x0] =	wrdreg $0x0  }
0xbd: {  	s6 =	sshll.u32 s28, $0x1;
	[dreg:$0x2] =	wrdreg s4  }
0xbe: {  	[dreg:$0x3] =	wrdreg s6  }
0xbf: {  	[dreg:$0x4] =	wrdreg $0xC0  }
0xc0: {  	_ =	task [dreg:s22], $0x5FFFF  }
0xc1: {  	[dreg:$0x1] =	wrdreg $0xFFFFFFFF  }
0xc2: {  	[dreg:$0x0] =	wrdreg $0x60  }
0xc3: {  	[dreg:$0x2] =	wrdreg s17  }
0xc4: {  	[dreg:$0x3] =	wrdreg s24  }
0xc5: {  	[dreg:$0x4] =	wrdreg $0xA  }
0xc6: {  	_ =	task.clear_ibuf [dreg:s22], $0x5FFFF;
	_ =	strace $0x90000052  }
0xc7: {  	s29 =	simm.s32 $0xA;
	_ =	strace $0x80000054  }
0xc8: {  	_ =	swait.ge [sflag:s29], $0x1  }
0xc9: {  	[sflag:s29] =	ssyncadd.s32 $0xFFFFFFFF  }
0xca: {  	_ =	strace $0x90000054  }
0xcb: {  	_ =	sfence  }
0xcc: {  	s30 =	sld [smem:$0x0];
	_ =	sdelay $0x2  }
0xcd: {  	s31 =	sshll.u32 s1, $0xD;
	s1 =	sshrl.u32 s1, $0x2  }
0xce: {  	s4 =	sand.u32 $0x4000, s31;
	s1 =	sadd.s32 s1, s30  }
0xcf: {  	s0 =	sor.u32 s4, s0;
	s1 =	sshll.u32 s1, $0x11  }
0xd0: {  	s0 =	sor.u32 s1, s0  }
0xd1: {  	s0 =	sadd.s32 $0x8F2B, s0  }
0xd2: {  	[sflag:s0] =	ssyncadd.remote.s32 $0x1  }
0xd3: {  	_ =	sfence.sel $0xFFFF  }
0xd4: {  	[dreg:$0x0] =	wrdreg $0xFFFFFFFF;
	(pc) =	sbr.abs _section_cstart, $3  }
0xd5: {  	[dreg:$0x1] =	wrdreg $0xFFFFFFFF  }
0xd6: {  	_ =	task.clear_ibuf [dreg:s22], $0x2FFFF;
	_ =	strace $0x9FFFFFFF  }
0xd7: {  	(tm) =	ssettm $0x7FFFFFFF  }
tec
execute0_lowered:
.L_overlay_start_1:
0x0: {  	(tag) =	ssettag $0x1  }
0x1: {  	s2 =	rddreg [dreg:$0x0]  }
0x2: {  	s7 =	rddreg [dreg:$0x1]  }
0x3: {  	s0 =	rddreg [dreg:$0x2]  }
0x4: {  	s1 =	srdreg.scid;
	_ =	strace $0x80000053;
	s4 =	simm.s32 $0x1  }
0x5: {  	s9 =	simm.s32 $0x3;
	s12 =	simm.s32 $0x0;
	s5 =	sshll.u32 s1, $0x4  }
.Ltmp0:
0x6: {  	s1 =	stileid.u32;
	s5 =	sand.u32 $0x10, s5;
	(pc) =	sbr.rel .LBB2_1-.Ltmp0, $4  }
0x7: {  	s10 =	simm.s32 $0x0;
	s3 =	sadd.s32 $0x7000, s7;
	s6 =	sor.u32 s1, s5  }
0x8: {  	[sflag:s4] =	ssyncpa.u1 $0x0;
	s5 =	simm.s32 $0x2;
	s6 =	sshll.u32 s6, $0x6  }
0x9: {  	s7 =	sadd.s32 $0x27600, s7;
	[sflag:s5] =	ssyncpa.u1 $0x0;
	s8 =	sadd.s32 $0x40, s6  }
0xa: {  	vm0 =	vmmov $0xff;
	vm1 =	vcmask $0x3F20;
	[sflag:s9] =	ssyncpa.u1 $0x0;
	s9 =	simm.s32 $0x40;
	s11 =	smov.u32 s6  }
.LBB2_10:
0xb: {  	[hbm:s16] =	stream.linear.scatter [tilespmem:s13], [sflag:$0x3], $0x800, $0x38;
	[tilespmem:$0x8080] =	vst v63  }
.LBB2_11:
0xc: {  	p0 =	seq.s32 s10, $0x2  }
.Ltmp1:
0xd: {  	_ = 	snop;
	(pc) =	sbr.rel @p0 .LBB2_13-.Ltmp1, $1  }
0xe: {  	_ =	sdelay $0x3  }
.LBB2_12:
0xf: {  	s12 =	sadd.s32 $0x40, s11  }
0x10: {  	s13 =	smov.u32 s6;
	p0 =	slt.s32 s12, s8  }
0x11: {  	s13 =	smov.u32 @p0 s12  }
0x12: {  	s10 =	sadd.s32 $0x1, s10;
	s12 =	smov.u32 s11;
	s11 =	smov.u32 s13  }
.LBB2_1:
0x13: {  	p0 =	sne.s32 s10, $0x0  }
.Ltmp2:
0x14: {  	_ = 	snop;
	(pc) =	sbr.rel @!p0 .LBB2_2-.Ltmp2, $1  }
0x15: {  	_ =	sdelay $0x3  }
0x16: {  	s13 =	sand.u32 $0x1, s10  }
0x17: {  	p0 =	seq.s32 s13, $0x0  }
.Ltmp3:
0x18: {  	_ = 	snop;
	(pc) =	sbr.rel @p0 .LBB2_11-.Ltmp3, $1  }
0x19: {  	_ =	sdelay $0x3  }
0x1a: {  	_ =	swait.ge [sflag:s5], $0x40  }
0x1b: {  	[sflag:s5] =	ssyncset.done $0x0  }
0x1c: {  	s13 =	simm.s32 $0x0;
	[sflag:s5] =	ssyncadd.s32 $0xFFFFFFC0  }
.LBB2_5:
0x1d: {  	s14 =	sshll.u32 s13, $0x4  }
0x1e: {  	s14 =	sand.u32 $0x3FFFFFF0, s14  }
0x1f: {  	v0 =	vld.msk [tilespmem:s14+$0x40 ss:$0x1], $0xffff;
	_ =	sdelay $0x4  }
0x20: {  	vm2 =	vgt.s32 v0, $0x0  }
0x21: {  	v0 =	vnsel vm2, $0x0, v0  }
0x22: {  	v0 =	vmin.u32 v0, $0x7FF  }
0x23: {  	s31 =	sshll.u32 s13, $0xC;
	v1 =	vshll.u32 v0, $0x5;
	v0 =	vshll.u32 v0, $0x4  }
0x24: {  	s14 =	sand.u32 $0x3FFFF000, s31;
	v1 =	vand.u32 $0xFF00, v1;
	v0 =	vand.u32 $0x70, v0  }
0x25: {  	p0 =	por $0x1, $0x1;
	s15 =	simm.s32 $0x0;
	s14 =	sadd.s32 $0x4080, s14;
	v0 =	vor.u32 v0, v1  }
.LBB2_6:
0x26: {  	_ =	sdelay $0x1  }
0x27: {  	s15 =	sshra.s32 s15, $0x2;
	p1 =	por p0, p0  }
.Ltmp4:
0x28: {  	s15 =	sadd.s32 s15, s14;
	(pc) =	sbr.rel @p1 .LBB2_6-.Ltmp4, $4  }
0x29: {  	[tilespmem:s15], [sflag:$0x1] =	stream.indirect_vreg.gather [hbm:s2], $0x80, v0, vm0, $0x38;
	[tilespmem:$0x8080] =	vst v63  }
0x2a: {  	s15 =	sadd.s32 $0x800, s15  }
0x2b: {  	[tilespmem:s15], [sflag:$0x1] =	stream.indirect_vreg.gather [hbm:s2], $0x80, v0, vm1, $0x38;
	[tilespmem:$0x8080] =	vst v63  }
0x2c: {  	p0 =	por $0x0, $0x0;
	v0 =	vadd.s32 $0x80, v0;
	s15 =	simm.s32 $0x1000  }
0x2d: {  	s13 =	sadd.s32 $0x1, s13  }
0x2e: {  	p0 =	sne.s32 s13, $0x4  }
.Ltmp5:
0x2f: {  	_ = 	snop;
	(pc) =	sbr.rel @p0 .LBB2_5-.Ltmp5, $1  }
0x30: {  	_ =	sdelay $0x3  }
0x31: {  	s13 =	sshll.u32 s12, $0x5  }
0x32: {  	_ =	swait.ge [sflag:s4], $0x4000;
	s31 =	sshll.u32 s12, $0x4;
	s13 =	sand.u32 $0xFFFFFF00, s13  }
0x33: {  	s14 =	simm.s32 $0x100;
	s12 =	sand.u32 $0x70, s31;
	s13 =	sadd.s32 s13, s7  }
0x34: {  	s15 =	simm.s32 $0x4880;
	[sflag:s4] =	ssyncset.done $0x0;
	s12 =	sadd.s32 s12, s13  }
0x35: {  	[sflag:s4] =	ssyncadd.s32 $0xFFFFC000;
	s13 =	simm.s32 $0x4080;
	s16 =	sadd.s32 $0x0, s12  }
.LBB2_9:
0x36: {  	[hbm:s16] =	stream.linear.scatter [tilespmem:s13], [sflag:$0x3], $0x800, $0x38;
	[tilespmem:$0x8080] =	vst v63  }
0x37: {  	s16 =	smov.u32 s14;
	s13 =	smov.u32 s15;
	p0 =	sne.s32 s14, $0x700  }
.Ltmp6:
0x38: {  	s14 =	sadd.s32 $0x100, s14;
	(pc) =	sbr.rel @p0 .LBB2_9-.Ltmp6, $2  }
0x39: {  	_ =	sdelay $0x2  }
0x3a: {  	s15 =	sadd.s32 $0x800, s15;
	s16 =	sadd.s32 s16, s12  }
.Ltmp7:
0x3b: {  	_ = 	snop;
	(pc) =	sbr.rel .LBB2_10-.Ltmp7, $1  }
0x3c: {  	_ =	sdelay $0x3  }
.LBB2_2:
.Ltmp8:
0x3d: {  	(pc) =	sbr.rel .LBB2_12-.Ltmp8, $4  }
0x3e: {  	_ = 	snop  }
0x3f: {  	s12 =	sshrl.u32 s11, $0x3  }
0x40: {  	s13 =	sand.u32 $0x7, s11;
	s12 =	sadd.s32 s3, s12  }
0x41: {  	[tilespmem:s9], [sflag:$0x2] =	stream.linear.gather [hbm4b:s12+s13], $0x40, $0x38;
	[tilespmem:$0x8080] =	vst v63  }
.LBB2_13:
0x42: {  	s2 =	simm.s32 $0x3  }
0x43: {  	_ =	swait.ge [sflag:s2], $0x4000  }
0x44: {  	[sflag:s2] =	ssyncset.done $0x0  }
0x45: {  	[sflag:s2] =	ssyncadd.s32 $0xFFFFC000  }
0x46: {  	_ =	sfence.sel $0x180000  }
0x47: {  	s3 =	simm.s32 $0x2;
	[bflag:$0x0] =	sbarrier.arrive $0xFFFF  }
0x48: {  	[sflag:s3] =	ssyncpa.u1 $0x1  }
0x49: {  	s31 =	simm.s32 $0x1;
	[sflag:s2] =	ssyncpa.u1 $0x1  }
0x4a: {  	[sflag:s31] =	ssyncpa.u1 $0x1  }
0x4b: {  	p0 =	sne.s32 s1, $0x0;
	_ =	strace $0x90000053  }
0x4c: {  	s0 =	sadd.s32 @!p0 $0x100000, s0;
	[bflag:$0x2] =	sbarrier.arrive $0xFFFF  }
0x4d: {  	[sflag:s0] =	ssyncadd.tile.s32 @!p0 $0x1;
	_ =	shalt  }
.Lfunc_end2:
_tile_overlayer_lowered:
.L_overlay_start_2:
0x4e: {  	(tag) =	ssettag $0x2  }
0x4f: {  	s0 =	rddreg [dreg:$0x0];
	s2 =	stileid.u32  }
0x50: {  	s1 =	rddreg [dreg:$0x1];
	p0 =	sne.s32 s2, $0x0  }
0x51: {  	s3 =	rddreg [dreg:$0x2];
	[bflag:$0x3] =	sbarrier.arrive $0xFFFF;
	s2 =	simm.s32 @!p0 $0x1C01  }
0x52: {  	[timem:s3], [sflag:s2] =	dma.local @!p0 [hbm:s0], s1  }
0x53: {  	s0 =	simm.s32 @!p0 $0x1  }
0x54: {  	_ =	swait.ge @!p0 [sflag:s0], s1  }
0x55: {  	s1 =	ssub.s32 @!p0 $0x0, s1;
	[sflag:s0] =	ssyncset.done @!p0 $0x0  }
0x56: {  	[sflag:s0] =	ssyncadd.s32 @!p0 s1  }
0x57: {  	[bflag:$0x3] =	sbarrier.arrive $0xFFFF  }
0x58: {  	_ =	shalt  }

// kernel: gather_offload_async_start.2
scs
__scs_entry_jumppad:
0x0: {  	(pc) =	sbr.rel $0x88, $3  }
0x1: {  	(tag) =	ssettag $0x0;
	lr =	simm.s32 $0x1  }
0x2: {  	[smem:$0x3F8D] =	sst lr;
	_ =	strace $0xD0000000  }
0x3: {  	_ = 	snop  }
0x4: {  	_ = 	snop  }
0x5: {  	_ = 	snop  }
0x6: {  	_ = 	snop  }
0x7: {  	_ = 	snop  }
__scs_overlays_trampoline_lowered:
0x8: {  	[smem:$0x3F9C] =	sst s0  }
0x9: {  	[smem:$0x3F9D] =	sst s1  }
0xa: {  	[smem:$0x3F9E] =	sst s2  }
0xb: {  	[smem:$0x3F9F] =	sst s3  }
0xc: {  	[smem:$0x3FA0] =	sst s4  }
0xd: {  	[smem:$0x3FA1] =	sst s5  }
0xe: {  	[smem:$0x3FA2] =	sst s6  }
0xf: {  	[smem:$0x3FA3] =	sst s7  }
0x10: {  	[smem:$0x3FA4] =	sst s8  }
0x11: {  	[smem:$0x3FA5] =	sst s9;
	s0 =	simm.s32 @!p0 $0x0  }
0x12: {  	s1 =	sld [smem:$0x3F8B];
	s0 =	simm.s32 @p0 $0x1  }
0x13: {  	[smem:$0x3FA6] =	sst s0;
	s0 =	simm.s32 @!p1 $0x0  }
0x14: {  	s2 =	sld [smem:$0x3F8A];
	s0 =	simm.s32 @p1 $0x1  }
0x15: {  	[smem:$0x3FA7] =	sst s0;
	s0 =	simm.s32 @!p2 $0x0  }
0x16: {  	s3 =	sld [smem:$0x3FDB];
	s0 =	simm.s32 @p2 $0x1  }
0x17: {  	s4 =	simm.s32 $0x1BF5;
	[smem:$0x3FA9] =	sst s0  }
0x18: {  	s0 =	sld [smem:$0x3F8C];
	_ =	swait.ge [sflag:s4], $0x0  }
0x19: {  	s7 =	sld [smem:$0x3F8D]  }
0x1a: {  	s8 =	sadd.s32 $0xFFFFE003, lr  }
0x1b: {  	s9 =	sadd.s32 $0xFFFFFEF7, lr;
	s5 =	simm.s32 $0xFFFFFFFF;
	p2 =	slt.u32 s8, $0xFFFFF086  }
0x1c: {  	p1 =	slt.u32 s9, $0xF7A;
	s5 =	simm.s32 @!p2 $0x0  }
0x1d: {  	s5 =	simm.s32 @p1 $0x1;
	p0 =	seq.s32 s7, s2  }
0x1e: {  	s7 =	smul.u32 @!p0 $0xF7A, s2;
	p2 =	seq.s32 @!p0 s5, $0x0  }
0x1f: {  	s9 =	smul.u32 $0xF7A, s1;
	s8 =	simm.s32 @!p0 $0x1BF5;
	p2 =	por !p2, p0  }
0x20: {  	[sflag:s8] =	ssyncset.s32 @!p0 $0xFFFFF086;
	s6 =	sadd.s32 @!p0 s3, s7;
	s7 =	simm.s32 @!p0 $0x108  }
0x21: {  	s3 =	sadd.s32 s3, s9;
	s6 =	sadd.s32 @!p0 $0x88, s6;
	s7 =	simm.s32 @p2 $0x1082  }
0x22: {  	[simem:s7], [sflag:s8] =	dma.local @!p0 [hbm:s6], $0xF7A  }
0x23: {  	s9 =	sor.u32 $0xD0000000, s2;
	s6 =	simm.s32 $0x108;
	_ =	swait.ge @!p0 [sflag:s8], $0x0  }
0x24: {  	s3 =	sadd.s32 $0x88, s3;
	s6 =	simm.s32 @!p1 $0x1082;
	[sflag:s4] =	ssyncset.s32 $0xFFFFF086  }
0x25: {  	[simem:s6], [sflag:s4] =	dma.local [hbm:s3], $0xF7A  }
0x26: {  	[smem:$0x3F8D] =	sst s1;
	(tag) =	ssettag s2;
	_ =	strace s9  }
0x27: {  	s1 =	sld [smem:$0x3F9D]  }
0x28: {  	s2 =	sld [smem:$0x3F9E]  }
0x29: {  	s4 =	sld [smem:$0x3FA0]  }
0x2a: {  	p0 =	seq.s32 s5, $0x0;
	s5 =	sld [smem:$0x3FA1]  }
0x2b: {  	s6 =	sld [smem:$0x3FA2]  }
0x2c: {  	s7 =	sld [smem:$0x3FA3]  }
0x2d: {  	s3 =	simm.s32 $0x108;
	s8 =	sld [smem:$0x3FA4]  }
0x2e: {  	s3 =	simm.s32 @!p0 $0x1082;
	s9 =	sld [smem:$0x3FA5]  }
0x2f: {  	lr =	sadd.s32 s0, s3;
	s0 =	sld [smem:$0x3F9C]  }
0x30: {  	s3 =	sld [smem:$0x3F9F]  }
0x31: {  	[smem:$0x3FA8] =	sst s10  }
0x32: {  	s10 =	sld [smem:$0x3FA6];
	_ =	sdelay $0x3  }
0x33: {  	p0 =	seq.s32 s10, $0x1;
	s10 =	sld [smem:$0x3FA8];
	_ =	sdelay $0x3  }
0x34: {  	[smem:$0x3FA8] =	sst s10  }
0x35: {  	s10 =	sld [smem:$0x3FA7];
	_ =	sdelay $0x3  }
0x36: {  	p1 =	seq.s32 s10, $0x1;
	s10 =	sld [smem:$0x3FA8];
	_ =	sdelay $0x3  }
0x37: {  	[smem:$0x3FA8] =	sst s10  }
0x38: {  	s10 =	sld [smem:$0x3FA9]  }
0x39: {  	_ = 	snop;
	(pc) =	sbr.ind lr, $3  }
0x3a: {  	_ = 	snop  }
0x3b: {  	_ = 	snop  }
0x3c: {  	p2 =	seq.s32 s10, $0x1;
	s10 =	sld [smem:$0x3FA8]  }
0x3d: {  	_ =	shalt  }
0x3e: {  	_ =	shalt  }
0x3f: {  	_ =	shalt  }
0x40: {  	_ =	shalt  }
0x41: {  	_ =	shalt  }
0x42: {  	_ =	shalt  }
0x43: {  	_ =	shalt  }
0x44: {  	_ =	shalt  }
0x45: {  	_ =	shalt  }
0x46: {  	_ =	shalt  }
0x47: {  	_ =	shalt  }
0x48: {  	_ =	shalt  }
0x49: {  	_ =	shalt  }
0x4a: {  	_ =	shalt  }
0x4b: {  	_ =	shalt  }
0x4c: {  	_ =	shalt  }
0x4d: {  	_ =	shalt  }
0x4e: {  	_ =	shalt  }
0x4f: {  	_ =	shalt  }
0x50: {  	_ =	shalt  }
0x51: {  	_ =	shalt  }
0x52: {  	_ =	shalt  }
0x53: {  	_ =	shalt  }
0x54: {  	_ =	shalt  }
0x55: {  	_ =	shalt  }
0x56: {  	_ =	shalt  }
0x57: {  	_ =	shalt  }
0x58: {  	_ =	shalt  }
0x59: {  	_ =	shalt  }
0x5a: {  	_ =	shalt  }
0x5b: {  	_ =	shalt  }
0x5c: {  	_ =	shalt  }
0x5d: {  	_ =	shalt  }
0x5e: {  	_ =	shalt  }
0x5f: {  	_ =	shalt  }
0x60: {  	_ =	shalt  }
0x61: {  	_ =	shalt  }
0x62: {  	_ =	shalt  }
0x63: {  	_ =	shalt  }
0x64: {  	_ =	shalt  }
0x65: {  	_ =	shalt  }
0x66: {  	_ =	shalt  }
0x67: {  	_ =	shalt  }
0x68: {  	_ =	shalt  }
0x69: {  	_ =	shalt  }
0x6a: {  	_ =	shalt  }
0x6b: {  	_ =	shalt  }
0x6c: {  	_ =	shalt  }
0x6d: {  	_ =	shalt  }
0x6e: {  	_ =	shalt  }
0x6f: {  	_ =	shalt  }
0x70: {  	_ =	shalt  }
0x71: {  	_ =	shalt  }
0x72: {  	_ =	shalt  }
0x73: {  	_ =	shalt  }
0x74: {  	_ =	shalt  }
0x75: {  	_ =	shalt  }
0x76: {  	_ =	shalt  }
0x77: {  	_ =	shalt  }
0x78: {  	_ =	shalt  }
0x79: {  	_ =	shalt  }
0x7a: {  	_ =	shalt  }
0x7b: {  	_ =	shalt  }
0x7c: {  	_ =	shalt  }
0x7d: {  	_ =	shalt  }
0x7e: {  	_ =	shalt  }
0x7f: {  	_ =	shalt  }
0x80: {  	_ =	shalt  }
0x81: {  	_ =	shalt  }
0x82: {  	_ =	shalt  }
0x83: {  	_ =	shalt  }
0x84: {  	_ =	shalt  }
0x85: {  	_ =	shalt  }
0x86: {  	_ =	shalt  }
0x87: {  	_ =	shalt  }
.Lfunc_end0:
.L_simem_size_0:
called_computation.2_lowered:
.L_overlay_start_0:
0x88: {  	s2 =	sld [smem:$0x3FD9]  }
0x89: {  	s3 =	sld [smem:$0x3FFE];
	_ =	sdelay $0x1  }
0x8a: {  	s1 =	srdreg.scid  }
0x8b: {  	s0 =	sand.u32 $0x1, s1  }
0x8c: {  	s17 =	sshll.u32 s0, $0xA;
	s2 =	sadd.s32 s3, s2  }
0x8d: {  	s2 =	sadd.s32 s2, s17  }
0x8e: {  	[smem:$0x3FB4] =	sst s2  }
0x8f: {  	_ = 	snop  }
0x90: {  	(tm) =	ssettm $0x1  }
0x91: {  	s18 =	sld [smem:$0x3FFB];
	_ =	sdelay $0x3  }
0x92: {  	_ =	strace s18  }
0x93: {  	s2 =	sld [smem:$0x3FFC];
	_ =	sdelay $0x3  }
0x94: {  	_ =	strace s2  }
0x95: {  	s2 =	sld [smem:$0x3FFD];
	_ =	sdelay $0x3  }
0x96: {  	_ =	strace s2  }
0x97: {  	_ =	strace $0x8FFFFFFF  }
0x98: {  	s19 =	sld [smem:$0x3FDB];
	_ =	sdelay $0x1  }
0x99: {  	s20 =	simm.s32 $_scs_section_size  }
0x9a: {  	s4 =	simm.s32 $_size__tile_overlayer_lowered;
	s5 =	simm.s32 $_tile_overlayer_lowered  }
0x9b: {  	s6 =	simm.s32 $0x1BFF;
	s21 =	sshll.u32 s5, $0x1;
	s3 =	sadd.s32 s20, s19  }
0x9c: {  	s22 =	simm.s32 $0x0;
	s4 =	sshll.u32 s4, $0x1;
	s5 =	sadd.s32 s21, s3  }
0x9d: {  	[timem:s22], [sflag:s6] =	dma.local [hbm:s5], s4  }
0x9e: {  	_ =	swait.ge [sflag:s6], s4  }
0x9f: {  	s4 =	ssub.s32 $0x0, s4;
	[sflag:s6] =	ssyncset.done $0x0  }
0xa0: {  	[sflag:s6] =	ssyncadd.s32 s4;
	_ =	sdelay $0x1  }
0xa1: {  	s23 =	simm.s32 $0x1B8B  }
0xa2: {  	_ =	swait.ge [sflag:s23], $0x1  }
0xa3: {  	[sflag:s23] =	ssyncset.done $0x0  }
0xa4: {  	[sflag:s23] =	ssyncadd.s32 $0xFFFFFFFF  }
0xa5: {  	s4 =	sld [smem:$0x0]  }
0xa6: {  	s5 =	sand.u32 $0xFFFFFFFE, s1  }
0xa7: {  	p0 =	sne.s32 s1, s5  }
0xa8: {  	s5 =	sshll.u32 @p0 s5, $0xE  }
0xa9: {  	s5 =	sadd.s32 @p0 $0x11B8D, s5;
	s6 =	sshll.u32 @p0 s4, $0x11  }
0xaa: {  	s5 =	sor.u32 @p0 s6, s5  }
0xab: {  	[sflag:s5] =	ssyncadd.remote.s32 @p0 $0x1;
	_ =	sdelay $0x1  }
0xac: {  	s5 =	simm.s32 @p0 $0x1B8D  }
0xad: {  	_ =	swait.eq @p0 [sflag:s5], $0x1  }
0xae: {  	[sflag:s5] =	ssyncadd.s32 @p0 $0xFFFFFFFF  }
0xaf: {  	s6 =	sshll.u32 @!p0 s1, $0xE  }
0xb0: {  	s6 =	sor.u32 @!p0 $0x4000, s6;
	s5 =	simm.s32 @!p0 $0x1B8D  }
0xb1: {  	s4 =	sshll.u32 @!p0 s4, $0x11;
	s6 =	sadd.s32 @!p0 $0x11B8D, s6;
	_ =	swait.eq @!p0 [sflag:s5], $0x1  }
0xb2: {  	s4 =	sor.u32 @!p0 s4, s6;
	[sflag:s5] =	ssyncadd.s32 @!p0 $0xFFFFFFFF  }
0xb3: {  	s25 =	simm.s32 $0x1B8E;
	s24 =	sld [smem:$0x3FFE];
	[sflag:s4] =	ssyncadd.remote.s32 @!p0 $0x1  }
0xb4: {  	s26 =	simm.s32 $execute0_lowered;
	[smem:$0x3FD2] =	sst s25  }
0xb5: {  	s5 =	sshll.u32 s26, $0x1;
	_ =	strace $0x8000004C;
	[dreg:$0x1] =	wrdreg $0xFFFFFFFF  }
0xb6: {  	s28 =	simm.s32 $_size_execute0_lowered;
	s3 =	sadd.s32 s3, s5;
	[dreg:$0x0] =	wrdreg $0x0  }
0xb7: {  	s5 =	sshll.u32 s28, $0x1;
	[dreg:$0x2] =	wrdreg s3  }
0xb8: {  	[dreg:$0x3] =	wrdreg s5  }
0xb9: {  	[dreg:$0x4] =	wrdreg $0xC0  }
0xba: {  	_ =	task [dreg:s22], $0x5FFFF  }
0xbb: {  	[dreg:$0x1] =	wrdreg $0xFFFFFFFF  }
0xbc: {  	[dreg:$0x0] =	wrdreg $0x60  }
0xbd: {  	[dreg:$0x2] =	wrdreg s24  }
0xbe: {  	[dreg:$0x3] =	wrdreg $0xB  }
0xbf: {  	_ =	task.clear_ibuf [dreg:s22], $0x4FFFF;
	_ =	strace $0x9000004C  }
0xc0: {  	s29 =	simm.s32 $0xB;
	_ =	strace $0x8000004E  }
0xc1: {  	_ =	swait.ge [sflag:s29], $0x1  }
0xc2: {  	[sflag:s29] =	ssyncadd.s32 $0xFFFFFFFF  }
0xc3: {  	_ =	strace $0x9000004E  }
0xc4: {  	_ =	sfence  }
0xc5: {  	s30 =	sld [smem:$0x0];
	_ =	sdelay $0x2  }
0xc6: {  	s31 =	sshll.u32 s1, $0xD;
	s1 =	sshrl.u32 s1, $0x2  }
0xc7: {  	s4 =	sand.u32 $0x4000, s31;
	s1 =	sadd.s32 s1, s30  }
0xc8: {  	s0 =	sor.u32 s4, s0;
	s1 =	sshll.u32 s1, $0x11  }
0xc9: {  	s0 =	sor.u32 s1, s0  }
0xca: {  	s0 =	sadd.s32 $0x8F2B, s0  }
0xcb: {  	[sflag:s0] =	ssyncadd.remote.s32 $0x1  }
0xcc: {  	_ =	sfence.sel $0xFFFF  }
0xcd: {  	[dreg:$0x0] =	wrdreg $0xFFFFFFFF;
	(pc) =	sbr.abs _section_cstart, $3  }
0xce: {  	[dreg:$0x1] =	wrdreg $0xFFFFFFFF  }
0xcf: {  	_ =	task.clear_ibuf [dreg:s22], $0x2FFFF;
	_ =	strace $0x9FFFFFFF  }
0xd0: {  	(tm) =	ssettm $0x7FFFFFFF  }
0xd1: {  	_ =	shalt  }
tec
execute0_lowered:
.L_overlay_start_1:
0x0: {  	(tag) =	ssettag $0x1  }
0x1: {  	s7 =	rddreg [dreg:$0x0]  }
0x2: {  	s0 =	rddreg [dreg:$0x1];
	_ =	strace $0x8000004D  }
0x3: {  	s1 =	srdreg.scid;
	s4 =	simm.s32 $0x1;
	s9 =	simm.s32 $0x3  }
0x4: {  	s12 =	simm.s32 $0x0;
	s10 =	simm.s32 $0x0;
	s5 =	sshll.u32 s1, $0x4  }
.Ltmp0:
0x5: {  	s1 =	stileid.u32;
	s5 =	sand.u32 $0x10, s5;
	(pc) =	sbr.rel .LBB2_1-.Ltmp0, $4  }
0x6: {  	s2 =	sadd.s32 $0x7600, s7;
	s3 =	sadd.s32 $0x7000, s7;
	s6 =	sor.u32 s1, s5  }
0x7: {  	[sflag:s4] =	ssyncpa.u1 $0x0;
	s5 =	simm.s32 $0x2;
	s6 =	sshll.u32 s6, $0x6  }
0x8: {  	s7 =	sadd.s32 $0xF600, s7;
	[sflag:s5] =	ssyncpa.u1 $0x0;
	s8 =	sadd.s32 $0x40, s6  }
0x9: {  	vm0 =	vmmov $0xff;
	vm1 =	vcmask $0x3F20;
	[sflag:s9] =	ssyncpa.u1 $0x0;
	s9 =	simm.s32 $0x40;
	s11 =	smov.u32 s6  }
.LBB2_9:
0xa: {  	p0 =	seq.s32 s10, $0x2  }
.Ltmp1:
0xb: {  	_ = 	snop;
	(pc) =	sbr.rel @p0 .LBB2_11-.Ltmp1, $1  }
0xc: {  	_ =	sdelay $0x3  }
.LBB2_10:
0xd: {  	s12 =	sadd.s32 $0x40, s11  }
0xe: {  	s13 =	smov.u32 s6;
	p0 =	slt.s32 s12, s8  }
0xf: {  	s13 =	smov.u32 @p0 s12  }
0x10: {  	s10 =	sadd.s32 $0x1, s10;
	s12 =	smov.u32 s11;
	s11 =	smov.u32 s13  }
.LBB2_1:
0x11: {  	p0 =	sne.s32 s10, $0x0  }
.Ltmp2:
0x12: {  	_ = 	snop;
	(pc) =	sbr.rel @!p0 .LBB2_2-.Ltmp2, $1  }
0x13: {  	_ =	sdelay $0x3  }
0x14: {  	s13 =	sand.u32 $0x1, s10  }
0x15: {  	p0 =	seq.s32 s13, $0x0  }
.Ltmp3:
0x16: {  	_ = 	snop;
	(pc) =	sbr.rel @p0 .LBB2_9-.Ltmp3, $1  }
0x17: {  	_ =	sdelay $0x3  }
0x18: {  	_ =	swait.ge [sflag:s5], $0x40  }
0x19: {  	[sflag:s5] =	ssyncset.done $0x0  }
0x1a: {  	s13 =	simm.s32 $0x0;
	[sflag:s5] =	ssyncadd.s32 $0xFFFFFFC0  }
0x1b: {  	v0 =	vld.msk [tilespmem:s13+$0x40 ss:$0x1], $0xffff;
	_ =	sdelay $0x4  }
0x1c: {  	vm2 =	vgt.s32 v0, $0x0  }
0x1d: {  	v0 =	vnsel vm2, $0x0, v0  }
0x1e: {  	v0 =	vmin.u32 v0, $0x7FF  }
0x1f: {  	v0 =	vshll.u32 v0, $0x4;
	_ =	sdelay $0x3  }
0x20: {  	s13 =	simm.s32 $0x2080  }
0x21: {  	[tilespmem:s13], [sflag:$0x1] =	stream.indirect_vreg.gather [hbm:s2], $0x80, v0, vm0, $0x38;
	[tilespmem:$0x4080] =	vst v63  }
0x22: {  	s14 =	simm.s32 $0x2480;
	s31 =	simm.s32 $0x10  }
0x23: {  	[tilespmem:s14], [sflag:$0x1] =	stream.indirect_vreg.gather [hbm:s2], $0x80, v0, vm1, $0x38;
	[tilespmem:$0x4080] =	vst v63  }
0x24: {  	s14 =	simm.s32 $0x80;
	v0 =	vld.msk [tilespmem:s31+$0x40 ss:$0x1], $0xffff  }
.LBB2_5:
0x25: {  	p0 =	sne.s32 s14, $0xC0;
	_ =	sdelay $0x4  }
0x26: {  	vm2 =	vgt.s32 v0, $0x0  }
0x27: {  	v0 =	vnsel vm2, $0x0, v0  }
0x28: {  	v0 =	vmin.u32 v0, $0x7FF  }
0x29: {  	v0 =	vshll.u32 v0, $0x4;
	_ =	sdelay $0x3  }
.Ltmp4:
0x2a: {  	s13 =	sadd.s32 $0x800, s13;
	(pc) =	sbr.rel @p0 .LBB2_5-.Ltmp4, $4  }
0x2b: {  	[tilespmem:s13], [sflag:$0x1] =	stream.indirect_vreg.gather [hbm:s2], $0x80, v0, vm0, $0x38;
	[tilespmem:$0x4080] =	vst v63  }
0x2c: {  	s15 =	sshra.s32 s14, $0x2;
	s16 =	sadd.s32 $0x400, s13  }
0x2d: {  	[tilespmem:s16], [sflag:$0x1] =	stream.indirect_vreg.gather [hbm:s2], $0x80, v0, vm1, $0x38;
	[tilespmem:$0x4080] =	vst v63  }
0x2e: {  	s14 =	sadd.s32 $0x40, s14;
	v0 =	vld.msk [tilespmem:s15+$0x40 ss:$0x1], $0xffff  }
0x2f: {  	_ =	sdelay $0x3  }
0x30: {  	vm2 =	vgt.s32 v0, $0x0  }
0x31: {  	v0 =	vnsel vm2, $0x0, v0  }
0x32: {  	v0 =	vmin.u32 v0, $0x7FF  }
0x33: {  	v0 =	vshll.u32 v0, $0x4;
	_ =	sdelay $0x3  }
0x34: {  	s13 =	sadd.s32 $0x800, s13  }
0x35: {  	[tilespmem:s13], [sflag:$0x1] =	stream.indirect_vreg.gather [hbm:s2], $0x80, v0, vm0, $0x38;
	[tilespmem:$0x4080] =	vst v63  }
0x36: {  	s13 =	sadd.s32 $0x400, s13  }
0x37: {  	[tilespmem:s13], [sflag:$0x1] =	stream.indirect_vreg.gather [hbm:s2], $0x80, v0, vm1, $0x38;
	[tilespmem:$0x4080] =	vst v63  }
0x38: {  	s12 =	sshll.u32 s12, $0x4;
	s14 =	simm.s32 $0x80;
	_ =	swait.ge [sflag:s4], $0x2000  }
0x39: {  	s15 =	simm.s32 $0x2480;
	s12 =	sadd.s32 s12, s7;
	[sflag:s4] =	ssyncset.done $0x0  }
0x3a: {  	s16 =	sadd.s32 $0x0, s12;
	s13 =	simm.s32 $0x2080;
	[sflag:s4] =	ssyncadd.s32 $0xFFFFE000  }
.LBB2_7:
0x3b: {  	[hbm:s16] =	stream.linear.scatter [tilespmem:s13], [sflag:$0x3], $0x400, $0x38;
	[tilespmem:$0x4080] =	vst v63  }
0x3c: {  	s16 =	smov.u32 s14;
	s13 =	smov.u32 s15;
	p0 =	sne.s32 s14, $0x380  }
.Ltmp5:
0x3d: {  	s14 =	sadd.s32 $0x80, s14;
	(pc) =	sbr.rel @p0 .LBB2_7-.Ltmp5, $2  }
0x3e: {  	_ =	sdelay $0x2  }
0x3f: {  	s15 =	sadd.s32 $0x400, s15;
	s16 =	sadd.s32 s16, s12  }
.Ltmp6:
0x40: {  	(pc) =	sbr.rel .LBB2_9-.Ltmp6, $2  }
0x41: {  	_ =	sdelay $0x2  }
0x42: {  	[hbm:s16] =	stream.linear.scatter [tilespmem:s13], [sflag:$0x3], $0x400, $0x38;
	[tilespmem:$0x4080] =	vst v63  }
.LBB2_2:
.Ltmp7:
0x43: {  	(pc) =	sbr.rel .LBB2_10-.Ltmp7, $4  }
0x44: {  	_ = 	snop  }
0x45: {  	s12 =	sshrl.u32 s11, $0x3  }
0x46: {  	s13 =	sand.u32 $0x7, s11;
	s12 =	sadd.s32 s3, s12  }
0x47: {  	[tilespmem:s9], [sflag:$0x2] =	stream.linear.gather [hbm4b:s12+s13], $0x40, $0x38;
	[tilespmem:$0x4080] =	vst v63  }
.LBB2_11:
0x48: {  	s2 =	simm.s32 $0x3  }
0x49: {  	_ =	swait.ge [sflag:s2], $0x2000  }
0x4a: {  	[sflag:s2] =	ssyncset.done $0x0  }
0x4b: {  	[sflag:s2] =	ssyncadd.s32 $0xFFFFE000  }
0x4c: {  	_ =	sfence.sel $0x180000  }
0x4d: {  	s3 =	simm.s32 $0x2;
	[bflag:$0x0] =	sbarrier.arrive $0xFFFF  }
0x4e: {  	[sflag:s3] =	ssyncpa.u1 $0x1  }
0x4f: {  	s31 =	simm.s32 $0x1;
	[sflag:s2] =	ssyncpa.u1 $0x1  }
0x50: {  	[sflag:s31] =	ssyncpa.u1 $0x1  }
0x51: {  	p0 =	sne.s32 s1, $0x0;
	_ =	strace $0x9000004D  }
0x52: {  	s0 =	sadd.s32 @!p0 $0x100000, s0;
	[bflag:$0x2] =	sbarrier.arrive $0xFFFF  }
0x53: {  	[sflag:s0] =	ssyncadd.tile.s32 @!p0 $0x1;
	_ =	shalt  }
.Lfunc_end2:
_tile_overlayer_lowered:
.L_overlay_start_2:
0x54: {  	(tag) =	ssettag $0x2  }
0x55: {  	s0 =	rddreg [dreg:$0x0];
	s2 =	stileid.u32  }
0x56: {  	s1 =	rddreg [dreg:$0x1];
	p0 =	sne.s32 s2, $0x0  }
0x57: {  	s3 =	rddreg [dreg:$0x2];
	[bflag:$0x3] =	sbarrier.arrive $0xFFFF;
	s2 =	simm.s32 @!p0 $0x1C01  }
0x58: {  	[timem:s3], [sflag:s2] =	dma.local @!p0 [hbm:s0], s1  }
0x59: {  	s0 =	simm.s32 @!p0 $0x1  }
0x5a: {  	_ =	swait.ge @!p0 [sflag:s0], s1  }
0x5b: {  	s1 =	ssub.s32 @!p0 $0x0, s1;
	[sflag:s0] =	ssyncset.done @!p0 $0x0  }
0x5c: {  	[sflag:s0] =	ssyncadd.s32 @!p0 s1  }
0x5d: {  	[bflag:$0x3] =	sbarrier.arrive $0xFFFF  }
0x5e: {  	_ =	shalt  }

// kernel: gather_offload_async_start.3
scs
__scs_entry_jumppad:
0x0: {  	(pc) =	sbr.rel $0x88, $3  }
0x1: {  	(tag) =	ssettag $0x0;
	lr =	simm.s32 $0x1  }
0x2: {  	[smem:$0x3F8D] =	sst lr;
	_ =	strace $0xD0000000  }
0x3: {  	_ = 	snop  }
0x4: {  	_ = 	snop  }
0x5: {  	_ = 	snop  }
0x6: {  	_ = 	snop  }
0x7: {  	_ = 	snop  }
__scs_overlays_trampoline_lowered:
0x8: {  	[smem:$0x3F9C] =	sst s0  }
0x9: {  	[smem:$0x3F9D] =	sst s1  }
0xa: {  	[smem:$0x3F9E] =	sst s2  }
0xb: {  	[smem:$0x3F9F] =	sst s3  }
0xc: {  	[smem:$0x3FA0] =	sst s4  }
0xd: {  	[smem:$0x3FA1] =	sst s5  }
0xe: {  	[smem:$0x3FA2] =	sst s6  }
0xf: {  	[smem:$0x3FA3] =	sst s7  }
0x10: {  	[smem:$0x3FA4] =	sst s8  }
0x11: {  	[smem:$0x3FA5] =	sst s9;
	s0 =	simm.s32 @!p0 $0x0  }
0x12: {  	s1 =	sld [smem:$0x3F8B];
	s0 =	simm.s32 @p0 $0x1  }
0x13: {  	[smem:$0x3FA6] =	sst s0;
	s0 =	simm.s32 @!p1 $0x0  }
0x14: {  	s2 =	sld [smem:$0x3F8A];
	s0 =	simm.s32 @p1 $0x1  }
0x15: {  	[smem:$0x3FA7] =	sst s0;
	s0 =	simm.s32 @!p2 $0x0  }
0x16: {  	s3 =	sld [smem:$0x3FDB];
	s0 =	simm.s32 @p2 $0x1  }
0x17: {  	s4 =	simm.s32 $0x1BF5;
	[smem:$0x3FA9] =	sst s0  }
0x18: {  	s0 =	sld [smem:$0x3F8C];
	_ =	swait.ge [sflag:s4], $0x0  }
0x19: {  	s7 =	sld [smem:$0x3F8D]  }
0x1a: {  	s8 =	sadd.s32 $0xFFFFE003, lr  }
0x1b: {  	s9 =	sadd.s32 $0xFFFFFEF7, lr;
	s5 =	simm.s32 $0xFFFFFFFF;
	p2 =	slt.u32 s8, $0xFFFFF086  }
0x1c: {  	p1 =	slt.u32 s9, $0xF7A;
	s5 =	simm.s32 @!p2 $0x0  }
0x1d: {  	s5 =	simm.s32 @p1 $0x1;
	p0 =	seq.s32 s7, s2  }
0x1e: {  	s7 =	smul.u32 @!p0 $0xF7A, s2;
	p2 =	seq.s32 @!p0 s5, $0x0  }
0x1f: {  	s9 =	smul.u32 $0xF7A, s1;
	s8 =	simm.s32 @!p0 $0x1BF5;
	p2 =	por !p2, p0  }
0x20: {  	[sflag:s8] =	ssyncset.s32 @!p0 $0xFFFFF086;
	s6 =	sadd.s32 @!p0 s3, s7;
	s7 =	simm.s32 @!p0 $0x108  }
0x21: {  	s3 =	sadd.s32 s3, s9;
	s6 =	sadd.s32 @!p0 $0x88, s6;
	s7 =	simm.s32 @p2 $0x1082  }
0x22: {  	[simem:s7], [sflag:s8] =	dma.local @!p0 [hbm:s6], $0xF7A  }
0x23: {  	s9 =	sor.u32 $0xD0000000, s2;
	s6 =	simm.s32 $0x108;
	_ =	swait.ge @!p0 [sflag:s8], $0x0  }
0x24: {  	s3 =	sadd.s32 $0x88, s3;
	s6 =	simm.s32 @!p1 $0x1082;
	[sflag:s4] =	ssyncset.s32 $0xFFFFF086  }
0x25: {  	[simem:s6], [sflag:s4] =	dma.local [hbm:s3], $0xF7A  }
0x26: {  	[smem:$0x3F8D] =	sst s1;
	(tag) =	ssettag s2;
	_ =	strace s9  }
0x27: {  	s1 =	sld [smem:$0x3F9D]  }
0x28: {  	s2 =	sld [smem:$0x3F9E]  }
0x29: {  	s4 =	sld [smem:$0x3FA0]  }
0x2a: {  	p0 =	seq.s32 s5, $0x0;
	s5 =	sld [smem:$0x3FA1]  }
0x2b: {  	s6 =	sld [smem:$0x3FA2]  }
0x2c: {  	s7 =	sld [smem:$0x3FA3]  }
0x2d: {  	s3 =	simm.s32 $0x108;
	s8 =	sld [smem:$0x3FA4]  }
0x2e: {  	s3 =	simm.s32 @!p0 $0x1082;
	s9 =	sld [smem:$0x3FA5]  }
0x2f: {  	lr =	sadd.s32 s0, s3;
	s0 =	sld [smem:$0x3F9C]  }
0x30: {  	s3 =	sld [smem:$0x3F9F]  }
0x31: {  	[smem:$0x3FA8] =	sst s10  }
0x32: {  	s10 =	sld [smem:$0x3FA6];
	_ =	sdelay $0x3  }
0x33: {  	p0 =	seq.s32 s10, $0x1;
	s10 =	sld [smem:$0x3FA8];
	_ =	sdelay $0x3  }
0x34: {  	[smem:$0x3FA8] =	sst s10  }
0x35: {  	s10 =	sld [smem:$0x3FA7];
	_ =	sdelay $0x3  }
0x36: {  	p1 =	seq.s32 s10, $0x1;
	s10 =	sld [smem:$0x3FA8];
	_ =	sdelay $0x3  }
0x37: {  	[smem:$0x3FA8] =	sst s10  }
0x38: {  	s10 =	sld [smem:$0x3FA9]  }
0x39: {  	_ = 	snop;
	(pc) =	sbr.ind lr, $3  }
0x3a: {  	_ = 	snop  }
0x3b: {  	_ = 	snop  }
0x3c: {  	p2 =	seq.s32 s10, $0x1;
	s10 =	sld [smem:$0x3FA8]  }
0x3d: {  	_ =	shalt  }
0x3e: {  	_ =	shalt  }
0x3f: {  	_ =	shalt  }
0x40: {  	_ =	shalt  }
0x41: {  	_ =	shalt  }
0x42: {  	_ =	shalt  }
0x43: {  	_ =	shalt  }
0x44: {  	_ =	shalt  }
0x45: {  	_ =	shalt  }
0x46: {  	_ =	shalt  }
0x47: {  	_ =	shalt  }
0x48: {  	_ =	shalt  }
0x49: {  	_ =	shalt  }
0x4a: {  	_ =	shalt  }
0x4b: {  	_ =	shalt  }
0x4c: {  	_ =	shalt  }
0x4d: {  	_ =	shalt  }
0x4e: {  	_ =	shalt  }
0x4f: {  	_ =	shalt  }
0x50: {  	_ =	shalt  }
0x51: {  	_ =	shalt  }
0x52: {  	_ =	shalt  }
0x53: {  	_ =	shalt  }
0x54: {  	_ =	shalt  }
0x55: {  	_ =	shalt  }
0x56: {  	_ =	shalt  }
0x57: {  	_ =	shalt  }
0x58: {  	_ =	shalt  }
0x59: {  	_ =	shalt  }
0x5a: {  	_ =	shalt  }
0x5b: {  	_ =	shalt  }
0x5c: {  	_ =	shalt  }
0x5d: {  	_ =	shalt  }
0x5e: {  	_ =	shalt  }
0x5f: {  	_ =	shalt  }
0x60: {  	_ =	shalt  }
0x61: {  	_ =	shalt  }
0x62: {  	_ =	shalt  }
0x63: {  	_ =	shalt  }
0x64: {  	_ =	shalt  }
0x65: {  	_ =	shalt  }
0x66: {  	_ =	shalt  }
0x67: {  	_ =	shalt  }
0x68: {  	_ =	shalt  }
0x69: {  	_ =	shalt  }
0x6a: {  	_ =	shalt  }
0x6b: {  	_ =	shalt  }
0x6c: {  	_ =	shalt  }
0x6d: {  	_ =	shalt  }
0x6e: {  	_ =	shalt  }
0x6f: {  	_ =	shalt  }
0x70: {  	_ =	shalt  }
0x71: {  	_ =	shalt  }
0x72: {  	_ =	shalt  }
0x73: {  	_ =	shalt  }
0x74: {  	_ =	shalt  }
0x75: {  	_ =	shalt  }
0x76: {  	_ =	shalt  }
0x77: {  	_ =	shalt  }
0x78: {  	_ =	shalt  }
0x79: {  	_ =	shalt  }
0x7a: {  	_ =	shalt  }
0x7b: {  	_ =	shalt  }
0x7c: {  	_ =	shalt  }
0x7d: {  	_ =	shalt  }
0x7e: {  	_ =	shalt  }
0x7f: {  	_ =	shalt  }
0x80: {  	_ =	shalt  }
0x81: {  	_ =	shalt  }
0x82: {  	_ =	shalt  }
0x83: {  	_ =	shalt  }
0x84: {  	_ =	shalt  }
0x85: {  	_ =	shalt  }
0x86: {  	_ =	shalt  }
0x87: {  	_ =	shalt  }
.Lfunc_end0:
.L_simem_size_0:
called_computation.3_lowered:
.L_overlay_start_0:
0x88: {  	s2 =	sld [smem:$0x3FD9]  }
0x89: {  	s3 =	sld [smem:$0x3FFE];
	_ =	sdelay $0x1  }
0x8a: {  	s1 =	srdreg.scid  }
0x8b: {  	s0 =	sand.u32 $0x1, s1  }
0x8c: {  	s17 =	sshll.u32 s0, $0xA;
	s2 =	sadd.s32 s3, s2  }
0x8d: {  	s2 =	sadd.s32 s2, s17  }
0x8e: {  	[smem:$0x3FB4] =	sst s2  }
0x8f: {  	_ = 	snop  }
0x90: {  	s2 =	sld [smem:$0x3FC5];
	(tm) =	ssettm $0x1  }
0x91: {  	s18 =	sld [smem:$0x3FFB];
	_ =	sdelay $0x3  }
0x92: {  	_ =	strace s18  }
0x93: {  	s3 =	sld [smem:$0x3FFC];
	_ =	sdelay $0x3  }
0x94: {  	_ =	strace s3  }
0x95: {  	s3 =	sld [smem:$0x3FFD];
	_ =	sdelay $0x3  }
0x96: {  	_ =	strace s3  }
0x97: {  	_ =	strace $0x8FFFFFFF  }
0x98: {  	s19 =	sld [smem:$0x3FDB];
	_ =	sdelay $0x1  }
0x99: {  	s4 =	simm.s32 $_scs_section_size  }
0x9a: {  	s5 =	simm.s32 $_size__tile_overlayer_lowered;
	s6 =	simm.s32 $_tile_overlayer_lowered  }
0x9b: {  	s22 =	simm.s32 $0x1BFF;
	s21 =	sshll.u32 s6, $0x1;
	s3 =	sadd.s32 s4, s19  }
0x9c: {  	s7 =	simm.s32 $0x0;
	s20 =	sshll.u32 s5, $0x1;
	s5 =	sadd.s32 s21, s3  }
0x9d: {  	[timem:s7], [sflag:s22] =	dma.local [hbm:s5], s20  }
0x9e: {  	_ =	swait.ge [sflag:s22], s20  }
0x9f: {  	s4 =	ssub.s32 $0x0, s20;
	[sflag:s22] =	ssyncset.done $0x0  }
0xa0: {  	[sflag:s22] =	ssyncadd.s32 s4;
	_ =	sdelay $0x1  }
0xa1: {  	s23 =	simm.s32 $0x1B8B  }
0xa2: {  	_ =	swait.ge [sflag:s23], $0x1  }
0xa3: {  	[sflag:s23] =	ssyncset.done $0x0  }
0xa4: {  	s25 =	simm.s32 $0x1B8E;
	s24 =	sld [smem:$0x3FFE];
	[sflag:s23] =	ssyncadd.s32 $0xFFFFFFFF  }
0xa5: {  	s26 =	simm.s32 $execute0_lowered;
	[smem:$0x3FD2] =	sst s25  }
0xa6: {  	s5 =	sshll.u32 s26, $0x1;
	_ =	strace $0x80000046;
	[dreg:$0x1] =	wrdreg $0xFFFFFFFF  }
0xa7: {  	s28 =	simm.s32 $_size_execute0_lowered;
	s3 =	sadd.s32 s3, s5;
	[dreg:$0x0] =	wrdreg $0x0  }
0xa8: {  	s5 =	sshll.u32 s28, $0x1;
	[dreg:$0x2] =	wrdreg s3  }
0xa9: {  	[dreg:$0x3] =	wrdreg s5  }
0xaa: {  	[dreg:$0x4] =	wrdreg $0xC0  }
0xab: {  	_ =	task [dreg:s7], $0x5FFFF  }
0xac: {  	[dreg:$0x1] =	wrdreg $0xFFFFFFFF  }
0xad: {  	[dreg:$0x0] =	wrdreg $0x60  }
0xae: {  	[dreg:$0x2] =	wrdreg s2  }
0xaf: {  	[dreg:$0x3] =	wrdreg s24  }
0xb0: {  	[dreg:$0x4] =	wrdreg $0xC  }
0xb1: {  	_ =	task.clear_ibuf [dreg:s7], $0x5FFFF;
	_ =	strace $0x90000046  }
0xb2: {  	s29 =	simm.s32 $0xC;
	_ =	strace $0x80000048  }
0xb3: {  	_ =	swait.ge [sflag:s29], $0x1  }
0xb4: {  	[sflag:s29] =	ssyncadd.s32 $0xFFFFFFFF  }
0xb5: {  	_ =	strace $0x90000048  }
0xb6: {  	_ =	sfence  }
0xb7: {  	s30 =	sld [smem:$0x0];
	_ =	sdelay $0x2  }
0xb8: {  	s31 =	sshll.u32 s1, $0xD;
	s1 =	sshrl.u32 s1, $0x2  }
0xb9: {  	s3 =	sand.u32 $0x4000, s31;
	s1 =	sadd.s32 s1, s30  }
0xba: {  	s0 =	sor.u32 s3, s0;
	s1 =	sshll.u32 s1, $0x11  }
0xbb: {  	s0 =	sor.u32 s1, s0  }
0xbc: {  	s0 =	sadd.s32 $0x8F2B, s0  }
0xbd: {  	[sflag:s0] =	ssyncadd.remote.s32 $0x1  }
0xbe: {  	_ =	sfence.sel $0xFFFF  }
0xbf: {  	[dreg:$0x0] =	wrdreg $0xFFFFFFFF;
	(pc) =	sbr.abs _section_cstart, $3  }
0xc0: {  	[dreg:$0x1] =	wrdreg $0xFFFFFFFF  }
0xc1: {  	_ =	task.clear_ibuf [dreg:s7], $0x2FFFF;
	_ =	strace $0x9FFFFFFF  }
0xc2: {  	(tm) =	ssettm $0x7FFFFFFF  }
0xc3: {  	_ =	shalt  }
tec
execute0_lowered:
.L_overlay_start_1:
0x0: {  	(tag) =	ssettag $0x1  }
0x1: {  	s1 =	srdreg.scid;
	s2 =	rddreg [dreg:$0x0]  }
0x2: {  	s0 =	stileid.u32;
	s6 =	rddreg [dreg:$0x1];
	s1 =	sshll.u32 s1, $0x5  }
0x3: {  	s7 =	simm.s32 $0x1;
	s3 =	sshll.u32 s0, $0x6;
	s1 =	sand.u32 $0x20, s1  }
0x4: {  	s30 =	simm.s32 $0x2;
	s31 =	simm.s32 $0x3;
	s3 =	sor.u32 s3, s1  }
0x5: {  	s11 =	simm.s32 $0x0;
	s9 =	simm.s32 $0x0;
	s5 =	ssub.s32 $0x800, s3  }
0x6: {  	s4 =	sadd.s32 $0x7000, s6;
	s6 =	sadd.s32 $0x7200, s6;
	s8 =	sand.u32 $0x3E0, s5  }
0x7: {  	s1 =	rddreg [dreg:$0x2];
	_ =	strace $0x80000047;
	p0 =	sne.s32 s8, $0x0  }
0x8: {  	[sflag:s7] =	ssyncpa.u1 $0x0;
	s5 =	sshrl.u32 s5, $0xA;
	s7 =	simm.s32 @!p0 $0x0  }
0x9: {  	s10 =	smov.u32 s3;
	[sflag:s30] =	ssyncpa.u1 $0x0;
	s5 =	sadd.s32 s7, s5  }
0xa: {  	[sflag:s31] =	ssyncpa.u1 $0x0;
	s8 =	simm.s32 $0x0;
	s7 =	sadd.s32 $0x1, s5  }
.LBB2_1:
0xb: {  	p0 =	sge.u32 s9, s5  }
0xc: {  	s31 =	sadd.s32 $0xFFFFFFFF, s9;
	s12 =	sxor.u32 @!p0 $0xFFFFFFFF, s8;
	s13 =	sshrl.u32 @!p0 s10, $0x3  }
0xd: {  	s14 =	sand.u32 @!p0 $0x7, s10;
	s12 =	sand.u32 @!p0 $0x20, s12;
	s13 =	sadd.s32 @!p0 s4, s13  }
0xe: {  	[tilespmem:s12], [sflag:$0x2] =	stream.linear.gather @!p0 [hbm4b:s13+s14], $0x20, $0x38;
	[tilespmem:$0x80] =	vst v63  }
0xf: {  	p0 =	sge.u32 s31, s5  }
0x10: {  	s12 =	simm.s32 @!p0 $0x2  }
0x11: {  	_ =	swait.ge @!p0 [sflag:s12], $0x20  }
0x12: {  	[sflag:s12] =	ssyncset.done @!p0 $0x0  }
0x13: {  	[sflag:s12] =	ssyncadd.s32 @!p0 $0xFFFFFFE0;
	s12 =	sand.u32 @!p0 $0x20, s8  }
0x14: {  	(ifvalue) =	ssetifvalue @!p0 $0x7FFFFFFF;
	v0 =	vld.msk @!p0 [tilespmem:s12+$0x0 ss:$0x1], $0xffff;
	_ =	sdelay $0x4  }
0x15: {  	vm0 =	vgt.s32 @!p0 v0, $0x0  }
0x16: {  	v0 =	vnsel @!p0 vm0, $0x0, v0  }
0x17: {  	v0 =	vmin.u32 @!p0 v0, $0x7FF;
	_ =	sdelay $0x2  }
0x18: {  	s14 =	simm.s32 @!p0 $0x0  }
0x19: {  	s13 =	sor.u32 @!p0 $0x40, s12;
	(ifvalue) =	ssetifvalue @!p0 $0x7FFFFFFF;
	s15 =	sor.u32 @!p0 $0x10, s12;
	vm0 =	vmmov @!p0 $0xffff  }
0x1a: {  	[tilespmem:s13], [sflag:$0x1] =	stream.indirect_vreg.gather @!p0 [hbm4b:s2+s14], $0x1, v0, vm0, $0x4038;
	[tilespmem:$0x80] =	vst v63  }
0x1b: {  	v0 =	vld.msk @!p0 [tilespmem:s15+$0x0 ss:$0x1], $0xffff;
	_ =	sdelay $0x4  }
0x1c: {  	vm1 =	vgt.s32 @!p0 v0, $0x0  }
0x1d: {  	v0 =	vnsel @!p0 vm1, $0x0, v0  }
0x1e: {  	v0 =	vmin.u32 @!p0 v0, $0x7FF;
	_ =	sdelay $0x3  }
0x1f: {  	s12 =	sor.u32 @!p0 $0x50, s12;
	(ifvalue) =	ssetifvalue @!p0 $0x7FFFFFFF  }
0x20: {  	[tilespmem:s12], [sflag:$0x1] =	stream.indirect_vreg.gather @!p0 [hbm4b:s2+s14], $0x1, v0, vm0, $0x4038;
	[tilespmem:$0x80] =	vst v63  }
0x21: {  	s12 =	simm.s32 @!p0 $0x1  }
0x22: {  	_ =	swait.ge @!p0 [sflag:s12], $0x20  }
0x23: {  	s14 =	sshrl.u32 @!p0 s11, $0x3;
	[sflag:s12] =	ssyncset.done @!p0 $0x0  }
0x24: {  	s11 =	sand.u32 @!p0 $0x7, s11;
	[sflag:s12] =	ssyncadd.s32 @!p0 $0xFFFFFFE0;
	s12 =	sadd.s32 @!p0 s6, s14  }
0x25: {  	[hbm4b:s12+s11] =	stream.linear.scatter @!p0 [tilespmem:s13], [sflag:$0x3], $0x20, $0x38;
	[tilespmem:$0x80] =	vst v63  }
0x26: {  	s13 =	sadd.s32 $0x400, s10  }
0x27: {  	p1 =	sgt.s32 s13, $0x7FF  }
0x28: {  	s13 =	smov.u32 @p1 s3;
	p1 =	sne.s32 s9, s7  }
.Ltmp0:
0x29: {  	p0 =	slt.u32 s9, $0x2;
	(pc) =	sbr.rel @p1 .LBB2_1-.Ltmp0, $4  }
0x2a: {  	s12 =	simm.s32 @!p0 $0x3  }
0x2b: {  	_ =	swait.ge @!p0 [sflag:s12], $0x20  }
0x2c: {  	s8 =	sadd.s32 $0x20, s8;
	s11 =	smov.u32 s10;
	[sflag:s12] =	ssyncset.done @!p0 $0x0  }
0x2d: {  	s9 =	sadd.s32 $0x1, s9;
	s10 =	smov.u32 s13;
	[sflag:s12] =	ssyncadd.s32 @!p0 $0xFFFFFFE0  }
0x2e: {  	_ =	sfence.sel $0x180000  }
0x2f: {  	s2 =	simm.s32 $0x2;
	[bflag:$0x0] =	sbarrier.arrive $0xFFFF  }
0x30: {  	s30 =	simm.s32 $0x3;
	[sflag:s2] =	ssyncpa.u1 $0x1  }
0x31: {  	s31 =	simm.s32 $0x1;
	[sflag:s30] =	ssyncpa.u1 $0x1  }
0x32: {  	[sflag:s31] =	ssyncpa.u1 $0x1  }
0x33: {  	p0 =	sne.s32 s0, $0x0;
	_ =	strace $0x90000047  }
0x34: {  	s0 =	sadd.s32 @!p0 $0x100000, s1;
	[bflag:$0x2] =	sbarrier.arrive $0xFFFF  }
0x35: {  	[sflag:s0] =	ssyncadd.tile.s32 @!p0 $0x1;
	_ =	shalt  }
.Lfunc_end2:
_tile_overlayer_lowered:
.L_overlay_start_2:
0x36: {  	(tag) =	ssettag $0x2  }
0x37: {  	s0 =	rddreg [dreg:$0x0];
	s2 =	stileid.u32  }
0x38: {  	s1 =	rddreg [dreg:$0x1];
	p0 =	sne.s32 s2, $0x0  }
0x39: {  	s3 =	rddreg [dreg:$0x2];
	[bflag:$0x3] =	sbarrier.arrive $0xFFFF;
	s2 =	simm.s32 @!p0 $0x1C01  }
0x3a: {  	[timem:s3], [sflag:s2] =	dma.local @!p0 [hbm:s0], s1  }
0x3b: {  	s0 =	simm.s32 @!p0 $0x1  }
0x3c: {  	_ =	swait.ge @!p0 [sflag:s0], s1  }
0x3d: {  	s1 =	ssub.s32 @!p0 $0x0, s1;
	[sflag:s0] =	ssyncset.done @!p0 $0x0  }
0x3e: {  	[sflag:s0] =	ssyncadd.s32 @!p0 s1  }
0x3f: {  	[bflag:$0x3] =	sbarrier.arrive $0xFFFF  }
0x40: {  	_ =	shalt  }

// kernel: gather_offload_async_start.4
scs
__scs_entry_jumppad:
0x0: {  	(pc) =	sbr.rel $0x88, $3  }
0x1: {  	(tag) =	ssettag $0x0;
	lr =	simm.s32 $0x1  }
0x2: {  	[smem:$0x3F8D] =	sst lr;
	_ =	strace $0xD0000000  }
0x3: {  	_ = 	snop  }
0x4: {  	_ = 	snop  }
0x5: {  	_ = 	snop  }
0x6: {  	_ = 	snop  }
0x7: {  	_ = 	snop  }
__scs_overlays_trampoline_lowered:
0x8: {  	[smem:$0x3F9C] =	sst s0  }
0x9: {  	[smem:$0x3F9D] =	sst s1  }
0xa: {  	[smem:$0x3F9E] =	sst s2  }
0xb: {  	[smem:$0x3F9F] =	sst s3  }
0xc: {  	[smem:$0x3FA0] =	sst s4  }
0xd: {  	[smem:$0x3FA1] =	sst s5  }
0xe: {  	[smem:$0x3FA2] =	sst s6  }
0xf: {  	[smem:$0x3FA3] =	sst s7  }
0x10: {  	[smem:$0x3FA4] =	sst s8  }
0x11: {  	[smem:$0x3FA5] =	sst s9;
	s0 =	simm.s32 @!p0 $0x0  }
0x12: {  	s1 =	sld [smem:$0x3F8B];
	s0 =	simm.s32 @p0 $0x1  }
0x13: {  	[smem:$0x3FA6] =	sst s0;
	s0 =	simm.s32 @!p1 $0x0  }
0x14: {  	s2 =	sld [smem:$0x3F8A];
	s0 =	simm.s32 @p1 $0x1  }
0x15: {  	[smem:$0x3FA7] =	sst s0;
	s0 =	simm.s32 @!p2 $0x0  }
0x16: {  	s3 =	sld [smem:$0x3FDB];
	s0 =	simm.s32 @p2 $0x1  }
0x17: {  	s4 =	simm.s32 $0x1BF5;
	[smem:$0x3FA9] =	sst s0  }
0x18: {  	s0 =	sld [smem:$0x3F8C];
	_ =	swait.ge [sflag:s4], $0x0  }
0x19: {  	s7 =	sld [smem:$0x3F8D]  }
0x1a: {  	s8 =	sadd.s32 $0xFFFFE003, lr  }
0x1b: {  	s9 =	sadd.s32 $0xFFFFFEF7, lr;
	s5 =	simm.s32 $0xFFFFFFFF;
	p2 =	slt.u32 s8, $0xFFFFF086  }
0x1c: {  	p1 =	slt.u32 s9, $0xF7A;
	s5 =	simm.s32 @!p2 $0x0  }
0x1d: {  	s5 =	simm.s32 @p1 $0x1;
	p0 =	seq.s32 s7, s2  }
0x1e: {  	s7 =	smul.u32 @!p0 $0xF7A, s2;
	p2 =	seq.s32 @!p0 s5, $0x0  }
0x1f: {  	s9 =	smul.u32 $0xF7A, s1;
	s8 =	simm.s32 @!p0 $0x1BF5;
	p2 =	por !p2, p0  }
0x20: {  	[sflag:s8] =	ssyncset.s32 @!p0 $0xFFFFF086;
	s6 =	sadd.s32 @!p0 s3, s7;
	s7 =	simm.s32 @!p0 $0x108  }
0x21: {  	s3 =	sadd.s32 s3, s9;
	s6 =	sadd.s32 @!p0 $0x88, s6;
	s7 =	simm.s32 @p2 $0x1082  }
0x22: {  	[simem:s7], [sflag:s8] =	dma.local @!p0 [hbm:s6], $0xF7A  }
0x23: {  	s9 =	sor.u32 $0xD0000000, s2;
	s6 =	simm.s32 $0x108;
	_ =	swait.ge @!p0 [sflag:s8], $0x0  }
0x24: {  	s3 =	sadd.s32 $0x88, s3;
	s6 =	simm.s32 @!p1 $0x1082;
	[sflag:s4] =	ssyncset.s32 $0xFFFFF086  }
0x25: {  	[simem:s6], [sflag:s4] =	dma.local [hbm:s3], $0xF7A  }
0x26: {  	[smem:$0x3F8D] =	sst s1;
	(tag) =	ssettag s2;
	_ =	strace s9  }
0x27: {  	s1 =	sld [smem:$0x3F9D]  }
0x28: {  	s2 =	sld [smem:$0x3F9E]  }
0x29: {  	s4 =	sld [smem:$0x3FA0]  }
0x2a: {  	p0 =	seq.s32 s5, $0x0;
	s5 =	sld [smem:$0x3FA1]  }
0x2b: {  	s6 =	sld [smem:$0x3FA2]  }
0x2c: {  	s7 =	sld [smem:$0x3FA3]  }
0x2d: {  	s3 =	simm.s32 $0x108;
	s8 =	sld [smem:$0x3FA4]  }
0x2e: {  	s3 =	simm.s32 @!p0 $0x1082;
	s9 =	sld [smem:$0x3FA5]  }
0x2f: {  	lr =	sadd.s32 s0, s3;
	s0 =	sld [smem:$0x3F9C]  }
0x30: {  	s3 =	sld [smem:$0x3F9F]  }
0x31: {  	[smem:$0x3FA8] =	sst s10  }
0x32: {  	s10 =	sld [smem:$0x3FA6];
	_ =	sdelay $0x3  }
0x33: {  	p0 =	seq.s32 s10, $0x1;
	s10 =	sld [smem:$0x3FA8];
	_ =	sdelay $0x3  }
0x34: {  	[smem:$0x3FA8] =	sst s10  }
0x35: {  	s10 =	sld [smem:$0x3FA7];
	_ =	sdelay $0x3  }
0x36: {  	p1 =	seq.s32 s10, $0x1;
	s10 =	sld [smem:$0x3FA8];
	_ =	sdelay $0x3  }
0x37: {  	[smem:$0x3FA8] =	sst s10  }
0x38: {  	s10 =	sld [smem:$0x3FA9]  }
0x39: {  	_ = 	snop;
	(pc) =	sbr.ind lr, $3  }
0x3a: {  	_ = 	snop  }
0x3b: {  	_ = 	snop  }
0x3c: {  	p2 =	seq.s32 s10, $0x1;
	s10 =	sld [smem:$0x3FA8]  }
0x3d: {  	_ =	shalt  }
0x3e: {  	_ =	shalt  }
0x3f: {  	_ =	shalt  }
0x40: {  	_ =	shalt  }
0x41: {  	_ =	shalt  }
0x42: {  	_ =	shalt  }
0x43: {  	_ =	shalt  }
0x44: {  	_ =	shalt  }
0x45: {  	_ =	shalt  }
0x46: {  	_ =	shalt  }
0x47: {  	_ =	shalt  }
0x48: {  	_ =	shalt  }
0x49: {  	_ =	shalt  }
0x4a: {  	_ =	shalt  }
0x4b: {  	_ =	shalt  }
0x4c: {  	_ =	shalt  }
0x4d: {  	_ =	shalt  }
0x4e: {  	_ =	shalt  }
0x4f: {  	_ =	shalt  }
0x50: {  	_ =	shalt  }
0x51: {  	_ =	shalt  }
0x52: {  	_ =	shalt  }
0x53: {  	_ =	shalt  }
0x54: {  	_ =	shalt  }
0x55: {  	_ =	shalt  }
0x56: {  	_ =	shalt  }
0x57: {  	_ =	shalt  }
0x58: {  	_ =	shalt  }
0x59: {  	_ =	shalt  }
0x5a: {  	_ =	shalt  }
0x5b: {  	_ =	shalt  }
0x5c: {  	_ =	shalt  }
0x5d: {  	_ =	shalt  }
0x5e: {  	_ =	shalt  }
0x5f: {  	_ =	shalt  }
0x60: {  	_ =	shalt  }
0x61: {  	_ =	shalt  }
0x62: {  	_ =	shalt  }
0x63: {  	_ =	shalt  }
0x64: {  	_ =	shalt  }
0x65: {  	_ =	shalt  }
0x66: {  	_ =	shalt  }
0x67: {  	_ =	shalt  }
0x68: {  	_ =	shalt  }
0x69: {  	_ =	shalt  }
0x6a: {  	_ =	shalt  }
0x6b: {  	_ =	shalt  }
0x6c: {  	_ =	shalt  }
0x6d: {  	_ =	shalt  }
0x6e: {  	_ =	shalt  }
0x6f: {  	_ =	shalt  }
0x70: {  	_ =	shalt  }
0x71: {  	_ =	shalt  }
0x72: {  	_ =	shalt  }
0x73: {  	_ =	shalt  }
0x74: {  	_ =	shalt  }
0x75: {  	_ =	shalt  }
0x76: {  	_ =	shalt  }
0x77: {  	_ =	shalt  }
0x78: {  	_ =	shalt  }
0x79: {  	_ =	shalt  }
0x7a: {  	_ =	shalt  }
0x7b: {  	_ =	shalt  }
0x7c: {  	_ =	shalt  }
0x7d: {  	_ =	shalt  }
0x7e: {  	_ =	shalt  }
0x7f: {  	_ =	shalt  }
0x80: {  	_ =	shalt  }
0x81: {  	_ =	shalt  }
0x82: {  	_ =	shalt  }
0x83: {  	_ =	shalt  }
0x84: {  	_ =	shalt  }
0x85: {  	_ =	shalt  }
0x86: {  	_ =	shalt  }
0x87: {  	_ =	shalt  }
.Lfunc_end0:
.L_simem_size_0:
called_computation.4_lowered:
.L_overlay_start_0:
0x88: {  	s2 =	sld [smem:$0x3FD9]  }
0x89: {  	s3 =	sld [smem:$0x3FFE];
	_ =	sdelay $0x1  }
0x8a: {  	s1 =	srdreg.scid  }
0x8b: {  	s0 =	sand.u32 $0x1, s1  }
0x8c: {  	s17 =	sshll.u32 s0, $0xA;
	s2 =	sadd.s32 s3, s2  }
0x8d: {  	s2 =	sadd.s32 s2, s17  }
0x8e: {  	[smem:$0x3FB4] =	sst s2  }
0x8f: {  	_ = 	snop  }
0x90: {  	s18 =	sld [smem:$0x3FC3];
	(tm) =	ssettm $0x1  }
0x91: {  	s19 =	sld [smem:$0x3FFB];
	_ =	sdelay $0x3  }
0x92: {  	_ =	strace s19  }
0x93: {  	s2 =	sld [smem:$0x3FFC];
	_ =	sdelay $0x3  }
0x94: {  	_ =	strace s2  }
0x95: {  	s2 =	sld [smem:$0x3FFD];
	_ =	sdelay $0x3  }
0x96: {  	_ =	strace s2  }
0x97: {  	_ =	strace $0x8FFFFFFF  }
0x98: {  	s20 =	sld [smem:$0x3FDB];
	_ =	sdelay $0x1  }
0x99: {  	s4 =	simm.s32 $_scs_section_size  }
0x9a: {  	s5 =	simm.s32 $_size__tile_overlayer_lowered;
	s6 =	simm.s32 $_tile_overlayer_lowered  }
0x9b: {  	s7 =	simm.s32 $0x1BFF;
	s21 =	sshll.u32 s6, $0x1;
	s4 =	sadd.s32 s4, s20  }
0x9c: {  	s22 =	simm.s32 $0x0;
	s5 =	sshll.u32 s5, $0x1;
	s6 =	sadd.s32 s21, s4  }
0x9d: {  	[timem:s22], [sflag:s7] =	dma.local [hbm:s6], s5  }
0x9e: {  	_ =	swait.ge [sflag:s7], s5  }
0x9f: {  	s5 =	ssub.s32 $0x0, s5;
	[sflag:s7] =	ssyncset.done $0x0  }
0xa0: {  	[sflag:s7] =	ssyncadd.s32 s5;
	_ =	sdelay $0x1  }
0xa1: {  	s23 =	simm.s32 $0x1B8B  }
0xa2: {  	_ =	swait.ge [sflag:s23], $0x1  }
0xa3: {  	[sflag:s23] =	ssyncset.done $0x0  }
0xa4: {  	[sflag:s23] =	ssyncadd.s32 $0xFFFFFFFF  }
0xa5: {  	s5 =	sld [smem:$0x0]  }
0xa6: {  	s6 =	sand.u32 $0xFFFFFFFE, s1  }
0xa7: {  	p0 =	sne.s32 s1, s6  }
0xa8: {  	s6 =	sshll.u32 @p0 s6, $0xE  }
0xa9: {  	s6 =	sadd.s32 @p0 $0x11B8D, s6;
	s7 =	sshll.u32 @p0 s5, $0x11  }
0xaa: {  	s6 =	sor.u32 @p0 s7, s6  }
0xab: {  	[sflag:s6] =	ssyncadd.remote.s32 @p0 $0x1;
	_ =	sdelay $0x1  }
0xac: {  	s6 =	simm.s32 @p0 $0x1B8D  }
0xad: {  	_ =	swait.eq @p0 [sflag:s6], $0x1  }
0xae: {  	[sflag:s6] =	ssyncadd.s32 @p0 $0xFFFFFFFF  }
0xaf: {  	s7 =	sshll.u32 @!p0 s1, $0xE  }
0xb0: {  	s7 =	sor.u32 @!p0 $0x4000, s7;
	s6 =	simm.s32 @!p0 $0x1B8D  }
0xb1: {  	s5 =	sshll.u32 @!p0 s5, $0x11;
	s7 =	sadd.s32 @!p0 $0x11B8D, s7;
	_ =	swait.eq @!p0 [sflag:s6], $0x1  }
0xb2: {  	s5 =	sor.u32 @!p0 s5, s7;
	[sflag:s6] =	ssyncadd.s32 @!p0 $0xFFFFFFFF  }
0xb3: {  	s25 =	simm.s32 $0x1B8E;
	s24 =	sld [smem:$0x3FFE];
	[sflag:s5] =	ssyncadd.remote.s32 @!p0 $0x1  }
0xb4: {  	s26 =	simm.s32 $execute0_lowered;
	[smem:$0x3FD2] =	sst s25  }
0xb5: {  	s6 =	sshll.u32 s26, $0x1;
	_ =	strace $0x80000049;
	[dreg:$0x1] =	wrdreg $0xFFFFFFFF  }
0xb6: {  	s28 =	simm.s32 $_size_execute0_lowered;
	s4 =	sadd.s32 s4, s6;
	[dreg:$0x0] =	wrdreg $0x0  }
0xb7: {  	s6 =	sshll.u32 s28, $0x1;
	[dreg:$0x2] =	wrdreg s4  }
0xb8: {  	[dreg:$0x3] =	wrdreg s6  }
0xb9: {  	[dreg:$0x4] =	wrdreg $0xC0  }
0xba: {  	_ =	task [dreg:s22], $0x5FFFF  }
0xbb: {  	[dreg:$0x1] =	wrdreg $0xFFFFFFFF  }
0xbc: {  	[dreg:$0x0] =	wrdreg $0x60  }
0xbd: {  	[dreg:$0x2] =	wrdreg s18  }
0xbe: {  	[dreg:$0x3] =	wrdreg s24  }
0xbf: {  	[dreg:$0x4] =	wrdreg $0xD  }
0xc0: {  	_ =	task.clear_ibuf [dreg:s22], $0x5FFFF;
	_ =	strace $0x90000049  }
0xc1: {  	s29 =	simm.s32 $0xD;
	_ =	strace $0x8000004B  }
0xc2: {  	_ =	swait.ge [sflag:s29], $0x1  }
0xc3: {  	[sflag:s29] =	ssyncadd.s32 $0xFFFFFFFF  }
0xc4: {  	_ =	strace $0x9000004B  }
0xc5: {  	_ =	sfence  }
0xc6: {  	s30 =	sld [smem:$0x0];
	_ =	sdelay $0x2  }
0xc7: {  	s31 =	sshll.u32 s1, $0xD;
	s1 =	sshrl.u32 s1, $0x2  }
0xc8: {  	s4 =	sand.u32 $0x4000, s31;
	s1 =	sadd.s32 s1, s30  }
0xc9: {  	s0 =	sor.u32 s4, s0;
	s1 =	sshll.u32 s1, $0x11  }
0xca: {  	s0 =	sor.u32 s1, s0  }
0xcb: {  	s0 =	sadd.s32 $0x8F2B, s0  }
0xcc: {  	[sflag:s0] =	ssyncadd.remote.s32 $0x1  }
0xcd: {  	_ =	sfence.sel $0xFFFF  }
0xce: {  	[dreg:$0x0] =	wrdreg $0xFFFFFFFF;
	(pc) =	sbr.abs _section_cstart, $3  }
0xcf: {  	[dreg:$0x1] =	wrdreg $0xFFFFFFFF  }
0xd0: {  	_ =	task.clear_ibuf [dreg:s22], $0x2FFFF;
	_ =	strace $0x9FFFFFFF  }
0xd1: {  	(tm) =	ssettm $0x7FFFFFFF  }
tec
execute0_lowered:
.L_overlay_start_1:
0x0: {  	(tag) =	ssettag $0x1  }
0x1: {  	s1 =	srdreg.scid;
	s2 =	rddreg [dreg:$0x0]  }
0x2: {  	s0 =	stileid.u32;
	s6 =	rddreg [dreg:$0x1];
	s1 =	sshll.u32 s1, $0x5  }
0x3: {  	s7 =	simm.s32 $0x1;
	s3 =	sshll.u32 s0, $0x6;
	s1 =	sand.u32 $0x20, s1  }
0x4: {  	s30 =	simm.s32 $0x2;
	s31 =	simm.s32 $0x3;
	s3 =	sor.u32 s3, s1  }
0x5: {  	s11 =	simm.s32 $0x0;
	s9 =	simm.s32 $0x0;
	s5 =	ssub.s32 $0x800, s3  }
0x6: {  	s4 =	sadd.s32 $0x7000, s6;
	s6 =	sadd.s32 $0x7400, s6;
	s8 =	sand.u32 $0x3E0, s5  }
0x7: {  	s1 =	rddreg [dreg:$0x2];
	_ =	strace $0x8000004A;
	p0 =	sne.s32 s8, $0x0  }
0x8: {  	[sflag:s7] =	ssyncpa.u1 $0x0;
	s5 =	sshrl.u32 s5, $0xA;
	s7 =	simm.s32 @!p0 $0x0  }
0x9: {  	s10 =	smov.u32 s3;
	[sflag:s30] =	ssyncpa.u1 $0x0;
	s5 =	sadd.s32 s7, s5  }
0xa: {  	[sflag:s31] =	ssyncpa.u1 $0x0;
	s8 =	simm.s32 $0x0;
	s7 =	sadd.s32 $0x1, s5  }
.LBB2_1:
0xb: {  	p0 =	sge.u32 s9, s5  }
0xc: {  	s31 =	sadd.s32 $0xFFFFFFFF, s9;
	s12 =	sxor.u32 @!p0 $0xFFFFFFFF, s8;
	s13 =	sshrl.u32 @!p0 s10, $0x3  }
0xd: {  	s14 =	sand.u32 @!p0 $0x7, s10;
	s12 =	sand.u32 @!p0 $0x20, s12;
	s13 =	sadd.s32 @!p0 s4, s13  }
0xe: {  	[tilespmem:s12], [sflag:$0x2] =	stream.linear.gather @!p0 [hbm4b:s13+s14], $0x20, $0x38;
	[tilespmem:$0x80] =	vst v63  }
0xf: {  	p0 =	sge.u32 s31, s5  }
0x10: {  	s12 =	simm.s32 @!p0 $0x2  }
0x11: {  	_ =	swait.ge @!p0 [sflag:s12], $0x20  }
0x12: {  	[sflag:s12] =	ssyncset.done @!p0 $0x0  }
0x13: {  	[sflag:s12] =	ssyncadd.s32 @!p0 $0xFFFFFFE0;
	s12 =	sand.u32 @!p0 $0x20, s8  }
0x14: {  	(ifvalue) =	ssetifvalue @!p0 $0x7FFFFFFF;
	v0 =	vld.msk @!p0 [tilespmem:s12+$0x0 ss:$0x1], $0xffff;
	_ =	sdelay $0x4  }
0x15: {  	vm0 =	vgt.s32 @!p0 v0, $0x0  }
0x16: {  	v0 =	vnsel @!p0 vm0, $0x0, v0  }
0x17: {  	v0 =	vmin.u32 @!p0 v0, $0x7FF;
	_ =	sdelay $0x2  }
0x18: {  	s14 =	simm.s32 @!p0 $0x0  }
0x19: {  	s13 =	sor.u32 @!p0 $0x40, s12;
	(ifvalue) =	ssetifvalue @!p0 $0x7FFFFFFF;
	s15 =	sor.u32 @!p0 $0x10, s12;
	vm0 =	vmmov @!p0 $0xffff  }
0x1a: {  	[tilespmem:s13], [sflag:$0x1] =	stream.indirect_vreg.gather @!p0 [hbm4b:s2+s14], $0x1, v0, vm0, $0x4038;
	[tilespmem:$0x80] =	vst v63  }
0x1b: {  	v0 =	vld.msk @!p0 [tilespmem:s15+$0x0 ss:$0x1], $0xffff;
	_ =	sdelay $0x4  }
0x1c: {  	vm1 =	vgt.s32 @!p0 v0, $0x0  }
0x1d: {  	v0 =	vnsel @!p0 vm1, $0x0, v0  }
0x1e: {  	v0 =	vmin.u32 @!p0 v0, $0x7FF;
	_ =	sdelay $0x3  }
0x1f: {  	s12 =	sor.u32 @!p0 $0x50, s12;
	(ifvalue) =	ssetifvalue @!p0 $0x7FFFFFFF  }
0x20: {  	[tilespmem:s12], [sflag:$0x1] =	stream.indirect_vreg.gather @!p0 [hbm4b:s2+s14], $0x1, v0, vm0, $0x4038;
	[tilespmem:$0x80] =	vst v63  }
0x21: {  	s12 =	simm.s32 @!p0 $0x1  }
0x22: {  	_ =	swait.ge @!p0 [sflag:s12], $0x20  }
0x23: {  	s14 =	sshrl.u32 @!p0 s11, $0x3;
	[sflag:s12] =	ssyncset.done @!p0 $0x0  }
0x24: {  	s11 =	sand.u32 @!p0 $0x7, s11;
	[sflag:s12] =	ssyncadd.s32 @!p0 $0xFFFFFFE0;
	s12 =	sadd.s32 @!p0 s6, s14  }
0x25: {  	[hbm4b:s12+s11] =	stream.linear.scatter @!p0 [tilespmem:s13], [sflag:$0x3], $0x20, $0x38;
	[tilespmem:$0x80] =	vst v63  }
0x26: {  	s13 =	sadd.s32 $0x400, s10  }
0x27: {  	p1 =	sgt.s32 s13, $0x7FF  }
0x28: {  	s13 =	smov.u32 @p1 s3;
	p1 =	sne.s32 s9, s7  }
.Ltmp0:
0x29: {  	p0 =	slt.u32 s9, $0x2;
	(pc) =	sbr.rel @p1 .LBB2_1-.Ltmp0, $4  }
0x2a: {  	s12 =	simm.s32 @!p0 $0x3  }
0x2b: {  	_ =	swait.ge @!p0 [sflag:s12], $0x20  }
0x2c: {  	s8 =	sadd.s32 $0x20, s8;
	s11 =	smov.u32 s10;
	[sflag:s12] =	ssyncset.done @!p0 $0x0  }
0x2d: {  	s9 =	sadd.s32 $0x1, s9;
	s10 =	smov.u32 s13;
	[sflag:s12] =	ssyncadd.s32 @!p0 $0xFFFFFFE0  }
0x2e: {  	_ =	sfence.sel $0x180000  }
0x2f: {  	s2 =	simm.s32 $0x2;
	[bflag:$0x0] =	sbarrier.arrive $0xFFFF  }
0x30: {  	s30 =	simm.s32 $0x3;
	[sflag:s2] =	ssyncpa.u1 $0x1  }
0x31: {  	s31 =	simm.s32 $0x1;
	[sflag:s30] =	ssyncpa.u1 $0x1  }
0x32: {  	[sflag:s31] =	ssyncpa.u1 $0x1  }
0x33: {  	p0 =	sne.s32 s0, $0x0;
	_ =	strace $0x9000004A  }
0x34: {  	s0 =	sadd.s32 @!p0 $0x100000, s1;
	[bflag:$0x2] =	sbarrier.arrive $0xFFFF  }
0x35: {  	[sflag:s0] =	ssyncadd.tile.s32 @!p0 $0x1;
	_ =	shalt  }
.Lfunc_end2:
_tile_overlayer_lowered:
.L_overlay_start_2:
0x36: {  	(tag) =	ssettag $0x2  }
0x37: {  	s0 =	rddreg [dreg:$0x0];
	s2 =	stileid.u32  }
0x38: {  	s1 =	rddreg [dreg:$0x1];
	p0 =	sne.s32 s2, $0x0  }
0x39: {  	s3 =	rddreg [dreg:$0x2];
	[bflag:$0x3] =	sbarrier.arrive $0xFFFF;
	s2 =	simm.s32 @!p0 $0x1C01  }
0x3a: {  	[timem:s3], [sflag:s2] =	dma.local @!p0 [hbm:s0], s1  }
0x3b: {  	s0 =	simm.s32 @!p0 $0x1  }
0x3c: {  	_ =	swait.ge @!p0 [sflag:s0], s1  }
0x3d: {  	s1 =	ssub.s32 @!p0 $0x0, s1;
	[sflag:s0] =	ssyncset.done @!p0 $0x0  }
0x3e: {  	[sflag:s0] =	ssyncadd.s32 @!p0 s1  }
0x3f: {  	[bflag:$0x3] =	sbarrier.arrive $0xFFFF  }
0x40: {  	_ =	shalt  }

// kernel: gather_offload_async_start.5
scs
__scs_entry_jumppad:
0x0: {  	(pc) =	sbr.rel $0x88, $3  }
0x1: {  	(tag) =	ssettag $0x0;
	lr =	simm.s32 $0x1  }
0x2: {  	[smem:$0x3F8D] =	sst lr;
	_ =	strace $0xD0000000  }
0x3: {  	_ = 	snop  }
0x4: {  	_ = 	snop  }
0x5: {  	_ = 	snop  }
0x6: {  	_ = 	snop  }
0x7: {  	_ = 	snop  }
__scs_overlays_trampoline_lowered:
0x8: {  	[smem:$0x3F9C] =	sst s0  }
0x9: {  	[smem:$0x3F9D] =	sst s1  }
0xa: {  	[smem:$0x3F9E] =	sst s2  }
0xb: {  	[smem:$0x3F9F] =	sst s3  }
0xc: {  	[smem:$0x3FA0] =	sst s4  }
0xd: {  	[smem:$0x3FA1] =	sst s5  }
0xe: {  	[smem:$0x3FA2] =	sst s6  }
0xf: {  	[smem:$0x3FA3] =	sst s7  }
0x10: {  	[smem:$0x3FA4] =	sst s8  }
0x11: {  	[smem:$0x3FA5] =	sst s9;
	s0 =	simm.s32 @!p0 $0x0  }
0x12: {  	s1 =	sld [smem:$0x3F8B];
	s0 =	simm.s32 @p0 $0x1  }
0x13: {  	[smem:$0x3FA6] =	sst s0;
	s0 =	simm.s32 @!p1 $0x0  }
0x14: {  	s2 =	sld [smem:$0x3F8A];
	s0 =	simm.s32 @p1 $0x1  }
0x15: {  	[smem:$0x3FA7] =	sst s0;
	s0 =	simm.s32 @!p2 $0x0  }
0x16: {  	s3 =	sld [smem:$0x3FDB];
	s0 =	simm.s32 @p2 $0x1  }
0x17: {  	s4 =	simm.s32 $0x1BF5;
	[smem:$0x3FA9] =	sst s0  }
0x18: {  	s0 =	sld [smem:$0x3F8C];
	_ =	swait.ge [sflag:s4], $0x0  }
0x19: {  	s7 =	sld [smem:$0x3F8D]  }
0x1a: {  	s8 =	sadd.s32 $0xFFFFE003, lr  }
0x1b: {  	s9 =	sadd.s32 $0xFFFFFEF7, lr;
	s5 =	simm.s32 $0xFFFFFFFF;
	p2 =	slt.u32 s8, $0xFFFFF086  }
0x1c: {  	p1 =	slt.u32 s9, $0xF7A;
	s5 =	simm.s32 @!p2 $0x0  }
0x1d: {  	s5 =	simm.s32 @p1 $0x1;
	p0 =	seq.s32 s7, s2  }
0x1e: {  	s7 =	smul.u32 @!p0 $0xF7A, s2;
	p2 =	seq.s32 @!p0 s5, $0x0  }
0x1f: {  	s9 =	smul.u32 $0xF7A, s1;
	s8 =	simm.s32 @!p0 $0x1BF5;
	p2 =	por !p2, p0  }
0x20: {  	[sflag:s8] =	ssyncset.s32 @!p0 $0xFFFFF086;
	s6 =	sadd.s32 @!p0 s3, s7;
	s7 =	simm.s32 @!p0 $0x108  }
0x21: {  	s3 =	sadd.s32 s3, s9;
	s6 =	sadd.s32 @!p0 $0x88, s6;
	s7 =	simm.s32 @p2 $0x1082  }
0x22: {  	[simem:s7], [sflag:s8] =	dma.local @!p0 [hbm:s6], $0xF7A  }
0x23: {  	s9 =	sor.u32 $0xD0000000, s2;
	s6 =	simm.s32 $0x108;
	_ =	swait.ge @!p0 [sflag:s8], $0x0  }
0x24: {  	s3 =	sadd.s32 $0x88, s3;
	s6 =	simm.s32 @!p1 $0x1082;
	[sflag:s4] =	ssyncset.s32 $0xFFFFF086  }
0x25: {  	[simem:s6], [sflag:s4] =	dma.local [hbm:s3], $0xF7A  }
0x26: {  	[smem:$0x3F8D] =	sst s1;
	(tag) =	ssettag s2;
	_ =	strace s9  }
0x27: {  	s1 =	sld [smem:$0x3F9D]  }
0x28: {  	s2 =	sld [smem:$0x3F9E]  }
0x29: {  	s4 =	sld [smem:$0x3FA0]  }
0x2a: {  	p0 =	seq.s32 s5, $0x0;
	s5 =	sld [smem:$0x3FA1]  }
0x2b: {  	s6 =	sld [smem:$0x3FA2]  }
0x2c: {  	s7 =	sld [smem:$0x3FA3]  }
0x2d: {  	s3 =	simm.s32 $0x108;
	s8 =	sld [smem:$0x3FA4]  }
0x2e: {  	s3 =	simm.s32 @!p0 $0x1082;
	s9 =	sld [smem:$0x3FA5]  }
0x2f: {  	lr =	sadd.s32 s0, s3;
	s0 =	sld [smem:$0x3F9C]  }
0x30: {  	s3 =	sld [smem:$0x3F9F]  }
0x31: {  	[smem:$0x3FA8] =	sst s10  }
0x32: {  	s10 =	sld [smem:$0x3FA6];
	_ =	sdelay $0x3  }
0x33: {  	p0 =	seq.s32 s10, $0x1;
	s10 =	sld [smem:$0x3FA8];
	_ =	sdelay $0x3  }
0x34: {  	[smem:$0x3FA8] =	sst s10  }
0x35: {  	s10 =	sld [smem:$0x3FA7];
	_ =	sdelay $0x3  }
0x36: {  	p1 =	seq.s32 s10, $0x1;
	s10 =	sld [smem:$0x3FA8];
	_ =	sdelay $0x3  }
0x37: {  	[smem:$0x3FA8] =	sst s10  }
0x38: {  	s10 =	sld [smem:$0x3FA9]  }
0x39: {  	_ = 	snop;
	(pc) =	sbr.ind lr, $3  }
0x3a: {  	_ = 	snop  }
0x3b: {  	_ = 	snop  }
0x3c: {  	p2 =	seq.s32 s10, $0x1;
	s10 =	sld [smem:$0x3FA8]  }
0x3d: {  	_ =	shalt  }
0x3e: {  	_ =	shalt  }
0x3f: {  	_ =	shalt  }
0x40: {  	_ =	shalt  }
0x41: {  	_ =	shalt  }
0x42: {  	_ =	shalt  }
0x43: {  	_ =	shalt  }
0x44: {  	_ =	shalt  }
0x45: {  	_ =	shalt  }
0x46: {  	_ =	shalt  }
0x47: {  	_ =	shalt  }
0x48: {  	_ =	shalt  }
0x49: {  	_ =	shalt  }
0x4a: {  	_ =	shalt  }
0x4b: {  	_ =	shalt  }
0x4c: {  	_ =	shalt  }
0x4d: {  	_ =	shalt  }
0x4e: {  	_ =	shalt  }
0x4f: {  	_ =	shalt  }
0x50: {  	_ =	shalt  }
0x51: {  	_ =	shalt  }
0x52: {  	_ =	shalt  }
0x53: {  	_ =	shalt  }
0x54: {  	_ =	shalt  }
0x55: {  	_ =	shalt  }
0x56: {  	_ =	shalt  }
0x57: {  	_ =	shalt  }
0x58: {  	_ =	shalt  }
0x59: {  	_ =	shalt  }
0x5a: {  	_ =	shalt  }
0x5b: {  	_ =	shalt  }
0x5c: {  	_ =	shalt  }
0x5d: {  	_ =	shalt  }
0x5e: {  	_ =	shalt  }
0x5f: {  	_ =	shalt  }
0x60: {  	_ =	shalt  }
0x61: {  	_ =	shalt  }
0x62: {  	_ =	shalt  }
0x63: {  	_ =	shalt  }
0x64: {  	_ =	shalt  }
0x65: {  	_ =	shalt  }
0x66: {  	_ =	shalt  }
0x67: {  	_ =	shalt  }
0x68: {  	_ =	shalt  }
0x69: {  	_ =	shalt  }
0x6a: {  	_ =	shalt  }
0x6b: {  	_ =	shalt  }
0x6c: {  	_ =	shalt  }
0x6d: {  	_ =	shalt  }
0x6e: {  	_ =	shalt  }
0x6f: {  	_ =	shalt  }
0x70: {  	_ =	shalt  }
0x71: {  	_ =	shalt  }
0x72: {  	_ =	shalt  }
0x73: {  	_ =	shalt  }
0x74: {  	_ =	shalt  }
0x75: {  	_ =	shalt  }
0x76: {  	_ =	shalt  }
0x77: {  	_ =	shalt  }
0x78: {  	_ =	shalt  }
0x79: {  	_ =	shalt  }
0x7a: {  	_ =	shalt  }
0x7b: {  	_ =	shalt  }
0x7c: {  	_ =	shalt  }
0x7d: {  	_ =	shalt  }
0x7e: {  	_ =	shalt  }
0x7f: {  	_ =	shalt  }
0x80: {  	_ =	shalt  }
0x81: {  	_ =	shalt  }
0x82: {  	_ =	shalt  }
0x83: {  	_ =	shalt  }
0x84: {  	_ =	shalt  }
0x85: {  	_ =	shalt  }
0x86: {  	_ =	shalt  }
0x87: {  	_ =	shalt  }
.Lfunc_end0:
.L_simem_size_0:
called_computation.5_lowered:
.L_overlay_start_0:
0x88: {  	s2 =	sld [smem:$0x3FD9]  }
0x89: {  	s3 =	sld [smem:$0x3FFE];
	_ =	sdelay $0x1  }
0x8a: {  	s1 =	srdreg.scid  }
0x8b: {  	s0 =	sand.u32 $0x1, s1  }
0x8c: {  	s14 =	sshll.u32 s0, $0xA;
	s2 =	sadd.s32 s3, s2  }
0x8d: {  	s2 =	sadd.s32 s2, s14  }
0x8e: {  	[smem:$0x3FB4] =	sst s2  }
0x8f: {  	_ = 	snop  }
0x90: {  	s2 =	sld [smem:$0x3FD0];
	_ =	sdelay $0x2  }
0x91: {  	s15 =	simm.s32 $0xF;
	s4 =	simm.s32 $0x10  }
0x92: {  	[smem:s4], [sflag:s15] =	dma.local [hbm:s2], $0x1  }
0x93: {  	_ =	swait.eq [sflag:s15], $0x1  }
0x94: {  	[sflag:s15] =	ssyncset.done $0x0  }
0x95: {  	[sflag:s15] =	ssyncadd.s32 $0xFFFFFFFF  }
0x96: {  	s16 =	sld [smem:$0x10];
	(tm) =	ssettm $0x1  }
0x97: {  	s17 =	sld [smem:$0x3FFB];
	_ =	sdelay $0x3  }
0x98: {  	_ =	strace s17  }
0x99: {  	s3 =	sld [smem:$0x3FFC];
	_ =	sdelay $0x3  }
0x9a: {  	_ =	strace s3  }
0x9b: {  	s3 =	sld [smem:$0x3FFD];
	_ =	sdelay $0x3  }
0x9c: {  	_ =	strace s3  }
0x9d: {  	_ =	strace $0x8FFFFFFF  }
0x9e: {  	s18 =	sld [smem:$0x3FDB];
	_ =	sdelay $0x1  }
0x9f: {  	s19 =	simm.s32 $_scs_section_size  }
0xa0: {  	s5 =	simm.s32 $_size__tile_overlayer_lowered;
	s6 =	simm.s32 $_tile_overlayer_lowered  }
0xa1: {  	s22 =	simm.s32 $0x1BFF;
	s21 =	sshll.u32 s6, $0x1;
	s3 =	sadd.s32 s19, s18  }
0xa2: {  	s7 =	simm.s32 $0x0;
	s20 =	sshll.u32 s5, $0x1;
	s5 =	sadd.s32 s21, s3  }
0xa3: {  	[timem:s7], [sflag:s22] =	dma.local [hbm:s5], s20  }
0xa4: {  	_ =	swait.ge [sflag:s22], s20  }
0xa5: {  	s4 =	ssub.s32 $0x0, s20;
	[sflag:s22] =	ssyncset.done $0x0  }
0xa6: {  	[sflag:s22] =	ssyncadd.s32 s4;
	_ =	sdelay $0x1  }
0xa7: {  	s23 =	simm.s32 $0x1B8B  }
0xa8: {  	_ =	swait.ge [sflag:s23], $0x1  }
0xa9: {  	[sflag:s23] =	ssyncset.done $0x0  }
0xaa: {  	s25 =	simm.s32 $0x1B8E;
	s24 =	sld [smem:$0x3FFE];
	[sflag:s23] =	ssyncadd.s32 $0xFFFFFFFF  }
0xab: {  	s26 =	simm.s32 $execute0_lowered;
	[smem:$0x3FD2] =	sst s25  }
0xac: {  	s5 =	sshll.u32 s26, $0x1;
	_ =	strace $0x80000058;
	[dreg:$0x1] =	wrdreg $0xFFFFFFFF  }
0xad: {  	s28 =	simm.s32 $_size_execute0_lowered;
	s3 =	sadd.s32 s3, s5;
	[dreg:$0x0] =	wrdreg $0x0  }
0xae: {  	s5 =	sshll.u32 s28, $0x1;
	[dreg:$0x2] =	wrdreg s3  }
0xaf: {  	[dreg:$0x3] =	wrdreg s5  }
0xb0: {  	[dreg:$0x4] =	wrdreg $0xC0  }
0xb1: {  	_ =	task [dreg:s7], $0x5FFFF  }
0xb2: {  	[dreg:$0x1] =	wrdreg $0xFFFFFFFF  }
0xb3: {  	[dreg:$0x0] =	wrdreg $0x60  }
0xb4: {  	[dreg:$0x2] =	wrdreg s24  }
0xb5: {  	[dreg:$0x3] =	wrdreg s16  }
0xb6: {  	[dreg:$0x4] =	wrdreg $0x9  }
0xb7: {  	_ =	task.clear_ibuf [dreg:s7], $0x5FFFF;
	_ =	strace $0x90000058  }
0xb8: {  	s29 =	simm.s32 $0x9;
	_ =	strace $0x8000005A  }
0xb9: {  	_ =	swait.ge [sflag:s29], $0x1  }
0xba: {  	[sflag:s29] =	ssyncadd.s32 $0xFFFFFFFF  }
0xbb: {  	_ =	strace $0x9000005A  }
0xbc: {  	_ =	sfence  }
0xbd: {  	s30 =	sld [smem:$0x0];
	_ =	sdelay $0x2  }
0xbe: {  	s31 =	sshll.u32 s1, $0xD;
	s1 =	sshrl.u32 s1, $0x2  }
0xbf: {  	s3 =	sand.u32 $0x4000, s31;
	s1 =	sadd.s32 s1, s30  }
0xc0: {  	s0 =	sor.u32 s3, s0;
	s1 =	sshll.u32 s1, $0x11  }
0xc1: {  	s0 =	sor.u32 s1, s0  }
0xc2: {  	s0 =	sadd.s32 $0x8F2B, s0  }
0xc3: {  	[sflag:s0] =	ssyncadd.remote.s32 $0x1  }
0xc4: {  	_ =	sfence.sel $0xFFFF  }
0xc5: {  	[dreg:$0x0] =	wrdreg $0xFFFFFFFF;
	(pc) =	sbr.abs _section_cstart, $3  }
0xc6: {  	[dreg:$0x1] =	wrdreg $0xFFFFFFFF  }
0xc7: {  	_ =	task.clear_ibuf [dreg:s7], $0x2FFFF;
	_ =	strace $0x9FFFFFFF  }
0xc8: {  	(tm) =	ssettm $0x7FFFFFFF  }
0xc9: {  	_ =	shalt  }
tec
execute0_lowered:
.L_overlay_start_1:
0x0: {  	(tag) =	ssettag $0x1  }
0x1: {  	s1 =	srdreg.scid;
	s6 =	rddreg [dreg:$0x0]  }
0x2: {  	s0 =	stileid.u32;
	s2 =	rddreg [dreg:$0x1];
	s1 =	sshll.u32 s1, $0x5  }
0x3: {  	s7 =	simm.s32 $0x1;
	s3 =	sshll.u32 s0, $0x6;
	s1 =	sand.u32 $0x20, s1  }
0x4: {  	s30 =	simm.s32 $0x2;
	s31 =	simm.s32 $0x3;
	s3 =	sor.u32 s3, s1  }
0x5: {  	s11 =	simm.s32 $0x0;
	s9 =	simm.s32 $0x0;
	s5 =	ssub.s32 $0x800, s3  }
0x6: {  	s4 =	sadd.s32 $0x2C7200, s6;
	s6 =	sadd.s32 $0x7000, s6;
	s8 =	sand.u32 $0x3E0, s5  }
0x7: {  	s1 =	rddreg [dreg:$0x2];
	_ =	strace $0x80000059;
	p0 =	sne.s32 s8, $0x0  }
0x8: {  	[sflag:s7] =	ssyncpa.u1 $0x0;
	s5 =	sshrl.u32 s5, $0xA;
	s7 =	simm.s32 @!p0 $0x0  }
0x9: {  	s10 =	smov.u32 s3;
	[sflag:s30] =	ssyncpa.u1 $0x0;
	s5 =	sadd.s32 s7, s5  }
0xa: {  	[sflag:s31] =	ssyncpa.u1 $0x0;
	s8 =	simm.s32 $0x0;
	s7 =	sadd.s32 $0x1, s5  }
.LBB2_1:
0xb: {  	p0 =	sge.u32 s9, s5  }
0xc: {  	s31 =	sadd.s32 $0xFFFFFFFF, s9;
	s12 =	sxor.u32 @!p0 $0xFFFFFFFF, s8;
	s13 =	sshrl.u32 @!p0 s10, $0x3  }
0xd: {  	s14 =	sand.u32 @!p0 $0x7, s10;
	s12 =	sand.u32 @!p0 $0x20, s12;
	s13 =	sadd.s32 @!p0 s6, s13  }
0xe: {  	[tilespmem:s12], [sflag:$0x2] =	stream.linear.gather @!p0 [hbm4b:s13+s14], $0x20, $0x38;
	[tilespmem:$0x80] =	vst v63  }
0xf: {  	p0 =	sge.u32 s31, s5  }
0x10: {  	s12 =	simm.s32 @!p0 $0x2  }
0x11: {  	_ =	swait.ge @!p0 [sflag:s12], $0x20  }
0x12: {  	[sflag:s12] =	ssyncset.done @!p0 $0x0  }
0x13: {  	[sflag:s12] =	ssyncadd.s32 @!p0 $0xFFFFFFE0;
	s12 =	sand.u32 @!p0 $0x20, s8  }
0x14: {  	(ifvalue) =	ssetifvalue @!p0 $0x7FFFFFFF;
	v0 =	vld.msk @!p0 [tilespmem:s12+$0x0 ss:$0x1], $0xffff;
	_ =	sdelay $0x4  }
0x15: {  	vm0 =	vgt.s32 @!p0 v0, $0x0  }
0x16: {  	v0 =	vnsel @!p0 vm0, $0x0, v0  }
0x17: {  	v0 =	vmin.u32 @!p0 v0, $0x7FF;
	_ =	sdelay $0x2  }
0x18: {  	s14 =	simm.s32 @!p0 $0x0  }
0x19: {  	s13 =	sor.u32 @!p0 $0x40, s12;
	(ifvalue) =	ssetifvalue @!p0 $0x7FFFFFFF;
	s15 =	sor.u32 @!p0 $0x10, s12;
	vm0 =	vmmov @!p0 $0xffff  }
0x1a: {  	[tilespmem:s13], [sflag:$0x1] =	stream.indirect_vreg.gather @!p0 [hbm4b:s4+s14], $0x1, v0, vm0, $0x4038;
	[tilespmem:$0x80] =	vst v63  }
0x1b: {  	v0 =	vld.msk @!p0 [tilespmem:s15+$0x0 ss:$0x1], $0xffff;
	_ =	sdelay $0x4  }
0x1c: {  	vm1 =	vgt.s32 @!p0 v0, $0x0  }
0x1d: {  	v0 =	vnsel @!p0 vm1, $0x0, v0  }
0x1e: {  	v0 =	vmin.u32 @!p0 v0, $0x7FF;
	_ =	sdelay $0x3  }
0x1f: {  	s12 =	sor.u32 @!p0 $0x50, s12;
	(ifvalue) =	ssetifvalue @!p0 $0x7FFFFFFF  }
0x20: {  	[tilespmem:s12], [sflag:$0x1] =	stream.indirect_vreg.gather @!p0 [hbm4b:s4+s14], $0x1, v0, vm0, $0x4038;
	[tilespmem:$0x80] =	vst v63  }
0x21: {  	s12 =	simm.s32 @!p0 $0x1  }
0x22: {  	_ =	swait.ge @!p0 [sflag:s12], $0x20  }
0x23: {  	s14 =	sshrl.u32 @!p0 s11, $0x3;
	[sflag:s12] =	ssyncset.done @!p0 $0x0  }
0x24: {  	s11 =	sand.u32 @!p0 $0x7, s11;
	[sflag:s12] =	ssyncadd.s32 @!p0 $0xFFFFFFE0;
	s12 =	sadd.s32 @!p0 s2, s14  }
0x25: {  	[hbm4b:s12+s11] =	stream.linear.scatter @!p0 [tilespmem:s13], [sflag:$0x3], $0x20, $0x38;
	[tilespmem:$0x80] =	vst v63  }
0x26: {  	s13 =	sadd.s32 $0x400, s10  }
0x27: {  	p1 =	sgt.s32 s13, $0x7FF  }
0x28: {  	s13 =	smov.u32 @p1 s3;
	p1 =	sne.s32 s9, s7  }
.Ltmp0:
0x29: {  	p0 =	slt.u32 s9, $0x2;
	(pc) =	sbr.rel @p1 .LBB2_1-.Ltmp0, $4  }
0x2a: {  	s12 =	simm.s32 @!p0 $0x3  }
0x2b: {  	_ =	swait.ge @!p0 [sflag:s12], $0x20  }
0x2c: {  	s8 =	sadd.s32 $0x20, s8;
	s11 =	smov.u32 s10;
	[sflag:s12] =	ssyncset.done @!p0 $0x0  }
0x2d: {  	s9 =	sadd.s32 $0x1, s9;
	s10 =	smov.u32 s13;
	[sflag:s12] =	ssyncadd.s32 @!p0 $0xFFFFFFE0  }
0x2e: {  	_ =	sfence.sel $0x180000  }
0x2f: {  	s2 =	simm.s32 $0x2;
	[bflag:$0x0] =	sbarrier.arrive $0xFFFF  }
0x30: {  	s30 =	simm.s32 $0x3;
	[sflag:s2] =	ssyncpa.u1 $0x1  }
0x31: {  	s31 =	simm.s32 $0x1;
	[sflag:s30] =	ssyncpa.u1 $0x1  }
0x32: {  	[sflag:s31] =	ssyncpa.u1 $0x1  }
0x33: {  	p0 =	sne.s32 s0, $0x0;
	_ =	strace $0x90000059  }
0x34: {  	s0 =	sadd.s32 @!p0 $0x100000, s1;
	[bflag:$0x2] =	sbarrier.arrive $0xFFFF  }
0x35: {  	[sflag:s0] =	ssyncadd.tile.s32 @!p0 $0x1;
	_ =	shalt  }
.Lfunc_end2:
_tile_overlayer_lowered:
.L_overlay_start_2:
0x36: {  	(tag) =	ssettag $0x2  }
0x37: {  	s0 =	rddreg [dreg:$0x0];
	s2 =	stileid.u32  }
0x38: {  	s1 =	rddreg [dreg:$0x1];
	p0 =	sne.s32 s2, $0x0  }
0x39: {  	s3 =	rddreg [dreg:$0x2];
	[bflag:$0x3] =	sbarrier.arrive $0xFFFF;
	s2 =	simm.s32 @!p0 $0x1C01  }
0x3a: {  	[timem:s3], [sflag:s2] =	dma.local @!p0 [hbm:s0], s1  }
0x3b: {  	s0 =	simm.s32 @!p0 $0x1  }
0x3c: {  	_ =	swait.ge @!p0 [sflag:s0], s1  }
0x3d: {  	s1 =	ssub.s32 @!p0 $0x0, s1;
	[sflag:s0] =	ssyncset.done @!p0 $0x0  }
0x3e: {  	[sflag:s0] =	ssyncadd.s32 @!p0 s1  }
0x3f: {  	[bflag:$0x3] =	sbarrier.arrive $0xFFFF  }
0x40: {  	_ =	shalt  }

// kernel: gather_offload_async_start
scs
__scs_entry_jumppad:
0x0: {  	(pc) =	sbr.rel $0x88, $3  }
0x1: {  	(tag) =	ssettag $0x0;
	lr =	simm.s32 $0x1  }
0x2: {  	[smem:$0x3F8D] =	sst lr;
	_ =	strace $0xD0000000  }
0x3: {  	_ = 	snop  }
0x4: {  	_ = 	snop  }
0x5: {  	_ = 	snop  }
0x6: {  	_ = 	snop  }
0x7: {  	_ = 	snop  }
__scs_overlays_trampoline_lowered:
0x8: {  	[smem:$0x3F9C] =	sst s0  }
0x9: {  	[smem:$0x3F9D] =	sst s1  }
0xa: {  	[smem:$0x3F9E] =	sst s2  }
0xb: {  	[smem:$0x3F9F] =	sst s3  }
0xc: {  	[smem:$0x3FA0] =	sst s4  }
0xd: {  	[smem:$0x3FA1] =	sst s5  }
0xe: {  	[smem:$0x3FA2] =	sst s6  }
0xf: {  	[smem:$0x3FA3] =	sst s7  }
0x10: {  	[smem:$0x3FA4] =	sst s8  }
0x11: {  	[smem:$0x3FA5] =	sst s9;
	s0 =	simm.s32 @!p0 $0x0  }
0x12: {  	s1 =	sld [smem:$0x3F8B];
	s0 =	simm.s32 @p0 $0x1  }
0x13: {  	[smem:$0x3FA6] =	sst s0;
	s0 =	simm.s32 @!p1 $0x0  }
0x14: {  	s2 =	sld [smem:$0x3F8A];
	s0 =	simm.s32 @p1 $0x1  }
0x15: {  	[smem:$0x3FA7] =	sst s0;
	s0 =	simm.s32 @!p2 $0x0  }
0x16: {  	s3 =	sld [smem:$0x3FDB];
	s0 =	simm.s32 @p2 $0x1  }
0x17: {  	s4 =	simm.s32 $0x1BF5;
	[smem:$0x3FA9] =	sst s0  }
0x18: {  	s0 =	sld [smem:$0x3F8C];
	_ =	swait.ge [sflag:s4], $0x0  }
0x19: {  	s7 =	sld [smem:$0x3F8D]  }
0x1a: {  	s8 =	sadd.s32 $0xFFFFE003, lr  }
0x1b: {  	s9 =	sadd.s32 $0xFFFFFEF7, lr;
	s5 =	simm.s32 $0xFFFFFFFF;
	p2 =	slt.u32 s8, $0xFFFFF086  }
0x1c: {  	p1 =	slt.u32 s9, $0xF7A;
	s5 =	simm.s32 @!p2 $0x0  }
0x1d: {  	s5 =	simm.s32 @p1 $0x1;
	p0 =	seq.s32 s7, s2  }
0x1e: {  	s7 =	smul.u32 @!p0 $0xF7A, s2;
	p2 =	seq.s32 @!p0 s5, $0x0  }
0x1f: {  	s9 =	smul.u32 $0xF7A, s1;
	s8 =	simm.s32 @!p0 $0x1BF5;
	p2 =	por !p2, p0  }
0x20: {  	[sflag:s8] =	ssyncset.s32 @!p0 $0xFFFFF086;
	s6 =	sadd.s32 @!p0 s3, s7;
	s7 =	simm.s32 @!p0 $0x108  }
0x21: {  	s3 =	sadd.s32 s3, s9;
	s6 =	sadd.s32 @!p0 $0x88, s6;
	s7 =	simm.s32 @p2 $0x1082  }
0x22: {  	[simem:s7], [sflag:s8] =	dma.local @!p0 [hbm:s6], $0xF7A  }
0x23: {  	s9 =	sor.u32 $0xD0000000, s2;
	s6 =	simm.s32 $0x108;
	_ =	swait.ge @!p0 [sflag:s8], $0x0  }
0x24: {  	s3 =	sadd.s32 $0x88, s3;
	s6 =	simm.s32 @!p1 $0x1082;
	[sflag:s4] =	ssyncset.s32 $0xFFFFF086  }
0x25: {  	[simem:s6], [sflag:s4] =	dma.local [hbm:s3], $0xF7A  }
0x26: {  	[smem:$0x3F8D] =	sst s1;
	(tag) =	ssettag s2;
	_ =	strace s9  }
0x27: {  	s1 =	sld [smem:$0x3F9D]  }
0x28: {  	s2 =	sld [smem:$0x3F9E]  }
0x29: {  	s4 =	sld [smem:$0x3FA0]  }
0x2a: {  	p0 =	seq.s32 s5, $0x0;
	s5 =	sld [smem:$0x3FA1]  }
0x2b: {  	s6 =	sld [smem:$0x3FA2]  }
0x2c: {  	s7 =	sld [smem:$0x3FA3]  }
0x2d: {  	s3 =	simm.s32 $0x108;
	s8 =	sld [smem:$0x3FA4]  }
0x2e: {  	s3 =	simm.s32 @!p0 $0x1082;
	s9 =	sld [smem:$0x3FA5]  }
0x2f: {  	lr =	sadd.s32 s0, s3;
	s0 =	sld [smem:$0x3F9C]  }
0x30: {  	s3 =	sld [smem:$0x3F9F]  }
0x31: {  	[smem:$0x3FA8] =	sst s10  }
0x32: {  	s10 =	sld [smem:$0x3FA6];
	_ =	sdelay $0x3  }
0x33: {  	p0 =	seq.s32 s10, $0x1;
	s10 =	sld [smem:$0x3FA8];
	_ =	sdelay $0x3  }
0x34: {  	[smem:$0x3FA8] =	sst s10  }
0x35: {  	s10 =	sld [smem:$0x3FA7];
	_ =	sdelay $0x3  }
0x36: {  	p1 =	seq.s32 s10, $0x1;
	s10 =	sld [smem:$0x3FA8];
	_ =	sdelay $0x3  }
0x37: {  	[smem:$0x3FA8] =	sst s10  }
0x38: {  	s10 =	sld [smem:$0x3FA9]  }
0x39: {  	_ = 	snop;
	(pc) =	sbr.ind lr, $3  }
0x3a: {  	_ = 	snop  }
0x3b: {  	_ = 	snop  }
0x3c: {  	p2 =	seq.s32 s10, $0x1;
	s10 =	sld [smem:$0x3FA8]  }
0x3d: {  	_ =	shalt  }
0x3e: {  	_ =	shalt  }
0x3f: {  	_ =	shalt  }
0x40: {  	_ =	shalt  }
0x41: {  	_ =	shalt  }
0x42: {  	_ =	shalt  }
0x43: {  	_ =	shalt  }
0x44: {  	_ =	shalt  }
0x45: {  	_ =	shalt  }
0x46: {  	_ =	shalt  }
0x47: {  	_ =	shalt  }
0x48: {  	_ =	shalt  }
0x49: {  	_ =	shalt  }
0x4a: {  	_ =	shalt  }
0x4b: {  	_ =	shalt  }
0x4c: {  	_ =	shalt  }
0x4d: {  	_ =	shalt  }
0x4e: {  	_ =	shalt  }
0x4f: {  	_ =	shalt  }
0x50: {  	_ =	shalt  }
0x51: {  	_ =	shalt  }
0x52: {  	_ =	shalt  }
0x53: {  	_ =	shalt  }
0x54: {  	_ =	shalt  }
0x55: {  	_ =	shalt  }
0x56: {  	_ =	shalt  }
0x57: {  	_ =	shalt  }
0x58: {  	_ =	shalt  }
0x59: {  	_ =	shalt  }
0x5a: {  	_ =	shalt  }
0x5b: {  	_ =	shalt  }
0x5c: {  	_ =	shalt  }
0x5d: {  	_ =	shalt  }
0x5e: {  	_ =	shalt  }
0x5f: {  	_ =	shalt  }
0x60: {  	_ =	shalt  }
0x61: {  	_ =	shalt  }
0x62: {  	_ =	shalt  }
0x63: {  	_ =	shalt  }
0x64: {  	_ =	shalt  }
0x65: {  	_ =	shalt  }
0x66: {  	_ =	shalt  }
0x67: {  	_ =	shalt  }
0x68: {  	_ =	shalt  }
0x69: {  	_ =	shalt  }
0x6a: {  	_ =	shalt  }
0x6b: {  	_ =	shalt  }
0x6c: {  	_ =	shalt  }
0x6d: {  	_ =	shalt  }
0x6e: {  	_ =	shalt  }
0x6f: {  	_ =	shalt  }
0x70: {  	_ =	shalt  }
0x71: {  	_ =	shalt  }
0x72: {  	_ =	shalt  }
0x73: {  	_ =	shalt  }
0x74: {  	_ =	shalt  }
0x75: {  	_ =	shalt  }
0x76: {  	_ =	shalt  }
0x77: {  	_ =	shalt  }
0x78: {  	_ =	shalt  }
0x79: {  	_ =	shalt  }
0x7a: {  	_ =	shalt  }
0x7b: {  	_ =	shalt  }
0x7c: {  	_ =	shalt  }
0x7d: {  	_ =	shalt  }
0x7e: {  	_ =	shalt  }
0x7f: {  	_ =	shalt  }
0x80: {  	_ =	shalt  }
0x81: {  	_ =	shalt  }
0x82: {  	_ =	shalt  }
0x83: {  	_ =	shalt  }
0x84: {  	_ =	shalt  }
0x85: {  	_ =	shalt  }
0x86: {  	_ =	shalt  }
0x87: {  	_ =	shalt  }
.Lfunc_end0:
.L_simem_size_0:
called_computation_lowered:
.L_overlay_start_0:
0x88: {  	s2 =	sld [smem:$0x3FD9]  }
0x89: {  	s3 =	sld [smem:$0x3FFE];
	_ =	sdelay $0x1  }
0x8a: {  	s1 =	srdreg.scid  }
0x8b: {  	s0 =	sand.u32 $0x1, s1  }
0x8c: {  	s15 =	sshll.u32 s0, $0xA;
	s2 =	sadd.s32 s3, s2  }
0x8d: {  	s2 =	sadd.s32 s2, s15  }
0x8e: {  	[smem:$0x3FB4] =	sst s2  }
0x8f: {  	_ = 	snop  }
0x90: {  	s2 =	sld [smem:$0x3FD0];
	_ =	sdelay $0x2  }
0x91: {  	s16 =	simm.s32 $0xF;
	s4 =	simm.s32 $0x10  }
0x92: {  	[smem:s4], [sflag:s16] =	dma.local [hbm:s2], $0x1  }
0x93: {  	_ =	swait.eq [sflag:s16], $0x1  }
0x94: {  	[sflag:s16] =	ssyncset.done $0x0  }
0x95: {  	[sflag:s16] =	ssyncadd.s32 $0xFFFFFFFF  }
0x96: {  	s17 =	sld [smem:$0x10];
	(tm) =	ssettm $0x1  }
0x97: {  	s18 =	sld [smem:$0x3FFB];
	_ =	sdelay $0x3  }
0x98: {  	_ =	strace s18  }
0x99: {  	s2 =	sld [smem:$0x3FFC];
	_ =	sdelay $0x3  }
0x9a: {  	_ =	strace s2  }
0x9b: {  	s2 =	sld [smem:$0x3FFD];
	_ =	sdelay $0x3  }
0x9c: {  	_ =	strace s2  }
0x9d: {  	_ =	strace $0x8FFFFFFF  }
0x9e: {  	s19 =	sld [smem:$0x3FDB];
	_ =	sdelay $0x1  }
0x9f: {  	s20 =	simm.s32 $_scs_section_size  }
0xa0: {  	s5 =	simm.s32 $_size__tile_overlayer_lowered;
	s6 =	simm.s32 $_tile_overlayer_lowered  }
0xa1: {  	s7 =	simm.s32 $0x1BFF;
	s21 =	sshll.u32 s6, $0x1;
	s4 =	sadd.s32 s20, s19  }
0xa2: {  	s22 =	simm.s32 $0x0;
	s5 =	sshll.u32 s5, $0x1;
	s6 =	sadd.s32 s21, s4  }
0xa3: {  	[timem:s22], [sflag:s7] =	dma.local [hbm:s6], s5  }
0xa4: {  	_ =	swait.ge [sflag:s7], s5  }
0xa5: {  	s5 =	ssub.s32 $0x0, s5;
	[sflag:s7] =	ssyncset.done $0x0  }
0xa6: {  	[sflag:s7] =	ssyncadd.s32 s5;
	_ =	sdelay $0x1  }
0xa7: {  	s23 =	simm.s32 $0x1B8B  }
0xa8: {  	_ =	swait.ge [sflag:s23], $0x1  }
0xa9: {  	[sflag:s23] =	ssyncset.done $0x0  }
0xaa: {  	[sflag:s23] =	ssyncadd.s32 $0xFFFFFFFF  }
0xab: {  	s5 =	sld [smem:$0x0]  }
0xac: {  	s6 =	sand.u32 $0xFFFFFFFE, s1  }
0xad: {  	p0 =	sne.s32 s1, s6  }
0xae: {  	s6 =	sshll.u32 @p0 s6, $0xE  }
0xaf: {  	s6 =	sadd.s32 @p0 $0x11B8D, s6;
	s7 =	sshll.u32 @p0 s5, $0x11  }
0xb0: {  	s6 =	sor.u32 @p0 s7, s6  }
0xb1: {  	[sflag:s6] =	ssyncadd.remote.s32 @p0 $0x1;
	_ =	sdelay $0x1  }
0xb2: {  	s6 =	simm.s32 @p0 $0x1B8D  }
0xb3: {  	_ =	swait.eq @p0 [sflag:s6], $0x1  }
0xb4: {  	[sflag:s6] =	ssyncadd.s32 @p0 $0xFFFFFFFF  }
0xb5: {  	s7 =	sshll.u32 @!p0 s1, $0xE  }
0xb6: {  	s7 =	sor.u32 @!p0 $0x4000, s7;
	s6 =	simm.s32 @!p0 $0x1B8D  }
0xb7: {  	s5 =	sshll.u32 @!p0 s5, $0x11;
	s7 =	sadd.s32 @!p0 $0x11B8D, s7;
	_ =	swait.eq @!p0 [sflag:s6], $0x1  }
0xb8: {  	s5 =	sor.u32 @!p0 s5, s7;
	[sflag:s6] =	ssyncadd.s32 @!p0 $0xFFFFFFFF  }
0xb9: {  	s25 =	simm.s32 $0x1B8E;
	s24 =	sld [smem:$0x3FFE];
	[sflag:s5] =	ssyncadd.remote.s32 @!p0 $0x1  }
0xba: {  	s26 =	simm.s32 $execute0_lowered;
	[smem:$0x3FD2] =	sst s25  }
0xbb: {  	s6 =	sshll.u32 s26, $0x1;
	_ =	strace $0x8000004F;
	[dreg:$0x1] =	wrdreg $0xFFFFFFFF  }
0xbc: {  	s28 =	simm.s32 $_size_execute0_lowered;
	s4 =	sadd.s32 s4, s6;
	[dreg:$0x0] =	wrdreg $0x0  }
0xbd: {  	s6 =	sshll.u32 s28, $0x1;
	[dreg:$0x2] =	wrdreg s4  }
0xbe: {  	[dreg:$0x3] =	wrdreg s6  }
0xbf: {  	[dreg:$0x4] =	wrdreg $0xC0  }
0xc0: {  	_ =	task [dreg:s22], $0x5FFFF  }
0xc1: {  	[dreg:$0x1] =	wrdreg $0xFFFFFFFF  }
0xc2: {  	[dreg:$0x0] =	wrdreg $0x60  }
0xc3: {  	[dreg:$0x2] =	wrdreg s17  }
0xc4: {  	[dreg:$0x3] =	wrdreg s24  }
0xc5: {  	[dreg:$0x4] =	wrdreg $0x9  }
0xc6: {  	_ =	task.clear_ibuf [dreg:s22], $0x5FFFF;
	_ =	strace $0x9000004F  }
0xc7: {  	s29 =	simm.s32 $0x9;
	_ =	strace $0x80000051  }
0xc8: {  	_ =	swait.ge [sflag:s29], $0x1  }
0xc9: {  	[sflag:s29] =	ssyncadd.s32 $0xFFFFFFFF  }
0xca: {  	_ =	strace $0x90000051  }
0xcb: {  	_ =	sfence  }
0xcc: {  	s30 =	sld [smem:$0x0];
	_ =	sdelay $0x2  }
0xcd: {  	s31 =	sshll.u32 s1, $0xD;
	s1 =	sshrl.u32 s1, $0x2  }
0xce: {  	s4 =	sand.u32 $0x4000, s31;
	s1 =	sadd.s32 s1, s30  }
0xcf: {  	s0 =	sor.u32 s4, s0;
	s1 =	sshll.u32 s1, $0x11  }
0xd0: {  	s0 =	sor.u32 s1, s0  }
0xd1: {  	s0 =	sadd.s32 $0x8F2B, s0  }
0xd2: {  	[sflag:s0] =	ssyncadd.remote.s32 $0x1  }
0xd3: {  	_ =	sfence.sel $0xFFFF  }
0xd4: {  	[dreg:$0x0] =	wrdreg $0xFFFFFFFF;
	(pc) =	sbr.abs _section_cstart, $3  }
0xd5: {  	[dreg:$0x1] =	wrdreg $0xFFFFFFFF  }
0xd6: {  	_ =	task.clear_ibuf [dreg:s22], $0x2FFFF;
	_ =	strace $0x9FFFFFFF  }
0xd7: {  	(tm) =	ssettm $0x7FFFFFFF  }
tec
execute0_lowered:
.L_overlay_start_1:
0x0: {  	(tag) =	ssettag $0x1  }
0x1: {  	s2 =	rddreg [dreg:$0x0]  }
0x2: {  	s7 =	rddreg [dreg:$0x1]  }
0x3: {  	s0 =	rddreg [dreg:$0x2]  }
0x4: {  	s1 =	srdreg.scid;
	_ =	strace $0x80000050;
	s4 =	simm.s32 $0x1  }
0x5: {  	s9 =	simm.s32 $0x3;
	s12 =	simm.s32 $0x0;
	s5 =	sshll.u32 s1, $0x4  }
.Ltmp0:
0x6: {  	s1 =	stileid.u32;
	s5 =	sand.u32 $0x10, s5;
	(pc) =	sbr.rel .LBB2_1-.Ltmp0, $4  }
0x7: {  	s10 =	simm.s32 $0x0;
	s3 =	sadd.s32 $0x7000, s7;
	s6 =	sor.u32 s1, s5  }
0x8: {  	[sflag:s4] =	ssyncpa.u1 $0x0;
	s5 =	simm.s32 $0x2;
	s6 =	sshll.u32 s6, $0x6  }
0x9: {  	s7 =	sadd.s32 $0x17600, s7;
	[sflag:s5] =	ssyncpa.u1 $0x0;
	s8 =	sadd.s32 $0x40, s6  }
0xa: {  	vm0 =	vmmov $0xff;
	vm1 =	vcmask $0x3F20;
	[sflag:s9] =	ssyncpa.u1 $0x0;
	s9 =	simm.s32 $0x40;
	s11 =	smov.u32 s6  }
.LBB2_10:
0xb: {  	[hbm:s16] =	stream.linear.scatter [tilespmem:s13], [sflag:$0x3], $0x800, $0x38;
	[tilespmem:$0x8080] =	vst v63  }
.LBB2_11:
0xc: {  	p0 =	seq.s32 s10, $0x2  }
.Ltmp1:
0xd: {  	_ = 	snop;
	(pc) =	sbr.rel @p0 .LBB2_13-.Ltmp1, $1  }
0xe: {  	_ =	sdelay $0x3  }
.LBB2_12:
0xf: {  	s12 =	sadd.s32 $0x40, s11  }
0x10: {  	s13 =	smov.u32 s6;
	p0 =	slt.s32 s12, s8  }
0x11: {  	s13 =	smov.u32 @p0 s12  }
0x12: {  	s10 =	sadd.s32 $0x1, s10;
	s12 =	smov.u32 s11;
	s11 =	smov.u32 s13  }
.LBB2_1:
0x13: {  	p0 =	sne.s32 s10, $0x0  }
.Ltmp2:
0x14: {  	_ = 	snop;
	(pc) =	sbr.rel @!p0 .LBB2_2-.Ltmp2, $1  }
0x15: {  	_ =	sdelay $0x3  }
0x16: {  	s13 =	sand.u32 $0x1, s10  }
0x17: {  	p0 =	seq.s32 s13, $0x0  }
.Ltmp3:
0x18: {  	_ = 	snop;
	(pc) =	sbr.rel @p0 .LBB2_11-.Ltmp3, $1  }
0x19: {  	_ =	sdelay $0x3  }
0x1a: {  	_ =	swait.ge [sflag:s5], $0x40  }
0x1b: {  	[sflag:s5] =	ssyncset.done $0x0  }
0x1c: {  	s13 =	simm.s32 $0x0;
	[sflag:s5] =	ssyncadd.s32 $0xFFFFFFC0  }
.LBB2_5:
0x1d: {  	s14 =	sshll.u32 s13, $0x4  }
0x1e: {  	s14 =	sand.u32 $0x3FFFFFF0, s14  }
0x1f: {  	v0 =	vld.msk [tilespmem:s14+$0x40 ss:$0x1], $0xffff;
	_ =	sdelay $0x4  }
0x20: {  	vm2 =	vgt.s32 v0, $0x0  }
0x21: {  	v0 =	vnsel vm2, $0x0, v0  }
0x22: {  	v0 =	vmin.u32 v0, $0x7FF  }
0x23: {  	s31 =	sshll.u32 s13, $0xC;
	v1 =	vshll.u32 v0, $0x5;
	v0 =	vshll.u32 v0, $0x4  }
0x24: {  	s14 =	sand.u32 $0x3FFFF000, s31;
	v1 =	vand.u32 $0xFF00, v1;
	v0 =	vand.u32 $0x70, v0  }
0x25: {  	p0 =	por $0x1, $0x1;
	s15 =	simm.s32 $0x0;
	s14 =	sadd.s32 $0x4080, s14;
	v0 =	vor.u32 v0, v1  }
.LBB2_6:
0x26: {  	_ =	sdelay $0x1  }
0x27: {  	s15 =	sshra.s32 s15, $0x2;
	p1 =	por p0, p0  }
.Ltmp4:
0x28: {  	s15 =	sadd.s32 s15, s14;
	(pc) =	sbr.rel @p1 .LBB2_6-.Ltmp4, $4  }
0x29: {  	[tilespmem:s15], [sflag:$0x1] =	stream.indirect_vreg.gather [hbm:s2], $0x80, v0, vm0, $0x38;
	[tilespmem:$0x8080] =	vst v63  }
0x2a: {  	s15 =	sadd.s32 $0x800, s15  }
0x2b: {  	[tilespmem:s15], [sflag:$0x1] =	stream.indirect_vreg.gather [hbm:s2], $0x80, v0, vm1, $0x38;
	[tilespmem:$0x8080] =	vst v63  }
0x2c: {  	p0 =	por $0x0, $0x0;
	v0 =	vadd.s32 $0x80, v0;
	s15 =	simm.s32 $0x1000  }
0x2d: {  	s13 =	sadd.s32 $0x1, s13  }
0x2e: {  	p0 =	sne.s32 s13, $0x4  }
.Ltmp5:
0x2f: {  	_ = 	snop;
	(pc) =	sbr.rel @p0 .LBB2_5-.Ltmp5, $1  }
0x30: {  	_ =	sdelay $0x3  }
0x31: {  	s13 =	sshll.u32 s12, $0x5  }
0x32: {  	_ =	swait.ge [sflag:s4], $0x4000;
	s31 =	sshll.u32 s12, $0x4;
	s13 =	sand.u32 $0xFFFFFF00, s13  }
0x33: {  	s14 =	simm.s32 $0x100;
	s12 =	sand.u32 $0x70, s31;
	s13 =	sadd.s32 s13, s7  }
0x34: {  	s15 =	simm.s32 $0x4880;
	[sflag:s4] =	ssyncset.done $0x0;
	s12 =	sadd.s32 s12, s13  }
0x35: {  	[sflag:s4] =	ssyncadd.s32 $0xFFFFC000;
	s13 =	simm.s32 $0x4080;
	s16 =	sadd.s32 $0x0, s12  }
.LBB2_9:
0x36: {  	[hbm:s16] =	stream.linear.scatter [tilespmem:s13], [sflag:$0x3], $0x800, $0x38;
	[tilespmem:$0x8080] =	vst v63  }
0x37: {  	s16 =	smov.u32 s14;
	s13 =	smov.u32 s15;
	p0 =	sne.s32 s14, $0x700  }
.Ltmp6:
0x38: {  	s14 =	sadd.s32 $0x100, s14;
	(pc) =	sbr.rel @p0 .LBB2_9-.Ltmp6, $2  }
0x39: {  	_ =	sdelay $0x2  }
0x3a: {  	s15 =	sadd.s32 $0x800, s15;
	s16 =	sadd.s32 s16, s12  }
.Ltmp7:
0x3b: {  	_ = 	snop;
	(pc) =	sbr.rel .LBB2_10-.Ltmp7, $1  }
0x3c: {  	_ =	sdelay $0x3  }
.LBB2_2:
.Ltmp8:
0x3d: {  	(pc) =	sbr.rel .LBB2_12-.Ltmp8, $4  }
0x3e: {  	_ = 	snop  }
0x3f: {  	s12 =	sshrl.u32 s11, $0x3  }
0x40: {  	s13 =	sand.u32 $0x7, s11;
	s12 =	sadd.s32 s3, s12  }
0x41: {  	[tilespmem:s9], [sflag:$0x2] =	stream.linear.gather [hbm4b:s12+s13], $0x40, $0x38;
	[tilespmem:$0x8080] =	vst v63  }
.LBB2_13:
0x42: {  	s2 =	simm.s32 $0x3  }
0x43: {  	_ =	swait.ge [sflag:s2], $0x4000  }
0x44: {  	[sflag:s2] =	ssyncset.done $0x0  }
0x45: {  	[sflag:s2] =	ssyncadd.s32 $0xFFFFC000  }
0x46: {  	_ =	sfence.sel $0x180000  }
0x47: {  	s3 =	simm.s32 $0x2;
	[bflag:$0x0] =	sbarrier.arrive $0xFFFF  }
0x48: {  	[sflag:s3] =	ssyncpa.u1 $0x1  }
0x49: {  	s31 =	simm.s32 $0x1;
	[sflag:s2] =	ssyncpa.u1 $0x1  }
0x4a: {  	[sflag:s31] =	ssyncpa.u1 $0x1  }
0x4b: {  	p0 =	sne.s32 s1, $0x0;
	_ =	strace $0x90000050  }
0x4c: {  	s0 =	sadd.s32 @!p0 $0x100000, s0;
	[bflag:$0x2] =	sbarrier.arrive $0xFFFF  }
0x4d: {  	[sflag:s0] =	ssyncadd.tile.s32 @!p0 $0x1;
	_ =	shalt  }
.Lfunc_end2:
_tile_overlayer_lowered:
.L_overlay_start_2:
0x4e: {  	(tag) =	ssettag $0x2  }
0x4f: {  	s0 =	rddreg [dreg:$0x0];
	s2 =	stileid.u32  }
0x50: {  	s1 =	rddreg [dreg:$0x1];
	p0 =	sne.s32 s2, $0x0  }
0x51: {  	s3 =	rddreg [dreg:$0x2];
	[bflag:$0x3] =	sbarrier.arrive $0xFFFF;
	s2 =	simm.s32 @!p0 $0x1C01  }
0x52: {  	[timem:s3], [sflag:s2] =	dma.local @!p0 [hbm:s0], s1  }
0x53: {  	s0 =	simm.s32 @!p0 $0x1  }
0x54: {  	_ =	swait.ge @!p0 [sflag:s0], s1  }
0x55: {  	s1 =	ssub.s32 @!p0 $0x0, s1;
	[sflag:s0] =	ssyncset.done @!p0 $0x0  }
0x56: {  	[sflag:s0] =	ssyncadd.s32 @!p0 s1  }
0x57: {  	[bflag:$0x3] =	sbarrier.arrive $0xFFFF  }
0x58: {  	_ =	shalt  }

// kernel: kernel.11.cloned.1.call-start
scs
__scs_entry_jumppad:
0x0: {  	(pc) =	sbr.rel $0x88, $3  }
0x1: {  	(tag) =	ssettag $0x0;
	lr =	simm.s32 $0x1  }
0x2: {  	[smem:$0x3F8D] =	sst lr;
	_ =	strace $0xD0000000  }
0x3: {  	_ = 	snop  }
0x4: {  	_ = 	snop  }
0x5: {  	_ = 	snop  }
0x6: {  	_ = 	snop  }
0x7: {  	_ = 	snop  }
__scs_overlays_trampoline_lowered:
0x8: {  	[smem:$0x3F9C] =	sst s0  }
0x9: {  	[smem:$0x3F9D] =	sst s1  }
0xa: {  	[smem:$0x3F9E] =	sst s2  }
0xb: {  	[smem:$0x3F9F] =	sst s3  }
0xc: {  	[smem:$0x3FA0] =	sst s4  }
0xd: {  	[smem:$0x3FA1] =	sst s5  }
0xe: {  	[smem:$0x3FA2] =	sst s6  }
0xf: {  	[smem:$0x3FA3] =	sst s7  }
0x10: {  	[smem:$0x3FA4] =	sst s8  }
0x11: {  	[smem:$0x3FA5] =	sst s9;
	s0 =	simm.s32 @!p0 $0x0  }
0x12: {  	s1 =	sld [smem:$0x3F8B];
	s0 =	simm.s32 @p0 $0x1  }
0x13: {  	[smem:$0x3FA6] =	sst s0;
	s0 =	simm.s32 @!p1 $0x0  }
0x14: {  	s2 =	sld [smem:$0x3F8A];
	s0 =	simm.s32 @p1 $0x1  }
0x15: {  	[smem:$0x3FA7] =	sst s0;
	s0 =	simm.s32 @!p2 $0x0  }
0x16: {  	s3 =	sld [smem:$0x3FDB];
	s0 =	simm.s32 @p2 $0x1  }
0x17: {  	s4 =	simm.s32 $0x1BF5;
	[smem:$0x3FA9] =	sst s0  }
0x18: {  	s0 =	sld [smem:$0x3F8C];
	_ =	swait.ge [sflag:s4], $0x0  }
0x19: {  	s7 =	sld [smem:$0x3F8D]  }
0x1a: {  	s8 =	sadd.s32 $0xFFFFE003, lr  }
0x1b: {  	s9 =	sadd.s32 $0xFFFFFEF7, lr;
	s5 =	simm.s32 $0xFFFFFFFF;
	p2 =	slt.u32 s8, $0xFFFFF086  }
0x1c: {  	p1 =	slt.u32 s9, $0xF7A;
	s5 =	simm.s32 @!p2 $0x0  }
0x1d: {  	s5 =	simm.s32 @p1 $0x1;
	p0 =	seq.s32 s7, s2  }
0x1e: {  	s7 =	smul.u32 @!p0 $0xF7A, s2;
	p2 =	seq.s32 @!p0 s5, $0x0  }
0x1f: {  	s9 =	smul.u32 $0xF7A, s1;
	s8 =	simm.s32 @!p0 $0x1BF5;
	p2 =	por !p2, p0  }
0x20: {  	[sflag:s8] =	ssyncset.s32 @!p0 $0xFFFFF086;
	s6 =	sadd.s32 @!p0 s3, s7;
	s7 =	simm.s32 @!p0 $0x108  }
0x21: {  	s3 =	sadd.s32 s3, s9;
	s6 =	sadd.s32 @!p0 $0x88, s6;
	s7 =	simm.s32 @p2 $0x1082  }
0x22: {  	[simem:s7], [sflag:s8] =	dma.local @!p0 [hbm:s6], $0xF7A  }
0x23: {  	s9 =	sor.u32 $0xD0000000, s2;
	s6 =	simm.s32 $0x108;
	_ =	swait.ge @!p0 [sflag:s8], $0x0  }
0x24: {  	s3 =	sadd.s32 $0x88, s3;
	s6 =	simm.s32 @!p1 $0x1082;
	[sflag:s4] =	ssyncset.s32 $0xFFFFF086  }
0x25: {  	[simem:s6], [sflag:s4] =	dma.local [hbm:s3], $0xF7A  }
0x26: {  	[smem:$0x3F8D] =	sst s1;
	(tag) =	ssettag s2;
	_ =	strace s9  }
0x27: {  	s1 =	sld [smem:$0x3F9D]  }
0x28: {  	s2 =	sld [smem:$0x3F9E]  }
0x29: {  	s4 =	sld [smem:$0x3FA0]  }
0x2a: {  	p0 =	seq.s32 s5, $0x0;
	s5 =	sld [smem:$0x3FA1]  }
0x2b: {  	s6 =	sld [smem:$0x3FA2]  }
0x2c: {  	s7 =	sld [smem:$0x3FA3]  }
0x2d: {  	s3 =	simm.s32 $0x108;
	s8 =	sld [smem:$0x3FA4]  }
0x2e: {  	s3 =	simm.s32 @!p0 $0x1082;
	s9 =	sld [smem:$0x3FA5]  }
0x2f: {  	lr =	sadd.s32 s0, s3;
	s0 =	sld [smem:$0x3F9C]  }
0x30: {  	s3 =	sld [smem:$0x3F9F]  }
0x31: {  	[smem:$0x3FA8] =	sst s10  }
0x32: {  	s10 =	sld [smem:$0x3FA6];
	_ =	sdelay $0x3  }
0x33: {  	p0 =	seq.s32 s10, $0x1;
	s10 =	sld [smem:$0x3FA8];
	_ =	sdelay $0x3  }
0x34: {  	[smem:$0x3FA8] =	sst s10  }
0x35: {  	s10 =	sld [smem:$0x3FA7];
	_ =	sdelay $0x3  }
0x36: {  	p1 =	seq.s32 s10, $0x1;
	s10 =	sld [smem:$0x3FA8];
	_ =	sdelay $0x3  }
0x37: {  	[smem:$0x3FA8] =	sst s10  }
0x38: {  	s10 =	sld [smem:$0x3FA9]  }
0x39: {  	_ = 	snop;
	(pc) =	sbr.ind lr, $3  }
0x3a: {  	_ = 	snop  }
0x3b: {  	_ = 	snop  }
0x3c: {  	p2 =	seq.s32 s10, $0x1;
	s10 =	sld [smem:$0x3FA8]  }
0x3d: {  	_ =	shalt  }
0x3e: {  	_ =	shalt  }
0x3f: {  	_ =	shalt  }
0x40: {  	_ =	shalt  }
0x41: {  	_ =	shalt  }
0x42: {  	_ =	shalt  }
0x43: {  	_ =	shalt  }
0x44: {  	_ =	shalt  }
0x45: {  	_ =	shalt  }
0x46: {  	_ =	shalt  }
0x47: {  	_ =	shalt  }
0x48: {  	_ =	shalt  }
0x49: {  	_ =	shalt  }
0x4a: {  	_ =	shalt  }
0x4b: {  	_ =	shalt  }
0x4c: {  	_ =	shalt  }
0x4d: {  	_ =	shalt  }
0x4e: {  	_ =	shalt  }
0x4f: {  	_ =	shalt  }
0x50: {  	_ =	shalt  }
0x51: {  	_ =	shalt  }
0x52: {  	_ =	shalt  }
0x53: {  	_ =	shalt  }
0x54: {  	_ =	shalt  }
0x55: {  	_ =	shalt  }
0x56: {  	_ =	shalt  }
0x57: {  	_ =	shalt  }
0x58: {  	_ =	shalt  }
0x59: {  	_ =	shalt  }
0x5a: {  	_ =	shalt  }
0x5b: {  	_ =	shalt  }
0x5c: {  	_ =	shalt  }
0x5d: {  	_ =	shalt  }
0x5e: {  	_ =	shalt  }
0x5f: {  	_ =	shalt  }
0x60: {  	_ =	shalt  }
0x61: {  	_ =	shalt  }
0x62: {  	_ =	shalt  }
0x63: {  	_ =	shalt  }
0x64: {  	_ =	shalt  }
0x65: {  	_ =	shalt  }
0x66: {  	_ =	shalt  }
0x67: {  	_ =	shalt  }
0x68: {  	_ =	shalt  }
0x69: {  	_ =	shalt  }
0x6a: {  	_ =	shalt  }
0x6b: {  	_ =	shalt  }
0x6c: {  	_ =	shalt  }
0x6d: {  	_ =	shalt  }
0x6e: {  	_ =	shalt  }
0x6f: {  	_ =	shalt  }
0x70: {  	_ =	shalt  }
0x71: {  	_ =	shalt  }
0x72: {  	_ =	shalt  }
0x73: {  	_ =	shalt  }
0x74: {  	_ =	shalt  }
0x75: {  	_ =	shalt  }
0x76: {  	_ =	shalt  }
0x77: {  	_ =	shalt  }
0x78: {  	_ =	shalt  }
0x79: {  	_ =	shalt  }
0x7a: {  	_ =	shalt  }
0x7b: {  	_ =	shalt  }
0x7c: {  	_ =	shalt  }
0x7d: {  	_ =	shalt  }
0x7e: {  	_ =	shalt  }
0x7f: {  	_ =	shalt  }
0x80: {  	_ =	shalt  }
0x81: {  	_ =	shalt  }
0x82: {  	_ =	shalt  }
0x83: {  	_ =	shalt  }
0x84: {  	_ =	shalt  }
0x85: {  	_ =	shalt  }
0x86: {  	_ =	shalt  }
0x87: {  	_ =	shalt  }
.Lfunc_end0:
.L_simem_size_0:
called_computation.7_lowered:
.L_overlay_start_0:
0x88: {  	s2 =	sld [smem:$0x3FD9]  }
0x89: {  	s3 =	sld [smem:$0x3FFE];
	_ =	sdelay $0x1  }
0x8a: {  	s1 =	srdreg.scid  }
0x8b: {  	s0 =	sand.u32 $0x1, s1  }
0x8c: {  	s14 =	sshll.u32 s0, $0xA;
	s2 =	sadd.s32 s3, s2  }
0x8d: {  	s2 =	sadd.s32 s2, s14  }
0x8e: {  	[smem:$0x3FB4] =	sst s2  }
0x8f: {  	_ = 	snop  }
0x90: {  	s2 =	sld [smem:$0x3FD0];
	_ =	sdelay $0x2  }
0x91: {  	s15 =	simm.s32 $0xF;
	s4 =	simm.s32 $0x10  }
0x92: {  	[smem:s4], [sflag:s15] =	dma.local [hbm:s2], $0x1  }
0x93: {  	_ =	swait.eq [sflag:s15], $0x1  }
0x94: {  	[sflag:s15] =	ssyncset.done $0x0  }
0x95: {  	s16 =	sld [smem:$0x10];
	[sflag:s15] =	ssyncadd.s32 $0xFFFFFFFF  }
0x96: {  	s17 =	sld [smem:$0x11];
	(tm) =	ssettm $0x1  }
0x97: {  	s18 =	sld [smem:$0x3FFB];
	_ =	sdelay $0x3  }
0x98: {  	_ =	strace s18  }
0x99: {  	s4 =	sld [smem:$0x3FFC];
	_ =	sdelay $0x3  }
0x9a: {  	_ =	strace s4  }
0x9b: {  	s4 =	sld [smem:$0x3FFD];
	_ =	sdelay $0x3  }
0x9c: {  	_ =	strace s4  }
0x9d: {  	_ =	strace $0x8FFFFFFF  }
0x9e: {  	s19 =	sld [smem:$0x3FDB];
	_ =	sdelay $0x1  }
0x9f: {  	s5 =	simm.s32 $_scs_section_size  }
0xa0: {  	s6 =	simm.s32 $_size__tile_overlayer_lowered;
	s7 =	simm.s32 $_tile_overlayer_lowered  }
0xa1: {  	s22 =	simm.s32 $0x1BFF;
	s21 =	sshll.u32 s7, $0x1;
	s4 =	sadd.s32 s5, s19  }
0xa2: {  	s8 =	simm.s32 $0x0;
	s20 =	sshll.u32 s6, $0x1;
	s6 =	sadd.s32 s21, s4  }
0xa3: {  	[timem:s8], [sflag:s22] =	dma.local [hbm:s6], s20  }
0xa4: {  	_ =	swait.ge [sflag:s22], s20  }
0xa5: {  	s5 =	ssub.s32 $0x0, s20;
	[sflag:s22] =	ssyncset.done $0x0  }
0xa6: {  	[sflag:s22] =	ssyncadd.s32 s5;
	_ =	sdelay $0x1  }
0xa7: {  	s23 =	simm.s32 $0x1B8B  }
0xa8: {  	_ =	swait.ge [sflag:s23], $0x1  }
0xa9: {  	[sflag:s23] =	ssyncset.done $0x0  }
0xaa: {  	s25 =	simm.s32 $0x1B8E;
	s24 =	sld [smem:$0x3FFE];
	[sflag:s23] =	ssyncadd.s32 $0xFFFFFFFF  }
0xab: {  	s26 =	simm.s32 $execute0_lowered;
	[smem:$0x3FD2] =	sst s25  }
0xac: {  	s6 =	sshll.u32 s26, $0x1;
	_ =	strace $0x8000005B;
	[dreg:$0x1] =	wrdreg $0xFFFFFFFF  }
0xad: {  	s28 =	simm.s32 $_size_execute0_lowered;
	s4 =	sadd.s32 s4, s6;
	[dreg:$0x0] =	wrdreg $0x0  }
0xae: {  	s6 =	sshll.u32 s28, $0x1;
	[dreg:$0x2] =	wrdreg s4  }
0xaf: {  	[dreg:$0x3] =	wrdreg s6  }
0xb0: {  	[dreg:$0x4] =	wrdreg $0xC0  }
0xb1: {  	_ =	task [dreg:s8], $0x5FFFF  }
0xb2: {  	[dreg:$0x1] =	wrdreg $0xFFFFFFFF  }
0xb3: {  	[dreg:$0x0] =	wrdreg $0x60  }
0xb4: {  	[dreg:$0x2] =	wrdreg s24  }
0xb5: {  	[dreg:$0x3] =	wrdreg s16  }
0xb6: {  	[dreg:$0x4] =	wrdreg s17  }
0xb7: {  	[dreg:$0x5] =	wrdreg $0x1A3800  }
0xb8: {  	[dreg:$0x6] =	wrdreg $0x9  }
0xb9: {  	_ =	task.clear_ibuf [dreg:s8], $0x7FFFF;
	_ =	strace $0x9000005B  }
0xba: {  	s29 =	simm.s32 $0x9;
	_ =	strace $0x8000005D  }
0xbb: {  	_ =	swait.ge [sflag:s29], $0x1  }
0xbc: {  	[sflag:s29] =	ssyncadd.s32 $0xFFFFFFFF  }
0xbd: {  	_ =	strace $0x9000005D  }
0xbe: {  	_ =	sfence  }
0xbf: {  	s30 =	sld [smem:$0x0];
	_ =	sdelay $0x2  }
0xc0: {  	s31 =	sshll.u32 s1, $0xD;
	s1 =	sshrl.u32 s1, $0x2  }
0xc1: {  	s3 =	sand.u32 $0x4000, s31;
	s1 =	sadd.s32 s1, s30  }
0xc2: {  	s0 =	sor.u32 s3, s0;
	s1 =	sshll.u32 s1, $0x11  }
0xc3: {  	s0 =	sor.u32 s1, s0  }
0xc4: {  	s0 =	sadd.s32 $0x8F2B, s0  }
0xc5: {  	[sflag:s0] =	ssyncadd.remote.s32 $0x1  }
0xc6: {  	_ =	sfence.sel $0xFFFF  }
0xc7: {  	[dreg:$0x0] =	wrdreg $0xFFFFFFFF;
	(pc) =	sbr.abs _section_cstart, $3  }
0xc8: {  	[dreg:$0x1] =	wrdreg $0xFFFFFFFF  }
0xc9: {  	_ =	task.clear_ibuf [dreg:s8], $0x2FFFF;
	_ =	strace $0x9FFFFFFF  }
0xca: {  	(tm) =	ssettm $0x7FFFFFFF  }
0xcb: {  	_ =	shalt  }
tec
execute0_lowered:
.L_overlay_start_1:
0x0: {  	(tag) =	ssettag $0x1  }
0x1: {  	s0 =	rddreg [dreg:$0x0]  }
0x2: {  	s1 =	rddreg [dreg:$0x2]  }
0x3: {  	s8 =	rddreg [dreg:$0x3];
	s2 =	simm.s32 $0x0;
	s25 =	srdreg.scid  }
0x4: {  	s9 =	stileid.u32;
	s19 =	sadd.s32 $0x2C1E00, s0;
	s20 =	sadd.s32 $0x2B7600, s0  }
0x5: {  	[smem:$0x7FF] =	sst s2;
	s21 =	sadd.s32 $0x2BCA00, s0;
	s22 =	sadd.s32 $0x7200, s0  }
0x6: {  	s31 =	simm.s32 $0x5;
	s23 =	sadd.s32 $0x13FA00, s0;
	s24 =	sadd.s32 $0x2C7400, s0  }
0x7: {  	s11 =	sadd.s32 $0x3FFC00, s0;
	_ =	strace $0x8000005C;
	[dreg:$0x5] =	wrdreg s19  }
0x8: {  	s3 =	sadd.s32 $0x826600, s0;
	s2 =	sand.u32 $0x1, s25;
	[dreg:$0x6] =	wrdreg s20  }
0x9: {  	s26 =	sadd.s32 $0x586600, s0;
	s4 =	smul.u32 $0xA000, s9;
	[dreg:$0x7] =	wrdreg s21  }
0xa: {  	s6 =	sshll.u32 s9, $0x1;
	s9 =	smul.u32 $0x500, s9;
	[dreg:$0x8] =	wrdreg s22  }
0xb: {  	s15 =	sadd.s32 $0x7300, s0;
	s16 =	sadd.s32 $0x7400, s0;
	[dreg:$0x9] =	wrdreg s23  }
0xc: {  	s17 =	sadd.s32 $0x13FB00, s0;
	s18 =	sadd.s32 $0x13FC00, s0;
	[dreg:$0xa] =	wrdreg s24  }
0xd: {  	s25 =	sadd.s32 $0x3FFD00, s0;
	s28 =	sadd.s32 $0x7500, s0;
	[dreg:$0xb] =	wrdreg s3  }
0xe: {  	s30 =	ssub.s32 $0x2, s2;
	s7 =	smul.u32 $0x5000, s2;
	s2 =	sor.u32 s2, s6  }
0xf: {  	s29 =	sadd.s32 $0x3FFF00, s0;
	[dreg:$0xc] =	wrdreg s26;
	s6 =	smul.u32 $0x1500, s2  }
0x10: {  	s19 =	sadd.s32 $0x13FD00, s0;
	s5 =	sshrl.u32 s30, $0x1;
	s12 =	smul.u32 $0x15000, s2  }
0x11: {  	s3 =	ssub.s32 s30, s5;
	s5 =	sadd.s32 s9, s7;
	[dreg:$0xd] =	wrdreg s6  }
0x12: {  	v0 =	vlaneseq.u32;
	v2 =	vimm.f32 $0.0e+00;
	vm0 =	vmmov $0xffff;
	s21 =	sadd.s32 $0x2C7500, s0;
	s1 =	sadd.s32 s1, s5;
	[dreg:$0x10] =	wrdreg s12  }
0x13: {  	vm1 =	vmmov $0xff;
	v4 =	vshrl.u32 v0, $0x3;
	v1 =	vmul.u32 $0x80, v0;
	s10 =	sshrl.u32 s4, $0x2;
	s13 =	smax.u32 s3, $0x1;
	[dreg:$0xe] =	wrdreg s1  }
0x14: {  	v3 =	vand.u32 $0x7, v0;
	v5 =	vor.u32 $0x8, v0;
	s22 =	sadd.s32 $0x2C7600, s0;
	v4 =	vmul.u32 $0x8, v4;
	s6 =	sadd.s32 s10, s8;
	[dreg:$0x11] =	wrdreg s13  }
0x15: {  	s23 =	sadd.s32 $0x2C7700, s0;
	v6 =	vor.u32 $0x1, v1;
	v7 =	vor.u32 $0x2, v1;
	v8 =	vor.u32 $0x3, v1;
	s14 =	sadd.s32 $0x800, s6;
	[dreg:$0xf] =	wrdreg s6  }
0x16: {  	s26 =	sadd.s32 $0x3FFE00, s0;
	v9 =	vor.u32 $0x4, v1;
	v10 =	vor.u32 $0x5, v1;
	v11 =	vor.u32 $0x6, v1;
	s20 =	sadd.s32 $0x1000, s6;
	[dreg:$0x12] =	wrdreg s14  }
0x17: {  	s0 =	simm.s32 $0x19B80;
	v12 =	vor.u32 $0x7, v1;
	v13 =	vor.u32 $0x8, v1;
	v14 =	vor.u32 $0x9, v1;
	s24 =	sadd.s32 $0x1800, s6;
	[dreg:$0x13] =	wrdreg s20  }
0x18: {  	v15 =	vor.u32 $0xA, v1;
	v16 =	vor.u32 $0xB, v1;
	v17 =	vor.u32 $0xC, v1;
	s2 =	simm.s32 $0x200;
	s30 =	sadd.s32 $0x2000, s6;
	[dreg:$0x14] =	wrdreg s24  }
0x19: {  	v18 =	vor.u32 $0xD, v1;
	v19 =	vor.u32 $0xE, v1;
	v20 =	vor.u32 $0xF, v1;
	s4 =	simm.s32 $0x0;
	s3 =	simm.s32 $0x18B80;
	[dreg:$0x15] =	wrdreg s30  }
.LBB2_1:
0x1a: {  	[dreg:$0x16] =	wrdreg s4  }
0x1b: {  	s1 =	rddreg [dreg:$0x1];
	s30 =	simm.s32 $0x0;
	s5 =	simm.s32 $0x18280  }
0x1c: {  	[tilespmem:s5], [sflag:$0x5] =	stream.linear.gather [hbm4b:s1+s30], $0x800, $0x38;
	[tilespmem:$0x1CB80] =	vst v63  }
0x1d: {  	_ =	swait.ge [sflag:s31], $0x800  }
0x1e: {  	[sflag:s31] =	ssyncset.done $0x0  }
0x1f: {  	s4 =	simm.s32 $0x200;
	s1 =	simm.s32 $0x0;
	[sflag:s31] =	ssyncadd.s32 $0xFFFFF800  }
.LBB2_2:
0x20: {  	p0 =	sne.s32 s4, $0x1E00;
	[tilespmem:s1+$0x193F0] =	vst v2  }
0x21: {  	[tilespmem:s1+$0x19380] =	vst v2  }
0x22: {  	[tilespmem:s1+$0x19390] =	vst v2  }
.Ltmp0:
0x23: {  	[tilespmem:s1+$0x193A0] =	vst v2;
	(pc) =	sbr.rel @p0 .LBB2_2-.Ltmp0, $4  }
0x24: {  	[tilespmem:s1+$0x193B0] =	vst v2  }
0x25: {  	[tilespmem:s1+$0x193C0] =	vst v2  }
0x26: {  	[tilespmem:s1+$0x193D0] =	vst v2  }
0x27: {  	[tilespmem:s1+$0x193E0] =	vst v2;
	s1 =	sshra.s32 s4, $0x2;
	s4 =	sadd.s32 $0x200, s4  }
0x28: {  	[tilespmem:s1+$0x193F0] =	vst v2  }
0x29: {  	[tilespmem:s1+$0x19380] =	vst v2  }
0x2a: {  	[tilespmem:s1+$0x19390] =	vst v2  }
0x2b: {  	[tilespmem:s1+$0x193A0] =	vst v2  }
0x2c: {  	[tilespmem:s1+$0x193B0] =	vst v2  }
0x2d: {  	[tilespmem:s1+$0x193C0] =	vst v2  }
0x2e: {  	[tilespmem:s1+$0x193D0] =	vst v2  }
0x2f: {  	[tilespmem:s1+$0x193E0] =	vst v2;
	s4 =	simm.s32 $0x19380  }
0x30: {  	[spmem:s6] =	stream.linear.scatter [tilespmem:s4], [sflag:$0x5], $0x800, $0x38;
	[tilespmem:$0x1CB80] =	vst v63  }
0x31: {  	_ =	swait.ge [sflag:s31], $0x800  }
0x32: {  	[sflag:s31] =	ssyncset.done $0x0  }
0x33: {  	s14 =	rddreg [dreg:$0x12];
	[sflag:s31] =	ssyncadd.s32 $0xFFFFF800  }
0x34: {  	[spmem:s14] =	stream.linear.scatter [tilespmem:s4], [sflag:$0x5], $0x800, $0x38;
	[tilespmem:$0x1CB80] =	vst v63  }
0x35: {  	_ =	swait.ge [sflag:s31], $0x800  }
0x36: {  	[sflag:s31] =	ssyncset.done $0x0  }
0x37: {  	s20 =	rddreg [dreg:$0x13];
	[sflag:s31] =	ssyncadd.s32 $0xFFFFF800  }
0x38: {  	[spmem:s20] =	stream.linear.scatter [tilespmem:s4], [sflag:$0x5], $0x800, $0x38;
	[tilespmem:$0x1CB80] =	vst v63  }
0x39: {  	_ =	swait.ge [sflag:s31], $0x800  }
0x3a: {  	[sflag:s31] =	ssyncset.done $0x0  }
0x3b: {  	s24 =	rddreg [dreg:$0x14];
	[sflag:s31] =	ssyncadd.s32 $0xFFFFF800  }
0x3c: {  	[spmem:s24] =	stream.linear.scatter [tilespmem:s4], [sflag:$0x5], $0x800, $0x38;
	[tilespmem:$0x1CB80] =	vst v63  }
0x3d: {  	_ =	swait.ge [sflag:s31], $0x800  }
0x3e: {  	[sflag:s31] =	ssyncset.done $0x0  }
0x3f: {  	s30 =	rddreg [dreg:$0x15];
	[sflag:s31] =	ssyncadd.s32 $0xFFFFF800  }
0x40: {  	[spmem:s30] =	stream.linear.scatter [tilespmem:s4], [sflag:$0x5], $0x800, $0x38;
	[tilespmem:$0x1CB80] =	vst v63  }
0x41: {  	_ =	swait.ge [sflag:s31], $0x800  }
0x42: {  	[sflag:s31] =	ssyncset.done $0x0  }
0x43: {  	[sflag:s31] =	ssyncadd.s32 $0xFFFFF800  }
0x44: {  	s5 =	simm.s32 $0x0;
	s4 =	simm.s32 $0x0;
	[bflag:$0x0] =	sbarrier.arrive $0xFFFF  }
.LBB2_4:
0x45: {  	s1 =	sshll.u32 s5, $0x4;
	s6 =	rddreg [dreg:$0xd]  }
0x46: {  	s1 =	sadd.s32 s6, s1  }
0x47: {  	s7 =	rddreg [dreg:$0x5];
	s6 =	sshrl.u32 s1, $0x3  }
0x48: {  	s7 =	sadd.s32 s7, s6  }
0x49: {  	[tilespmem:s4], [sflag:$0x5] =	stream.linear.gather [hbm4b:s7+s4], $0x10, $0x38;
	[tilespmem:$0x1CB80] =	vst v63  }
0x4a: {  	_ =	swait.ge [sflag:s31], $0x10  }
0x4b: {  	[sflag:s31] =	ssyncset.done $0x0;
	s30 =	rddreg [dreg:$0x6]  }
0x4c: {  	s8 =	simm.s32 $0x80;
	[sflag:s31] =	ssyncadd.s32 $0xFFFFFFF0;
	s7 =	sadd.s32 s30, s6  }
0x4d: {  	[tilespmem:s8], [sflag:$0x5] =	stream.linear.gather [hbm4b:s7+s4], $0x10, $0x38;
	[tilespmem:$0x1CB80] =	vst v63  }
0x4e: {  	_ =	swait.ge [sflag:s31], $0x10  }
0x4f: {  	[sflag:s31] =	ssyncset.done $0x0;
	s8 =	rddreg [dreg:$0x7]  }
0x50: {  	s9 =	simm.s32 $0x100;
	[sflag:s31] =	ssyncadd.s32 $0xFFFFFFF0;
	s6 =	sadd.s32 s8, s6  }
0x51: {  	[tilespmem:s9], [sflag:$0x5] =	stream.linear.gather [hbm4b:s6+s4], $0x10, $0x38;
	[tilespmem:$0x1CB80] =	vst v63  }
0x52: {  	_ =	swait.ge [sflag:s31], $0x10  }
0x53: {  	[sflag:s31] =	ssyncset.done $0x0  }
0x54: {  	[sflag:s31] =	ssyncadd.s32 $0xFFFFFFF0  }
0x55: {  	v21 =	vld [tilespmem:$0x0];
	_ =	sdelay $0x4  }
0x56: {  	v22 =	vshll.u32 v21, $0x3  }
0x57: {  	v21 =	vand.u32 $0x7, v21;
	v22 =	vand.u32 $0xFFFFFFC0, v22  }
0x58: {  	v21 =	vor.u32 v21, v22  }
0x59: {  	v22 =	vperm.xlane v21, v3;
	_ =	sdelay $0x1  }
0x5a: {  	v22 =	vadd.s32 v4, v22;
	_ =	sdelay $0x3  }
0x5b: {  	s12 =	simm.s32 $0x280;
	s10 =	rddreg [dreg:$0x8]  }
0x5c: {  	[tilespmem:s12], [sflag:$0x1] =	stream.indirect_vreg.gather [hbm4b:s10+s4], $0x80, v22, vm0, $0xb8;
	[tilespmem:$0x1CB80] =	vst v63  }
0x5d: {  	s13 =	simm.s32 $0xA80;
	v21 =	vperm.xlane v21, v5  }
0x5e: {  	[tilespmem:s13], [sflag:$0x1] =	stream.indirect_vreg.gather [hbm4b:s15+s4], $0x80, v22, vm0, $0xb8;
	[tilespmem:$0x1CB80] =	vst v63  }
0x5f: {  	s14 =	simm.s32 $0x1280;
	v21 =	vadd.s32 v4, v21  }
0x60: {  	[tilespmem:s14], [sflag:$0x1] =	stream.indirect_vreg.gather [hbm4b:s16+s4], $0x80, v22, vm0, $0xb8;
	[tilespmem:$0x1CB80] =	vst v63  }
0x61: {  	s20 =	simm.s32 $0x1A80  }
0x62: {  	[tilespmem:s20], [sflag:$0x1] =	stream.indirect_vreg.gather [hbm4b:s28+s4], $0x80, v22, vm0, $0xb8;
	[tilespmem:$0x1CB80] =	vst v63  }
0x63: {  	s24 =	simm.s32 $0x2280  }
0x64: {  	[tilespmem:s24], [sflag:$0x1] =	stream.indirect_vreg.gather [hbm4b:s10+s4], $0x80, v21, vm0, $0xb8;
	[tilespmem:$0x1CB80] =	vst v63  }
0x65: {  	s30 =	simm.s32 $0x2A80  }
0x66: {  	[tilespmem:s30], [sflag:$0x1] =	stream.indirect_vreg.gather [hbm4b:s15+s4], $0x80, v21, vm0, $0xb8;
	[tilespmem:$0x1CB80] =	vst v63  }
0x67: {  	s7 =	simm.s32 $0x3280  }
0x68: {  	[tilespmem:s7], [sflag:$0x1] =	stream.indirect_vreg.gather [hbm4b:s16+s4], $0x80, v21, vm0, $0xb8;
	[tilespmem:$0x1CB80] =	vst v63  }
0x69: {  	s8 =	simm.s32 $0x3A80  }
0x6a: {  	[tilespmem:s8], [sflag:$0x1] =	stream.indirect_vreg.gather [hbm4b:s28+s4], $0x80, v21, vm0, $0xb8;
	[tilespmem:$0x1CB80] =	vst v63  }
0x6b: {  	v21 =	vld [tilespmem:$0x0];
	_ =	sdelay $0x4  }
0x6c: {  	v22 =	vshll.u32 v21, $0x3  }
0x6d: {  	v21 =	vand.u32 $0x7, v21;
	v22 =	vand.u32 $0xFFFFFFC0, v22  }
0x6e: {  	v21 =	vor.u32 v21, v22  }
0x6f: {  	v22 =	vperm.xlane v21, v3;
	_ =	sdelay $0x1  }
0x70: {  	v22 =	vadd.s32 v4, v22;
	_ =	sdelay $0x3  }
0x71: {  	s9 =	rddreg [dreg:$0x9];
	s10 =	simm.s32 $0x4280  }
0x72: {  	[tilespmem:s10], [sflag:$0x2] =	stream.indirect_vreg.gather [hbm4b:s9+s4], $0x80, v22, vm0, $0xb8;
	[tilespmem:$0x1CB80] =	vst v63  }
0x73: {  	s12 =	simm.s32 $0x4A80;
	v21 =	vperm.xlane v21, v5  }
0x74: {  	[tilespmem:s12], [sflag:$0x2] =	stream.indirect_vreg.gather [hbm4b:s17+s4], $0x80, v22, vm0, $0xb8;
	[tilespmem:$0x1CB80] =	vst v63  }
0x75: {  	s13 =	simm.s32 $0x5280;
	v21 =	vadd.s32 v4, v21  }
0x76: {  	[tilespmem:s13], [sflag:$0x2] =	stream.indirect_vreg.gather [hbm4b:s18+s4], $0x80, v22, vm0, $0xb8;
	[tilespmem:$0x1CB80] =	vst v63  }
0x77: {  	s14 =	simm.s32 $0x5A80  }
0x78: {  	[tilespmem:s14], [sflag:$0x2] =	stream.indirect_vreg.gather [hbm4b:s19+s4], $0x80, v22, vm0, $0xb8;
	[tilespmem:$0x1CB80] =	vst v63  }
0x79: {  	s20 =	simm.s32 $0x6280  }
0x7a: {  	[tilespmem:s20], [sflag:$0x2] =	stream.indirect_vreg.gather [hbm4b:s9+s4], $0x80, v21, vm0, $0xb8;
	[tilespmem:$0x1CB80] =	vst v63  }
0x7b: {  	s24 =	simm.s32 $0x6A80  }
0x7c: {  	[tilespmem:s24], [sflag:$0x2] =	stream.indirect_vreg.gather [hbm4b:s17+s4], $0x80, v21, vm0, $0xb8;
	[tilespmem:$0x1CB80] =	vst v63  }
0x7d: {  	s30 =	simm.s32 $0x7280  }
0x7e: {  	[tilespmem:s30], [sflag:$0x2] =	stream.indirect_vreg.gather [hbm4b:s18+s4], $0x80, v21, vm0, $0xb8;
	[tilespmem:$0x1CB80] =	vst v63  }
0x7f: {  	s7 =	simm.s32 $0x7A80  }
0x80: {  	[tilespmem:s7], [sflag:$0x2] =	stream.indirect_vreg.gather [hbm4b:s19+s4], $0x80, v21, vm0, $0xb8;
	[tilespmem:$0x1CB80] =	vst v63  }
0x81: {  	v21 =	vld [tilespmem:$0x80];
	_ =	sdelay $0x4  }
0x82: {  	v22 =	vshll.u32 v21, $0x3  }
0x83: {  	v21 =	vand.u32 $0x7, v21;
	v22 =	vand.u32 $0xFFFFFFC0, v22  }
0x84: {  	v21 =	vor.u32 v21, v22  }
0x85: {  	v22 =	vperm.xlane v21, v3;
	_ =	sdelay $0x1  }
0x86: {  	v22 =	vadd.s32 v4, v22;
	_ =	sdelay $0x3  }
0x87: {  	s8 =	rddreg [dreg:$0xa];
	s9 =	simm.s32 $0x8280  }
0x88: {  	[tilespmem:s9], [sflag:$0x3] =	stream.indirect_vreg.gather [hbm4b:s8+s4], $0x80, v22, vm0, $0xb8;
	[tilespmem:$0x1CB80] =	vst v63  }
0x89: {  	s10 =	simm.s32 $0x8A80;
	v21 =	vperm.xlane v21, v5  }
0x8a: {  	[tilespmem:s10], [sflag:$0x3] =	stream.indirect_vreg.gather [hbm4b:s21+s4], $0x80, v22, vm0, $0xb8;
	[tilespmem:$0x1CB80] =	vst v63  }
0x8b: {  	s12 =	simm.s32 $0x9280;
	v21 =	vadd.s32 v4, v21  }
0x8c: {  	[tilespmem:s12], [sflag:$0x3] =	stream.indirect_vreg.gather [hbm4b:s22+s4], $0x80, v22, vm0, $0xb8;
	[tilespmem:$0x1CB80] =	vst v63  }
0x8d: {  	s13 =	simm.s32 $0x9A80  }
0x8e: {  	[tilespmem:s13], [sflag:$0x3] =	stream.indirect_vreg.gather [hbm4b:s23+s4], $0x80, v22, vm0, $0xb8;
	[tilespmem:$0x1CB80] =	vst v63  }
0x8f: {  	s14 =	simm.s32 $0xA280  }
0x90: {  	[tilespmem:s14], [sflag:$0x3] =	stream.indirect_vreg.gather [hbm4b:s8+s4], $0x80, v21, vm0, $0xb8;
	[tilespmem:$0x1CB80] =	vst v63  }
0x91: {  	s20 =	simm.s32 $0xAA80  }
0x92: {  	[tilespmem:s20], [sflag:$0x3] =	stream.indirect_vreg.gather [hbm4b:s21+s4], $0x80, v21, vm0, $0xb8;
	[tilespmem:$0x1CB80] =	vst v63  }
0x93: {  	s24 =	simm.s32 $0xB280  }
0x94: {  	[tilespmem:s24], [sflag:$0x3] =	stream.indirect_vreg.gather [hbm4b:s22+s4], $0x80, v21, vm0, $0xb8;
	[tilespmem:$0x1CB80] =	vst v63  }
0x95: {  	s30 =	simm.s32 $0xBA80  }
0x96: {  	[tilespmem:s30], [sflag:$0x3] =	stream.indirect_vreg.gather [hbm4b:s23+s4], $0x80, v21, vm0, $0xb8;
	[tilespmem:$0x1CB80] =	vst v63  }
0x97: {  	v21 =	vld [tilespmem:$0x80];
	_ =	sdelay $0x4  }
0x98: {  	v22 =	vshll.u32 v21, $0x3  }
0x99: {  	v21 =	vand.u32 $0x7, v21;
	v22 =	vand.u32 $0xFFFFFFC0, v22  }
0x9a: {  	v21 =	vor.u32 v21, v22  }
0x9b: {  	v22 =	vperm.xlane v21, v3;
	_ =	sdelay $0x1  }
0x9c: {  	v22 =	vadd.s32 v4, v22;
	_ =	sdelay $0x3  }
0x9d: {  	s7 =	simm.s32 $0xC280  }
0x9e: {  	[tilespmem:s7], [sflag:$0x4] =	stream.indirect_vreg.gather [hbm4b:s11+s4], $0x80, v22, vm0, $0xb8;
	[tilespmem:$0x1CB80] =	vst v63  }
0x9f: {  	s8 =	simm.s32 $0xCA80;
	v21 =	vperm.xlane v21, v5  }
0xa0: {  	[tilespmem:s8], [sflag:$0x4] =	stream.indirect_vreg.gather [hbm4b:s25+s4], $0x80, v22, vm0, $0xb8;
	[tilespmem:$0x1CB80] =	vst v63  }
0xa1: {  	s9 =	simm.s32 $0xD280;
	v21 =	vadd.s32 v4, v21  }
0xa2: {  	[tilespmem:s9], [sflag:$0x4] =	stream.indirect_vreg.gather [hbm4b:s26+s4], $0x80, v22, vm0, $0xb8;
	[tilespmem:$0x1CB80] =	vst v63  }
0xa3: {  	s10 =	simm.s32 $0xDA80  }
0xa4: {  	[tilespmem:s10], [sflag:$0x4] =	stream.indirect_vreg.gather [hbm4b:s29+s4], $0x80, v22, vm0, $0xb8;
	[tilespmem:$0x1CB80] =	vst v63  }
0xa5: {  	s12 =	simm.s32 $0xE280  }
0xa6: {  	[tilespmem:s12], [sflag:$0x4] =	stream.indirect_vreg.gather [hbm4b:s11+s4], $0x80, v21, vm0, $0xb8;
	[tilespmem:$0x1CB80] =	vst v63  }
0xa7: {  	s13 =	simm.s32 $0xEA80  }
0xa8: {  	[tilespmem:s13], [sflag:$0x4] =	stream.indirect_vreg.gather [hbm4b:s25+s4], $0x80, v21, vm0, $0xb8;
	[tilespmem:$0x1CB80] =	vst v63  }
0xa9: {  	s14 =	simm.s32 $0xF280  }
0xaa: {  	[tilespmem:s14], [sflag:$0x4] =	stream.indirect_vreg.gather [hbm4b:s26+s4], $0x80, v21, vm0, $0xb8;
	[tilespmem:$0x1CB80] =	vst v63  }
0xab: {  	s1 =	sshll.u32 s1, $0x8;
	s20 =	simm.s32 $0xFA80;
	s24 =	rddreg [dreg:$0xb]  }
0xac: {  	[tilespmem:s20], [sflag:$0x4] =	stream.indirect_vreg.gather [hbm4b:s29+s4], $0x80, v21, vm0, $0xb8;
	[tilespmem:$0x1CB80] =	vst v63  }
0xad: {  	s1 =	sadd.s32 s24, s1;
	s30 =	simm.s32 $0x10280  }
0xae: {  	[tilespmem:s30], [sflag:$0x5] =	stream.linear.gather [hbm4b:s1+s4], $0x8000, $0x38;
	[tilespmem:$0x1CB80] =	vst v63  }
0xaf: {  	_ =	swait.ge [sflag:s31], $0x8000  }
0xb0: {  	[sflag:s31] =	ssyncset.done $0x0  }
0xb1: {  	[sflag:s31] =	ssyncadd.s32 $0xFFFF8000  }
0xb2: {  	v21 =	vld [tilespmem:$0x100];
	_ =	sdelay $0x4  }
0xb3: {  	v22 =	vshrl.u32 v21, $0x3;
	v21 =	vshll.u32 v21, $0x4  }
0xb4: {  	[tilespmem:$0x180] =	vst v22;
	v21 =	vand.u32 $0x70, v21  }
0xb5: {  	s6 =	simm.s32 $0x200;
	s1 =	simm.s32 $0x0;
	[tilespmem:$0x200] =	vst v21  }
.LBB2_5:
0xb6: {  	p0 =	sne.s32 s6, $0x1E00;
	[tilespmem:s1+$0x18BF0] =	vst v2  }
0xb7: {  	[tilespmem:s1+$0x18B80] =	vst v2  }
0xb8: {  	[tilespmem:s1+$0x18B90] =	vst v2  }
.Ltmp1:
0xb9: {  	[tilespmem:s1+$0x18BA0] =	vst v2;
	(pc) =	sbr.rel @p0 .LBB2_5-.Ltmp1, $4  }
0xba: {  	[tilespmem:s1+$0x18BB0] =	vst v2  }
0xbb: {  	[tilespmem:s1+$0x18BC0] =	vst v2  }
0xbc: {  	[tilespmem:s1+$0x18BD0] =	vst v2  }
0xbd: {  	[tilespmem:s1+$0x18BE0] =	vst v2;
	s1 =	sshra.s32 s6, $0x2;
	s6 =	sadd.s32 $0x200, s6  }
0xbe: {  	[tilespmem:s1+$0x18BF0] =	vst v2  }
0xbf: {  	[tilespmem:s1+$0x18B80] =	vst v2  }
0xc0: {  	[tilespmem:s1+$0x18B90] =	vst v2  }
0xc1: {  	[tilespmem:s1+$0x18BA0] =	vst v2  }
0xc2: {  	[tilespmem:s1+$0x18BB0] =	vst v2  }
0xc3: {  	[tilespmem:s1+$0x18BC0] =	vst v2  }
0xc4: {  	[tilespmem:s1+$0x18BD0] =	vst v2  }
0xc5: {  	[tilespmem:s1+$0x18BE0] =	vst v2;
	s14 =	simm.s32 $0x1  }
0xc6: {  	_ =	swait.ge [sflag:s14], $0x4000  }
0xc7: {  	[sflag:s14] =	ssyncset.done $0x0  }
0xc8: {  	s20 =	simm.s32 $0x2;
	[sflag:s14] =	ssyncadd.s32 $0xFFFFC000  }
0xc9: {  	_ =	swait.ge [sflag:s20], $0x4000  }
0xca: {  	[sflag:s20] =	ssyncset.done $0x0  }
0xcb: {  	s24 =	simm.s32 $0x3;
	[sflag:s20] =	ssyncadd.s32 $0xFFFFC000  }
0xcc: {  	_ =	swait.ge [sflag:s24], $0x4000  }
0xcd: {  	[sflag:s24] =	ssyncset.done $0x0  }
0xce: {  	s30 =	simm.s32 $0x4;
	[sflag:s24] =	ssyncadd.s32 $0xFFFFC000  }
0xcf: {  	_ =	swait.ge [sflag:s30], $0x4000  }
0xd0: {  	[sflag:s30] =	ssyncset.done $0x0  }
0xd1: {  	s6 =	simm.s32 $0x0;
	s12 =	simm.s32 $0x0;
	[sflag:s30] =	ssyncadd.s32 $0xFFFFC000  }
.LBB2_7:
0xd2: {  	s1 =	sshrl.u32 s12, $0x3;
	s7 =	sshll.u32 s6, $0x9  }
0xd3: {  	s8 =	sshll.u32 s1, $0xF;
	s7 =	sand.u32 $0xE00, s7  }
0xd4: {  	s20 =	simm.s32 $0x18680;
	s1 =	sshll.u32 s1, $0x10;
	s8 =	sor.u32 s7, s8  }
0xd5: {  	s24 =	simm.s32 $0x0;
	s7 =	sor.u32 s7, s1;
	s8 =	sshrl.u32 s8, $0x2  }
0xd6: {  	s7 =	sshrl.u32 s7, $0x2;
	s13 =	sadd.s32 $0xC280, s8;
	s14 =	sadd.s32 $0x4280, s8  }
0xd7: {  	s30 =	sadd.s32 $0x8280, s8;
	s1 =	sadd.s32 $0x280, s8;
	s9 =	sadd.s32 $0x10280, s7  }
.LBB2_8:
0xd8: {  	v22 =	vmov s9  }
0xd9: {  	v26 =	vmov s1  }
0xda: {  	v24 =	vmov s30  }
0xdb: {  	v25 =	vmov s14  }
0xdc: {  	v23 =	vmov s13;
	s7 =	simm.s32 $0x0  }
0xdd: {  	v21 =	vmov s20;
	v27 =	vld.idx.msk [tilespmem:v22+s7+$0x0 ss:$0x1], $0xffff  }
0xde: {  	v28 =	vld.idx.msk [tilespmem:v26+s7+$0x0 ss:$0x1], $0xffff  }
0xdf: {  	v29 =	vld.idx.msk [tilespmem:v24+s7+$0x0 ss:$0x1], $0xffff  }
0xe0: {  	v30 =	vld.idx.msk [tilespmem:v25+s7+$0x0 ss:$0x1], $0xffff  }
0xe1: {  	v31 =	vld.idx.msk [tilespmem:v23+s7+$0x0 ss:$0x1], $0xffff  }
0xe2: {  	v36 =	vld.idx.msk [tilespmem:v21+s7+$0x0 ss:$0x1], $0xffff  }
0xe3: {  	v32 =	vld.idx.msk [tilespmem:v22+s7+$0x2000 ss:$0x1], $0xffff  }
0xe4: {  	s10 =	simm.s32 $0x10;
	v34 =	vld.idx.msk [tilespmem:v21+s7+$0xFFFFFC00 ss:$0x1], $0xffff  }
0xe5: {  	v33 =	vld.idx.msk [tilespmem:v22+s10+$0x0 ss:$0x1], $0xffff;
	v28 =	vadd.f32 v29, v28  }
0xe6: {  	v35 =	vld.idx.msk [tilespmem:v26+s10+$0x0 ss:$0x1], $0xffff  }
0xe7: {  	v37 =	vld.idx.msk [tilespmem:v24+s10+$0x0 ss:$0x1], $0xffff;
	v28 =	vadd.f32 v27, v28;
	v27 =	vadd.f32 v31, v30  }
0xe8: {  	v29 =	vld.idx.msk [tilespmem:v25+s10+$0x0 ss:$0x1], $0xffff  }
0xe9: {  	v30 =	vld.idx.msk [tilespmem:v23+s10+$0x0 ss:$0x1], $0xffff;
	v38 =	vmul.f32 $2.000000030e-01, v28;
	v39 =	vadd.f32 v32, v27  }
0xea: {  	v31 =	vld.idx.msk [tilespmem:v22+s10+$0x2000 ss:$0x1], $0xffff;
	vm2 =	vgt.f32 v28, $0.0e+00  }
0xeb: {  	s8 =	simm.s32 $0x20;
	v27 =	vld.idx.msk [tilespmem:v21+s10+$0x0 ss:$0x1], $0xffff;
	v62 =	vsel vm2, v28, v38;
	v63 =	vmul.f32 $2.000000030e-01, v39  }
0xec: {  	v32 =	vld.idx.msk [tilespmem:v22+s8+$0x0 ss:$0x1], $0xffff;
	vm2 =	vgt.f32 v39, $0.0e+00;
	v40 =	vmul.f32 v62, v34  }
0xed: {  	v41 =	vimm.f32 $0.0e+00;
	v37 =	vadd.f32 v37, v35;
	v28 =	vld.idx.msk [tilespmem:v21+s10+$0xFFFFFC00 ss:$0x1], $0xffff;
	v38 =	vsel vm2, v39, v63  }
0xee: {  	s7 =	sshll.u32 s24, $0x9;
	s10 =	simm.s32 $0xC0;
	v34 =	vld.idx.msk [tilespmem:v26+s8+$0x0 ss:$0x1], $0xffff;
	v35 =	vadd.f32 v40, v41;
	v36 =	vmul.f32 v38, v36  }
.LBB2_9:
0xef: {  	p0 =	sne.s32 s10, $0x1C0;
	v38 =	vld.idx.msk [tilespmem:v24+s8+$0x0 ss:$0x1], $0xffff;
	v33 =	vadd.f32 v33, v37;
	v37 =	vadd.f32 v30, v29  }
0xf0: {  	v29 =	vld.idx.msk [tilespmem:v25+s8+$0x0 ss:$0x1], $0xffff;
	v35 =	vadd.f32 v36, v35;
	v36 =	vmov v27  }
0xf1: {  	v30 =	vld.idx.msk [tilespmem:v23+s8+$0x0 ss:$0x1], $0xffff;
	v39 =	vmul.f32 $2.000000030e-01, v33;
	v40 =	vadd.f32 v31, v37  }
.Ltmp2:
0xf2: {  	vm2 =	vgt.f32 v33, $0.0e+00;
	v27 =	vld.idx.msk [tilespmem:v21+s8+$0x0 ss:$0x1], $0xffff;
	(pc) =	sbr.rel @p0 .LBB2_9-.Ltmp2, $4  }
0xf3: {  	v31 =	vld.idx.msk [tilespmem:v22+s8+$0x2000 ss:$0x1], $0xffff;
	v37 =	vsel vm2, v33, v39;
	v39 =	vmul.f32 $2.000000030e-01, v40;
	v33 =	vmov v32  }
0xf4: {  	vm2 =	vgt.f32 v40, $0.0e+00;
	v41 =	vmul.f32 v37, v28;
	v28 =	vld.idx.msk [tilespmem:v21+s8+$0xFFFFFC00 ss:$0x1], $0xffff;
	s8 =	sshra.s32 s10, $0x2  }
0xf5: {  	v37 =	vadd.f32 v38, v34;
	v32 =	vld.idx.msk [tilespmem:v22+s8+$0x0 ss:$0x1], $0xffff;
	v38 =	vsel vm2, v40, v39  }
0xf6: {  	s10 =	sadd.s32 $0x40, s10;
	v34 =	vld.idx.msk [tilespmem:v26+s8+$0x0 ss:$0x1], $0xffff;
	v35 =	vadd.f32 v41, v35;
	v36 =	vmul.f32 v38, v36  }
0xf7: {  	_ =	sdelay $0x3  }
0xf8: {  	v24 =	vld.idx.msk [tilespmem:v24+s8+$0x0 ss:$0x1], $0xffff  }
0xf9: {  	v25 =	vld.idx.msk [tilespmem:v25+s8+$0x0 ss:$0x1], $0xffff  }
0xfa: {  	v26 =	vadd.f32 v33, v37;
	v23 =	vld.idx.msk [tilespmem:v23+s8+$0x0 ss:$0x1], $0xffff  }
0xfb: {  	v29 =	vadd.f32 v30, v29  }
0xfc: {  	v22 =	vld.idx.msk [tilespmem:v22+s8+$0x2000 ss:$0x1], $0xffff;
	v56 =	vmul.f32 $2.000000030e-01, v26  }
0xfd: {  	v29 =	vadd.f32 v31, v29;
	vm2 =	vgt.f32 v26, $0.0e+00;
	v24 =	vadd.f32 v24, v34  }
0xfe: {  	v26 =	vsel vm2, v26, v56  }
0xff: {  	v58 =	vld.idx.msk [tilespmem:v21+s8+$0xFFFFFC00 ss:$0x1], $0xffff;
	v57 =	vmul.f32 $2.000000030e-01, v29;
	v23 =	vadd.f32 v23, v25;
	v24 =	vadd.f32 v32, v24  }
0x100: {  	v59 =	vadd.f32 v36, v35;
	vm2 =	vgt.f32 v29, $0.0e+00;
	v26 =	vmul.f32 v26, v28  }
0x101: {  	v21 =	vld.idx.msk [tilespmem:v21+s8+$0x0 ss:$0x1], $0xffff;
	v60 =	vsel vm2, v29, v57;
	v22 =	vadd.f32 v22, v23;
	v61 =	vmul.f32 $2.000000030e-01, v24  }
0x102: {  	v23 =	vadd.f32 v26, v59;
	v62 =	vmul.f32 v60, v27;
	vm2 =	vgt.f32 v24, $0.0e+00  }
0x103: {  	v63 =	vmul.f32 $2.000000030e-01, v22;
	v24 =	vsel vm2, v24, v61  }
0x104: {  	s24 =	sadd.s32 $0x1, s24;
	v23 =	vadd.f32 v62, v23;
	vm2 =	vgt.f32 v22, $0.0e+00;
	v24 =	vmul.f32 v24, v58  }
0x105: {  	p0 =	sne.s32 s24, $0x8;
	v22 =	vsel vm2, v22, v63  }
.Ltmp3:
0x106: {  	v21 =	vmul.f32 v22, v21;
	v23 =	vadd.f32 v24, v23;
	(pc) =	sbr.rel @p0 .LBB2_8-.Ltmp3, $4  }
0x107: {  	_ = 	snop  }
0x108: {  	s7 =	sshrl.u32 s7, $0x2;
	v21 =	vadd.f32 v21, v23  }
0x109: {  	s13 =	sadd.s32 $0x400, s13;
	s14 =	sadd.s32 $0x400, s14;
	s30 =	sadd.s32 $0x400, s30  }
0x10a: {  	s1 =	sadd.s32 $0x400, s1;
	s9 =	sadd.s32 $0x400, s9;
	s20 =	sadd.s32 $0x80, s20;
	[tilespmem:s7+$0x19B80] =	vst v21  }
0x10b: {  	_ =	sdelay $0x3  }
0x10c: {  	v21 =	vld.idx.msk [tilespmem:v1+s0+$0x0], $0xffff;
	_ =	sdelay $0x1  }
0x10d: {  	v22 =	vld.idx.msk [tilespmem:v6+s0+$0x0], $0xffff;
	_ =	sdelay $0x1  }
0x10e: {  	v23 =	vld.idx.msk [tilespmem:v7+s0+$0x0], $0xffff  }
0x10f: {  	v21 =	vadd.f32 $0.0e+00, v21  }
0x110: {  	v24 =	vld.idx.msk [tilespmem:v8+s0+$0x0], $0xffff  }
0x111: {  	v21 =	vadd.f32 v22, v21  }
0x112: {  	v22 =	vld.idx.msk [tilespmem:v9+s0+$0x0], $0xffff  }
0x113: {  	v21 =	vadd.f32 v23, v21  }
0x114: {  	v23 =	vld.idx.msk [tilespmem:v10+s0+$0x0], $0xffff  }
0x115: {  	v21 =	vadd.f32 v24, v21  }
0x116: {  	v60 =	vld.idx.msk [tilespmem:v11+s0+$0x0], $0xffff  }
0x117: {  	v21 =	vadd.f32 v22, v21  }
0x118: {  	v22 =	vld.idx.msk [tilespmem:v12+s0+$0x0], $0xffff  }
0x119: {  	v21 =	vadd.f32 v23, v21  }
0x11a: {  	v23 =	vld.idx.msk [tilespmem:v13+s0+$0x0], $0xffff  }
0x11b: {  	v21 =	vadd.f32 v60, v21  }
0x11c: {  	v61 =	vld.idx.msk [tilespmem:v14+s0+$0x0], $0xffff  }
0x11d: {  	v21 =	vadd.f32 v22, v21  }
0x11e: {  	v22 =	vld.idx.msk [tilespmem:v15+s0+$0x0], $0xffff  }
0x11f: {  	v21 =	vadd.f32 v23, v21  }
0x120: {  	v23 =	vld.idx.msk [tilespmem:v16+s0+$0x0], $0xffff  }
0x121: {  	v21 =	vadd.f32 v61, v21  }
0x122: {  	v62 =	vld.idx.msk [tilespmem:v17+s0+$0x0], $0xffff  }
0x123: {  	v21 =	vadd.f32 v22, v21  }
0x124: {  	v22 =	vld.idx.msk [tilespmem:v18+s0+$0x0], $0xffff  }
0x125: {  	v21 =	vadd.f32 v23, v21  }
0x126: {  	v23 =	vld.idx.msk [tilespmem:v19+s0+$0x0], $0xffff  }
0x127: {  	v21 =	vadd.f32 v62, v21  }
0x128: {  	v63 =	vld.idx.msk [tilespmem:v20+s0+$0x0], $0xffff  }
0x129: {  	v21 =	vadd.f32 v22, v21;
	_ =	sdelay $0x1  }
0x12a: {  	v21 =	vadd.f32 v23, v21  }
0x12b: {  	v22 =	vmov s12  }
0x12c: {  	v21 =	vadd.f32 v63, v21  }
0x12d: {  	s1 =	sshll.u32 s12, $0x4  }
0x12e: {  	s1 =	sand.u32 $0xF0, s1;
	v21 =	vnsel vm1, $0x0, v21  }
0x12f: {  	[tilespmem:s1+$0x18A80] =	vst v21  }
0x130: {  	v21 =	vmul.f32 $1.442695020e+00, v21;
	v23 =	vld.idx.msk [tilespmem:v22+s2+$0x0], $0xffff;
	_ =	sdelay $0x1  }
0x131: {  	(erf) = vpow2.f32 v21;
	_ =	sdelay $0x2  }
0x132: {  	v21 =	vadd.s32 v0, v23  }
0x133: {  	v22 =	vshll.u32 v22, $0x7;
	v23 =	vand.u32 $0xFFFFFF80, v21  }
0x134: {  	s12 =	sadd.s32 $0x1, s12;
	v21 =	vand.u32 $0x7F, v21;
	v22 =	vadd.s32 v22, v23  }
0x135: {  	p0 =	sne.s32 s12, $0x10;
	v21 =	vor.u32 v21, v22  }
.Ltmp4:
0x136: {  	_ = 	snop;
	(pc) =	sbr.rel @p0 .LBB2_7-.Ltmp4, $4  }
0x137: {  	_ = 	snop  }
0x138: {  	v22 =	vpop (erf)  }
0x139: {  	v22 =	vnsel vm1, $0x0, v22  }
0x13a: {  	s6 =	sadd.s32 $0x1, s6;
	[tilespmem:v21+s3+$0x0] =	vst.idx.msk $0xffff, v22  }
0x13b: {  	s1 =	sshll.u32 s5, $0x8;
	s6 =	rddreg [dreg:$0x10]  }
0x13c: {  	s6 =	sadd.s32 s6, s1  }
0x13d: {  	s1 =	sand.u32 $0x300, s1;
	s6 =	sand.u32 $0x7FFC00, s6  }
0x13e: {  	s1 =	sor.u32 s1, s6  }
0x13f: {  	s13 =	rddreg [dreg:$0xc];
	s1 =	sshrl.u32 s1, $0x3  }
0x140: {  	s14 =	simm.s32 $0x0;
	s7 =	simm.s32 $0x18A80;
	s1 =	sadd.s32 s13, s1  }
0x141: {  	[hbm4b:s1+s14] =	stream.linear.scatter [tilespmem:s7], [sflag:$0x5], $0x100, $0x38;
	[tilespmem:$0x1CB80] =	vst v63  }
0x142: {  	_ =	swait.ge [sflag:s31], $0x100  }
0x143: {  	s5 =	sadd.s32 $0x1, s5;
	[sflag:s31] =	ssyncset.done $0x0  }
0x144: {  	s24 =	simm.s32 $0x10;
	p0 =	sne.s32 s5, $0x150;
	[sflag:s31] =	ssyncadd.s32 $0xFFFFFF00  }
.Ltmp5:
0x145: {  	s30 =	simm.s32 $0x180;
	s20 =	rddreg [dreg:$0x3];
	(pc) =	sbr.rel @p0 .LBB2_4-.Ltmp5, $4  }
0x146: {  	[spmem:s20] =	stream.indirect.scatter.add.f32 [tilespmem:s3], [sflag:$0x5], $0x80, s30, s24, $0xb8;
	[tilespmem:$0x1CB80] =	vst v63  }
0x147: {  	_ =	swait.ge [sflag:s31], $0x800  }
0x148: {  	[sflag:s31] =	ssyncset.done $0x0  }
0x149: {  	[sflag:s31] =	ssyncadd.s32 $0xFFFFF800  }
0x14a: {  	s1 =	stileid.u32;
	[bflag:$0x0] =	sbarrier.arrive $0xFFFF  }
0x14b: {  	s1 =	sshll.u32 s1, $0x6;
	s6 =	rddreg [dreg:$0xf]  }
0x14c: {  	s5 =	rddreg [dreg:$0xe];
	s1 =	sor.u32 $0x1C05, s1;
	s4 =	sshrl.u32 s6, $0x3  }
0x14d: {  	[hbm:s5], [sflag:s1] =	dma.local [spmem:s4], $0x500  }
0x14e: {  	_ =	swait.ge [sflag:s31], $0x500  }
0x14f: {  	s24 =	rddreg [dreg:$0x16]  }
0x150: {  	s30 =	rddreg [dreg:$0x11];
	s4 =	sadd.s32 $0x1, s24  }
0x151: {  	p0 =	sne.s32 s4, s30  }
.Ltmp6:
0x152: {  	_ = 	snop;
	(pc) =	sbr.rel @p0 .LBB2_1-.Ltmp6, $3  }
0x153: {  	_ =	sdelay $0x1  }
0x154: {  	[sflag:s31] =	ssyncset.done $0x0  }
0x155: {  	[sflag:s31] =	ssyncadd.s32 $0xFFFFFB00  }
0x156: {  	_ =	sfence.sel $0x180000  }
0x157: {  	[bflag:$0x0] =	sbarrier.arrive $0xFFFF  }
0x158: {  	_ =	strace $0x9000005C  }
0x159: {  	s0 =	stileid.u32;
	[bflag:$0x2] =	sbarrier.arrive $0xFFFF  }
0x15a: {  	p0 =	sne.s32 s0, $0x0;
	s0 =	rddreg [dreg:$0x4]  }
0x15b: {  	s0 =	sadd.s32 @!p0 $0x100000, s0  }
0x15c: {  	[sflag:s0] =	ssyncadd.tile.s32 @!p0 $0x1;
	_ =	shalt  }
.Lfunc_end2:
_tile_overlayer_lowered:
.L_overlay_start_2:
0x15d: {  	(tag) =	ssettag $0x2  }
0x15e: {  	s0 =	rddreg [dreg:$0x0];
	s2 =	stileid.u32  }
0x15f: {  	s1 =	rddreg [dreg:$0x1];
	p0 =	sne.s32 s2, $0x0  }
0x160: {  	s3 =	rddreg [dreg:$0x2];
	[bflag:$0x3] =	sbarrier.arrive $0xFFFF;
	s2 =	simm.s32 @!p0 $0x1C05  }
0x161: {  	[timem:s3], [sflag:s2] =	dma.local @!p0 [hbm:s0], s1  }
0x162: {  	s0 =	simm.s32 @!p0 $0x5  }
0x163: {  	_ =	swait.ge @!p0 [sflag:s0], s1  }
0x164: {  	s1 =	ssub.s32 @!p0 $0x0, s1;
	[sflag:s0] =	ssyncset.done @!p0 $0x0  }
0x165: {  	[sflag:s0] =	ssyncadd.s32 @!p0 s1  }
0x166: {  	[bflag:$0x3] =	sbarrier.arrive $0xFFFF  }
0x167: {  	_ =	shalt  }

// kernel: kernel.14.cloned.1.call-start
scs
__scs_entry_jumppad:
0x0: {  	(pc) =	sbr.rel $0x88, $3  }
0x1: {  	(tag) =	ssettag $0x0;
	lr =	simm.s32 $0x1  }
0x2: {  	[smem:$0x3F8D] =	sst lr;
	_ =	strace $0xD0000000  }
0x3: {  	_ = 	snop  }
0x4: {  	_ = 	snop  }
0x5: {  	_ = 	snop  }
0x6: {  	_ = 	snop  }
0x7: {  	_ = 	snop  }
__scs_overlays_trampoline_lowered:
0x8: {  	[smem:$0x3F9C] =	sst s0  }
0x9: {  	[smem:$0x3F9D] =	sst s1  }
0xa: {  	[smem:$0x3F9E] =	sst s2  }
0xb: {  	[smem:$0x3F9F] =	sst s3  }
0xc: {  	[smem:$0x3FA0] =	sst s4  }
0xd: {  	[smem:$0x3FA1] =	sst s5  }
0xe: {  	[smem:$0x3FA2] =	sst s6  }
0xf: {  	[smem:$0x3FA3] =	sst s7  }
0x10: {  	[smem:$0x3FA4] =	sst s8  }
0x11: {  	[smem:$0x3FA5] =	sst s9;
	s0 =	simm.s32 @!p0 $0x0  }
0x12: {  	s1 =	sld [smem:$0x3F8B];
	s0 =	simm.s32 @p0 $0x1  }
0x13: {  	[smem:$0x3FA6] =	sst s0;
	s0 =	simm.s32 @!p1 $0x0  }
0x14: {  	s2 =	sld [smem:$0x3F8A];
	s0 =	simm.s32 @p1 $0x1  }
0x15: {  	[smem:$0x3FA7] =	sst s0;
	s0 =	simm.s32 @!p2 $0x0  }
0x16: {  	s3 =	sld [smem:$0x3FDB];
	s0 =	simm.s32 @p2 $0x1  }
0x17: {  	s4 =	simm.s32 $0x1BF5;
	[smem:$0x3FA9] =	sst s0  }
0x18: {  	s0 =	sld [smem:$0x3F8C];
	_ =	swait.ge [sflag:s4], $0x0  }
0x19: {  	s7 =	sld [smem:$0x3F8D]  }
0x1a: {  	s8 =	sadd.s32 $0xFFFFE003, lr  }
0x1b: {  	s9 =	sadd.s32 $0xFFFFFEF7, lr;
	s5 =	simm.s32 $0xFFFFFFFF;
	p2 =	slt.u32 s8, $0xFFFFF086  }
0x1c: {  	p1 =	slt.u32 s9, $0xF7A;
	s5 =	simm.s32 @!p2 $0x0  }
0x1d: {  	s5 =	simm.s32 @p1 $0x1;
	p0 =	seq.s32 s7, s2  }
0x1e: {  	s7 =	smul.u32 @!p0 $0xF7A, s2;
	p2 =	seq.s32 @!p0 s5, $0x0  }
0x1f: {  	s9 =	smul.u32 $0xF7A, s1;
	s8 =	simm.s32 @!p0 $0x1BF5;
	p2 =	por !p2, p0  }
0x20: {  	[sflag:s8] =	ssyncset.s32 @!p0 $0xFFFFF086;
	s6 =	sadd.s32 @!p0 s3, s7;
	s7 =	simm.s32 @!p0 $0x108  }
0x21: {  	s3 =	sadd.s32 s3, s9;
	s6 =	sadd.s32 @!p0 $0x88, s6;
	s7 =	simm.s32 @p2 $0x1082  }
0x22: {  	[simem:s7], [sflag:s8] =	dma.local @!p0 [hbm:s6], $0xF7A  }
0x23: {  	s9 =	sor.u32 $0xD0000000, s2;
	s6 =	simm.s32 $0x108;
	_ =	swait.ge @!p0 [sflag:s8], $0x0  }
0x24: {  	s3 =	sadd.s32 $0x88, s3;
	s6 =	simm.s32 @!p1 $0x1082;
	[sflag:s4] =	ssyncset.s32 $0xFFFFF086  }
0x25: {  	[simem:s6], [sflag:s4] =	dma.local [hbm:s3], $0xF7A  }
0x26: {  	[smem:$0x3F8D] =	sst s1;
	(tag) =	ssettag s2;
	_ =	strace s9  }
0x27: {  	s1 =	sld [smem:$0x3F9D]  }
0x28: {  	s2 =	sld [smem:$0x3F9E]  }
0x29: {  	s4 =	sld [smem:$0x3FA0]  }
0x2a: {  	p0 =	seq.s32 s5, $0x0;
	s5 =	sld [smem:$0x3FA1]  }
0x2b: {  	s6 =	sld [smem:$0x3FA2]  }
0x2c: {  	s7 =	sld [smem:$0x3FA3]  }
0x2d: {  	s3 =	simm.s32 $0x108;
	s8 =	sld [smem:$0x3FA4]  }
0x2e: {  	s3 =	simm.s32 @!p0 $0x1082;
	s9 =	sld [smem:$0x3FA5]  }
0x2f: {  	lr =	sadd.s32 s0, s3;
	s0 =	sld [smem:$0x3F9C]  }
0x30: {  	s3 =	sld [smem:$0x3F9F]  }
0x31: {  	[smem:$0x3FA8] =	sst s10  }
0x32: {  	s10 =	sld [smem:$0x3FA6];
	_ =	sdelay $0x3  }
0x33: {  	p0 =	seq.s32 s10, $0x1;
	s10 =	sld [smem:$0x3FA8];
	_ =	sdelay $0x3  }
0x34: {  	[smem:$0x3FA8] =	sst s10  }
0x35: {  	s10 =	sld [smem:$0x3FA7];
	_ =	sdelay $0x3  }
0x36: {  	p1 =	seq.s32 s10, $0x1;
	s10 =	sld [smem:$0x3FA8];
	_ =	sdelay $0x3  }
0x37: {  	[smem:$0x3FA8] =	sst s10  }
0x38: {  	s10 =	sld [smem:$0x3FA9]  }
0x39: {  	_ = 	snop;
	(pc) =	sbr.ind lr, $3  }
0x3a: {  	_ = 	snop  }
0x3b: {  	_ = 	snop  }
0x3c: {  	p2 =	seq.s32 s10, $0x1;
	s10 =	sld [smem:$0x3FA8]  }
0x3d: {  	_ =	shalt  }
0x3e: {  	_ =	shalt  }
0x3f: {  	_ =	shalt  }
0x40: {  	_ =	shalt  }
0x41: {  	_ =	shalt  }
0x42: {  	_ =	shalt  }
0x43: {  	_ =	shalt  }
0x44: {  	_ =	shalt  }
0x45: {  	_ =	shalt  }
0x46: {  	_ =	shalt  }
0x47: {  	_ =	shalt  }
0x48: {  	_ =	shalt  }
0x49: {  	_ =	shalt  }
0x4a: {  	_ =	shalt  }
0x4b: {  	_ =	shalt  }
0x4c: {  	_ =	shalt  }
0x4d: {  	_ =	shalt  }
0x4e: {  	_ =	shalt  }
0x4f: {  	_ =	shalt  }
0x50: {  	_ =	shalt  }
0x51: {  	_ =	shalt  }
0x52: {  	_ =	shalt  }
0x53: {  	_ =	shalt  }
0x54: {  	_ =	shalt  }
0x55: {  	_ =	shalt  }
0x56: {  	_ =	shalt  }
0x57: {  	_ =	shalt  }
0x58: {  	_ =	shalt  }
0x59: {  	_ =	shalt  }
0x5a: {  	_ =	shalt  }
0x5b: {  	_ =	shalt  }
0x5c: {  	_ =	shalt  }
0x5d: {  	_ =	shalt  }
0x5e: {  	_ =	shalt  }
0x5f: {  	_ =	shalt  }
0x60: {  	_ =	shalt  }
0x61: {  	_ =	shalt  }
0x62: {  	_ =	shalt  }
0x63: {  	_ =	shalt  }
0x64: {  	_ =	shalt  }
0x65: {  	_ =	shalt  }
0x66: {  	_ =	shalt  }
0x67: {  	_ =	shalt  }
0x68: {  	_ =	shalt  }
0x69: {  	_ =	shalt  }
0x6a: {  	_ =	shalt  }
0x6b: {  	_ =	shalt  }
0x6c: {  	_ =	shalt  }
0x6d: {  	_ =	shalt  }
0x6e: {  	_ =	shalt  }
0x6f: {  	_ =	shalt  }
0x70: {  	_ =	shalt  }
0x71: {  	_ =	shalt  }
0x72: {  	_ =	shalt  }
0x73: {  	_ =	shalt  }
0x74: {  	_ =	shalt  }
0x75: {  	_ =	shalt  }
0x76: {  	_ =	shalt  }
0x77: {  	_ =	shalt  }
0x78: {  	_ =	shalt  }
0x79: {  	_ =	shalt  }
0x7a: {  	_ =	shalt  }
0x7b: {  	_ =	shalt  }
0x7c: {  	_ =	shalt  }
0x7d: {  	_ =	shalt  }
0x7e: {  	_ =	shalt  }
0x7f: {  	_ =	shalt  }
0x80: {  	_ =	shalt  }
0x81: {  	_ =	shalt  }
0x82: {  	_ =	shalt  }
0x83: {  	_ =	shalt  }
0x84: {  	_ =	shalt  }
0x85: {  	_ =	shalt  }
0x86: {  	_ =	shalt  }
0x87: {  	_ =	shalt  }
.Lfunc_end0:
.L_simem_size_0:
called_computation.8_lowered:
.L_overlay_start_0:
0x88: {  	s2 =	sld [smem:$0x3FD9]  }
0x89: {  	s3 =	sld [smem:$0x3FFE];
	_ =	sdelay $0x1  }
0x8a: {  	s1 =	srdreg.scid  }
0x8b: {  	s0 =	sand.u32 $0x1, s1  }
0x8c: {  	s14 =	sshll.u32 s0, $0xA;
	s2 =	sadd.s32 s3, s2  }
0x8d: {  	s2 =	sadd.s32 s2, s14  }
0x8e: {  	[smem:$0x3FB4] =	sst s2  }
0x8f: {  	_ = 	snop  }
0x90: {  	s2 =	sld [smem:$0x3FD0];
	_ =	sdelay $0x2  }
0x91: {  	s15 =	simm.s32 $0xF;
	s4 =	simm.s32 $0x10  }
0x92: {  	[smem:s4], [sflag:s15] =	dma.local [hbm:s2], $0x1  }
0x93: {  	_ =	swait.eq [sflag:s15], $0x1  }
0x94: {  	[sflag:s15] =	ssyncset.done $0x0  }
0x95: {  	[sflag:s15] =	ssyncadd.s32 $0xFFFFFFFF  }
0x96: {  	s16 =	sld [smem:$0x10];
	(tm) =	ssettm $0x1  }
0x97: {  	s17 =	sld [smem:$0x3FFB];
	_ =	sdelay $0x3  }
0x98: {  	_ =	strace s17  }
0x99: {  	s3 =	sld [smem:$0x3FFC];
	_ =	sdelay $0x3  }
0x9a: {  	_ =	strace s3  }
0x9b: {  	s3 =	sld [smem:$0x3FFD];
	_ =	sdelay $0x3  }
0x9c: {  	_ =	strace s3  }
0x9d: {  	_ =	strace $0x8FFFFFFF  }
0x9e: {  	s18 =	sld [smem:$0x3FDB];
	_ =	sdelay $0x1  }
0x9f: {  	s19 =	simm.s32 $_scs_section_size  }
0xa0: {  	s5 =	simm.s32 $_size__tile_overlayer_lowered;
	s6 =	simm.s32 $_tile_overlayer_lowered  }
0xa1: {  	s22 =	simm.s32 $0x1BFF;
	s21 =	sshll.u32 s6, $0x1;
	s3 =	sadd.s32 s19, s18  }
0xa2: {  	s7 =	simm.s32 $0x0;
	s20 =	sshll.u32 s5, $0x1;
	s5 =	sadd.s32 s21, s3  }
0xa3: {  	[timem:s7], [sflag:s22] =	dma.local [hbm:s5], s20  }
0xa4: {  	_ =	swait.ge [sflag:s22], s20  }
0xa5: {  	s4 =	ssub.s32 $0x0, s20;
	[sflag:s22] =	ssyncset.done $0x0  }
0xa6: {  	[sflag:s22] =	ssyncadd.s32 s4;
	_ =	sdelay $0x1  }
0xa7: {  	s23 =	simm.s32 $0x1B8B  }
0xa8: {  	_ =	swait.ge [sflag:s23], $0x1  }
0xa9: {  	[sflag:s23] =	ssyncset.done $0x0  }
0xaa: {  	s25 =	simm.s32 $0x1B8E;
	s24 =	sld [smem:$0x3FFE];
	[sflag:s23] =	ssyncadd.s32 $0xFFFFFFFF  }
0xab: {  	s26 =	simm.s32 $execute0_lowered;
	[smem:$0x3FD2] =	sst s25  }
0xac: {  	s5 =	sshll.u32 s26, $0x1;
	_ =	strace $0x8000005E;
	[dreg:$0x1] =	wrdreg $0xFFFFFFFF  }
0xad: {  	s28 =	simm.s32 $_size_execute0_lowered;
	s3 =	sadd.s32 s3, s5;
	[dreg:$0x0] =	wrdreg $0x0  }
0xae: {  	s5 =	sshll.u32 s28, $0x1;
	[dreg:$0x2] =	wrdreg s3  }
0xaf: {  	[dreg:$0x3] =	wrdreg s5  }
0xb0: {  	[dreg:$0x4] =	wrdreg $0xC0  }
0xb1: {  	_ =	task [dreg:s7], $0x5FFFF  }
0xb2: {  	[dreg:$0x1] =	wrdreg $0xFFFFFFFF  }
0xb3: {  	[dreg:$0x0] =	wrdreg $0x60  }
0xb4: {  	[dreg:$0x2] =	wrdreg s24  }
0xb5: {  	[dreg:$0x3] =	wrdreg s16  }
0xb6: {  	[dreg:$0x4] =	wrdreg $0xBE800  }
0xb7: {  	[dreg:$0x5] =	wrdreg $0x9  }
0xb8: {  	_ =	task.clear_ibuf [dreg:s7], $0x6FFFF;
	_ =	strace $0x9000005E  }
0xb9: {  	s29 =	simm.s32 $0x9;
	_ =	strace $0x80000060  }
0xba: {  	_ =	swait.ge [sflag:s29], $0x1  }
0xbb: {  	[sflag:s29] =	ssyncadd.s32 $0xFFFFFFFF  }
0xbc: {  	_ =	strace $0x90000060  }
0xbd: {  	_ =	sfence  }
0xbe: {  	s30 =	sld [smem:$0x0];
	_ =	sdelay $0x2  }
0xbf: {  	s31 =	sshll.u32 s1, $0xD;
	s1 =	sshrl.u32 s1, $0x2  }
0xc0: {  	s3 =	sand.u32 $0x4000, s31;
	s1 =	sadd.s32 s1, s30  }
0xc1: {  	s0 =	sor.u32 s3, s0;
	s1 =	sshll.u32 s1, $0x11  }
0xc2: {  	s0 =	sor.u32 s1, s0  }
0xc3: {  	s0 =	sadd.s32 $0x8F2B, s0  }
0xc4: {  	[sflag:s0] =	ssyncadd.remote.s32 $0x1  }
0xc5: {  	_ =	sfence.sel $0xFFFF  }
0xc6: {  	[dreg:$0x0] =	wrdreg $0xFFFFFFFF;
	(pc) =	sbr.abs _section_cstart, $3  }
0xc7: {  	[dreg:$0x1] =	wrdreg $0xFFFFFFFF  }
0xc8: {  	_ =	task.clear_ibuf [dreg:s7], $0x2FFFF;
	_ =	strace $0x9FFFFFFF  }
0xc9: {  	(tm) =	ssettm $0x7FFFFFFF  }
tec
execute0_lowered:
.L_overlay_start_1:
0x0: {  	(tag) =	ssettag $0x1  }
0x1: {  	s0 =	rddreg [dreg:$0x0]  }
0x2: {  	s6 =	rddreg [dreg:$0x2];
	s7 =	simm.s32 $0x0;
	s19 =	srdreg.scid  }
0x3: {  	s17 =	stileid.u32;
	s25 =	simm.s32 $0x180;
	s26 =	simm.s32 $0x480  }
0x4: {  	s23 =	simm.s32 $0x100;
	s1 =	sadd.s32 $0x2C1E00, s0;
	s18 =	sadd.s32 $0x2B7600, s0  }
0x5: {  	s24 =	simm.s32 $0x20;
	s2 =	sadd.s32 $0x2BCA00, s0;
	s8 =	sadd.s32 $0x586600, s0  }
0x6: {  	s28 =	simm.s32 $0x1480;
	s9 =	sadd.s32 $0x2C7200, s0;
	s3 =	smul.u32 $0x2800, s17  }
0x7: {  	s29 =	simm.s32 $0x0;
	s10 =	sadd.s32 $0x3226600, s0;
	s5 =	smul.u32 $0x50000, s17  }
0x8: {  	[smem:$0x7FF] =	sst s7;
	s11 =	sadd.s32 $0x2CC200, s0;
	s12 =	smul.u32 $0x2A00, s17  }
0x9: {  	s13 =	sadd.s32 $0x3226700, s0;
	_ =	strace $0x8000005F;
	[dreg:$0x5] =	wrdreg s1  }
0xa: {  	s14 =	sadd.s32 $0x3226800, s0;
	s16 =	sadd.s32 $0x3226900, s0;
	[dreg:$0x6] =	wrdreg s18  }
0xb: {  	s17 =	smul.u32 $0x2A000, s17;
	[dreg:$0x7] =	wrdreg s2;
	s1 =	sand.u32 $0x1, s19  }
0xc: {  	s18 =	simm.s32 $0x3;
	s19 =	simm.s32 $0x1;
	s20 =	smul.u32 $0x28000, s1  }
0xd: {  	s4 =	ssub.s32 $0x2, s1;
	s22 =	smul.u32 $0x2710, s1;
	s5 =	sshrl.u32 s5, $0x2  }
0xe: {  	p0 =	sne.s32 s1, $0x0;
	s1 =	simm.s32 $0x200;
	s21 =	sshrl.u32 s4, $0x1  }
0xf: {  	s15 =	sadd.s32 s5, s6;
	s2 =	sadd.s32 s3, s20;
	s3 =	ssub.s32 s4, s21  }
0x10: {  	v0 =	vlaneseq.u32;
	v2 =	vimm.f32 $0.0e+00;
	vm0 =	vmmov $0xffff;
	s20 =	simm.s32 $0xB680;
	s2 =	sadd.s32 s2, s0;
	s31 =	smax.u32 s3, $0x1  }
0x11: {  	vm1 =	vmmov $0xff;
	v4 =	vshrl.u32 v0, $0x3;
	v3 =	vand.u32 $0x7, v0;
	s21 =	simm.s32 $0x4;
	s30 =	sadd.s32 $0x320200, s2;
	[dreg:$0x9] =	wrdreg s31  }
0x12: {  	v5 =	vor.u32 $0x8, v0;
	v4 =	vmul.u32 $0x8, v4;
	v1 =	vmov s22;
	s3 =	simm.s32 $0x2;
	s2 =	simm.s32 $0xB480;
	[dreg:$0x8] =	wrdreg s30  }
.LBB2_1:
0x13: {  	s0 =	simm.s32 $0x0;
	s4 =	simm.s32 $0x200  }
.LBB2_2:
0x14: {  	p1 =	sne.s32 s4, $0x1E00;
	[tilespmem:s0+$0xB6F0] =	vst v2  }
0x15: {  	[tilespmem:s0+$0xB680] =	vst v2  }
0x16: {  	[tilespmem:s0+$0xB690] =	vst v2  }
.Ltmp0:
0x17: {  	[tilespmem:s0+$0xB6A0] =	vst v2;
	(pc) =	sbr.rel @p1 .LBB2_2-.Ltmp0, $4  }
0x18: {  	[tilespmem:s0+$0xB6B0] =	vst v2  }
0x19: {  	[tilespmem:s0+$0xB6C0] =	vst v2  }
0x1a: {  	[tilespmem:s0+$0xB6D0] =	vst v2  }
0x1b: {  	[tilespmem:s0+$0xB6E0] =	vst v2;
	s0 =	sshra.s32 s4, $0x2;
	s4 =	sadd.s32 $0x200, s4  }
0x1c: {  	[tilespmem:s0+$0xB6F0] =	vst v2  }
0x1d: {  	[tilespmem:s0+$0xB680] =	vst v2  }
0x1e: {  	[tilespmem:s0+$0xB690] =	vst v2  }
0x1f: {  	[tilespmem:s0+$0xB6A0] =	vst v2  }
0x20: {  	[tilespmem:s0+$0xB6B0] =	vst v2  }
0x21: {  	[tilespmem:s0+$0xB6C0] =	vst v2  }
0x22: {  	[tilespmem:s0+$0xB6D0] =	vst v2  }
0x23: {  	[dreg:$0x4] =	wrdreg s7;
	[tilespmem:s0+$0xB6E0] =	vst v2;
	s31 =	sadd.s32 $0x0, s15  }
0x24: {  	[spmem:s31] =	stream.linear.scatter [tilespmem:s20], [sflag:$0x4], $0x800, $0x38;
	[tilespmem:$0x1FE80] =	vst v63  }
0x25: {  	s0 =	simm.s32 $0x2000;
	_ =	swait.ge [sflag:s21], $0x800  }
.LBB2_4:
0x26: {  	s4 =	sshra.s32 s0, $0x2;
	[sflag:s21] =	ssyncset.done $0x0;
	p1 =	sne.s32 s0, $0x4E000  }
.Ltmp1:
0x27: {  	s4 =	sadd.s32 s4, s15;
	[sflag:s21] =	ssyncadd.s32 $0xFFFFF800;
	(pc) =	sbr.rel @p1 .LBB2_4-.Ltmp1, $3  }
0x28: {  	[spmem:s4] =	stream.linear.scatter [tilespmem:s20], [sflag:$0x4], $0x800, $0x38;
	[tilespmem:$0x1FE80] =	vst v63  }
0x29: {  	s0 =	sadd.s32 $0x2000, s0;
	_ =	sdelay $0x1  }
0x2a: {  	_ =	swait.ge [sflag:s21], $0x800  }
0x2b: {  	[sflag:s21] =	ssyncset.done $0x0  }
0x2c: {  	[sflag:s21] =	ssyncadd.s32 $0xFFFFF800  }
0x2d: {  	s30 =	simm.s32 $0x0;
	[bflag:$0x0] =	sbarrier.arrive $0xFFFF  }
.LBB2_6:
0x2e: {  	s0 =	sshll.u32 s30, $0x5  }
0x2f: {  	s0 =	sadd.s32 s12, s0  }
0x30: {  	s4 =	rddreg [dreg:$0x5];
	s0 =	sshrl.u32 s0, $0x3  }
0x31: {  	s4 =	sadd.s32 s4, s0  }
0x32: {  	[tilespmem:s29], [sflag:$0x4] =	stream.linear.gather [hbm4b:s4+s29], $0x20, $0x38;
	[tilespmem:$0x1FE80] =	vst v63  }
0x33: {  	_ =	swait.ge [sflag:s21], $0x20  }
0x34: {  	[sflag:s21] =	ssyncset.done $0x0;
	s22 =	rddreg [dreg:$0x6]  }
0x35: {  	s5 =	simm.s32 $0x80;
	[sflag:s21] =	ssyncadd.s32 $0xFFFFFFE0;
	s4 =	sadd.s32 s22, s0  }
0x36: {  	[tilespmem:s5], [sflag:$0x4] =	stream.linear.gather [hbm4b:s4+s29], $0x20, $0x38;
	[tilespmem:$0x1FE80] =	vst v63  }
0x37: {  	_ =	swait.ge [sflag:s21], $0x20  }
0x38: {  	[sflag:s21] =	ssyncset.done $0x0;
	s31 =	rddreg [dreg:$0x7]  }
0x39: {  	[sflag:s21] =	ssyncadd.s32 $0xFFFFFFE0;
	s0 =	sadd.s32 s31, s0  }
0x3a: {  	[tilespmem:s23], [sflag:$0x4] =	stream.linear.gather [hbm4b:s0+s29], $0x20, $0x38;
	[tilespmem:$0x1FE80] =	vst v63  }
0x3b: {  	_ =	swait.ge [sflag:s21], $0x20  }
0x3c: {  	[sflag:s21] =	ssyncset.done $0x0  }
0x3d: {  	[sflag:s21] =	ssyncadd.s32 $0xFFFFFFE0  }
0x3e: {  	v6 =	vld [tilespmem:$0x80];
	_ =	sdelay $0x1  }
0x3f: {  	v7 =	vld [tilespmem:$0x0]  }
0x40: {  	v8 =	vld [tilespmem:$0x90];
	_ =	sdelay $0x1  }
0x41: {  	v10 =	vld [tilespmem:$0x10];
	v9 =	vshrl.u32 v6, $0x3;
	v6 =	vshll.u32 v6, $0x4  }
0x42: {  	[tilespmem:$0x180] =	vst v9;
	v6 =	vand.u32 $0x70, v6  }
0x43: {  	[tilespmem:$0x200] =	vst v6;
	v6 =	vadd.s32 v1, v7  }
0x44: {  	v7 =	vshll.u32 v8, $0x4;
	[tilespmem:$0x0] =	vst v6;
	v6 =	vshrl.u32 v8, $0x3  }
0x45: {  	[tilespmem:$0x190] =	vst v6;
	v6 =	vand.u32 $0x70, v7  }
0x46: {  	[tilespmem:$0x210] =	vst v6;
	v6 =	vadd.s32 v1, v10  }
0x47: {  	[tilespmem:$0x10] =	vst v6  }
0x48: {  	[tilespmem:s26], [sflag:$0x1] =	stream.indirect.gather [hbm4b:s9+s24], $0x80, s25, s24, $0xb8;
	[tilespmem:$0x1FE80] =	vst v63  }
0x49: {  	s4 =	rddreg [dreg:$0x1]  }
0x4a: {  	[tilespmem:s28], [sflag:$0x2] =	stream.indirect.gather [hbm4b:s4+s24], $0x80, s25, s24, $0xb8;
	[tilespmem:$0x1FE80] =	vst v63  }
0x4b: {  	v6 =	vld [tilespmem:$0x0];
	_ =	sdelay $0x4  }
0x4c: {  	v7 =	vshll.u32 v6, $0x3  }
0x4d: {  	v6 =	vand.u32 $0x7, v6;
	v7 =	vand.u32 $0xFFFFFFC0, v7  }
0x4e: {  	v6 =	vor.u32 v6, v7  }
0x4f: {  	v7 =	vperm.xlane v6, v3;
	_ =	sdelay $0x1  }
0x50: {  	v7 =	vadd.s32 v4, v7;
	_ =	sdelay $0x3  }
0x51: {  	s5 =	simm.s32 $0x2480  }
0x52: {  	[tilespmem:s5], [sflag:$0x3] =	stream.indirect_vreg.gather [hbm4b:s10+s29], $0x80, v7, vm0, $0xb8;
	[tilespmem:$0x1FE80] =	vst v63  }
0x53: {  	s6 =	simm.s32 $0x2C80;
	v6 =	vperm.xlane v6, v5  }
0x54: {  	[tilespmem:s6], [sflag:$0x3] =	stream.indirect_vreg.gather [hbm4b:s13+s29], $0x80, v7, vm0, $0xb8;
	[tilespmem:$0x1FE80] =	vst v63  }
0x55: {  	s7 =	simm.s32 $0x3480;
	v6 =	vadd.s32 v4, v6  }
0x56: {  	[tilespmem:s7], [sflag:$0x3] =	stream.indirect_vreg.gather [hbm4b:s14+s29], $0x80, v7, vm0, $0xb8;
	[tilespmem:$0x1FE80] =	vst v63  }
0x57: {  	s22 =	simm.s32 $0x3C80  }
0x58: {  	[tilespmem:s22], [sflag:$0x3] =	stream.indirect_vreg.gather [hbm4b:s16+s29], $0x80, v7, vm0, $0xb8;
	[tilespmem:$0x1FE80] =	vst v63  }
0x59: {  	s31 =	simm.s32 $0x4480  }
0x5a: {  	[tilespmem:s31], [sflag:$0x3] =	stream.indirect_vreg.gather [hbm4b:s10+s29], $0x80, v6, vm0, $0xb8;
	[tilespmem:$0x1FE80] =	vst v63  }
0x5b: {  	s4 =	simm.s32 $0x4C80  }
0x5c: {  	[tilespmem:s4], [sflag:$0x3] =	stream.indirect_vreg.gather [hbm4b:s13+s29], $0x80, v6, vm0, $0xb8;
	[tilespmem:$0x1FE80] =	vst v63  }
0x5d: {  	s5 =	simm.s32 $0x5480  }
0x5e: {  	[tilespmem:s5], [sflag:$0x3] =	stream.indirect_vreg.gather [hbm4b:s14+s29], $0x80, v6, vm0, $0xb8;
	[tilespmem:$0x1FE80] =	vst v63  }
0x5f: {  	s6 =	simm.s32 $0x5C80  }
0x60: {  	[tilespmem:s6], [sflag:$0x3] =	stream.indirect_vreg.gather [hbm4b:s16+s29], $0x80, v6, vm0, $0xb8;
	[tilespmem:$0x1FE80] =	vst v63  }
0x61: {  	v6 =	vld [tilespmem:$0x10];
	_ =	sdelay $0x4  }
0x62: {  	v7 =	vshll.u32 v6, $0x3  }
0x63: {  	v6 =	vand.u32 $0x7, v6;
	v7 =	vand.u32 $0xFFFFFFC0, v7  }
0x64: {  	v6 =	vor.u32 v6, v7  }
0x65: {  	v7 =	vperm.xlane v6, v3;
	_ =	sdelay $0x1  }
0x66: {  	v7 =	vadd.s32 v4, v7;
	_ =	sdelay $0x3  }
0x67: {  	s7 =	simm.s32 $0x6480  }
0x68: {  	[tilespmem:s7], [sflag:$0x3] =	stream.indirect_vreg.gather [hbm4b:s10+s29], $0x80, v7, vm0, $0xb8;
	[tilespmem:$0x1FE80] =	vst v63  }
0x69: {  	s22 =	simm.s32 $0x6C80;
	v6 =	vperm.xlane v6, v5  }
0x6a: {  	[tilespmem:s22], [sflag:$0x3] =	stream.indirect_vreg.gather [hbm4b:s13+s29], $0x80, v7, vm0, $0xb8;
	[tilespmem:$0x1FE80] =	vst v63  }
0x6b: {  	s31 =	simm.s32 $0x7480;
	v6 =	vadd.s32 v4, v6  }
0x6c: {  	[tilespmem:s31], [sflag:$0x3] =	stream.indirect_vreg.gather [hbm4b:s14+s29], $0x80, v7, vm0, $0xb8;
	[tilespmem:$0x1FE80] =	vst v63  }
0x6d: {  	s4 =	simm.s32 $0x7C80  }
0x6e: {  	[tilespmem:s4], [sflag:$0x3] =	stream.indirect_vreg.gather [hbm4b:s16+s29], $0x80, v7, vm0, $0xb8;
	[tilespmem:$0x1FE80] =	vst v63  }
0x6f: {  	s5 =	simm.s32 $0x8480;
	s31 =	sshll.u32 s30, $0x9  }
0x70: {  	[tilespmem:s5], [sflag:$0x3] =	stream.indirect_vreg.gather [hbm4b:s10+s29], $0x80, v6, vm0, $0xb8;
	[tilespmem:$0x1FE80] =	vst v63  }
0x71: {  	s5 =	sadd.s32 s17, s31  }
0x72: {  	s6 =	simm.s32 $0x8C80;
	s0 =	sand.u32 $0x200, s31;
	s4 =	sand.u32 $0x7FFC00, s5  }
0x73: {  	[tilespmem:s6], [sflag:$0x3] =	stream.indirect_vreg.gather [hbm4b:s13+s29], $0x80, v6, vm0, $0xb8;
	[tilespmem:$0x1FE80] =	vst v63  }
0x74: {  	s7 =	simm.s32 $0x9480;
	s0 =	sor.u32 s0, s4  }
0x75: {  	[tilespmem:s7], [sflag:$0x3] =	stream.indirect_vreg.gather [hbm4b:s14+s29], $0x80, v6, vm0, $0xb8;
	[tilespmem:$0x1FE80] =	vst v63  }
0x76: {  	s22 =	simm.s32 $0x9C80;
	s0 =	sshrl.u32 s0, $0x3  }
0x77: {  	[tilespmem:s22], [sflag:$0x3] =	stream.indirect_vreg.gather [hbm4b:s16+s29], $0x80, v6, vm0, $0xb8;
	[tilespmem:$0x1FE80] =	vst v63  }
0x78: {  	s6 =	sadd.s32 s8, s0;
	s7 =	simm.s32 $0x280  }
0x79: {  	[tilespmem:s7], [sflag:$0x4] =	stream.linear.gather [hbm4b:s6+s29], $0x200, $0x38;
	[tilespmem:$0x1FE80] =	vst v63  }
0x7a: {  	_ =	swait.ge [sflag:s21], $0x200  }
0x7b: {  	[sflag:s21] =	ssyncset.done $0x0  }
0x7c: {  	[sflag:s21] =	ssyncadd.s32 $0xFFFFFE00  }
0x7d: {  	_ =	swait.ge [sflag:s18], $0x8000  }
0x7e: {  	[sflag:s18] =	ssyncset.done $0x0  }
0x7f: {  	[sflag:s18] =	ssyncadd.s32 $0xFFFF8000  }
0x80: {  	_ =	swait.ge [sflag:s19], $0x1000  }
0x81: {  	v6 =	vmov s29;
	[sflag:s19] =	ssyncset.done $0x0  }
0x82: {  	[sflag:s19] =	ssyncadd.s32 $0xFFFFF000  }
0x83: {  	_ =	swait.ge [sflag:s3], $0x1000  }
0x84: {  	[sflag:s3] =	ssyncset.done $0x0  }
0x85: {  	[sflag:s3] =	ssyncadd.s32 $0xFFFFF000  }
0x86: {  	v7 =	vld.idx.msk [tilespmem:v6+s1+$0x0], $0xffff;
	_ =	sdelay $0x4  }
0x87: {  	v7 =	vadd.s32 v0, v7  }
0x88: {  	v6 =	vshll.u32 v6, $0x7;
	v8 =	vand.u32 $0xFFFFFF80, v7  }
0x89: {  	v7 =	vand.u32 $0x7F, v7;
	v6 =	vadd.s32 v6, v8  }
0x8a: {  	v6 =	vor.u32 v7, v6;
	_ =	sdelay $0x3  }
0x8b: {  	v8 =	vld [tilespmem:s7+$0x0]  }
0x8c: {  	v7 =	vld.idx.msk [tilespmem:v6+s26+$0x0], $0xffff  }
0x8d: {  	v6 =	vld.idx.msk [tilespmem:v6+s28+$0x0], $0xffff;
	_ =	sdelay $0x4  }
0x8e: {  	v8 =	vmul.f32 $1.442695020e+00, v8;
	v6 =	vadd.f32 v6, v7;
	_ =	sdelay $0x1  }
0x8f: {  	(erf) = vpow2.f32 v8;
	v6 =	vnsel vm1, $0x3F800000, v6  }
0x90: {  	(erf) = vrcp.f32 v6;
	_ =	sdelay $0x6  }
0x91: {  	s22 =	simm.s32 $0x1  }
0x92: {  	v6 =	vmov s22;
	v7 =	vpop (erf)  }
0x93: {  	v7 =	vnsel vm1, $0x0, v7;
	v8 =	vpop (erf)  }
0x94: {  	v7 =	vmul.f32 v8, v7  }
0x95: {  	s6 =	simm.s32 $0xB480  }
0x96: {  	[tilespmem:s6+$0x0] =	vst v7  }
0x97: {  	v7 =	vld.idx.msk [tilespmem:v6+s1+$0x0], $0xffff;
	_ =	sdelay $0x4  }
0x98: {  	v7 =	vadd.s32 v0, v7  }
0x99: {  	v6 =	vshll.u32 v6, $0x7;
	v8 =	vand.u32 $0xFFFFFF80, v7  }
0x9a: {  	v7 =	vand.u32 $0x7F, v7;
	v6 =	vadd.s32 v6, v8  }
0x9b: {  	v6 =	vor.u32 v7, v6;
	_ =	sdelay $0x2  }
0x9c: {  	s22 =	simm.s32 $0x290  }
0x9d: {  	v8 =	vld [tilespmem:s22+$0x0]  }
0x9e: {  	v7 =	vld.idx.msk [tilespmem:v6+s26+$0x0], $0xffff  }
0x9f: {  	v6 =	vld.idx.msk [tilespmem:v6+s28+$0x0], $0xffff;
	_ =	sdelay $0x4  }
0xa0: {  	v8 =	vmul.f32 $1.442695020e+00, v8;
	v6 =	vadd.f32 v6, v7;
	_ =	sdelay $0x1  }
0xa1: {  	(erf) = vpow2.f32 v8;
	v6 =	vnsel vm1, $0x3F800000, v6  }
0xa2: {  	(erf) = vrcp.f32 v6;
	_ =	sdelay $0x6  }
0xa3: {  	s31 =	simm.s32 $0x2  }
0xa4: {  	v6 =	vmov s31;
	v7 =	vpop (erf)  }
0xa5: {  	s4 =	simm.s32 $0x3;
	v7 =	vnsel vm1, $0x0, v7;
	v8 =	vpop (erf)  }
.LBB2_7:
0xa6: {  	p1 =	sne.s32 s4, $0x1F;
	v7 =	vmul.f32 v8, v7  }
0xa7: {  	s6 =	sadd.s32 $0x10, s6  }
0xa8: {  	[tilespmem:s6+$0x0] =	vst v7  }
0xa9: {  	v7 =	vld.idx.msk [tilespmem:v6+s1+$0x0], $0xffff;
	_ =	sdelay $0x5  }
0xaa: {  	v7 =	vadd.s32 v0, v7  }
0xab: {  	v6 =	vshll.u32 v6, $0x7;
	v8 =	vand.u32 $0xFFFFFF80, v7  }
0xac: {  	v7 =	vand.u32 $0x7F, v7;
	v6 =	vadd.s32 v6, v8  }
0xad: {  	v6 =	vor.u32 v7, v6;
	_ =	sdelay $0x4  }
0xae: {  	v7 =	vld.idx.msk [tilespmem:v6+s26+$0x0], $0xffff  }
0xaf: {  	s22 =	sadd.s32 $0x10, s22;
	v6 =	vld.idx.msk [tilespmem:v6+s28+$0x0], $0xffff  }
0xb0: {  	v8 =	vld [tilespmem:s22+$0x0];
	_ =	sdelay $0x4  }
0xb1: {  	v6 =	vadd.f32 v6, v7;
	v8 =	vmul.f32 $1.442695020e+00, v8;
	_ =	sdelay $0x1  }
0xb2: {  	v6 =	vnsel vm1, $0x3F800000, v6;
	(erf) = vpow2.f32 v8  }
0xb3: {  	(erf) = vrcp.f32 v6;
	_ =	sdelay $0x4  }
.Ltmp2:
0xb4: {  	(pc) =	sbr.rel @p1 .LBB2_7-.Ltmp2, $3  }
0xb5: {  	_ =	sdelay $0x1  }
0xb6: {  	v6 =	vmov s4;
	v7 =	vpop (erf)  }
0xb7: {  	s4 =	sadd.s32 $0x1, s4;
	v7 =	vnsel vm1, $0x0, v7;
	v8 =	vpop (erf)  }
0xb8: {  	_ = 	snop  }
0xb9: {  	v7 =	vmul.f32 v8, v7  }
0xba: {  	s4 =	sadd.s32 $0x10, s6  }
0xbb: {  	[tilespmem:s4+$0x0] =	vst v7  }
0xbc: {  	v7 =	vld.idx.msk [tilespmem:v6+s1+$0x0], $0xffff;
	_ =	sdelay $0x4  }
0xbd: {  	v7 =	vadd.s32 v0, v7  }
0xbe: {  	v6 =	vshll.u32 v6, $0x7;
	v62 =	vand.u32 $0xFFFFFF80, v7  }
0xbf: {  	v7 =	vand.u32 $0x7F, v7;
	v6 =	vadd.s32 v6, v62  }
0xc0: {  	v6 =	vor.u32 v7, v6;
	_ =	sdelay $0x2  }
0xc1: {  	s5 =	sadd.s32 $0x10, s22  }
0xc2: {  	v63 =	vld [tilespmem:s5+$0x0]  }
0xc3: {  	v7 =	vld.idx.msk [tilespmem:v6+s26+$0x0], $0xffff  }
0xc4: {  	v6 =	vld.idx.msk [tilespmem:v6+s28+$0x0], $0xffff;
	_ =	sdelay $0x4  }
0xc5: {  	v8 =	vmul.f32 $1.442695020e+00, v63;
	v6 =	vadd.f32 v6, v7;
	_ =	sdelay $0x1  }
0xc6: {  	(erf) = vpow2.f32 v8;
	v6 =	vnsel vm1, $0x3F800000, v6  }
0xc7: {  	(erf) = vrcp.f32 v6;
	_ =	sdelay $0x7  }
0xc8: {  	v6 =	vpop (erf)  }
0xc9: {  	v6 =	vnsel vm1, $0x0, v6;
	v7 =	vpop (erf)  }
0xca: {  	v6 =	vmul.f32 v7, v6  }
0xcb: {  	s4 =	sadd.s32 $0x10, s4  }
0xcc: {  	s0 =	sadd.s32 @!p0 s11, s0;
	s5 =	simm.s32 @!p0 $0xB480;
	[tilespmem:s4+$0x0] =	vst v6;
	s4 =	simm.s32 @!p0 $0x0  }
0xcd: {  	[hbm4b:s0+s4] =	stream.linear.scatter @!p0 [tilespmem:s5], [sflag:$0x4], $0x200, $0x38;
	[tilespmem:$0x1FE80] =	vst v63  }
0xce: {  	s0 =	simm.s32 @!p0 $0x4  }
0xcf: {  	_ =	swait.ge @!p0 [sflag:s0], $0x200  }
0xd0: {  	s31 =	simm.s32 $0x0;
	[sflag:s0] =	ssyncset.done @!p0 $0x0  }
0xd1: {  	s6 =	simm.s32 $0x0;
	[sflag:s0] =	ssyncadd.s32 @!p0 $0xFFFFFE00;
	s0 =	simm.s32 $0x0  }
.LBB2_9:
0xd2: {  	s4 =	sand.u32 $0x7, s0  }
0xd3: {  	s22 =	sshll.u32 s4, $0x4  }
0xd4: {  	s5 =	sshll.u32 s6, $0x4;
	s7 =	sadd.s32 $0x0, s22  }
0xd5: {  	s5 =	sand.u32 $0xFFFFFF80, s5;
	v7 =	vmov s7  }
0xd6: {  	v6 =	vmov s5;
	v7 =	vand.u32 $0x7F, v7  }
0xd7: {  	v7 =	vadd.s32 v6, v7  }
0xd8: {  	v7 =	vbroadcast v7, $0x0;
	_ =	sdelay $0x1  }
0xd9: {  	s7 =	sshll.u32 s31, $0x2  }
0xda: {  	s4 =	sshll.u32 s4, $0x9;
	s5 =	sand.u32 $0xFFFF8000, s7;
	s7 =	sadd.s32 $0x1, s22  }
0xdb: {  	s4 =	sor.u32 s4, s5;
	v8 =	vmov s7  }
0xdc: {  	s4 =	sshrl.u32 s4, $0x2;
	v8 =	vand.u32 $0x7F, v8  }
0xdd: {  	s4 =	sadd.s32 $0x24C0, s4;
	v8 =	vadd.s32 v6, v8;
	v7 =	vld.idx.msk [tilespmem:v7+s2+$0x0], $0xffff  }
0xde: {  	v8 =	vbroadcast v8, $0x0;
	v9 =	vld [tilespmem:s4+$0x30]  }
0xdf: {  	v10 =	vld [tilespmem:s4+$0xFFFFFFC0]  }
0xe0: {  	v11 =	vld [tilespmem:s4+$0xFFFFFFD0]  }
0xe1: {  	v12 =	vld [tilespmem:s4+$0xFFFFFFE0]  }
0xe2: {  	v13 =	vld [tilespmem:s4+$0xFFFFFFF0];
	v15 =	vmul.f32 $1.250000000e-01, v7  }
0xe3: {  	s7 =	sadd.s32 $0x2, s22;
	v20 =	vld [tilespmem:s4+$0x10]  }
0xe4: {  	v16 =	vld.idx.msk [tilespmem:v8+s2+$0x0], $0xffff;
	v8 =	vmul.f32 v9, v15;
	v9 =	vmov s7  }
0xe5: {  	v14 =	vld [tilespmem:s4+$0x0];
	v9 =	vand.u32 $0x7F, v9  }
0xe6: {  	v22 =	vld [tilespmem:s4+$0x20];
	s4 =	sadd.s32 $0x400, s4;
	v21 =	vadd.s32 v6, v9  }
0xe7: {  	v23 =	vld [tilespmem:s4+$0x30];
	v7 =	vimm.f32 $0.0e+00;
	v10 =	vmul.f32 v10, v15;
	v21 =	vbroadcast v21, $0x0  }
0xe8: {  	v18 =	vld [tilespmem:s4+$0xFFFFFFC0];
	v11 =	vmul.f32 v11, v15;
	v24 =	vmul.f32 v20, v15;
	v8 =	vadd.f32 v8, v7  }
0xe9: {  	v19 =	vld [tilespmem:s4+$0xFFFFFFD0];
	v10 =	vadd.f32 v10, v7;
	v9 =	vmul.f32 v12, v15;
	v12 =	vmul.f32 v13, v15  }
0xea: {  	v17 =	vld [tilespmem:s4+$0xFFFFFFE0];
	v11 =	vadd.f32 v11, v7;
	v13 =	vmul.f32 v14, v15;
	v14 =	vmul.f32 $1.250000000e-01, v16  }
0xeb: {  	v22 =	vmul.f32 v22, v15;
	v16 =	vld [tilespmem:s4+$0xFFFFFFF0];
	v15 =	vadd.f32 v24, v7;
	v9 =	vadd.f32 v9, v7  }
0xec: {  	s5 =	simm.s32 $0x4;
	s7 =	sadd.s32 $0x3, s22;
	v20 =	vld [tilespmem:s4+$0x0];
	v12 =	vadd.f32 v12, v7;
	v13 =	vadd.f32 v13, v7;
	v23 =	vmul.f32 v23, v14  }
.LBB2_10:
0xed: {  	p1 =	sne.s32 s5, $0x7;
	v24 =	vmov s7;
	v25 =	vld.idx.msk [tilespmem:v21+s2+$0x0], $0xffff;
	v18 =	vmul.f32 v18, v14;
	v7 =	vadd.f32 v22, v7  }
0xee: {  	v21 =	vand.u32 $0x7F, v24;
	v19 =	vmul.f32 v19, v14;
	v22 =	vld [tilespmem:s4+$0x10];
	v8 =	vadd.f32 v23, v8  }
0xef: {  	v21 =	vadd.s32 v6, v21;
	v10 =	vadd.f32 v18, v10;
	v17 =	vmul.f32 v17, v14;
	v23 =	vld [tilespmem:s4+$0x20];
	s4 =	sadd.s32 $0x400, s4  }
0xf0: {  	v21 =	vbroadcast v21, $0x0;
	v24 =	vld [tilespmem:s4+$0x30];
	v11 =	vadd.f32 v19, v11;
	v16 =	vmul.f32 v16, v14  }
.Ltmp3:
0xf1: {  	v18 =	vld [tilespmem:s4+$0xFFFFFFC0];
	v9 =	vadd.f32 v17, v9;
	v20 =	vmul.f32 v20, v14;
	(pc) =	sbr.rel @p1 .LBB2_10-.Ltmp3, $4  }
0xf2: {  	v19 =	vld [tilespmem:s4+$0xFFFFFFD0];
	v12 =	vadd.f32 v16, v12  }
0xf3: {  	v25 =	vmul.f32 $1.250000000e-01, v25;
	v17 =	vld [tilespmem:s4+$0xFFFFFFE0];
	v13 =	vadd.f32 v20, v13;
	v26 =	vmul.f32 v22, v14  }
0xf4: {  	v16 =	vld [tilespmem:s4+$0xFFFFFFF0];
	v22 =	vmul.f32 v23, v14  }
0xf5: {  	s7 =	sadd.s32 s5, s22;
	s5 =	sadd.s32 $0x1, s5;
	v14 =	vmov v25;
	v20 =	vld [tilespmem:s4+$0x0];
	v23 =	vmul.f32 v24, v25;
	v15 =	vadd.f32 v26, v15  }
0xf6: {  	_ =	sdelay $0x3  }
0xf7: {  	v21 =	vld.idx.msk [tilespmem:v21+s2+$0x0], $0xffff  }
0xf8: {  	v24 =	vmov s7;
	v25 =	vld [tilespmem:s4+$0x10]  }
0xf9: {  	v34 =	vld [tilespmem:s4+$0x20];
	s7 =	sadd.s32 $0x400, s4;
	v24 =	vand.u32 $0x7F, v24  }
0xfa: {  	v26 =	vld [tilespmem:s7+$0x30];
	v6 =	vadd.s32 v6, v24  }
0xfb: {  	v27 =	vld [tilespmem:s7+$0xFFFFFFC0];
	v6 =	vbroadcast v6, $0x0  }
0xfc: {  	v28 =	vld [tilespmem:s7+$0xFFFFFFD0]  }
0xfd: {  	v29 =	vld [tilespmem:s7+$0xFFFFFFE0]  }
0xfe: {  	v30 =	vld [tilespmem:s7+$0xFFFFFFF0]  }
0xff: {  	v18 =	vmul.f32 v18, v14;
	v31 =	vld [tilespmem:s7+$0x0]  }
0x100: {  	v7 =	vadd.f32 v22, v7;
	v19 =	vmul.f32 v19, v14;
	v35 =	vld [tilespmem:s7+$0x10]  }
0x101: {  	v8 =	vadd.f32 v23, v8;
	v10 =	vadd.f32 v18, v10;
	v17 =	vmul.f32 v17, v14;
	v6 =	vld.idx.msk [tilespmem:v6+s2+$0x0], $0xffff  }
0x102: {  	v37 =	vld [tilespmem:s7+$0x20];
	s4 =	sadd.s32 $0x400, s7;
	v11 =	vadd.f32 v19, v11;
	v16 =	vmul.f32 v16, v14;
	v38 =	vmul.f32 $1.250000000e-01, v21  }
0x103: {  	v40 =	vld [tilespmem:s4+$0xFFFFFFC0];
	v36 =	vmul.f32 v20, v14;
	v9 =	vadd.f32 v17, v9;
	v39 =	vmul.f32 v25, v14  }
0x104: {  	v42 =	vld [tilespmem:s4+$0xFFFFFFD0];
	v12 =	vadd.f32 v16, v12;
	v41 =	vmul.f32 v34, v14;
	v43 =	vmul.f32 v27, v38  }
0x105: {  	v45 =	vld [tilespmem:s4+$0xFFFFFFE0];
	v13 =	vadd.f32 v36, v13;
	v44 =	vmul.f32 v28, v38;
	v46 =	vmul.f32 v29, v38  }
0x106: {  	v47 =	vld [tilespmem:s4+$0xFFFFFFF0];
	v15 =	vadd.f32 v39, v15;
	v48 =	vmul.f32 v30, v38;
	v6 =	vmul.f32 $1.250000000e-01, v6  }
0x107: {  	v50 =	vld [tilespmem:s4+$0x0];
	v7 =	vadd.f32 v41, v7;
	v49 =	vmul.f32 v31, v38;
	v54 =	vmul.f32 v26, v38  }
0x108: {  	v52 =	vld [tilespmem:s4+$0x10];
	v56 =	vmul.f32 v35, v38;
	v10 =	vadd.f32 v43, v10;
	v51 =	vmul.f32 v40, v6  }
0x109: {  	v53 =	vld [tilespmem:s4+$0x20];
	v17 =	vmul.f32 v37, v38;
	v11 =	vadd.f32 v44, v11;
	v16 =	vmul.f32 v42, v6  }
0x10a: {  	s22 =	sshll.u32 s6, $0x7;
	v55 =	vld [tilespmem:s4+$0x30];
	v9 =	vadd.f32 v46, v9;
	v23 =	vmul.f32 v45, v6;
	v10 =	vadd.f32 v51, v10  }
0x10b: {  	s4 =	sand.u32 $0x3FFFFF80, s22;
	v12 =	vadd.f32 v48, v12;
	v57 =	vmul.f32 v47, v6;
	v11 =	vadd.f32 v16, v11  }
0x10c: {  	v13 =	vadd.f32 v49, v13;
	v58 =	vmul.f32 v50, v6;
	v9 =	vadd.f32 v23, v9;
	[tilespmem:s4+$0xA480] =	vst v10  }
0x10d: {  	s6 =	sadd.s32 $0x1, s6;
	v59 =	vadd.f32 v56, v15;
	v60 =	vmul.f32 v52, v6;
	v12 =	vadd.f32 v57, v12;
	[tilespmem:s4+$0xA490] =	vst v11  }
0x10e: {  	p1 =	sne.s32 s6, $0x20;
	v7 =	vadd.f32 v17, v7;
	v62 =	vmul.f32 v53, v6;
	v61 =	vadd.f32 v58, v13;
	[tilespmem:s4+$0xA4A0] =	vst v9  }
.Ltmp4:
0x10f: {  	v8 =	vadd.f32 v54, v8;
	v6 =	vmul.f32 v55, v6;
	v63 =	vadd.f32 v60, v59;
	[tilespmem:s4+$0xA4B0] =	vst v12;
	(pc) =	sbr.rel @p1 .LBB2_9-.Ltmp4, $4  }
0x110: {  	v7 =	vadd.f32 v62, v7;
	[tilespmem:s4+$0xA4C0] =	vst v61  }
0x111: {  	v6 =	vadd.f32 v6, v8;
	[tilespmem:s4+$0xA4D0] =	vst v63  }
0x112: {  	[tilespmem:s4+$0xA4E0] =	vst v7  }
0x113: {  	s0 =	sadd.s32 $0x1, s0;
	s31 =	sadd.s32 $0x400, s31;
	[tilespmem:s4+$0xA4F0] =	vst v6  }
0x114: {  	s30 =	sadd.s32 $0x1, s30  }
0x115: {  	p1 =	sne.s32 s30, $0x150  }
.Ltmp5:
0x116: {  	s0 =	rddreg [dreg:$0x2];
	s4 =	simm.s32 $0xA480;
	(pc) =	sbr.rel @p1 .LBB2_6-.Ltmp5, $4  }
0x117: {  	[spmem:s0] =	stream.indirect.scatter.add.f32 [tilespmem:s4], [sflag:$0x4], $0x80, s23, s24, $0xb8;
	[tilespmem:$0x1FE80] =	vst v63  }
0x118: {  	_ =	swait.ge [sflag:s21], $0x1000  }
0x119: {  	[sflag:s21] =	ssyncset.done $0x0  }
0x11a: {  	[sflag:s21] =	ssyncadd.s32 $0xFFFFF000  }
0x11b: {  	s0 =	stileid.u32  }
0x11c: {  	[bflag:$0x0] =	sbarrier.arrive $0xFFFF;
	s0 =	sshll.u32 s0, $0x6  }
0x11d: {  	s4 =	sshrl.u32 s15, $0x3;
	s5 =	rddreg [dreg:$0x8];
	s0 =	sor.u32 $0x1C04, s0  }
0x11e: {  	[hbm:s5], [sflag:s0] =	dma.local [spmem:s4], $0x2800  }
0x11f: {  	_ =	swait.ge [sflag:s21], $0x2800  }
0x120: {  	s7 =	rddreg [dreg:$0x4]  }
0x121: {  	s31 =	rddreg [dreg:$0x9];
	s7 =	sadd.s32 $0x1, s7  }
0x122: {  	p1 =	sne.s32 s7, s31  }
.Ltmp6:
0x123: {  	_ = 	snop;
	(pc) =	sbr.rel @p1 .LBB2_1-.Ltmp6, $3  }
0x124: {  	_ =	sdelay $0x1  }
0x125: {  	[sflag:s21] =	ssyncset.done $0x0  }
0x126: {  	[sflag:s21] =	ssyncadd.s32 $0xFFFFD800  }
0x127: {  	_ =	sfence.sel $0x180000  }
0x128: {  	[bflag:$0x0] =	sbarrier.arrive $0xFFFF  }
0x129: {  	_ =	strace $0x9000005F  }
0x12a: {  	s0 =	stileid.u32;
	[bflag:$0x2] =	sbarrier.arrive $0xFFFF  }
0x12b: {  	p0 =	sne.s32 s0, $0x0;
	s0 =	rddreg [dreg:$0x3]  }
0x12c: {  	s0 =	sadd.s32 @!p0 $0x100000, s0  }
0x12d: {  	[sflag:s0] =	ssyncadd.tile.s32 @!p0 $0x1;
	_ =	shalt  }
.Lfunc_end2:
_tile_overlayer_lowered:
.L_overlay_start_2:
0x12e: {  	(tag) =	ssettag $0x2  }
0x12f: {  	s0 =	rddreg [dreg:$0x0];
	s2 =	stileid.u32  }
0x130: {  	s1 =	rddreg [dreg:$0x1];
	p0 =	sne.s32 s2, $0x0  }
0x131: {  	s3 =	rddreg [dreg:$0x2];
	[bflag:$0x3] =	sbarrier.arrive $0xFFFF;
	s2 =	simm.s32 @!p0 $0x1C04  }
0x132: {  	[timem:s3], [sflag:s2] =	dma.local @!p0 [hbm:s0], s1  }
0x133: {  	s0 =	simm.s32 @!p0 $0x4  }
0x134: {  	_ =	swait.ge @!p0 [sflag:s0], s1  }
0x135: {  	s1 =	ssub.s32 @!p0 $0x0, s1;
	[sflag:s0] =	ssyncset.done @!p0 $0x0  }
0x136: {  	[sflag:s0] =	ssyncadd.s32 @!p0 s1  }
0x137: {  	[bflag:$0x3] =	sbarrier.arrive $0xFFFF  }
0x138: {  	_ =	shalt  }

// kernel: kernel.8.cloned.1.call-start
scs
__scs_entry_jumppad:
0x0: {  	(pc) =	sbr.rel $0x88, $3  }
0x1: {  	(tag) =	ssettag $0x0;
	lr =	simm.s32 $0x1  }
0x2: {  	[smem:$0x3F8D] =	sst lr;
	_ =	strace $0xD0000000  }
0x3: {  	_ = 	snop  }
0x4: {  	_ = 	snop  }
0x5: {  	_ = 	snop  }
0x6: {  	_ = 	snop  }
0x7: {  	_ = 	snop  }
__scs_overlays_trampoline_lowered:
0x8: {  	[smem:$0x3F9C] =	sst s0  }
0x9: {  	[smem:$0x3F9D] =	sst s1  }
0xa: {  	[smem:$0x3F9E] =	sst s2  }
0xb: {  	[smem:$0x3F9F] =	sst s3  }
0xc: {  	[smem:$0x3FA0] =	sst s4  }
0xd: {  	[smem:$0x3FA1] =	sst s5  }
0xe: {  	[smem:$0x3FA2] =	sst s6  }
0xf: {  	[smem:$0x3FA3] =	sst s7  }
0x10: {  	[smem:$0x3FA4] =	sst s8  }
0x11: {  	[smem:$0x3FA5] =	sst s9;
	s0 =	simm.s32 @!p0 $0x0  }
0x12: {  	s1 =	sld [smem:$0x3F8B];
	s0 =	simm.s32 @p0 $0x1  }
0x13: {  	[smem:$0x3FA6] =	sst s0;
	s0 =	simm.s32 @!p1 $0x0  }
0x14: {  	s2 =	sld [smem:$0x3F8A];
	s0 =	simm.s32 @p1 $0x1  }
0x15: {  	[smem:$0x3FA7] =	sst s0;
	s0 =	simm.s32 @!p2 $0x0  }
0x16: {  	s3 =	sld [smem:$0x3FDB];
	s0 =	simm.s32 @p2 $0x1  }
0x17: {  	s4 =	simm.s32 $0x1BF5;
	[smem:$0x3FA9] =	sst s0  }
0x18: {  	s0 =	sld [smem:$0x3F8C];
	_ =	swait.ge [sflag:s4], $0x0  }
0x19: {  	s7 =	sld [smem:$0x3F8D]  }
0x1a: {  	s8 =	sadd.s32 $0xFFFFE003, lr  }
0x1b: {  	s9 =	sadd.s32 $0xFFFFFEF7, lr;
	s5 =	simm.s32 $0xFFFFFFFF;
	p2 =	slt.u32 s8, $0xFFFFF086  }
0x1c: {  	p1 =	slt.u32 s9, $0xF7A;
	s5 =	simm.s32 @!p2 $0x0  }
0x1d: {  	s5 =	simm.s32 @p1 $0x1;
	p0 =	seq.s32 s7, s2  }
0x1e: {  	s7 =	smul.u32 @!p0 $0xF7A, s2;
	p2 =	seq.s32 @!p0 s5, $0x0  }
0x1f: {  	s9 =	smul.u32 $0xF7A, s1;
	s8 =	simm.s32 @!p0 $0x1BF5;
	p2 =	por !p2, p0  }
0x20: {  	[sflag:s8] =	ssyncset.s32 @!p0 $0xFFFFF086;
	s6 =	sadd.s32 @!p0 s3, s7;
	s7 =	simm.s32 @!p0 $0x108  }
0x21: {  	s3 =	sadd.s32 s3, s9;
	s6 =	sadd.s32 @!p0 $0x88, s6;
	s7 =	simm.s32 @p2 $0x1082  }
0x22: {  	[simem:s7], [sflag:s8] =	dma.local @!p0 [hbm:s6], $0xF7A  }
0x23: {  	s9 =	sor.u32 $0xD0000000, s2;
	s6 =	simm.s32 $0x108;
	_ =	swait.ge @!p0 [sflag:s8], $0x0  }
0x24: {  	s3 =	sadd.s32 $0x88, s3;
	s6 =	simm.s32 @!p1 $0x1082;
	[sflag:s4] =	ssyncset.s32 $0xFFFFF086  }
0x25: {  	[simem:s6], [sflag:s4] =	dma.local [hbm:s3], $0xF7A  }
0x26: {  	[smem:$0x3F8D] =	sst s1;
	(tag) =	ssettag s2;
	_ =	strace s9  }
0x27: {  	s1 =	sld [smem:$0x3F9D]  }
0x28: {  	s2 =	sld [smem:$0x3F9E]  }
0x29: {  	s4 =	sld [smem:$0x3FA0]  }
0x2a: {  	p0 =	seq.s32 s5, $0x0;
	s5 =	sld [smem:$0x3FA1]  }
0x2b: {  	s6 =	sld [smem:$0x3FA2]  }
0x2c: {  	s7 =	sld [smem:$0x3FA3]  }
0x2d: {  	s3 =	simm.s32 $0x108;
	s8 =	sld [smem:$0x3FA4]  }
0x2e: {  	s3 =	simm.s32 @!p0 $0x1082;
	s9 =	sld [smem:$0x3FA5]  }
0x2f: {  	lr =	sadd.s32 s0, s3;
	s0 =	sld [smem:$0x3F9C]  }
0x30: {  	s3 =	sld [smem:$0x3F9F]  }
0x31: {  	[smem:$0x3FA8] =	sst s10  }
0x32: {  	s10 =	sld [smem:$0x3FA6];
	_ =	sdelay $0x3  }
0x33: {  	p0 =	seq.s32 s10, $0x1;
	s10 =	sld [smem:$0x3FA8];
	_ =	sdelay $0x3  }
0x34: {  	[smem:$0x3FA8] =	sst s10  }
0x35: {  	s10 =	sld [smem:$0x3FA7];
	_ =	sdelay $0x3  }
0x36: {  	p1 =	seq.s32 s10, $0x1;
	s10 =	sld [smem:$0x3FA8];
	_ =	sdelay $0x3  }
0x37: {  	[smem:$0x3FA8] =	sst s10  }
0x38: {  	s10 =	sld [smem:$0x3FA9]  }
0x39: {  	_ = 	snop;
	(pc) =	sbr.ind lr, $3  }
0x3a: {  	_ = 	snop  }
0x3b: {  	_ = 	snop  }
0x3c: {  	p2 =	seq.s32 s10, $0x1;
	s10 =	sld [smem:$0x3FA8]  }
0x3d: {  	_ =	shalt  }
0x3e: {  	_ =	shalt  }
0x3f: {  	_ =	shalt  }
0x40: {  	_ =	shalt  }
0x41: {  	_ =	shalt  }
0x42: {  	_ =	shalt  }
0x43: {  	_ =	shalt  }
0x44: {  	_ =	shalt  }
0x45: {  	_ =	shalt  }
0x46: {  	_ =	shalt  }
0x47: {  	_ =	shalt  }
0x48: {  	_ =	shalt  }
0x49: {  	_ =	shalt  }
0x4a: {  	_ =	shalt  }
0x4b: {  	_ =	shalt  }
0x4c: {  	_ =	shalt  }
0x4d: {  	_ =	shalt  }
0x4e: {  	_ =	shalt  }
0x4f: {  	_ =	shalt  }
0x50: {  	_ =	shalt  }
0x51: {  	_ =	shalt  }
0x52: {  	_ =	shalt  }
0x53: {  	_ =	shalt  }
0x54: {  	_ =	shalt  }
0x55: {  	_ =	shalt  }
0x56: {  	_ =	shalt  }
0x57: {  	_ =	shalt  }
0x58: {  	_ =	shalt  }
0x59: {  	_ =	shalt  }
0x5a: {  	_ =	shalt  }
0x5b: {  	_ =	shalt  }
0x5c: {  	_ =	shalt  }
0x5d: {  	_ =	shalt  }
0x5e: {  	_ =	shalt  }
0x5f: {  	_ =	shalt  }
0x60: {  	_ =	shalt  }
0x61: {  	_ =	shalt  }
0x62: {  	_ =	shalt  }
0x63: {  	_ =	shalt  }
0x64: {  	_ =	shalt  }
0x65: {  	_ =	shalt  }
0x66: {  	_ =	shalt  }
0x67: {  	_ =	shalt  }
0x68: {  	_ =	shalt  }
0x69: {  	_ =	shalt  }
0x6a: {  	_ =	shalt  }
0x6b: {  	_ =	shalt  }
0x6c: {  	_ =	shalt  }
0x6d: {  	_ =	shalt  }
0x6e: {  	_ =	shalt  }
0x6f: {  	_ =	shalt  }
0x70: {  	_ =	shalt  }
0x71: {  	_ =	shalt  }
0x72: {  	_ =	shalt  }
0x73: {  	_ =	shalt  }
0x74: {  	_ =	shalt  }
0x75: {  	_ =	shalt  }
0x76: {  	_ =	shalt  }
0x77: {  	_ =	shalt  }
0x78: {  	_ =	shalt  }
0x79: {  	_ =	shalt  }
0x7a: {  	_ =	shalt  }
0x7b: {  	_ =	shalt  }
0x7c: {  	_ =	shalt  }
0x7d: {  	_ =	shalt  }
0x7e: {  	_ =	shalt  }
0x7f: {  	_ =	shalt  }
0x80: {  	_ =	shalt  }
0x81: {  	_ =	shalt  }
0x82: {  	_ =	shalt  }
0x83: {  	_ =	shalt  }
0x84: {  	_ =	shalt  }
0x85: {  	_ =	shalt  }
0x86: {  	_ =	shalt  }
0x87: {  	_ =	shalt  }
.Lfunc_end0:
.L_simem_size_0:
called_computation.6_lowered:
.L_overlay_start_0:
0x88: {  	s2 =	sld [smem:$0x3FD9]  }
0x89: {  	s3 =	sld [smem:$0x3FFE];
	_ =	sdelay $0x1  }
0x8a: {  	s1 =	srdreg.scid  }
0x8b: {  	s0 =	sand.u32 $0x1, s1  }
0x8c: {  	s17 =	sshll.u32 s0, $0xA;
	s2 =	sadd.s32 s3, s2  }
0x8d: {  	s2 =	sadd.s32 s2, s17  }
0x8e: {  	[smem:$0x3FB4] =	sst s2  }
0x8f: {  	_ = 	snop  }
0x90: {  	(tm) =	ssettm $0x1  }
0x91: {  	s18 =	sld [smem:$0x3FFB];
	_ =	sdelay $0x3  }
0x92: {  	_ =	strace s18  }
0x93: {  	s2 =	sld [smem:$0x3FFC];
	_ =	sdelay $0x3  }
0x94: {  	_ =	strace s2  }
0x95: {  	s2 =	sld [smem:$0x3FFD];
	_ =	sdelay $0x3  }
0x96: {  	_ =	strace s2  }
0x97: {  	_ =	strace $0x8FFFFFFF  }
0x98: {  	s19 =	sld [smem:$0x3FDB];
	_ =	sdelay $0x1  }
0x99: {  	s20 =	simm.s32 $_scs_section_size  }
0x9a: {  	s4 =	simm.s32 $_size__tile_overlayer_lowered;
	s5 =	simm.s32 $_tile_overlayer_lowered  }
0x9b: {  	s6 =	simm.s32 $0x1BFF;
	s21 =	sshll.u32 s5, $0x1;
	s3 =	sadd.s32 s20, s19  }
0x9c: {  	s22 =	simm.s32 $0x0;
	s4 =	sshll.u32 s4, $0x1;
	s5 =	sadd.s32 s21, s3  }
0x9d: {  	[timem:s22], [sflag:s6] =	dma.local [hbm:s5], s4  }
0x9e: {  	_ =	swait.ge [sflag:s6], s4  }
0x9f: {  	s4 =	ssub.s32 $0x0, s4;
	[sflag:s6] =	ssyncset.done $0x0  }
0xa0: {  	[sflag:s6] =	ssyncadd.s32 s4;
	_ =	sdelay $0x1  }
0xa1: {  	s23 =	simm.s32 $0x1B8B  }
0xa2: {  	_ =	swait.ge [sflag:s23], $0x1  }
0xa3: {  	[sflag:s23] =	ssyncset.done $0x0  }
0xa4: {  	[sflag:s23] =	ssyncadd.s32 $0xFFFFFFFF  }
0xa5: {  	s4 =	sld [smem:$0x0]  }
0xa6: {  	s5 =	sand.u32 $0xFFFFFFFE, s1  }
0xa7: {  	p0 =	sne.s32 s1, s5  }
0xa8: {  	s5 =	sshll.u32 @p0 s5, $0xE  }
0xa9: {  	s5 =	sadd.s32 @p0 $0x11B8D, s5;
	s6 =	sshll.u32 @p0 s4, $0x11  }
0xaa: {  	s5 =	sor.u32 @p0 s6, s5  }
0xab: {  	[sflag:s5] =	ssyncadd.remote.s32 @p0 $0x1;
	_ =	sdelay $0x1  }
0xac: {  	s5 =	simm.s32 @p0 $0x1B8D  }
0xad: {  	_ =	swait.eq @p0 [sflag:s5], $0x1  }
0xae: {  	[sflag:s5] =	ssyncadd.s32 @p0 $0xFFFFFFFF  }
0xaf: {  	s6 =	sshll.u32 @!p0 s1, $0xE  }
0xb0: {  	s6 =	sor.u32 @!p0 $0x4000, s6;
	s5 =	simm.s32 @!p0 $0x1B8D  }
0xb1: {  	s4 =	sshll.u32 @!p0 s4, $0x11;
	s6 =	sadd.s32 @!p0 $0x11B8D, s6;
	_ =	swait.eq @!p0 [sflag:s5], $0x1  }
0xb2: {  	s4 =	sor.u32 @!p0 s4, s6;
	[sflag:s5] =	ssyncadd.s32 @!p0 $0xFFFFFFFF  }
0xb3: {  	s25 =	simm.s32 $0x1B8E;
	s24 =	sld [smem:$0x3FFE];
	[sflag:s4] =	ssyncadd.remote.s32 @!p0 $0x1  }
0xb4: {  	s26 =	simm.s32 $execute0_lowered;
	[smem:$0x3FD2] =	sst s25  }
0xb5: {  	s5 =	sshll.u32 s26, $0x1;
	_ =	strace $0x80000055;
	[dreg:$0x1] =	wrdreg $0xFFFFFFFF  }
0xb6: {  	s28 =	simm.s32 $_size_execute0_lowered;
	s3 =	sadd.s32 s3, s5;
	[dreg:$0x0] =	wrdreg $0x0  }
0xb7: {  	s5 =	sshll.u32 s28, $0x1;
	[dreg:$0x2] =	wrdreg s3  }
0xb8: {  	[dreg:$0x3] =	wrdreg s5  }
0xb9: {  	[dreg:$0x4] =	wrdreg $0xC0  }
0xba: {  	_ =	task [dreg:s22], $0x5FFFF  }
0xbb: {  	[dreg:$0x1] =	wrdreg $0xFFFFFFFF  }
0xbc: {  	[dreg:$0x0] =	wrdreg $0x60  }
0xbd: {  	[dreg:$0x2] =	wrdreg s24  }
0xbe: {  	[dreg:$0x3] =	wrdreg $0x81800  }
0xbf: {  	[dreg:$0x4] =	wrdreg $0xA9800  }
0xc0: {  	[dreg:$0x5] =	wrdreg $0xE  }
0xc1: {  	_ =	task.clear_ibuf [dreg:s22], $0x6FFFF;
	_ =	strace $0x90000055  }
0xc2: {  	s29 =	simm.s32 $0xE;
	_ =	strace $0x80000057  }
0xc3: {  	_ =	swait.ge [sflag:s29], $0x1  }
0xc4: {  	[sflag:s29] =	ssyncadd.s32 $0xFFFFFFFF  }
0xc5: {  	_ =	strace $0x90000057  }
0xc6: {  	_ =	sfence  }
0xc7: {  	s30 =	sld [smem:$0x0];
	_ =	sdelay $0x2  }
0xc8: {  	s31 =	sshll.u32 s1, $0xD;
	s1 =	sshrl.u32 s1, $0x2  }
0xc9: {  	s4 =	sand.u32 $0x4000, s31;
	s1 =	sadd.s32 s1, s30  }
0xca: {  	s0 =	sor.u32 s4, s0;
	s1 =	sshll.u32 s1, $0x11  }
0xcb: {  	s0 =	sor.u32 s1, s0  }
0xcc: {  	s0 =	sadd.s32 $0x8F2B, s0  }
0xcd: {  	[sflag:s0] =	ssyncadd.remote.s32 $0x1  }
0xce: {  	_ =	sfence.sel $0xFFFF  }
0xcf: {  	[dreg:$0x0] =	wrdreg $0xFFFFFFFF;
	(pc) =	sbr.abs _section_cstart, $3  }
0xd0: {  	[dreg:$0x1] =	wrdreg $0xFFFFFFFF  }
0xd1: {  	_ =	task.clear_ibuf [dreg:s22], $0x2FFFF;
	_ =	strace $0x9FFFFFFF  }
0xd2: {  	(tm) =	ssettm $0x7FFFFFFF  }
0xd3: {  	_ =	shalt  }
tec
execute0_lowered:
.L_overlay_start_1:
0x0: {  	(tag) =	ssettag $0x1  }
0x1: {  	s0 =	rddreg [dreg:$0x0]  }
0x2: {  	s1 =	rddreg [dreg:$0x1]  }
0x3: {  	s2 =	rddreg [dreg:$0x2]  }
0x4: {  	s3 =	simm.s32 $0x0;
	s20 =	srdreg.scid;
	s10 =	stileid.u32  }
0x5: {  	s28 =	simm.s32 $0x50;
	s29 =	simm.s32 $0x80;
	s30 =	simm.s32 $0x0  }
0x6: {  	s31 =	simm.s32 $0x0;
	[smem:$0x7FF] =	sst s3;
	s3 =	sand.u32 $0x1, s20  }
0x7: {  	s5 =	sadd.s32 $0x2A8600, s0;
	s4 =	smul.u32 $0x500, s10;
	s6 =	sadd.s32 $0x37600, s0  }
0x8: {  	s9 =	smul.u32 $0x2800, s10;
	_ =	strace $0x80000056;
	s7 =	ssub.s32 $0x2, s3  }
0x9: {  	p0 =	seq.s32 s3, $0x0;
	s8 =	sshrl.u32 s7, $0x1;
	s0 =	sadd.s32 s4, s0  }
0xa: {  	s23 =	sadd.s32 $0x800, s9;
	s24 =	sadd.s32 $0x1000, s9;
	s25 =	sadd.s32 $0x1800, s9  }
0xb: {  	s26 =	sadd.s32 $0x2000, s9;
	s21 =	ssub.s32 s7, s8;
	s7 =	smul.u32 $0x2710, s10  }
0xc: {  	s8 =	sadd.s32 s9, s1;
	s22 =	sadd.s32 $0x2AD600, s0;
	s10 =	sadd.s32 s9, s2  }
0xd: {  	s11 =	sadd.s32 $0x2B2600, s0;
	s13 =	sadd.s32 s23, s1;
	s14 =	sadd.s32 s23, s2  }
.Ltmp0:
0xe: {  	s15 =	sadd.s32 s24, s1;
	s16 =	sadd.s32 s24, s2;
	(pc) =	sbr.rel .LBB2_1-.Ltmp0, $4  }
0xf: {  	s17 =	sadd.s32 s25, s1;
	s18 =	sadd.s32 s25, s2;
	s19 =	sadd.s32 s26, s1  }
0x10: {  	s20 =	sadd.s32 s26, s2;
	s23 =	simm.s32 $0x180;
	s24 =	simm.s32 $0x100  }
0x11: {  	v0 =	vimm.f32 $0.0e+00;
	vm0 =	vcmask $0x300;
	s25 =	simm.s32 $0x2980;
	s26 =	simm.s32 $0x5180;
	[dreg:$0x4] =	wrdreg s22  }
0x12: {  	v1 =	vlaneseq.u32;
	v2 =	vsel vm0, $0x3F800000, v0;
	s12 =	smax.u32 s21, $0x1;
	s21 =	simm.s32 $0x7980;
	s22 =	simm.s32 $0x1  }
.LBB2_15:
0x13: {  	[bflag:$0x0] =	sbarrier.arrive $0xFFFF  }
0x14: {  	[bflag:$0x0] =	sbarrier.arrive $0xFFFF  }
.LBB2_13:
0x15: {  	s30 =	sadd.s32 $0x1, s30  }
0x16: {  	p1 =	sne.s32 s30, s12  }
.Ltmp1:
0x17: {  	_ = 	snop;
	(pc) =	sbr.rel @!p1 .LBB2_14-.Ltmp1, $1  }
0x18: {  	_ =	sdelay $0x3  }
.LBB2_1:
.Ltmp2:
0x19: {  	(pc) =	sbr.rel @!p0 .LBB2_15-.Ltmp2, $1  }
0x1a: {  	_ =	sdelay $0x3  }
0x1b: {  	s3 =	simm.s32 $0x0  }
0x1c: {  	s0 =	sshra.s32 s3, $0x2;
	s3 =	sadd.s32 $0x200, s3  }
.LBB2_3:
0x1d: {  	p1 =	seq.s32 s3, $0x1E00;
	[tilespmem:s0+$0x79F0] =	vst v0  }
0x1e: {  	[tilespmem:s0+$0x7980] =	vst v0  }
0x1f: {  	[tilespmem:s0+$0x7990] =	vst v0  }
.Ltmp3:
0x20: {  	[tilespmem:s0+$0x79A0] =	vst v0;
	(pc) =	sbr.rel @!p1 .LBB2_3-.Ltmp3, $4  }
0x21: {  	[tilespmem:s0+$0x79B0] =	vst v0  }
0x22: {  	[tilespmem:s0+$0x79C0] =	vst v0  }
0x23: {  	[tilespmem:s0+$0x79D0] =	vst v0  }
0x24: {  	[tilespmem:s0+$0x79E0] =	vst v0;
	s0 =	sshra.s32 s3, $0x2;
	s3 =	sadd.s32 $0x200, s3  }
0x25: {  	[tilespmem:s0+$0x79F0] =	vst v0  }
0x26: {  	[tilespmem:s0+$0x7980] =	vst v0  }
0x27: {  	[tilespmem:s0+$0x7990] =	vst v0  }
0x28: {  	[tilespmem:s0+$0x79A0] =	vst v0  }
0x29: {  	[tilespmem:s0+$0x79B0] =	vst v0  }
0x2a: {  	[tilespmem:s0+$0x79C0] =	vst v0  }
0x2b: {  	[tilespmem:s0+$0x79D0] =	vst v0  }
0x2c: {  	[tilespmem:s0+$0x79E0] =	vst v0  }
0x2d: {  	[spmem:s8] =	stream.linear.scatter [tilespmem:s21], [sflag:$0x1], $0x800, $0x38;
	[tilespmem:$0xD180] =	vst v63  }
0x2e: {  	_ =	swait.ge [sflag:s22], $0x800  }
0x2f: {  	[sflag:s22] =	ssyncset.done $0x0  }
0x30: {  	[sflag:s22] =	ssyncadd.s32 $0xFFFFF800  }
0x31: {  	[spmem:s10] =	stream.linear.scatter [tilespmem:s21], [sflag:$0x1], $0x800, $0x38;
	[tilespmem:$0xD180] =	vst v63  }
0x32: {  	_ =	swait.ge [sflag:s22], $0x800  }
0x33: {  	[sflag:s22] =	ssyncset.done $0x0  }
0x34: {  	[sflag:s22] =	ssyncadd.s32 $0xFFFFF800  }
0x35: {  	[spmem:s13] =	stream.linear.scatter [tilespmem:s21], [sflag:$0x1], $0x800, $0x38;
	[tilespmem:$0xD180] =	vst v63  }
0x36: {  	_ =	swait.ge [sflag:s22], $0x800  }
0x37: {  	[sflag:s22] =	ssyncset.done $0x0  }
0x38: {  	[sflag:s22] =	ssyncadd.s32 $0xFFFFF800  }
0x39: {  	[spmem:s14] =	stream.linear.scatter [tilespmem:s21], [sflag:$0x1], $0x800, $0x38;
	[tilespmem:$0xD180] =	vst v63  }
0x3a: {  	_ =	swait.ge [sflag:s22], $0x800  }
0x3b: {  	[sflag:s22] =	ssyncset.done $0x0  }
0x3c: {  	[sflag:s22] =	ssyncadd.s32 $0xFFFFF800  }
0x3d: {  	[spmem:s15] =	stream.linear.scatter [tilespmem:s21], [sflag:$0x1], $0x800, $0x38;
	[tilespmem:$0xD180] =	vst v63  }
0x3e: {  	_ =	swait.ge [sflag:s22], $0x800  }
0x3f: {  	[sflag:s22] =	ssyncset.done $0x0  }
0x40: {  	[sflag:s22] =	ssyncadd.s32 $0xFFFFF800  }
0x41: {  	[spmem:s16] =	stream.linear.scatter [tilespmem:s21], [sflag:$0x1], $0x800, $0x38;
	[tilespmem:$0xD180] =	vst v63  }
0x42: {  	_ =	swait.ge [sflag:s22], $0x800  }
0x43: {  	[sflag:s22] =	ssyncset.done $0x0  }
0x44: {  	[sflag:s22] =	ssyncadd.s32 $0xFFFFF800  }
0x45: {  	[spmem:s17] =	stream.linear.scatter [tilespmem:s21], [sflag:$0x1], $0x800, $0x38;
	[tilespmem:$0xD180] =	vst v63  }
0x46: {  	_ =	swait.ge [sflag:s22], $0x800  }
0x47: {  	[sflag:s22] =	ssyncset.done $0x0  }
0x48: {  	[sflag:s22] =	ssyncadd.s32 $0xFFFFF800  }
0x49: {  	[spmem:s18] =	stream.linear.scatter [tilespmem:s21], [sflag:$0x1], $0x800, $0x38;
	[tilespmem:$0xD180] =	vst v63  }
0x4a: {  	_ =	swait.ge [sflag:s22], $0x800  }
0x4b: {  	[sflag:s22] =	ssyncset.done $0x0  }
0x4c: {  	[sflag:s22] =	ssyncadd.s32 $0xFFFFF800  }
0x4d: {  	[spmem:s19] =	stream.linear.scatter [tilespmem:s21], [sflag:$0x1], $0x800, $0x38;
	[tilespmem:$0xD180] =	vst v63  }
0x4e: {  	_ =	swait.ge [sflag:s22], $0x800  }
0x4f: {  	[sflag:s22] =	ssyncset.done $0x0  }
0x50: {  	[sflag:s22] =	ssyncadd.s32 $0xFFFFF800  }
0x51: {  	[spmem:s20] =	stream.linear.scatter [tilespmem:s21], [sflag:$0x1], $0x800, $0x38;
	[tilespmem:$0xD180] =	vst v63  }
0x52: {  	_ =	swait.ge [sflag:s22], $0x800  }
0x53: {  	[sflag:s22] =	ssyncset.done $0x0  }
0x54: {  	[sflag:s22] =	ssyncadd.s32 $0xFFFFF800  }
0x55: {  	s0 =	simm.s32 $0x0;
	[bflag:$0x0] =	sbarrier.arrive $0xFFFF  }
.LBB2_5:
0x56: {  	s3 =	smul.u32 $0x50, s0;
	_ =	sdelay $0x1  }
0x57: {  	s3 =	sadd.s32 s7, s3  }
0x58: {  	s4 =	sshrl.u32 s3, $0x3  }
0x59: {  	s4 =	sadd.s32 s5, s4  }
0x5a: {  	[tilespmem:s31], [sflag:$0x1] =	stream.linear.gather [hbm4b:s4+s31], $0x50, $0x38;
	[tilespmem:$0xD180] =	vst v63  }
0x5b: {  	_ =	swait.ge [sflag:s22], $0x50  }
0x5c: {  	s3 =	sshll.u32 s3, $0x4;
	[sflag:s22] =	ssyncset.done $0x0  }
0x5d: {  	s3 =	sadd.s32 s6, s3;
	[sflag:s22] =	ssyncadd.s32 $0xFFFFFFB0  }
0x5e: {  	[tilespmem:s23], [sflag:$0x1] =	stream.linear.gather [hbm4b:s3+s31], $0x2800, $0x38;
	[tilespmem:$0xD180] =	vst v63  }
0x5f: {  	_ =	swait.ge [sflag:s22], $0x2800  }
0x60: {  	[sflag:s22] =	ssyncset.done $0x0  }
0x61: {  	[sflag:s22] =	ssyncadd.s32 $0xFFFFD800  }
0x62: {  	v3 =	vld [tilespmem:$0x0];
	_ =	sdelay $0x1  }
0x63: {  	v4 =	vld [tilespmem:$0x10];
	_ =	sdelay $0x1  }
0x64: {  	v5 =	vld [tilespmem:$0x20]  }
0x65: {  	v6 =	vshrl.u32 v3, $0x3;
	v3 =	vshll.u32 v3, $0x4  }
0x66: {  	v61 =	vld [tilespmem:$0x30];
	[tilespmem:$0x80] =	vst v6;
	v3 =	vand.u32 $0x70, v3  }
0x67: {  	[tilespmem:$0x100] =	vst v3;
	v3 =	vshrl.u32 v4, $0x3;
	v4 =	vshll.u32 v4, $0x4  }
0x68: {  	v62 =	vld [tilespmem:$0x40];
	[tilespmem:$0x90] =	vst v3;
	v3 =	vand.u32 $0x70, v4  }
0x69: {  	[tilespmem:$0x110] =	vst v3;
	v3 =	vshrl.u32 v5, $0x3;
	v5 =	vshll.u32 v5, $0x4  }
0x6a: {  	[tilespmem:$0xA0] =	vst v3;
	v3 =	vand.u32 $0x70, v5  }
0x6b: {  	v63 =	vshll.u32 v61, $0x4;
	[tilespmem:$0x120] =	vst v3;
	v3 =	vshrl.u32 v61, $0x3  }
0x6c: {  	[tilespmem:$0xB0] =	vst v3;
	v3 =	vand.u32 $0x70, v63  }
0x6d: {  	v4 =	vshll.u32 v62, $0x4;
	[tilespmem:$0x130] =	vst v3;
	v3 =	vshrl.u32 v62, $0x3  }
0x6e: {  	[tilespmem:$0xC0] =	vst v3;
	v3 =	vand.u32 $0x70, v4  }
0x6f: {  	s4 =	simm.s32 $0x200;
	s3 =	simm.s32 $0x0;
	[tilespmem:$0x140] =	vst v3  }
.LBB2_6:
0x70: {  	p1 =	sne.s32 s4, $0x9E00;
	[tilespmem:s3+$0x29F0] =	vst v0  }
0x71: {  	[tilespmem:s3+$0x2980] =	vst v0  }
0x72: {  	[tilespmem:s3+$0x2990] =	vst v0  }
.Ltmp4:
0x73: {  	[tilespmem:s3+$0x29A0] =	vst v0;
	(pc) =	sbr.rel @p1 .LBB2_6-.Ltmp4, $4  }
0x74: {  	[tilespmem:s3+$0x29B0] =	vst v0  }
0x75: {  	[tilespmem:s3+$0x29C0] =	vst v0  }
0x76: {  	[tilespmem:s3+$0x29D0] =	vst v0  }
0x77: {  	[tilespmem:s3+$0x29E0] =	vst v0;
	s3 =	sshra.s32 s4, $0x2;
	s4 =	sadd.s32 $0x200, s4  }
0x78: {  	[tilespmem:s3+$0x29F0] =	vst v0  }
0x79: {  	[tilespmem:s3+$0x2980] =	vst v0  }
0x7a: {  	[tilespmem:s3+$0x2990] =	vst v0  }
0x7b: {  	[tilespmem:s3+$0x29A0] =	vst v0  }
0x7c: {  	[tilespmem:s3+$0x29B0] =	vst v0  }
0x7d: {  	[tilespmem:s3+$0x29C0] =	vst v0  }
0x7e: {  	[tilespmem:s3+$0x29D0] =	vst v0  }
0x7f: {  	s4 =	simm.s32 $0x0;
	[tilespmem:s3+$0x29E0] =	vst v0;
	s3 =	simm.s32 $0x0;
	s9 =	simm.s32 $0x200  }
.LBB2_8:
0x80: {  	p1 =	sne.s32 s9, $0x9E00;
	[tilespmem:s3+$0x51F0] =	vst v0  }
0x81: {  	[tilespmem:s3+$0x5180] =	vst v0  }
0x82: {  	[tilespmem:s3+$0x5190] =	vst v0  }
.Ltmp5:
0x83: {  	[tilespmem:s3+$0x51A0] =	vst v0;
	(pc) =	sbr.rel @p1 .LBB2_8-.Ltmp5, $4  }
0x84: {  	[tilespmem:s3+$0x51B0] =	vst v0  }
0x85: {  	[tilespmem:s3+$0x51C0] =	vst v0  }
0x86: {  	[tilespmem:s3+$0x51D0] =	vst v0  }
0x87: {  	[tilespmem:s3+$0x51E0] =	vst v0;
	s3 =	sshra.s32 s9, $0x2;
	s9 =	sadd.s32 $0x200, s9  }
0x88: {  	[tilespmem:s3+$0x51F0] =	vst v0  }
0x89: {  	[tilespmem:s3+$0x5180] =	vst v0  }
0x8a: {  	[tilespmem:s3+$0x5190] =	vst v0  }
0x8b: {  	[tilespmem:s3+$0x51A0] =	vst v0;
	v3 =	vmov s4  }
0x8c: {  	[tilespmem:s3+$0x51B0] =	vst v0  }
0x8d: {  	[tilespmem:s3+$0x51C0] =	vst v0  }
0x8e: {  	[tilespmem:s3+$0x51D0] =	vst v0  }
0x8f: {  	[tilespmem:s3+$0x51E0] =	vst v0  }
0x90: {  	v4 =	vld.idx.msk [tilespmem:v3+s24+$0x0], $0xffff;
	_ =	sdelay $0x4  }
0x91: {  	v4 =	vadd.s32 v1, v4  }
0x92: {  	v3 =	vshll.u32 v3, $0x7;
	v5 =	vand.u32 $0xFFFFFF80, v4  }
0x93: {  	s3 =	simm.s32 $0x180;
	v4 =	vand.u32 $0x7F, v4;
	v3 =	vadd.s32 v3, v5  }
0x94: {  	v5 =	vld [tilespmem:s3+$0x0];
	v4 =	vor.u32 v4, v3  }
0x95: {  	s9 =	simm.s32 $0x1  }
0x96: {  	v3 =	vmov s9  }
0x97: {  	s4 =	simm.s32 $0x2  }
.LBB2_10:
0x98: {  	p1 =	sne.s32 s4, $0x4F  }
0x99: {  	[tilespmem:v4+s25+$0x0] =	vst.idx.msk $0xffff, v5  }
0x9a: {  	[tilespmem:v4+s26+$0x0] =	vst.idx.msk $0xffff, v2  }
0x9b: {  	v4 =	vld.idx.msk [tilespmem:v3+s24+$0x0], $0xffff;
	_ =	sdelay $0x5  }
0x9c: {  	v4 =	vadd.s32 v1, v4  }
0x9d: {  	v3 =	vshll.u32 v3, $0x7;
	v5 =	vand.u32 $0xFFFFFF80, v4  }
.Ltmp6:
0x9e: {  	s3 =	sadd.s32 $0x80, s3;
	v4 =	vand.u32 $0x7F, v4;
	v3 =	vadd.s32 v3, v5;
	(pc) =	sbr.rel @p1 .LBB2_10-.Ltmp6, $3  }
0x9f: {  	v4 =	vor.u32 v4, v3;
	v5 =	vld [tilespmem:s3+$0x0];
	_ =	sdelay $0x1  }
0xa0: {  	v3 =	vmov s4  }
0xa1: {  	s4 =	sadd.s32 $0x1, s4  }
0xa2: {  	_ =	sdelay $0x3  }
0xa3: {  	[tilespmem:v4+s25+$0x0] =	vst.idx.msk $0xffff, v5  }
0xa4: {  	[tilespmem:v4+s26+$0x0] =	vst.idx.msk $0xffff, v2  }
0xa5: {  	v4 =	vld.idx.msk [tilespmem:v3+s24+$0x0], $0xffff;
	_ =	sdelay $0x4  }
0xa6: {  	v4 =	vadd.s32 v1, v4  }
0xa7: {  	v3 =	vshll.u32 v3, $0x7;
	v62 =	vand.u32 $0xFFFFFF80, v4  }
0xa8: {  	s3 =	sadd.s32 $0x80, s3;
	v4 =	vand.u32 $0x7F, v4;
	v3 =	vadd.s32 v3, v62  }
0xa9: {  	v63 =	vld [tilespmem:s3+$0x0];
	v3 =	vor.u32 v4, v3;
	_ =	sdelay $0x4  }
0xaa: {  	[tilespmem:v3+s25+$0x0] =	vst.idx.msk $0xffff, v63  }
0xab: {  	[tilespmem:v3+s26+$0x0] =	vst.idx.msk $0xffff, v2  }
0xac: {  	[spmem:s1] =	stream.indirect.scatter.add.f32 [tilespmem:s25], [sflag:$0x1], $0x80, s29, s28, $0xb8;
	[tilespmem:$0xD180] =	vst v63  }
0xad: {  	s0 =	sadd.s32 $0x1, s0;
	_ =	swait.ge [sflag:s22], $0x2800  }
0xae: {  	p1 =	seq.s32 s0, $0x7D;
	[sflag:s22] =	ssyncset.done $0x0  }
.Ltmp7:
0xaf: {  	[sflag:s22] =	ssyncadd.s32 $0xFFFFD800;
	(pc) =	sbr.rel @!p1 .LBB2_5-.Ltmp7, $4  }
0xb0: {  	[spmem:s2] =	stream.indirect.scatter.add.f32 [tilespmem:s26], [sflag:$0x1], $0x80, s29, s28, $0xb8;
	[tilespmem:$0xD180] =	vst v63  }
0xb1: {  	_ =	swait.ge [sflag:s22], $0x2800  }
0xb2: {  	[sflag:s22] =	ssyncset.done $0x0  }
0xb3: {  	[sflag:s22] =	ssyncadd.s32 $0xFFFFD800  }
0xb4: {  	s0 =	stileid.u32  }
0xb5: {  	[bflag:$0x0] =	sbarrier.arrive $0xFFFF;
	s0 =	sshll.u32 s0, $0x6  }
0xb6: {  	s3 =	sshrl.u32 s8, $0x3;
	s4 =	rddreg [dreg:$0x4];
	s0 =	sor.u32 $0x1C01, s0  }
0xb7: {  	[hbm:s4], [sflag:s0] =	dma.local [spmem:s3], $0x500  }
0xb8: {  	_ =	swait.ge [sflag:s22], $0x500  }
0xb9: {  	[sflag:s22] =	ssyncset.done $0x0  }
.Ltmp8:
0xba: {  	s9 =	sshrl.u32 s10, $0x3;
	[sflag:s22] =	ssyncadd.s32 $0xFFFFFB00;
	(pc) =	sbr.rel .LBB2_13-.Ltmp8, $4  }
0xbb: {  	[hbm:s11], [sflag:s0] =	dma.local [spmem:s9], $0x500  }
0xbc: {  	_ =	swait.ge [sflag:s22], $0x500  }
0xbd: {  	[sflag:s22] =	ssyncset.done $0x0  }
0xbe: {  	[sflag:s22] =	ssyncadd.s32 $0xFFFFFB00  }
.LBB2_14:
0xbf: {  	_ =	sfence.sel $0x180000  }
0xc0: {  	[bflag:$0x0] =	sbarrier.arrive $0xFFFF  }
0xc1: {  	_ =	strace $0x90000056  }
0xc2: {  	s0 =	stileid.u32;
	[bflag:$0x2] =	sbarrier.arrive $0xFFFF  }
0xc3: {  	p0 =	sne.s32 s0, $0x0;
	s0 =	rddreg [dreg:$0x3]  }
0xc4: {  	s0 =	sadd.s32 @!p0 $0x100000, s0  }
0xc5: {  	[sflag:s0] =	ssyncadd.tile.s32 @!p0 $0x1;
	_ =	shalt  }
.Lfunc_end2:
_tile_overlayer_lowered:
.L_overlay_start_2:
0xc6: {  	(tag) =	ssettag $0x2  }
0xc7: {  	s0 =	rddreg [dreg:$0x0];
	s2 =	stileid.u32  }
0xc8: {  	s1 =	rddreg [dreg:$0x1];
	p0 =	sne.s32 s2, $0x0  }
0xc9: {  	s3 =	rddreg [dreg:$0x2];
	[bflag:$0x3] =	sbarrier.arrive $0xFFFF;
	s2 =	simm.s32 @!p0 $0x1C01  }
0xca: {  	[timem:s3], [sflag:s2] =	dma.local @!p0 [hbm:s0], s1  }
0xcb: {  	s0 =	simm.s32 @!p0 $0x1  }
0xcc: {  	_ =	swait.ge @!p0 [sflag:s0], s1  }
0xcd: {  	s1 =	ssub.s32 @!p0 $0x0, s1;
	[sflag:s0] =	ssyncset.done @!p0 $0x0  }
0xce: {  	[sflag:s0] =	ssyncadd.s32 @!p0 s1  }
0xcf: {  	[bflag:$0x3] =	sbarrier.arrive $0xFFFF  }
0xd0: {  	_ =	shalt  }

</sc_bundles>
